<compile_context>
chip_gen: v7x
topology: tpu7x:2x2x1
jax: 0.10.2.dev20260603
libtpu: 0.0.44.dev20260713+nightly
codegen_flags: <defaults>
</compile_context>

<pallas_src>
import functools

import jax
import jax.numpy as jnp
from jax import lax
from jax.experimental import pallas as pl
from jax.experimental.pallas import tpu as pltpu
from jax.experimental.pallas import tpu_sc as plsc

_BUCKETS = 1000000
_BIGRAM_DIM = 32
_MODEL_DIM = 1024

_NC = 2
_NS = 16
_NW = _NC * _NS
_LANES = 16
_CHUNK = 128
_PACK = 128 // _BIGRAM_DIM


def _sc_hash_gather(tok_flat, shf_flat, table_wide):
    n = tok_flat.shape[0]
    bpw = n // _NW
    n_vec = bpw // _LANES
    n_chunk = bpw // _CHUNK
    mesh = plsc.VectorSubcoreMesh(core_axis_name="c", subcore_axis_name="s")

    @functools.partial(
        pl.kernel,
        mesh=mesh,
        out_type=(
            jax.ShapeDtypeStruct((n, 128), jnp.float32),
            jax.ShapeDtypeStruct((n,), jnp.int32),
        ),
        scratch_types=[
            pltpu.VMEM((bpw,), jnp.int32),
            pltpu.VMEM((bpw,), jnp.int32),
            pltpu.VMEM((n_chunk, _CHUNK), jnp.int32),
            pltpu.VMEM((bpw,), jnp.int32),
            pltpu.VMEM((bpw, 128), jnp.float32),
            pltpu.SemaphoreType.DMA,
        ],
    )
    def k(t_hbm, s_hbm, table_hbm, wide_hbm, sel_hbm,
          tok_v, shf_v, idx_v, sel_v, rows_v, sem):
        wid = lax.axis_index("s") * _NC + lax.axis_index("c")
        base = wid * bpw
        pltpu.sync_copy(t_hbm.at[pl.ds(base, bpw)], tok_v)
        pltpu.sync_copy(s_hbm.at[pl.ds(base, bpw)], shf_v)
        mod = jnp.int32(_BUCKETS - 1)
        per_row = _CHUNK // _LANES
        for i in range(n_vec):
            t = tok_v[pl.ds(i * _LANES, _LANES)]
            s = shf_v[pl.ds(i * _LANES, _LANES)]
            h = jnp.int32(36313) * t + jnp.int32(27191) * s
            r = lax.rem(h, mod)
            r = jnp.where(r < 0, r + mod, r)
            idx_v[i // per_row, pl.ds((i % per_row) * _LANES, _LANES)] = r >> 2
            sel_v[pl.ds(i * _LANES, _LANES)] = r & jnp.int32(_PACK - 1)
        pltpu.sync_copy(rows_v, wide_hbm.at[pl.ds(base, bpw)])
        pltpu.sync_copy(sel_v, sel_hbm.at[pl.ds(base, bpw)])

    return k(tok_flat, shf_flat, table_wide)


def _tc_select_project(wide, sel2, proj_Wt, scale, block_m=1024):
    n = wide.shape[0]
    d = proj_Wt.shape[1]

    def body(s_ref, sel_ref, w_ref, p_ref, o_ref):
        w = w_ref[...]
        c = sel_ref[...]
        x = (
            jnp.where(c == 0, w[:, 0:32], 0.0)
            + jnp.where(c == 1, w[:, 32:64], 0.0)
            + jnp.where(c == 2, w[:, 64:96], 0.0)
            + jnp.where(c == 3, w[:, 96:128], 0.0)
        )
        o_ref[...] = (
            jnp.dot(x, p_ref[...], preferred_element_type=jnp.float32)
            * s_ref[0]
        )

    return pl.pallas_call(
        body,
        grid=(n // block_m,),
        in_specs=[
            pl.BlockSpec(memory_space=pltpu.SMEM),
            pl.BlockSpec((block_m, 1), lambda i: (i, 0)),
            pl.BlockSpec((block_m, 128), lambda i: (i, 0)),
            pl.BlockSpec((_BIGRAM_DIM, d), lambda i: (0, 0)),
        ],
        out_specs=pl.BlockSpec((block_m, d), lambda i: (i, 0)),
        out_shape=jax.ShapeDtypeStruct((n, d), jnp.float32),
        compiler_params=pltpu.CompilerParams(
            dimension_semantics=("parallel",),
        ),
    )(jnp.reshape(scale, (1,)), sel2, wide, proj_Wt)


def kernel(token_ids, embed_W, proj_W, scale):
    b, s = token_ids.shape
    t = token_ids.astype(jnp.int32)
    mod = jnp.int32(_BUCKETS - 1)
    shifted = jnp.concatenate(
        [jnp.full((b, 1), mod, dtype=jnp.int32), t[:, :-1]], axis=1
    )
    table_wide = embed_W
    wide, sel = _sc_hash_gather(t.reshape(-1), shifted.reshape(-1), table_wide)
    out = _tc_select_project(wide, sel.reshape(-1, 1), proj_W.T, scale)
    return out.reshape(b, s, _MODEL_DIM)

# --- scband reference (transcript-rebuilt; emitter-appended) ---
"""Pipeline reference for scband-bigram-hash-embedding-87634512707680 (READ-ONLY COPY).

The authoritative reference and input builder live on the scoring server;
editing this copy changes nothing except your own understanding.
"""

import jax, jax.numpy as jnp
import numpy as np

BUCKETS = 1000000
BIGRAM_DIM = 32
MODEL_DIM = 1024
BATCH = 4
SEQ = 4096


def setup_inputs(seed: int = 0) -> dict:
    key = jax.random.key(seed)
    k1, k2, k3 = jax.random.split(key, 3)
    # token ids (int32 to stay jit-friendly without x64; hash casts to int32 anyway)
    token_ids = jax.random.randint(k1, (BATCH, SEQ), 0, 50304, dtype=jnp.int32)
    # learned parameters (embed table initialized small-random instead of zeros so the
    # kernel does non-degenerate work; math is identical)
    embed_W = jax.random.normal(k2, (BUCKETS, BIGRAM_DIM), dtype=jnp.float32) * 0.02
    proj_W = jax.random.normal(k3, (MODEL_DIM, BIGRAM_DIM), dtype=jnp.float32) * 0.02
    scale = jnp.array(0.05, dtype=jnp.float32)
    return {"token_ids": token_ids, "embed_W": embed_W, "proj_W": proj_W, "scale": scale}


def _bigram_hash(token_ids: jnp.ndarray) -> jnp.ndarray:
    t = token_ids.astype(jnp.int32)
    mod = BUCKETS - 1
    b = t.shape[0]
    shifted = jnp.concatenate(
        [jnp.full((b, 1), mod, dtype=jnp.int32), t[:, :-1]], axis=1
    )
    # int32 arithmetic with wraparound, remainder has sign of divisor (matches torch)
    hashed = (jnp.int32(36313) * t + jnp.int32(27191) * shifted) % jnp.int32(mod)
    return hashed


def reference(token_ids, embed_W, proj_W, scale):
    hashed = _bigram_hash(token_ids)              # [B, S] int32
    h = jnp.take(embed_W, hashed, axis=0)          # [B, S, bigram_dim] gather
    h = h @ proj_W.T                               # CastedLinear: F.linear(x, W)
    return h * scale

if __name__ == "__main__":
    import jax
    _d = setup_inputs()
    print(jax.jit(kernel)(*tuple(_d.values())))

</pallas_src>

<mosaic_0001>
#map = affine_map<(d0, d1) -> (0)>
#map1 = affine_map<(d0, d1) -> (0, 0)>
module attributes {stable_mosaic.version = 14 : i64} {
  func.func @k(%arg0: i32, %arg1: i32, %arg2: memref<16384xi32, #tpu.memory_space<hbm>>, %arg3: memref<16384xi32, #tpu.memory_space<hbm>>, %arg4: memref<1000000x32xf32, #tpu.memory_space<hbm>>, %arg5: memref<16384x128xf32, #tpu.memory_space<hbm>>, %arg6: memref<16384xi32, #tpu.memory_space<hbm>>, %arg7: memref<512xi32, #tpu.memory_space<vmem>>, %arg8: memref<512xi32, #tpu.memory_space<vmem>>, %arg9: memref<4x128xi32, #tpu.memory_space<vmem>>, %arg10: memref<512xi32, #tpu.memory_space<vmem>>, %arg11: memref<512x128xf32, #tpu.memory_space<vmem>>, %arg12: memref<!tpu.dma_semaphore, #tpu.memory_space<semaphore_mem>>) attributes {dimension_semantics = [#tpu.dimension_semantics<core_parallel>, #tpu.dimension_semantics<subcore_parallel>], iteration_bounds = array<i64: 2, 16>, scalar_prefetch = 0 : i64, scratch_operands = 6 : i64, tpu.core_type = #tpu.core_type<sc_vector_subcore>, window_params = [{transform_indices = #map}, {transform_indices = #map}, {transform_indices = #map1}, {transform_indices = #map1}, {transform_indices = #map}]} {
    %mul3A = arith.constant 2 : i32
    %mul3A_0 = arith.muli %arg1, %mul3A : i32
    %add3A = arith.addi %mul3A_0, %arg0 : i32
    %mul3A_1 = arith.constant 512 : i32
    %mul3A_2 = arith.muli %add3A, %mul3A_1 : i32
    "tpu.region"() ({
      %run_scoped3A = tpu.sem_alloc : memref<!tpu.dma_semaphore, #tpu.memory_space<semaphore_mem>>
      %dma_start3A = tpu.memref_slice %arg2[%mul3A_2] : memref<16384xi32, #tpu.memory_space<hbm>> -> memref<512xi32, #tpu.memory_space<hbm>>
      %dma_start3A_1244 = tpu.memref_slice %arg2[%mul3A_2] : memref<16384xi32, #tpu.memory_space<hbm>> -> memref<512xi32, #tpu.memory_space<hbm>>
      tpu.enqueue_dma source(%dma_start3A_1244 : memref<512xi32, #tpu.memory_space<hbm>>) target(%arg7 : memref<512xi32, #tpu.memory_space<vmem>>) target_semaphore(%run_scoped3A : memref<!tpu.dma_semaphore, #tpu.memory_space<semaphore_mem>>)
      %dma_wait3A = tpu.memref_slice %arg2[%mul3A_2] : memref<16384xi32, #tpu.memory_space<hbm>> -> memref<512xi32, #tpu.memory_space<hbm>>
      %dma_wait3A_1245 = tpu.memref_slice %arg2[%mul3A_2] : memref<16384xi32, #tpu.memory_space<hbm>> -> memref<512xi32, #tpu.memory_space<hbm>>
      tpu.wait_dma2 semaphore(%run_scoped3A : memref<!tpu.dma_semaphore, #tpu.memory_space<semaphore_mem>>) src(%dma_wait3A_1245 : memref<512xi32, #tpu.memory_space<hbm>>) dst(%arg7 : memref<512xi32, #tpu.memory_space<vmem>>)
      tpu.yield
    }) : () -> ()
    "tpu.region"() ({
      %run_scoped3A = tpu.sem_alloc : memref<!tpu.dma_semaphore, #tpu.memory_space<semaphore_mem>>
      %dma_start3A = tpu.memref_slice %arg3[%mul3A_2] : memref<16384xi32, #tpu.memory_space<hbm>> -> memref<512xi32, #tpu.memory_space<hbm>>
      %dma_start3A_1244 = tpu.memref_slice %arg3[%mul3A_2] : memref<16384xi32, #tpu.memory_space<hbm>> -> memref<512xi32, #tpu.memory_space<hbm>>
      tpu.enqueue_dma source(%dma_start3A_1244 : memref<512xi32, #tpu.memory_space<hbm>>) target(%arg8 : memref<512xi32, #tpu.memory_space<vmem>>) target_semaphore(%run_scoped3A : memref<!tpu.dma_semaphore, #tpu.memory_space<semaphore_mem>>)
      %dma_wait3A = tpu.memref_slice %arg3[%mul3A_2] : memref<16384xi32, #tpu.memory_space<hbm>> -> memref<512xi32, #tpu.memory_space<hbm>>
      %dma_wait3A_1245 = tpu.memref_slice %arg3[%mul3A_2] : memref<16384xi32, #tpu.memory_space<hbm>> -> memref<512xi32, #tpu.memory_space<hbm>>
      tpu.wait_dma2 semaphore(%run_scoped3A : memref<!tpu.dma_semaphore, #tpu.memory_space<semaphore_mem>>) src(%dma_wait3A_1245 : memref<512xi32, #tpu.memory_space<hbm>>) dst(%arg8 : memref<512xi32, #tpu.memory_space<vmem>>)
      tpu.yield
    }) : () -> ()
    %get3A = arith.constant 0 : index
    %get3A_3 = tpu.vector_load %arg7[%get3A] {strides = array<i32>} : memref<512xi32, #tpu.memory_space<vmem>>, vector<16xi32>,
    %get3A_4 = vector.shape_cast %get3A_3 : vector<16xi32> to vector<16xi32>
    %get3A_5 = arith.constant 0 : index
    %get3A_6 = tpu.vector_load %arg8[%get3A_5] {strides = array<i32>} : memref<512xi32, #tpu.memory_space<vmem>>, vector<16xi32>,
    %get3A_7 = vector.shape_cast %get3A_6 : vector<16xi32> to vector<16xi32>
    %mul3A_8 = arith.constant 36313 : i32
    %mul3A_9 = vector.broadcast %mul3A_8 : i32 to vector<16xi32>
    %mul3A_10 = arith.muli %mul3A_9, %get3A_4 : vector<16xi32>
    %mul3A_11 = arith.constant 27191 : i32
    %mul3A_12 = vector.broadcast %mul3A_11 : i32 to vector<16xi32>
    %mul3A_13 = arith.muli %mul3A_12, %get3A_7 : vector<16xi32>
    %add3A_14 = arith.addi %mul3A_10, %mul3A_13 : vector<16xi32>
    %rem3A = arith.constant 999999 : i32
    %rem3A_15 = vector.broadcast %rem3A : i32 to vector<16xi32>
    %rem3A_16 = arith.remsi %add3A_14, %rem3A_15 : vector<16xi32>
    %lt3A = arith.constant 0 : i32
    %lt3A_17 = vector.broadcast %lt3A : i32 to vector<16xi32>
    %lt3A_18 = arith.cmpi slt, %rem3A_16, %lt3A_17 : vector<16xi32>
    %add3A_19 = arith.constant 999999 : i32
    %add3A_20 = vector.broadcast %add3A_19 : i32 to vector<16xi32>
    %add3A_21 = arith.addi %rem3A_16, %add3A_20 : vector<16xi32>
    %select_n3A = arith.select %lt3A_18, %add3A_21, %rem3A_16 : vector<16xi1>, vector<16xi32>
    %shift_right_arithmetic3A = arith.constant 2 : i32
    %shift_right_arithmetic3A_22 = vector.broadcast %shift_right_arithmetic3A : i32 to vector<16xi32>
    %shift_right_arithmetic3A_23 = arith.shrsi %select_n3A, %shift_right_arithmetic3A_22 : vector<16xi32>
    %swap3A = arith.constant 0 : i32
    %swap3A_24 = arith.index_cast %swap3A : i32 to index
    %swap3A_25 = arith.constant 0 : index
    %swap3A_26 = tpu.vector_load %arg9[%swap3A_24, %swap3A_25] {strides = array<i32>} : memref<4x128xi32, #tpu.memory_space<vmem>>, vector<1x16xi32>,
    %swap3A_27 = vector.shape_cast %swap3A_26 : vector<1x16xi32> to vector<16xi32>
    %swap3A_28 = vector.shape_cast %shift_right_arithmetic3A_23 : vector<16xi32> to vector<1x16xi32>
    tpu.vector_store %arg9[%swap3A_24, %swap3A_25], %swap3A_28 {strides = array<i32>} : memref<4x128xi32, #tpu.memory_space<vmem>>, vector<1x16xi32>,
    %and3A = arith.constant 3 : i32
    %and3A_29 = vector.broadcast %and3A : i32 to vector<16xi32>
    %and3A_30 = arith.andi %select_n3A, %and3A_29 : vector<16xi32>
    %swap3A_31 = arith.constant 0 : index
    %swap3A_32 = tpu.vector_load %arg10[%swap3A_31] {strides = array<i32>} : memref<512xi32, #tpu.memory_space<vmem>>, vector<16xi32>,
    %swap3A_33 = vector.shape_cast %swap3A_32 : vector<16xi32> to vector<16xi32>
    %swap3A_34 = vector.shape_cast %and3A_30 : vector<16xi32> to vector<16xi32>
    tpu.vector_store %arg10[%swap3A_31], %swap3A_34 {strides = array<i32>} : memref<512xi32, #tpu.memory_space<vmem>>, vector<16xi32>,
    %get3A_35 = arith.constant 16 : index
    %get3A_36 = tpu.vector_load %arg7[%get3A_35] {strides = array<i32>} : memref<512xi32, #tpu.memory_space<vmem>>, vector<16xi32>,
    %get3A_37 = vector.shape_cast %get3A_36 : vector<16xi32> to vector<16xi32>
    %get3A_38 = arith.constant 16 : index
    %get3A_39 = tpu.vector_load %arg8[%get3A_38] {strides = array<i32>} : memref<512xi32, #tpu.memory_space<vmem>>, vector<16xi32>,
    %get3A_40 = vector.shape_cast %get3A_39 : vector<16xi32> to vector<16xi32>
    %mul3A_41 = arith.constant 36313 : i32
    %mul3A_42 = vector.broadcast %mul3A_41 : i32 to vector<16xi32>
    %mul3A_43 = arith.muli %mul3A_42, %get3A_37 : vector<16xi32>
    %mul3A_44 = arith.constant 27191 : i32
    %mul3A_45 = vector.broadcast %mul3A_44 : i32 to vector<16xi32>
    %mul3A_46 = arith.muli %mul3A_45, %get3A_40 : vector<16xi32>
    %add3A_47 = arith.addi %mul3A_43, %mul3A_46 : vector<16xi32>
    %rem3A_48 = arith.constant 999999 : i32
    %rem3A_49 = vector.broadcast %rem3A_48 : i32 to vector<16xi32>
    %rem3A_50 = arith.remsi %add3A_47, %rem3A_49 : vector<16xi32>
    %lt3A_51 = arith.constant 0 : i32
    %lt3A_52 = vector.broadcast %lt3A_51 : i32 to vector<16xi32>
    %lt3A_53 = arith.cmpi slt, %rem3A_50, %lt3A_52 : vector<16xi32>
    %add3A_54 = arith.constant 999999 : i32
    %add3A_55 = vector.broadcast %add3A_54 : i32 to vector<16xi32>
    %add3A_56 = arith.addi %rem3A_50, %add3A_55 : vector<16xi32>
    %select_n3A_57 = arith.select %lt3A_53, %add3A_56, %rem3A_50 : vector<16xi1>, vector<16xi32>
    %shift_right_arithmetic3A_58 = arith.constant 2 : i32
    %shift_right_arithmetic3A_59 = vector.broadcast %shift_right_arithmetic3A_58 : i32 to vector<16xi32>
    %shift_right_arithmetic3A_60 = arith.shrsi %select_n3A_57, %shift_right_arithmetic3A_59 : vector<16xi32>
    %swap3A_61 = arith.constant 0 : i32
    %swap3A_62 = arith.index_cast %swap3A_61 : i32 to index
    %swap3A_63 = arith.constant 16 : index
    %swap3A_64 = tpu.vector_load %arg9[%swap3A_62, %swap3A_63] {strides = array<i32>} : memref<4x128xi32, #tpu.memory_space<vmem>>, vector<1x16xi32>,
    %swap3A_65 = vector.shape_cast %swap3A_64 : vector<1x16xi32> to vector<16xi32>
    %swap3A_66 = vector.shape_cast %shift_right_arithmetic3A_60 : vector<16xi32> to vector<1x16xi32>
    tpu.vector_store %arg9[%swap3A_62, %swap3A_63], %swap3A_66 {strides = array<i32>} : memref<4x128xi32, #tpu.memory_space<vmem>>, vector<1x16xi32>,
    %and3A_67 = arith.constant 3 : i32
    %and3A_68 = vector.broadcast %and3A_67 : i32 to vector<16xi32>
    %and3A_69 = arith.andi %select_n3A_57, %and3A_68 : vector<16xi32>
    %swap3A_70 = arith.constant 16 : index
    %swap3A_71 = tpu.vector_load %arg10[%swap3A_70] {strides = array<i32>} : memref<512xi32, #tpu.memory_space<vmem>>, vector<16xi32>,
    %swap3A_72 = vector.shape_cast %swap3A_71 : vector<16xi32> to vector<16xi32>
    %swap3A_73 = vector.shape_cast %and3A_69 : vector<16xi32> to vector<16xi32>
    tpu.vector_store %arg10[%swap3A_70], %swap3A_73 {strides = array<i32>} : memref<512xi32, #tpu.memory_space<vmem>>, vector<16xi32>,
    %get3A_74 = arith.constant 32 : index
    %get3A_75 = tpu.vector_load %arg7[%get3A_74] {strides = array<i32>} : memref<512xi32, #tpu.memory_space<vmem>>, vector<16xi32>,
    %get3A_76 = vector.shape_cast %get3A_75 : vector<16xi32> to vector<16xi32>
    %get3A_77 = arith.constant 32 : index
    %get3A_78 = tpu.vector_load %arg8[%get3A_77] {strides = array<i32>} : memref<512xi32, #tpu.memory_space<vmem>>, vector<16xi32>,
    %get3A_79 = vector.shape_cast %get3A_78 : vector<16xi32> to vector<16xi32>
    %mul3A_80 = arith.constant 36313 : i32
    %mul3A_81 = vector.broadcast %mul3A_80 : i32 to vector<16xi32>
    %mul3A_82 = arith.muli %mul3A_81, %get3A_76 : vector<16xi32>
    %mul3A_83 = arith.constant 27191 : i32
    %mul3A_84 = vector.broadcast %mul3A_83 : i32 to vector<16xi32>
    %mul3A_85 = arith.muli %mul3A_84, %get3A_79 : vector<16xi32>
    %add3A_86 = arith.addi %mul3A_82, %mul3A_85 : vector<16xi32>
    %rem3A_87 = arith.constant 999999 : i32
    %rem3A_88 = vector.broadcast %rem3A_87 : i32 to vector<16xi32>
    %rem3A_89 = arith.remsi %add3A_86, %rem3A_88 : vector<16xi32>
    %lt3A_90 = arith.constant 0 : i32
    %lt3A_91 = vector.broadcast %lt3A_90 : i32 to vector<16xi32>
    %lt3A_92 = arith.cmpi slt, %rem3A_89, %lt3A_91 : vector<16xi32>
    %add3A_93 = arith.constant 999999 : i32
    %add3A_94 = vector.broadcast %add3A_93 : i32 to vector<16xi32>
    %add3A_95 = arith.addi %rem3A_89, %add3A_94 : vector<16xi32>
    %select_n3A_96 = arith.select %lt3A_92, %add3A_95, %rem3A_89 : vector<16xi1>, vector<16xi32>
    %shift_right_arithmetic3A_97 = arith.constant 2 : i32
    %shift_right_arithmetic3A_98 = vector.broadcast %shift_right_arithmetic3A_97 : i32 to vector<16xi32>
    %shift_right_arithmetic3A_99 = arith.shrsi %select_n3A_96, %shift_right_arithmetic3A_98 : vector<16xi32>
    %swap3A_100 = arith.constant 0 : i32
    %swap3A_101 = arith.index_cast %swap3A_100 : i32 to index
    %swap3A_102 = arith.constant 32 : index
    %swap3A_103 = tpu.vector_load %arg9[%swap3A_101, %swap3A_102] {strides = array<i32>} : memref<4x128xi32, #tpu.memory_space<vmem>>, vector<1x16xi32>,
    %swap3A_104 = vector.shape_cast %swap3A_103 : vector<1x16xi32> to vector<16xi32>
    %swap3A_105 = vector.shape_cast %shift_right_arithmetic3A_99 : vector<16xi32> to vector<1x16xi32>
    tpu.vector_store %arg9[%swap3A_101, %swap3A_102], %swap3A_105 {strides = array<i32>} : memref<4x128xi32, #tpu.memory_space<vmem>>, vector<1x16xi32>,
    %and3A_106 = arith.constant 3 : i32
    %and3A_107 = vector.broadcast %and3A_106 : i32 to vector<16xi32>
    %and3A_108 = arith.andi %select_n3A_96, %and3A_107 : vector<16xi32>
    %swap3A_109 = arith.constant 32 : index
    %swap3A_110 = tpu.vector_load %arg10[%swap3A_109] {strides = array<i32>} : memref<512xi32, #tpu.memory_space<vmem>>, vector<16xi32>,
    %swap3A_111 = vector.shape_cast %swap3A_110 : vector<16xi32> to vector<16xi32>
    %swap3A_112 = vector.shape_cast %and3A_108 : vector<16xi32> to vector<16xi32>
    tpu.vector_store %arg10[%swap3A_109], %swap3A_112 {strides = array<i32>} : memref<512xi32, #tpu.memory_space<vmem>>, vector<16xi32>,
    %get3A_113 = arith.constant 48 : index
    %get3A_114 = tpu.vector_load %arg7[%get3A_113] {strides = array<i32>} : memref<512xi32, #tpu.memory_space<vmem>>, vector<16xi32>,
    %get3A_115 = vector.shape_cast %get3A_114 : vector<16xi32> to vector<16xi32>
    %get3A_116 = arith.constant 48 : index
    %get3A_117 = tpu.vector_load %arg8[%get3A_116] {strides = array<i32>} : memref<512xi32, #tpu.memory_space<vmem>>, vector<16xi32>,
    %get3A_118 = vector.shape_cast %get3A_117 : vector<16xi32> to vector<16xi32>
    %mul3A_119 = arith.constant 36313 : i32
    %mul3A_120 = vector.broadcast %mul3A_119 : i32 to vector<16xi32>
    %mul3A_121 = arith.muli %mul3A_120, %get3A_115 : vector<16xi32>
    %mul3A_122 = arith.constant 27191 : i32
    %mul3A_123 = vector.broadcast %mul3A_122 : i32 to vector<16xi32>
    %mul3A_124 = arith.muli %mul3A_123, %get3A_118 : vector<16xi32>
    %add3A_125 = arith.addi %mul3A_121, %mul3A_124 : vector<16xi32>
    %rem3A_126 = arith.constant 999999 : i32
    %rem3A_127 = vector.broadcast %rem3A_126 : i32 to vector<16xi32>
    %rem3A_128 = arith.remsi %add3A_125, %rem3A_127 : vector<16xi32>
    %lt3A_129 = arith.constant 0 : i32
    %lt3A_130 = vector.broadcast %lt3A_129 : i32 to vector<16xi32>
    %lt3A_131 = arith.cmpi slt, %rem3A_128, %lt3A_130 : vector<16xi32>
    %add3A_132 = arith.constant 999999 : i32
    %add3A_133 = vector.broadcast %add3A_132 : i32 to vector<16xi32>
    %add3A_134 = arith.addi %rem3A_128, %add3A_133 : vector<16xi32>
    %select_n3A_135 = arith.select %lt3A_131, %add3A_134, %rem3A_128 : vector<16xi1>, vector<16xi32>
    %shift_right_arithmetic3A_136 = arith.constant 2 : i32
    %shift_right_arithmetic3A_137 = vector.broadcast %shift_right_arithmetic3A_136 : i32 to vector<16xi32>
    %shift_right_arithmetic3A_138 = arith.shrsi %select_n3A_135, %shift_right_arithmetic3A_137 : vector<16xi32>
    %swap3A_139 = arith.constant 0 : i32
    %swap3A_140 = arith.index_cast %swap3A_139 : i32 to index
    %swap3A_141 = arith.constant 48 : index
    %swap3A_142 = tpu.vector_load %arg9[%swap3A_140, %swap3A_141] {strides = array<i32>} : memref<4x128xi32, #tpu.memory_space<vmem>>, vector<1x16xi32>,
    %swap3A_143 = vector.shape_cast %swap3A_142 : vector<1x16xi32> to vector<16xi32>
    %swap3A_144 = vector.shape_cast %shift_right_arithmetic3A_138 : vector<16xi32> to vector<1x16xi32>
    tpu.vector_store %arg9[%swap3A_140, %swap3A_141], %swap3A_144 {strides = array<i32>} : memref<4x128xi32, #tpu.memory_space<vmem>>, vector<1x16xi32>,
    %and3A_145 = arith.constant 3 : i32
    %and3A_146 = vector.broadcast %and3A_145 : i32 to vector<16xi32>
    %and3A_147 = arith.andi %select_n3A_135, %and3A_146 : vector<16xi32>
    %swap3A_148 = arith.constant 48 : index
    %swap3A_149 = tpu.vector_load %arg10[%swap3A_148] {strides = array<i32>} : memref<512xi32, #tpu.memory_space<vmem>>, vector<16xi32>,
    %swap3A_150 = vector.shape_cast %swap3A_149 : vector<16xi32> to vector<16xi32>
    %swap3A_151 = vector.shape_cast %and3A_147 : vector<16xi32> to vector<16xi32>
    tpu.vector_store %arg10[%swap3A_148], %swap3A_151 {strides = array<i32>} : memref<512xi32, #tpu.memory_space<vmem>>, vector<16xi32>,
    %get3A_152 = arith.constant 64 : index
    %get3A_153 = tpu.vector_load %arg7[%get3A_152] {strides = array<i32>} : memref<512xi32, #tpu.memory_space<vmem>>, vector<16xi32>,
    %get3A_154 = vector.shape_cast %get3A_153 : vector<16xi32> to vector<16xi32>
    %get3A_155 = arith.constant 64 : index
    %get3A_156 = tpu.vector_load %arg8[%get3A_155] {strides = array<i32>} : memref<512xi32, #tpu.memory_space<vmem>>, vector<16xi32>,
    %get3A_157 = vector.shape_cast %get3A_156 : vector<16xi32> to vector<16xi32>
    %mul3A_158 = arith.constant 36313 : i32
    %mul3A_159 = vector.broadcast %mul3A_158 : i32 to vector<16xi32>
    %mul3A_160 = arith.muli %mul3A_159, %get3A_154 : vector<16xi32>
    %mul3A_161 = arith.constant 27191 : i32
    %mul3A_162 = vector.broadcast %mul3A_161 : i32 to vector<16xi32>
    %mul3A_163 = arith.muli %mul3A_162, %get3A_157 : vector<16xi32>
    %add3A_164 = arith.addi %mul3A_160, %mul3A_163 : vector<16xi32>
    %rem3A_165 = arith.constant 999999 : i32
    %rem3A_166 = vector.broadcast %rem3A_165 : i32 to vector<16xi32>
    %rem3A_167 = arith.remsi %add3A_164, %rem3A_166 : vector<16xi32>
    %lt3A_168 = arith.constant 0 : i32
    %lt3A_169 = vector.broadcast %lt3A_168 : i32 to vector<16xi32>
    %lt3A_170 = arith.cmpi slt, %rem3A_167, %lt3A_169 : vector<16xi32>
    %add3A_171 = arith.constant 999999 : i32
    %add3A_172 = vector.broadcast %add3A_171 : i32 to vector<16xi32>
    %add3A_173 = arith.addi %rem3A_167, %add3A_172 : vector<16xi32>
    %select_n3A_174 = arith.select %lt3A_170, %add3A_173, %rem3A_167 : vector<16xi1>, vector<16xi32>
    %shift_right_arithmetic3A_175 = arith.constant 2 : i32
    %shift_right_arithmetic3A_176 = vector.broadcast %shift_right_arithmetic3A_175 : i32 to vector<16xi32>
    %shift_right_arithmetic3A_177 = arith.shrsi %select_n3A_174, %shift_right_arithmetic3A_176 : vector<16xi32>
    %swap3A_178 = arith.constant 0 : i32
    %swap3A_179 = arith.index_cast %swap3A_178 : i32 to index
    %swap3A_180 = arith.constant 64 : index
    %swap3A_181 = tpu.vector_load %arg9[%swap3A_179, %swap3A_180] {strides = array<i32>} : memref<4x128xi32, #tpu.memory_space<vmem>>, vector<1x16xi32>,
    %swap3A_182 = vector.shape_cast %swap3A_181 : vector<1x16xi32> to vector<16xi32>
    %swap3A_183 = vector.shape_cast %shift_right_arithmetic3A_177 : vector<16xi32> to vector<1x16xi32>
    tpu.vector_store %arg9[%swap3A_179, %swap3A_180], %swap3A_183 {strides = array<i32>} : memref<4x128xi32, #tpu.memory_space<vmem>>, vector<1x16xi32>,
    %and3A_184 = arith.constant 3 : i32
    %and3A_185 = vector.broadcast %and3A_184 : i32 to vector<16xi32>
    %and3A_186 = arith.andi %select_n3A_174, %and3A_185 : vector<16xi32>
    %swap3A_187 = arith.constant 64 : index
    %swap3A_188 = tpu.vector_load %arg10[%swap3A_187] {strides = array<i32>} : memref<512xi32, #tpu.memory_space<vmem>>, vector<16xi32>,
    %swap3A_189 = vector.shape_cast %swap3A_188 : vector<16xi32> to vector<16xi32>
    %swap3A_190 = vector.shape_cast %and3A_186 : vector<16xi32> to vector<16xi32>
    tpu.vector_store %arg10[%swap3A_187], %swap3A_190 {strides = array<i32>} : memref<512xi32, #tpu.memory_space<vmem>>, vector<16xi32>,
    %get3A_191 = arith.constant 80 : index
    %get3A_192 = tpu.vector_load %arg7[%get3A_191] {strides = array<i32>} : memref<512xi32, #tpu.memory_space<vmem>>, vector<16xi32>,
    %get3A_193 = vector.shape_cast %get3A_192 : vector<16xi32> to vector<16xi32>
    %get3A_194 = arith.constant 80 : index
    %get3A_195 = tpu.vector_load %arg8[%get3A_194] {strides = array<i32>} : memref<512xi32, #tpu.memory_space<vmem>>, vector<16xi32>,
    %get3A_196 = vector.shape_cast %get3A_195 : vector<16xi32> to vector<16xi32>
    %mul3A_197 = arith.constant 36313 : i32
    %mul3A_198 = vector.broadcast %mul3A_197 : i32 to vector<16xi32>
    %mul3A_199 = arith.muli %mul3A_198, %get3A_193 : vector<16xi32>
    %mul3A_200 = arith.constant 27191 : i32
    %mul3A_201 = vector.broadcast %mul3A_200 : i32 to vector<16xi32>
    %mul3A_202 = arith.muli %mul3A_201, %get3A_196 : vector<16xi32>
    %add3A_203 = arith.addi %mul3A_199, %mul3A_202 : vector<16xi32>
    %rem3A_204 = arith.constant 999999 : i32
    %rem3A_205 = vector.broadcast %rem3A_204 : i32 to vector<16xi32>
    %rem3A_206 = arith.remsi %add3A_203, %rem3A_205 : vector<16xi32>
    %lt3A_207 = arith.constant 0 : i32
    %lt3A_208 = vector.broadcast %lt3A_207 : i32 to vector<16xi32>
    %lt3A_209 = arith.cmpi slt, %rem3A_206, %lt3A_208 : vector<16xi32>
    %add3A_210 = arith.constant 999999 : i32
    %add3A_211 = vector.broadcast %add3A_210 : i32 to vector<16xi32>
    %add3A_212 = arith.addi %rem3A_206, %add3A_211 : vector<16xi32>
    %select_n3A_213 = arith.select %lt3A_209, %add3A_212, %rem3A_206 : vector<16xi1>, vector<16xi32>
    %shift_right_arithmetic3A_214 = arith.constant 2 : i32
    %shift_right_arithmetic3A_215 = vector.broadcast %shift_right_arithmetic3A_214 : i32 to vector<16xi32>
    %shift_right_arithmetic3A_216 = arith.shrsi %select_n3A_213, %shift_right_arithmetic3A_215 : vector<16xi32>
    %swap3A_217 = arith.constant 0 : i32
    %swap3A_218 = arith.index_cast %swap3A_217 : i32 to index
    %swap3A_219 = arith.constant 80 : index
    %swap3A_220 = tpu.vector_load %arg9[%swap3A_218, %swap3A_219] {strides = array<i32>} : memref<4x128xi32, #tpu.memory_space<vmem>>, vector<1x16xi32>,
    %swap3A_221 = vector.shape_cast %swap3A_220 : vector<1x16xi32> to vector<16xi32>
    %swap3A_222 = vector.shape_cast %shift_right_arithmetic3A_216 : vector<16xi32> to vector<1x16xi32>
    tpu.vector_store %arg9[%swap3A_218, %swap3A_219], %swap3A_222 {strides = array<i32>} : memref<4x128xi32, #tpu.memory_space<vmem>>, vector<1x16xi32>,
    %and3A_223 = arith.constant 3 : i32
    %and3A_224 = vector.broadcast %and3A_223 : i32 to vector<16xi32>
    %and3A_225 = arith.andi %select_n3A_213, %and3A_224 : vector<16xi32>
    %swap3A_226 = arith.constant 80 : index
    %swap3A_227 = tpu.vector_load %arg10[%swap3A_226] {strides = array<i32>} : memref<512xi32, #tpu.memory_space<vmem>>, vector<16xi32>,
    %swap3A_228 = vector.shape_cast %swap3A_227 : vector<16xi32> to vector<16xi32>
    %swap3A_229 = vector.shape_cast %and3A_225 : vector<16xi32> to vector<16xi32>
    tpu.vector_store %arg10[%swap3A_226], %swap3A_229 {strides = array<i32>} : memref<512xi32, #tpu.memory_space<vmem>>, vector<16xi32>,
    %get3A_230 = arith.constant 96 : index
    %get3A_231 = tpu.vector_load %arg7[%get3A_230] {strides = array<i32>} : memref<512xi32, #tpu.memory_space<vmem>>, vector<16xi32>,
    %get3A_232 = vector.shape_cast %get3A_231 : vector<16xi32> to vector<16xi32>
    %get3A_233 = arith.constant 96 : index
    %get3A_234 = tpu.vector_load %arg8[%get3A_233] {strides = array<i32>} : memref<512xi32, #tpu.memory_space<vmem>>, vector<16xi32>,
    %get3A_235 = vector.shape_cast %get3A_234 : vector<16xi32> to vector<16xi32>
    %mul3A_236 = arith.constant 36313 : i32
    %mul3A_237 = vector.broadcast %mul3A_236 : i32 to vector<16xi32>
    %mul3A_238 = arith.muli %mul3A_237, %get3A_232 : vector<16xi32>
    %mul3A_239 = arith.constant 27191 : i32
    %mul3A_240 = vector.broadcast %mul3A_239 : i32 to vector<16xi32>
    %mul3A_241 = arith.muli %mul3A_240, %get3A_235 : vector<16xi32>
    %add3A_242 = arith.addi %mul3A_238, %mul3A_241 : vector<16xi32>
    %rem3A_243 = arith.constant 999999 : i32
    %rem3A_244 = vector.broadcast %rem3A_243 : i32 to vector<16xi32>
    %rem3A_245 = arith.remsi %add3A_242, %rem3A_244 : vector<16xi32>
    %lt3A_246 = arith.constant 0 : i32
    %lt3A_247 = vector.broadcast %lt3A_246 : i32 to vector<16xi32>
    %lt3A_248 = arith.cmpi slt, %rem3A_245, %lt3A_247 : vector<16xi32>
    %add3A_249 = arith.constant 999999 : i32
    %add3A_250 = vector.broadcast %add3A_249 : i32 to vector<16xi32>
    %add3A_251 = arith.addi %rem3A_245, %add3A_250 : vector<16xi32>
    %select_n3A_252 = arith.select %lt3A_248, %add3A_251, %rem3A_245 : vector<16xi1>, vector<16xi32>
    %shift_right_arithmetic3A_253 = arith.constant 2 : i32
    %shift_right_arithmetic3A_254 = vector.broadcast %shift_right_arithmetic3A_253 : i32 to vector<16xi32>
    %shift_right_arithmetic3A_255 = arith.shrsi %select_n3A_252, %shift_right_arithmetic3A_254 : vector<16xi32>
    %swap3A_256 = arith.constant 0 : i32
    %swap3A_257 = arith.index_cast %swap3A_256 : i32 to index
    %swap3A_258 = arith.constant 96 : index
    %swap3A_259 = tpu.vector_load %arg9[%swap3A_257, %swap3A_258] {strides = array<i32>} : memref<4x128xi32, #tpu.memory_space<vmem>>, vector<1x16xi32>,
    %swap3A_260 = vector.shape_cast %swap3A_259 : vector<1x16xi32> to vector<16xi32>
    %swap3A_261 = vector.shape_cast %shift_right_arithmetic3A_255 : vector<16xi32> to vector<1x16xi32>
    tpu.vector_store %arg9[%swap3A_257, %swap3A_258], %swap3A_261 {strides = array<i32>} : memref<4x128xi32, #tpu.memory_space<vmem>>, vector<1x16xi32>,
    %and3A_262 = arith.constant 3 : i32
    %and3A_263 = vector.broadcast %and3A_262 : i32 to vector<16xi32>
    %and3A_264 = arith.andi %select_n3A_252, %and3A_263 : vector<16xi32>
    %swap3A_265 = arith.constant 96 : index
    %swap3A_266 = tpu.vector_load %arg10[%swap3A_265] {strides = array<i32>} : memref<512xi32, #tpu.memory_space<vmem>>, vector<16xi32>,
    %swap3A_267 = vector.shape_cast %swap3A_266 : vector<16xi32> to vector<16xi32>
    %swap3A_268 = vector.shape_cast %and3A_264 : vector<16xi32> to vector<16xi32>
    tpu.vector_store %arg10[%swap3A_265], %swap3A_268 {strides = array<i32>} : memref<512xi32, #tpu.memory_space<vmem>>, vector<16xi32>,
    %get3A_269 = arith.constant 112 : index
    %get3A_270 = tpu.vector_load %arg7[%get3A_269] {strides = array<i32>} : memref<512xi32, #tpu.memory_space<vmem>>, vector<16xi32>,
    %get3A_271 = vector.shape_cast %get3A_270 : vector<16xi32> to vector<16xi32>
    %get3A_272 = arith.constant 112 : index
    %get3A_273 = tpu.vector_load %arg8[%get3A_272] {strides = array<i32>} : memref<512xi32, #tpu.memory_space<vmem>>, vector<16xi32>,
    %get3A_274 = vector.shape_cast %get3A_273 : vector<16xi32> to vector<16xi32>
    %mul3A_275 = arith.constant 36313 : i32
    %mul3A_276 = vector.broadcast %mul3A_275 : i32 to vector<16xi32>
    %mul3A_277 = arith.muli %mul3A_276, %get3A_271 : vector<16xi32>
    %mul3A_278 = arith.constant 27191 : i32
    %mul3A_279 = vector.broadcast %mul3A_278 : i32 to vector<16xi32>
    %mul3A_280 = arith.muli %mul3A_279, %get3A_274 : vector<16xi32>
    %add3A_281 = arith.addi %mul3A_277, %mul3A_280 : vector<16xi32>
    %rem3A_282 = arith.constant 999999 : i32
    %rem3A_283 = vector.broadcast %rem3A_282 : i32 to vector<16xi32>
    %rem3A_284 = arith.remsi %add3A_281, %rem3A_283 : vector<16xi32>
    %lt3A_285 = arith.constant 0 : i32
    %lt3A_286 = vector.broadcast %lt3A_285 : i32 to vector<16xi32>
    %lt3A_287 = arith.cmpi slt, %rem3A_284, %lt3A_286 : vector<16xi32>
    %add3A_288 = arith.constant 999999 : i32
    %add3A_289 = vector.broadcast %add3A_288 : i32 to vector<16xi32>
    %add3A_290 = arith.addi %rem3A_284, %add3A_289 : vector<16xi32>
    %select_n3A_291 = arith.select %lt3A_287, %add3A_290, %rem3A_284 : vector<16xi1>, vector<16xi32>
    %shift_right_arithmetic3A_292 = arith.constant 2 : i32
    %shift_right_arithmetic3A_293 = vector.broadcast %shift_right_arithmetic3A_292 : i32 to vector<16xi32>
    %shift_right_arithmetic3A_294 = arith.shrsi %select_n3A_291, %shift_right_arithmetic3A_293 : vector<16xi32>
    %swap3A_295 = arith.constant 0 : i32
    %swap3A_296 = arith.index_cast %swap3A_295 : i32 to index
    %swap3A_297 = arith.constant 112 : index
    %swap3A_298 = tpu.vector_load %arg9[%swap3A_296, %swap3A_297] {strides = array<i32>} : memref<4x128xi32, #tpu.memory_space<vmem>>, vector<1x16xi32>,
    %swap3A_299 = vector.shape_cast %swap3A_298 : vector<1x16xi32> to vector<16xi32>
    %swap3A_300 = vector.shape_cast %shift_right_arithmetic3A_294 : vector<16xi32> to vector<1x16xi32>
    tpu.vector_store %arg9[%swap3A_296, %swap3A_297], %swap3A_300 {strides = array<i32>} : memref<4x128xi32, #tpu.memory_space<vmem>>, vector<1x16xi32>,
    %and3A_301 = arith.constant 3 : i32
    %and3A_302 = vector.broadcast %and3A_301 : i32 to vector<16xi32>
    %and3A_303 = arith.andi %select_n3A_291, %and3A_302 : vector<16xi32>
    %swap3A_304 = arith.constant 112 : index
    %swap3A_305 = tpu.vector_load %arg10[%swap3A_304] {strides = array<i32>} : memref<512xi32, #tpu.memory_space<vmem>>, vector<16xi32>,
    %swap3A_306 = vector.shape_cast %swap3A_305 : vector<16xi32> to vector<16xi32>
    %swap3A_307 = vector.shape_cast %and3A_303 : vector<16xi32> to vector<16xi32>
    tpu.vector_store %arg10[%swap3A_304], %swap3A_307 {strides = array<i32>} : memref<512xi32, #tpu.memory_space<vmem>>, vector<16xi32>,
    %get3A_308 = arith.constant 128 : index
    %get3A_309 = tpu.vector_load %arg7[%get3A_308] {strides = array<i32>} : memref<512xi32, #tpu.memory_space<vmem>>, vector<16xi32>,
    %get3A_310 = vector.shape_cast %get3A_309 : vector<16xi32> to vector<16xi32>
    %get3A_311 = arith.constant 128 : index
    %get3A_312 = tpu.vector_load %arg8[%get3A_311] {strides = array<i32>} : memref<512xi32, #tpu.memory_space<vmem>>, vector<16xi32>,
    %get3A_313 = vector.shape_cast %get3A_312 : vector<16xi32> to vector<16xi32>
    %mul3A_314 = arith.constant 36313 : i32
    %mul3A_315 = vector.broadcast %mul3A_314 : i32 to vector<16xi32>
    %mul3A_316 = arith.muli %mul3A_315, %get3A_310 : vector<16xi32>
    %mul3A_317 = arith.constant 27191 : i32
    %mul3A_318 = vector.broadcast %mul3A_317 : i32 to vector<16xi32>
    %mul3A_319 = arith.muli %mul3A_318, %get3A_313 : vector<16xi32>
    %add3A_320 = arith.addi %mul3A_316, %mul3A_319 : vector<16xi32>
    %rem3A_321 = arith.constant 999999 : i32
    %rem3A_322 = vector.broadcast %rem3A_321 : i32 to vector<16xi32>
    %rem3A_323 = arith.remsi %add3A_320, %rem3A_322 : vector<16xi32>
    %lt3A_324 = arith.constant 0 : i32
    %lt3A_325 = vector.broadcast %lt3A_324 : i32 to vector<16xi32>
    %lt3A_326 = arith.cmpi slt, %rem3A_323, %lt3A_325 : vector<16xi32>
    %add3A_327 = arith.constant 999999 : i32
    %add3A_328 = vector.broadcast %add3A_327 : i32 to vector<16xi32>
    %add3A_329 = arith.addi %rem3A_323, %add3A_328 : vector<16xi32>
    %select_n3A_330 = arith.select %lt3A_326, %add3A_329, %rem3A_323 : vector<16xi1>, vector<16xi32>
    %shift_right_arithmetic3A_331 = arith.constant 2 : i32
    %shift_right_arithmetic3A_332 = vector.broadcast %shift_right_arithmetic3A_331 : i32 to vector<16xi32>
    %shift_right_arithmetic3A_333 = arith.shrsi %select_n3A_330, %shift_right_arithmetic3A_332 : vector<16xi32>
    %swap3A_334 = arith.constant 1 : i32
    %swap3A_335 = arith.index_cast %swap3A_334 : i32 to index
    %swap3A_336 = arith.constant 0 : index
    %swap3A_337 = tpu.vector_load %arg9[%swap3A_335, %swap3A_336] {strides = array<i32>} : memref<4x128xi32, #tpu.memory_space<vmem>>, vector<1x16xi32>,
    %swap3A_338 = vector.shape_cast %swap3A_337 : vector<1x16xi32> to vector<16xi32>
    %swap3A_339 = vector.shape_cast %shift_right_arithmetic3A_333 : vector<16xi32> to vector<1x16xi32>
    tpu.vector_store %arg9[%swap3A_335, %swap3A_336], %swap3A_339 {strides = array<i32>} : memref<4x128xi32, #tpu.memory_space<vmem>>, vector<1x16xi32>,
    %and3A_340 = arith.constant 3 : i32
    %and3A_341 = vector.broadcast %and3A_340 : i32 to vector<16xi32>
    %and3A_342 = arith.andi %select_n3A_330, %and3A_341 : vector<16xi32>
    %swap3A_343 = arith.constant 128 : index
    %swap3A_344 = tpu.vector_load %arg10[%swap3A_343] {strides = array<i32>} : memref<512xi32, #tpu.memory_space<vmem>>, vector<16xi32>,
    %swap3A_345 = vector.shape_cast %swap3A_344 : vector<16xi32> to vector<16xi32>
    %swap3A_346 = vector.shape_cast %and3A_342 : vector<16xi32> to vector<16xi32>
    tpu.vector_store %arg10[%swap3A_343], %swap3A_346 {strides = array<i32>} : memref<512xi32, #tpu.memory_space<vmem>>, vector<16xi32>,
    %get3A_347 = arith.constant 144 : index
    %get3A_348 = tpu.vector_load %arg7[%get3A_347] {strides = array<i32>} : memref<512xi32, #tpu.memory_space<vmem>>, vector<16xi32>,
    %get3A_349 = vector.shape_cast %get3A_348 : vector<16xi32> to vector<16xi32>
    %get3A_350 = arith.constant 144 : index
    %get3A_351 = tpu.vector_load %arg8[%get3A_350] {strides = array<i32>} : memref<512xi32, #tpu.memory_space<vmem>>, vector<16xi32>,
    %get3A_352 = vector.shape_cast %get3A_351 : vector<16xi32> to vector<16xi32>
    %mul3A_353 = arith.constant 36313 : i32
    %mul3A_354 = vector.broadcast %mul3A_353 : i32 to vector<16xi32>
    %mul3A_355 = arith.muli %mul3A_354, %get3A_349 : vector<16xi32>
    %mul3A_356 = arith.constant 27191 : i32
    %mul3A_357 = vector.broadcast %mul3A_356 : i32 to vector<16xi32>
    %mul3A_358 = arith.muli %mul3A_357, %get3A_352 : vector<16xi32>
    %add3A_359 = arith.addi %mul3A_355, %mul3A_358 : vector<16xi32>
    %rem3A_360 = arith.constant 999999 : i32
    %rem3A_361 = vector.broadcast %rem3A_360 : i32 to vector<16xi32>
    %rem3A_362 = arith.remsi %add3A_359, %rem3A_361 : vector<16xi32>
    %lt3A_363 = arith.constant 0 : i32
    %lt3A_364 = vector.broadcast %lt3A_363 : i32 to vector<16xi32>
    %lt3A_365 = arith.cmpi slt, %rem3A_362, %lt3A_364 : vector<16xi32>
    %add3A_366 = arith.constant 999999 : i32
    %add3A_367 = vector.broadcast %add3A_366 : i32 to vector<16xi32>
    %add3A_368 = arith.addi %rem3A_362, %add3A_367 : vector<16xi32>
    %select_n3A_369 = arith.select %lt3A_365, %add3A_368, %rem3A_362 : vector<16xi1>, vector<16xi32>
    %shift_right_arithmetic3A_370 = arith.constant 2 : i32
    %shift_right_arithmetic3A_371 = vector.broadcast %shift_right_arithmetic3A_370 : i32 to vector<16xi32>
    %shift_right_arithmetic3A_372 = arith.shrsi %select_n3A_369, %shift_right_arithmetic3A_371 : vector<16xi32>
    %swap3A_373 = arith.constant 1 : i32
    %swap3A_374 = arith.index_cast %swap3A_373 : i32 to index
    %swap3A_375 = arith.constant 16 : index
    %swap3A_376 = tpu.vector_load %arg9[%swap3A_374, %swap3A_375] {strides = array<i32>} : memref<4x128xi32, #tpu.memory_space<vmem>>, vector<1x16xi32>,
    %swap3A_377 = vector.shape_cast %swap3A_376 : vector<1x16xi32> to vector<16xi32>
    %swap3A_378 = vector.shape_cast %shift_right_arithmetic3A_372 : vector<16xi32> to vector<1x16xi32>
    tpu.vector_store %arg9[%swap3A_374, %swap3A_375], %swap3A_378 {strides = array<i32>} : memref<4x128xi32, #tpu.memory_space<vmem>>, vector<1x16xi32>,
    %and3A_379 = arith.constant 3 : i32
    %and3A_380 = vector.broadcast %and3A_379 : i32 to vector<16xi32>
    %and3A_381 = arith.andi %select_n3A_369, %and3A_380 : vector<16xi32>
    %swap3A_382 = arith.constant 144 : index
    %swap3A_383 = tpu.vector_load %arg10[%swap3A_382] {strides = array<i32>} : memref<512xi32, #tpu.memory_space<vmem>>, vector<16xi32>,
    %swap3A_384 = vector.shape_cast %swap3A_383 : vector<16xi32> to vector<16xi32>
    %swap3A_385 = vector.shape_cast %and3A_381 : vector<16xi32> to vector<16xi32>
    tpu.vector_store %arg10[%swap3A_382], %swap3A_385 {strides = array<i32>} : memref<512xi32, #tpu.memory_space<vmem>>, vector<16xi32>,
    %get3A_386 = arith.constant 160 : index
    %get3A_387 = tpu.vector_load %arg7[%get3A_386] {strides = array<i32>} : memref<512xi32, #tpu.memory_space<vmem>>, vector<16xi32>,
    %get3A_388 = vector.shape_cast %get3A_387 : vector<16xi32> to vector<16xi32>
    %get3A_389 = arith.constant 160 : index
    %get3A_390 = tpu.vector_load %arg8[%get3A_389] {strides = array<i32>} : memref<512xi32, #tpu.memory_space<vmem>>, vector<16xi32>,
    %get3A_391 = vector.shape_cast %get3A_390 : vector<16xi32> to vector<16xi32>
    %mul3A_392 = arith.constant 36313 : i32
    %mul3A_393 = vector.broadcast %mul3A_392 : i32 to vector<16xi32>
    %mul3A_394 = arith.muli %mul3A_393, %get3A_388 : vector<16xi32>
    %mul3A_395 = arith.constant 27191 : i32
    %mul3A_396 = vector.broadcast %mul3A_395 : i32 to vector<16xi32>
    %mul3A_397 = arith.muli %mul3A_396, %get3A_391 : vector<16xi32>
    %add3A_398 = arith.addi %mul3A_394, %mul3A_397 : vector<16xi32>
    %rem3A_399 = arith.constant 999999 : i32
    %rem3A_400 = vector.broadcast %rem3A_399 : i32 to vector<16xi32>
    %rem3A_401 = arith.remsi %add3A_398, %rem3A_400 : vector<16xi32>
    %lt3A_402 = arith.constant 0 : i32
    %lt3A_403 = vector.broadcast %lt3A_402 : i32 to vector<16xi32>
    %lt3A_404 = arith.cmpi slt, %rem3A_401, %lt3A_403 : vector<16xi32>
    %add3A_405 = arith.constant 999999 : i32
    %add3A_406 = vector.broadcast %add3A_405 : i32 to vector<16xi32>
    %add3A_407 = arith.addi %rem3A_401, %add3A_406 : vector<16xi32>
    %select_n3A_408 = arith.select %lt3A_404, %add3A_407, %rem3A_401 : vector<16xi1>, vector<16xi32>
    %shift_right_arithmetic3A_409 = arith.constant 2 : i32
    %shift_right_arithmetic3A_410 = vector.broadcast %shift_right_arithmetic3A_409 : i32 to vector<16xi32>
    %shift_right_arithmetic3A_411 = arith.shrsi %select_n3A_408, %shift_right_arithmetic3A_410 : vector<16xi32>
    %swap3A_412 = arith.constant 1 : i32
    %swap3A_413 = arith.index_cast %swap3A_412 : i32 to index
    %swap3A_414 = arith.constant 32 : index
    %swap3A_415 = tpu.vector_load %arg9[%swap3A_413, %swap3A_414] {strides = array<i32>} : memref<4x128xi32, #tpu.memory_space<vmem>>, vector<1x16xi32>,
    %swap3A_416 = vector.shape_cast %swap3A_415 : vector<1x16xi32> to vector<16xi32>
    %swap3A_417 = vector.shape_cast %shift_right_arithmetic3A_411 : vector<16xi32> to vector<1x16xi32>
    tpu.vector_store %arg9[%swap3A_413, %swap3A_414], %swap3A_417 {strides = array<i32>} : memref<4x128xi32, #tpu.memory_space<vmem>>, vector<1x16xi32>,
    %and3A_418 = arith.constant 3 : i32
    %and3A_419 = vector.broadcast %and3A_418 : i32 to vector<16xi32>
    %and3A_420 = arith.andi %select_n3A_408, %and3A_419 : vector<16xi32>
    %swap3A_421 = arith.constant 160 : index
    %swap3A_422 = tpu.vector_load %arg10[%swap3A_421] {strides = array<i32>} : memref<512xi32, #tpu.memory_space<vmem>>, vector<16xi32>,
    %swap3A_423 = vector.shape_cast %swap3A_422 : vector<16xi32> to vector<16xi32>
    %swap3A_424 = vector.shape_cast %and3A_420 : vector<16xi32> to vector<16xi32>
    tpu.vector_store %arg10[%swap3A_421], %swap3A_424 {strides = array<i32>} : memref<512xi32, #tpu.memory_space<vmem>>, vector<16xi32>,
    %get3A_425 = arith.constant 176 : index
    %get3A_426 = tpu.vector_load %arg7[%get3A_425] {strides = array<i32>} : memref<512xi32, #tpu.memory_space<vmem>>, vector<16xi32>,
    %get3A_427 = vector.shape_cast %get3A_426 : vector<16xi32> to vector<16xi32>
    %get3A_428 = arith.constant 176 : index
    %get3A_429 = tpu.vector_load %arg8[%get3A_428] {strides = array<i32>} : memref<512xi32, #tpu.memory_space<vmem>>, vector<16xi32>,
    %get3A_430 = vector.shape_cast %get3A_429 : vector<16xi32> to vector<16xi32>
    %mul3A_431 = arith.constant 36313 : i32
    %mul3A_432 = vector.broadcast %mul3A_431 : i32 to vector<16xi32>
    %mul3A_433 = arith.muli %mul3A_432, %get3A_427 : vector<16xi32>
    %mul3A_434 = arith.constant 27191 : i32
    %mul3A_435 = vector.broadcast %mul3A_434 : i32 to vector<16xi32>
    %mul3A_436 = arith.muli %mul3A_435, %get3A_430 : vector<16xi32>
    %add3A_437 = arith.addi %mul3A_433, %mul3A_436 : vector<16xi32>
    %rem3A_438 = arith.constant 999999 : i32
    %rem3A_439 = vector.broadcast %rem3A_438 : i32 to vector<16xi32>
    %rem3A_440 = arith.remsi %add3A_437, %rem3A_439 : vector<16xi32>
    %lt3A_441 = arith.constant 0 : i32
    %lt3A_442 = vector.broadcast %lt3A_441 : i32 to vector<16xi32>
    %lt3A_443 = arith.cmpi slt, %rem3A_440, %lt3A_442 : vector<16xi32>
    %add3A_444 = arith.constant 999999 : i32
    %add3A_445 = vector.broadcast %add3A_444 : i32 to vector<16xi32>
    %add3A_446 = arith.addi %rem3A_440, %add3A_445 : vector<16xi32>
    %select_n3A_447 = arith.select %lt3A_443, %add3A_446, %rem3A_440 : vector<16xi1>, vector<16xi32>
    %shift_right_arithmetic3A_448 = arith.constant 2 : i32
    %shift_right_arithmetic3A_449 = vector.broadcast %shift_right_arithmetic3A_448 : i32 to vector<16xi32>
    %shift_right_arithmetic3A_450 = arith.shrsi %select_n3A_447, %shift_right_arithmetic3A_449 : vector<16xi32>
    %swap3A_451 = arith.constant 1 : i32
    %swap3A_452 = arith.index_cast %swap3A_451 : i32 to index
    %swap3A_453 = arith.constant 48 : index
    %swap3A_454 = tpu.vector_load %arg9[%swap3A_452, %swap3A_453] {strides = array<i32>} : memref<4x128xi32, #tpu.memory_space<vmem>>, vector<1x16xi32>,
    %swap3A_455 = vector.shape_cast %swap3A_454 : vector<1x16xi32> to vector<16xi32>
    %swap3A_456 = vector.shape_cast %shift_right_arithmetic3A_450 : vector<16xi32> to vector<1x16xi32>
    tpu.vector_store %arg9[%swap3A_452, %swap3A_453], %swap3A_456 {strides = array<i32>} : memref<4x128xi32, #tpu.memory_space<vmem>>, vector<1x16xi32>,
    %and3A_457 = arith.constant 3 : i32
    %and3A_458 = vector.broadcast %and3A_457 : i32 to vector<16xi32>
    %and3A_459 = arith.andi %select_n3A_447, %and3A_458 : vector<16xi32>
    %swap3A_460 = arith.constant 176 : index
    %swap3A_461 = tpu.vector_load %arg10[%swap3A_460] {strides = array<i32>} : memref<512xi32, #tpu.memory_space<vmem>>, vector<16xi32>,
    %swap3A_462 = vector.shape_cast %swap3A_461 : vector<16xi32> to vector<16xi32>
    %swap3A_463 = vector.shape_cast %and3A_459 : vector<16xi32> to vector<16xi32>
    tpu.vector_store %arg10[%swap3A_460], %swap3A_463 {strides = array<i32>} : memref<512xi32, #tpu.memory_space<vmem>>, vector<16xi32>,
    %get3A_464 = arith.constant 192 : index
    %get3A_465 = tpu.vector_load %arg7[%get3A_464] {strides = array<i32>} : memref<512xi32, #tpu.memory_space<vmem>>, vector<16xi32>,
    %get3A_466 = vector.shape_cast %get3A_465 : vector<16xi32> to vector<16xi32>
    %get3A_467 = arith.constant 192 : index
    %get3A_468 = tpu.vector_load %arg8[%get3A_467] {strides = array<i32>} : memref<512xi32, #tpu.memory_space<vmem>>, vector<16xi32>,
    %get3A_469 = vector.shape_cast %get3A_468 : vector<16xi32> to vector<16xi32>
    %mul3A_470 = arith.constant 36313 : i32
    %mul3A_471 = vector.broadcast %mul3A_470 : i32 to vector<16xi32>
    %mul3A_472 = arith.muli %mul3A_471, %get3A_466 : vector<16xi32>
    %mul3A_473 = arith.constant 27191 : i32
    %mul3A_474 = vector.broadcast %mul3A_473 : i32 to vector<16xi32>
    %mul3A_475 = arith.muli %mul3A_474, %get3A_469 : vector<16xi32>
    %add3A_476 = arith.addi %mul3A_472, %mul3A_475 : vector<16xi32>
    %rem3A_477 = arith.constant 999999 : i32
    %rem3A_478 = vector.broadcast %rem3A_477 : i32 to vector<16xi32>
    %rem3A_479 = arith.remsi %add3A_476, %rem3A_478 : vector<16xi32>
    %lt3A_480 = arith.constant 0 : i32
    %lt3A_481 = vector.broadcast %lt3A_480 : i32 to vector<16xi32>
    %lt3A_482 = arith.cmpi slt, %rem3A_479, %lt3A_481 : vector<16xi32>
    %add3A_483 = arith.constant 999999 : i32
    %add3A_484 = vector.broadcast %add3A_483 : i32 to vector<16xi32>
    %add3A_485 = arith.addi %rem3A_479, %add3A_484 : vector<16xi32>
    %select_n3A_486 = arith.select %lt3A_482, %add3A_485, %rem3A_479 : vector<16xi1>, vector<16xi32>
    %shift_right_arithmetic3A_487 = arith.constant 2 : i32
    %shift_right_arithmetic3A_488 = vector.broadcast %shift_right_arithmetic3A_487 : i32 to vector<16xi32>
    %shift_right_arithmetic3A_489 = arith.shrsi %select_n3A_486, %shift_right_arithmetic3A_488 : vector<16xi32>
    %swap3A_490 = arith.constant 1 : i32
    %swap3A_491 = arith.index_cast %swap3A_490 : i32 to index
    %swap3A_492 = arith.constant 64 : index
    %swap3A_493 = tpu.vector_load %arg9[%swap3A_491, %swap3A_492] {strides = array<i32>} : memref<4x128xi32, #tpu.memory_space<vmem>>, vector<1x16xi32>,
    %swap3A_494 = vector.shape_cast %swap3A_493 : vector<1x16xi32> to vector<16xi32>
    %swap3A_495 = vector.shape_cast %shift_right_arithmetic3A_489 : vector<16xi32> to vector<1x16xi32>
    tpu.vector_store %arg9[%swap3A_491, %swap3A_492], %swap3A_495 {strides = array<i32>} : memref<4x128xi32, #tpu.memory_space<vmem>>, vector<1x16xi32>,
    %and3A_496 = arith.constant 3 : i32
    %and3A_497 = vector.broadcast %and3A_496 : i32 to vector<16xi32>
    %and3A_498 = arith.andi %select_n3A_486, %and3A_497 : vector<16xi32>
    %swap3A_499 = arith.constant 192 : index
    %swap3A_500 = tpu.vector_load %arg10[%swap3A_499] {strides = array<i32>} : memref<512xi32, #tpu.memory_space<vmem>>, vector<16xi32>,
    %swap3A_501 = vector.shape_cast %swap3A_500 : vector<16xi32> to vector<16xi32>
    %swap3A_502 = vector.shape_cast %and3A_498 : vector<16xi32> to vector<16xi32>
    tpu.vector_store %arg10[%swap3A_499], %swap3A_502 {strides = array<i32>} : memref<512xi32, #tpu.memory_space<vmem>>, vector<16xi32>,
    %get3A_503 = arith.constant 208 : index
    %get3A_504 = tpu.vector_load %arg7[%get3A_503] {strides = array<i32>} : memref<512xi32, #tpu.memory_space<vmem>>, vector<16xi32>,
    %get3A_505 = vector.shape_cast %get3A_504 : vector<16xi32> to vector<16xi32>
    %get3A_506 = arith.constant 208 : index
    %get3A_507 = tpu.vector_load %arg8[%get3A_506] {strides = array<i32>} : memref<512xi32, #tpu.memory_space<vmem>>, vector<16xi32>,
    %get3A_508 = vector.shape_cast %get3A_507 : vector<16xi32> to vector<16xi32>
    %mul3A_509 = arith.constant 36313 : i32
    %mul3A_510 = vector.broadcast %mul3A_509 : i32 to vector<16xi32>
    %mul3A_511 = arith.muli %mul3A_510, %get3A_505 : vector<16xi32>
    %mul3A_512 = arith.constant 27191 : i32
    %mul3A_513 = vector.broadcast %mul3A_512 : i32 to vector<16xi32>
    %mul3A_514 = arith.muli %mul3A_513, %get3A_508 : vector<16xi32>
    %add3A_515 = arith.addi %mul3A_511, %mul3A_514 : vector<16xi32>
    %rem3A_516 = arith.constant 999999 : i32
    %rem3A_517 = vector.broadcast %rem3A_516 : i32 to vector<16xi32>
    %rem3A_518 = arith.remsi %add3A_515, %rem3A_517 : vector<16xi32>
    %lt3A_519 = arith.constant 0 : i32
    %lt3A_520 = vector.broadcast %lt3A_519 : i32 to vector<16xi32>
    %lt3A_521 = arith.cmpi slt, %rem3A_518, %lt3A_520 : vector<16xi32>
    %add3A_522 = arith.constant 999999 : i32
    %add3A_523 = vector.broadcast %add3A_522 : i32 to vector<16xi32>
    %add3A_524 = arith.addi %rem3A_518, %add3A_523 : vector<16xi32>
    %select_n3A_525 = arith.select %lt3A_521, %add3A_524, %rem3A_518 : vector<16xi1>, vector<16xi32>
    %shift_right_arithmetic3A_526 = arith.constant 2 : i32
    %shift_right_arithmetic3A_527 = vector.broadcast %shift_right_arithmetic3A_526 : i32 to vector<16xi32>
    %shift_right_arithmetic3A_528 = arith.shrsi %select_n3A_525, %shift_right_arithmetic3A_527 : vector<16xi32>
    %swap3A_529 = arith.constant 1 : i32
    %swap3A_530 = arith.index_cast %swap3A_529 : i32 to index
    %swap3A_531 = arith.constant 80 : index
    %swap3A_532 = tpu.vector_load %arg9[%swap3A_530, %swap3A_531] {strides = array<i32>} : memref<4x128xi32, #tpu.memory_space<vmem>>, vector<1x16xi32>,
    %swap3A_533 = vector.shape_cast %swap3A_532 : vector<1x16xi32> to vector<16xi32>
    %swap3A_534 = vector.shape_cast %shift_right_arithmetic3A_528 : vector<16xi32> to vector<1x16xi32>
    tpu.vector_store %arg9[%swap3A_530, %swap3A_531], %swap3A_534 {strides = array<i32>} : memref<4x128xi32, #tpu.memory_space<vmem>>, vector<1x16xi32>,
    %and3A_535 = arith.constant 3 : i32
    %and3A_536 = vector.broadcast %and3A_535 : i32 to vector<16xi32>
    %and3A_537 = arith.andi %select_n3A_525, %and3A_536 : vector<16xi32>
    %swap3A_538 = arith.constant 208 : index
    %swap3A_539 = tpu.vector_load %arg10[%swap3A_538] {strides = array<i32>} : memref<512xi32, #tpu.memory_space<vmem>>, vector<16xi32>,
    %swap3A_540 = vector.shape_cast %swap3A_539 : vector<16xi32> to vector<16xi32>
    %swap3A_541 = vector.shape_cast %and3A_537 : vector<16xi32> to vector<16xi32>
    tpu.vector_store %arg10[%swap3A_538], %swap3A_541 {strides = array<i32>} : memref<512xi32, #tpu.memory_space<vmem>>, vector<16xi32>,
    %get3A_542 = arith.constant 224 : index
    %get3A_543 = tpu.vector_load %arg7[%get3A_542] {strides = array<i32>} : memref<512xi32, #tpu.memory_space<vmem>>, vector<16xi32>,
    %get3A_544 = vector.shape_cast %get3A_543 : vector<16xi32> to vector<16xi32>
    %get3A_545 = arith.constant 224 : index
    %get3A_546 = tpu.vector_load %arg8[%get3A_545] {strides = array<i32>} : memref<512xi32, #tpu.memory_space<vmem>>, vector<16xi32>,
    %get3A_547 = vector.shape_cast %get3A_546 : vector<16xi32> to vector<16xi32>
    %mul3A_548 = arith.constant 36313 : i32
    %mul3A_549 = vector.broadcast %mul3A_548 : i32 to vector<16xi32>
    %mul3A_550 = arith.muli %mul3A_549, %get3A_544 : vector<16xi32>
    %mul3A_551 = arith.constant 27191 : i32
    %mul3A_552 = vector.broadcast %mul3A_551 : i32 to vector<16xi32>
    %mul3A_553 = arith.muli %mul3A_552, %get3A_547 : vector<16xi32>
    %add3A_554 = arith.addi %mul3A_550, %mul3A_553 : vector<16xi32>
    %rem3A_555 = arith.constant 999999 : i32
    %rem3A_556 = vector.broadcast %rem3A_555 : i32 to vector<16xi32>
    %rem3A_557 = arith.remsi %add3A_554, %rem3A_556 : vector<16xi32>
    %lt3A_558 = arith.constant 0 : i32
    %lt3A_559 = vector.broadcast %lt3A_558 : i32 to vector<16xi32>
    %lt3A_560 = arith.cmpi slt, %rem3A_557, %lt3A_559 : vector<16xi32>
    %add3A_561 = arith.constant 999999 : i32
    %add3A_562 = vector.broadcast %add3A_561 : i32 to vector<16xi32>
    %add3A_563 = arith.addi %rem3A_557, %add3A_562 : vector<16xi32>
    %select_n3A_564 = arith.select %lt3A_560, %add3A_563, %rem3A_557 : vector<16xi1>, vector<16xi32>
    %shift_right_arithmetic3A_565 = arith.constant 2 : i32
    %shift_right_arithmetic3A_566 = vector.broadcast %shift_right_arithmetic3A_565 : i32 to vector<16xi32>
    %shift_right_arithmetic3A_567 = arith.shrsi %select_n3A_564, %shift_right_arithmetic3A_566 : vector<16xi32>
    %swap3A_568 = arith.constant 1 : i32
    %swap3A_569 = arith.index_cast %swap3A_568 : i32 to index
    %swap3A_570 = arith.constant 96 : index
    %swap3A_571 = tpu.vector_load %arg9[%swap3A_569, %swap3A_570] {strides = array<i32>} : memref<4x128xi32, #tpu.memory_space<vmem>>, vector<1x16xi32>,
    %swap3A_572 = vector.shape_cast %swap3A_571 : vector<1x16xi32> to vector<16xi32>
    %swap3A_573 = vector.shape_cast %shift_right_arithmetic3A_567 : vector<16xi32> to vector<1x16xi32>
    tpu.vector_store %arg9[%swap3A_569, %swap3A_570], %swap3A_573 {strides = array<i32>} : memref<4x128xi32, #tpu.memory_space<vmem>>, vector<1x16xi32>,
    %and3A_574 = arith.constant 3 : i32
    %and3A_575 = vector.broadcast %and3A_574 : i32 to vector<16xi32>
    %and3A_576 = arith.andi %select_n3A_564, %and3A_575 : vector<16xi32>
    %swap3A_577 = arith.constant 224 : index
    %swap3A_578 = tpu.vector_load %arg10[%swap3A_577] {strides = array<i32>} : memref<512xi32, #tpu.memory_space<vmem>>, vector<16xi32>,
    %swap3A_579 = vector.shape_cast %swap3A_578 : vector<16xi32> to vector<16xi32>
    %swap3A_580 = vector.shape_cast %and3A_576 : vector<16xi32> to vector<16xi32>
    tpu.vector_store %arg10[%swap3A_577], %swap3A_580 {strides = array<i32>} : memref<512xi32, #tpu.memory_space<vmem>>, vector<16xi32>,
    %get3A_581 = arith.constant 240 : index
    %get3A_582 = tpu.vector_load %arg7[%get3A_581] {strides = array<i32>} : memref<512xi32, #tpu.memory_space<vmem>>, vector<16xi32>,
    %get3A_583 = vector.shape_cast %get3A_582 : vector<16xi32> to vector<16xi32>
    %get3A_584 = arith.constant 240 : index
    %get3A_585 = tpu.vector_load %arg8[%get3A_584] {strides = array<i32>} : memref<512xi32, #tpu.memory_space<vmem>>, vector<16xi32>,
    %get3A_586 = vector.shape_cast %get3A_585 : vector<16xi32> to vector<16xi32>
    %mul3A_587 = arith.constant 36313 : i32
    %mul3A_588 = vector.broadcast %mul3A_587 : i32 to vector<16xi32>
    %mul3A_589 = arith.muli %mul3A_588, %get3A_583 : vector<16xi32>
    %mul3A_590 = arith.constant 27191 : i32
    %mul3A_591 = vector.broadcast %mul3A_590 : i32 to vector<16xi32>
    %mul3A_592 = arith.muli %mul3A_591, %get3A_586 : vector<16xi32>
    %add3A_593 = arith.addi %mul3A_589, %mul3A_592 : vector<16xi32>
    %rem3A_594 = arith.constant 999999 : i32
    %rem3A_595 = vector.broadcast %rem3A_594 : i32 to vector<16xi32>
    %rem3A_596 = arith.remsi %add3A_593, %rem3A_595 : vector<16xi32>
    %lt3A_597 = arith.constant 0 : i32
    %lt3A_598 = vector.broadcast %lt3A_597 : i32 to vector<16xi32>
    %lt3A_599 = arith.cmpi slt, %rem3A_596, %lt3A_598 : vector<16xi32>
    %add3A_600 = arith.constant 999999 : i32
    %add3A_601 = vector.broadcast %add3A_600 : i32 to vector<16xi32>
    %add3A_602 = arith.addi %rem3A_596, %add3A_601 : vector<16xi32>
    %select_n3A_603 = arith.select %lt3A_599, %add3A_602, %rem3A_596 : vector<16xi1>, vector<16xi32>
    %shift_right_arithmetic3A_604 = arith.constant 2 : i32
    %shift_right_arithmetic3A_605 = vector.broadcast %shift_right_arithmetic3A_604 : i32 to vector<16xi32>
    %shift_right_arithmetic3A_606 = arith.shrsi %select_n3A_603, %shift_right_arithmetic3A_605 : vector<16xi32>
    %swap3A_607 = arith.constant 1 : i32
    %swap3A_608 = arith.index_cast %swap3A_607 : i32 to index
    %swap3A_609 = arith.constant 112 : index
    %swap3A_610 = tpu.vector_load %arg9[%swap3A_608, %swap3A_609] {strides = array<i32>} : memref<4x128xi32, #tpu.memory_space<vmem>>, vector<1x16xi32>,
    %swap3A_611 = vector.shape_cast %swap3A_610 : vector<1x16xi32> to vector<16xi32>
    %swap3A_612 = vector.shape_cast %shift_right_arithmetic3A_606 : vector<16xi32> to vector<1x16xi32>
    tpu.vector_store %arg9[%swap3A_608, %swap3A_609], %swap3A_612 {strides = array<i32>} : memref<4x128xi32, #tpu.memory_space<vmem>>, vector<1x16xi32>,
    %and3A_613 = arith.constant 3 : i32
    %and3A_614 = vector.broadcast %and3A_613 : i32 to vector<16xi32>
    %and3A_615 = arith.andi %select_n3A_603, %and3A_614 : vector<16xi32>
    %swap3A_616 = arith.constant 240 : index
    %swap3A_617 = tpu.vector_load %arg10[%swap3A_616] {strides = array<i32>} : memref<512xi32, #tpu.memory_space<vmem>>, vector<16xi32>,
    %swap3A_618 = vector.shape_cast %swap3A_617 : vector<16xi32> to vector<16xi32>
    %swap3A_619 = vector.shape_cast %and3A_615 : vector<16xi32> to vector<16xi32>
    tpu.vector_store %arg10[%swap3A_616], %swap3A_619 {strides = array<i32>} : memref<512xi32, #tpu.memory_space<vmem>>, vector<16xi32>,
    %get3A_620 = arith.constant 256 : index
    %get3A_621 = tpu.vector_load %arg7[%get3A_620] {strides = array<i32>} : memref<512xi32, #tpu.memory_space<vmem>>, vector<16xi32>,
    %get3A_622 = vector.shape_cast %get3A_621 : vector<16xi32> to vector<16xi32>
    %get3A_623 = arith.constant 256 : index
    %get3A_624 = tpu.vector_load %arg8[%get3A_623] {strides = array<i32>} : memref<512xi32, #tpu.memory_space<vmem>>, vector<16xi32>,
    %get3A_625 = vector.shape_cast %get3A_624 : vector<16xi32> to vector<16xi32>
    %mul3A_626 = arith.constant 36313 : i32
    %mul3A_627 = vector.broadcast %mul3A_626 : i32 to vector<16xi32>
    %mul3A_628 = arith.muli %mul3A_627, %get3A_622 : vector<16xi32>
    %mul3A_629 = arith.constant 27191 : i32
    %mul3A_630 = vector.broadcast %mul3A_629 : i32 to vector<16xi32>
    %mul3A_631 = arith.muli %mul3A_630, %get3A_625 : vector<16xi32>
    %add3A_632 = arith.addi %mul3A_628, %mul3A_631 : vector<16xi32>
    %rem3A_633 = arith.constant 999999 : i32
    %rem3A_634 = vector.broadcast %rem3A_633 : i32 to vector<16xi32>
    %rem3A_635 = arith.remsi %add3A_632, %rem3A_634 : vector<16xi32>
    %lt3A_636 = arith.constant 0 : i32
    %lt3A_637 = vector.broadcast %lt3A_636 : i32 to vector<16xi32>
    %lt3A_638 = arith.cmpi slt, %rem3A_635, %lt3A_637 : vector<16xi32>
    %add3A_639 = arith.constant 999999 : i32
    %add3A_640 = vector.broadcast %add3A_639 : i32 to vector<16xi32>
    %add3A_641 = arith.addi %rem3A_635, %add3A_640 : vector<16xi32>
    %select_n3A_642 = arith.select %lt3A_638, %add3A_641, %rem3A_635 : vector<16xi1>, vector<16xi32>
    %shift_right_arithmetic3A_643 = arith.constant 2 : i32
    %shift_right_arithmetic3A_644 = vector.broadcast %shift_right_arithmetic3A_643 : i32 to vector<16xi32>
    %shift_right_arithmetic3A_645 = arith.shrsi %select_n3A_642, %shift_right_arithmetic3A_644 : vector<16xi32>
    %swap3A_646 = arith.constant 2 : i32
    %swap3A_647 = arith.index_cast %swap3A_646 : i32 to index
    %swap3A_648 = arith.constant 0 : index
    %swap3A_649 = tpu.vector_load %arg9[%swap3A_647, %swap3A_648] {strides = array<i32>} : memref<4x128xi32, #tpu.memory_space<vmem>>, vector<1x16xi32>,
    %swap3A_650 = vector.shape_cast %swap3A_649 : vector<1x16xi32> to vector<16xi32>
    %swap3A_651 = vector.shape_cast %shift_right_arithmetic3A_645 : vector<16xi32> to vector<1x16xi32>
    tpu.vector_store %arg9[%swap3A_647, %swap3A_648], %swap3A_651 {strides = array<i32>} : memref<4x128xi32, #tpu.memory_space<vmem>>, vector<1x16xi32>,
    %and3A_652 = arith.constant 3 : i32
    %and3A_653 = vector.broadcast %and3A_652 : i32 to vector<16xi32>
    %and3A_654 = arith.andi %select_n3A_642, %and3A_653 : vector<16xi32>
    %swap3A_655 = arith.constant 256 : index
    %swap3A_656 = tpu.vector_load %arg10[%swap3A_655] {strides = array<i32>} : memref<512xi32, #tpu.memory_space<vmem>>, vector<16xi32>,
    %swap3A_657 = vector.shape_cast %swap3A_656 : vector<16xi32> to vector<16xi32>
    %swap3A_658 = vector.shape_cast %and3A_654 : vector<16xi32> to vector<16xi32>
    tpu.vector_store %arg10[%swap3A_655], %swap3A_658 {strides = array<i32>} : memref<512xi32, #tpu.memory_space<vmem>>, vector<16xi32>,
    %get3A_659 = arith.constant 272 : index
    %get3A_660 = tpu.vector_load %arg7[%get3A_659] {strides = array<i32>} : memref<512xi32, #tpu.memory_space<vmem>>, vector<16xi32>,
    %get3A_661 = vector.shape_cast %get3A_660 : vector<16xi32> to vector<16xi32>
    %get3A_662 = arith.constant 272 : index
    %get3A_663 = tpu.vector_load %arg8[%get3A_662] {strides = array<i32>} : memref<512xi32, #tpu.memory_space<vmem>>, vector<16xi32>,
    %get3A_664 = vector.shape_cast %get3A_663 : vector<16xi32> to vector<16xi32>
    %mul3A_665 = arith.constant 36313 : i32
    %mul3A_666 = vector.broadcast %mul3A_665 : i32 to vector<16xi32>
    %mul3A_667 = arith.muli %mul3A_666, %get3A_661 : vector<16xi32>
    %mul3A_668 = arith.constant 27191 : i32
    %mul3A_669 = vector.broadcast %mul3A_668 : i32 to vector<16xi32>
    %mul3A_670 = arith.muli %mul3A_669, %get3A_664 : vector<16xi32>
    %add3A_671 = arith.addi %mul3A_667, %mul3A_670 : vector<16xi32>
    %rem3A_672 = arith.constant 999999 : i32
    %rem3A_673 = vector.broadcast %rem3A_672 : i32 to vector<16xi32>
    %rem3A_674 = arith.remsi %add3A_671, %rem3A_673 : vector<16xi32>
    %lt3A_675 = arith.constant 0 : i32
    %lt3A_676 = vector.broadcast %lt3A_675 : i32 to vector<16xi32>
    %lt3A_677 = arith.cmpi slt, %rem3A_674, %lt3A_676 : vector<16xi32>
    %add3A_678 = arith.constant 999999 : i32
    %add3A_679 = vector.broadcast %add3A_678 : i32 to vector<16xi32>
    %add3A_680 = arith.addi %rem3A_674, %add3A_679 : vector<16xi32>
    %select_n3A_681 = arith.select %lt3A_677, %add3A_680, %rem3A_674 : vector<16xi1>, vector<16xi32>
    %shift_right_arithmetic3A_682 = arith.constant 2 : i32
    %shift_right_arithmetic3A_683 = vector.broadcast %shift_right_arithmetic3A_682 : i32 to vector<16xi32>
    %shift_right_arithmetic3A_684 = arith.shrsi %select_n3A_681, %shift_right_arithmetic3A_683 : vector<16xi32>
    %swap3A_685 = arith.constant 2 : i32
    %swap3A_686 = arith.index_cast %swap3A_685 : i32 to index
    %swap3A_687 = arith.constant 16 : index
    %swap3A_688 = tpu.vector_load %arg9[%swap3A_686, %swap3A_687] {strides = array<i32>} : memref<4x128xi32, #tpu.memory_space<vmem>>, vector<1x16xi32>,
    %swap3A_689 = vector.shape_cast %swap3A_688 : vector<1x16xi32> to vector<16xi32>
    %swap3A_690 = vector.shape_cast %shift_right_arithmetic3A_684 : vector<16xi32> to vector<1x16xi32>
    tpu.vector_store %arg9[%swap3A_686, %swap3A_687], %swap3A_690 {strides = array<i32>} : memref<4x128xi32, #tpu.memory_space<vmem>>, vector<1x16xi32>,
    %and3A_691 = arith.constant 3 : i32
    %and3A_692 = vector.broadcast %and3A_691 : i32 to vector<16xi32>
    %and3A_693 = arith.andi %select_n3A_681, %and3A_692 : vector<16xi32>
    %swap3A_694 = arith.constant 272 : index
    %swap3A_695 = tpu.vector_load %arg10[%swap3A_694] {strides = array<i32>} : memref<512xi32, #tpu.memory_space<vmem>>, vector<16xi32>,
    %swap3A_696 = vector.shape_cast %swap3A_695 : vector<16xi32> to vector<16xi32>
    %swap3A_697 = vector.shape_cast %and3A_693 : vector<16xi32> to vector<16xi32>
    tpu.vector_store %arg10[%swap3A_694], %swap3A_697 {strides = array<i32>} : memref<512xi32, #tpu.memory_space<vmem>>, vector<16xi32>,
    %get3A_698 = arith.constant 288 : index
    %get3A_699 = tpu.vector_load %arg7[%get3A_698] {strides = array<i32>} : memref<512xi32, #tpu.memory_space<vmem>>, vector<16xi32>,
    %get3A_700 = vector.shape_cast %get3A_699 : vector<16xi32> to vector<16xi32>
    %get3A_701 = arith.constant 288 : index
    %get3A_702 = tpu.vector_load %arg8[%get3A_701] {strides = array<i32>} : memref<512xi32, #tpu.memory_space<vmem>>, vector<16xi32>,
    %get3A_703 = vector.shape_cast %get3A_702 : vector<16xi32> to vector<16xi32>
    %mul3A_704 = arith.constant 36313 : i32
    %mul3A_705 = vector.broadcast %mul3A_704 : i32 to vector<16xi32>
    %mul3A_706 = arith.muli %mul3A_705, %get3A_700 : vector<16xi32>
    %mul3A_707 = arith.constant 27191 : i32
    %mul3A_708 = vector.broadcast %mul3A_707 : i32 to vector<16xi32>
    %mul3A_709 = arith.muli %mul3A_708, %get3A_703 : vector<16xi32>
    %add3A_710 = arith.addi %mul3A_706, %mul3A_709 : vector<16xi32>
    %rem3A_711 = arith.constant 999999 : i32
    %rem3A_712 = vector.broadcast %rem3A_711 : i32 to vector<16xi32>
    %rem3A_713 = arith.remsi %add3A_710, %rem3A_712 : vector<16xi32>
    %lt3A_714 = arith.constant 0 : i32
    %lt3A_715 = vector.broadcast %lt3A_714 : i32 to vector<16xi32>
    %lt3A_716 = arith.cmpi slt, %rem3A_713, %lt3A_715 : vector<16xi32>
    %add3A_717 = arith.constant 999999 : i32
    %add3A_718 = vector.broadcast %add3A_717 : i32 to vector<16xi32>
    %add3A_719 = arith.addi %rem3A_713, %add3A_718 : vector<16xi32>
    %select_n3A_720 = arith.select %lt3A_716, %add3A_719, %rem3A_713 : vector<16xi1>, vector<16xi32>
    %shift_right_arithmetic3A_721 = arith.constant 2 : i32
    %shift_right_arithmetic3A_722 = vector.broadcast %shift_right_arithmetic3A_721 : i32 to vector<16xi32>
    %shift_right_arithmetic3A_723 = arith.shrsi %select_n3A_720, %shift_right_arithmetic3A_722 : vector<16xi32>
    %swap3A_724 = arith.constant 2 : i32
    %swap3A_725 = arith.index_cast %swap3A_724 : i32 to index
    %swap3A_726 = arith.constant 32 : index
    %swap3A_727 = tpu.vector_load %arg9[%swap3A_725, %swap3A_726] {strides = array<i32>} : memref<4x128xi32, #tpu.memory_space<vmem>>, vector<1x16xi32>,
    %swap3A_728 = vector.shape_cast %swap3A_727 : vector<1x16xi32> to vector<16xi32>
    %swap3A_729 = vector.shape_cast %shift_right_arithmetic3A_723 : vector<16xi32> to vector<1x16xi32>
    tpu.vector_store %arg9[%swap3A_725, %swap3A_726], %swap3A_729 {strides = array<i32>} : memref<4x128xi32, #tpu.memory_space<vmem>>, vector<1x16xi32>,
    %and3A_730 = arith.constant 3 : i32
    %and3A_731 = vector.broadcast %and3A_730 : i32 to vector<16xi32>
    %and3A_732 = arith.andi %select_n3A_720, %and3A_731 : vector<16xi32>
    %swap3A_733 = arith.constant 288 : index
    %swap3A_734 = tpu.vector_load %arg10[%swap3A_733] {strides = array<i32>} : memref<512xi32, #tpu.memory_space<vmem>>, vector<16xi32>,
    %swap3A_735 = vector.shape_cast %swap3A_734 : vector<16xi32> to vector<16xi32>
    %swap3A_736 = vector.shape_cast %and3A_732 : vector<16xi32> to vector<16xi32>
    tpu.vector_store %arg10[%swap3A_733], %swap3A_736 {strides = array<i32>} : memref<512xi32, #tpu.memory_space<vmem>>, vector<16xi32>,
    %get3A_737 = arith.constant 304 : index
    %get3A_738 = tpu.vector_load %arg7[%get3A_737] {strides = array<i32>} : memref<512xi32, #tpu.memory_space<vmem>>, vector<16xi32>,
    %get3A_739 = vector.shape_cast %get3A_738 : vector<16xi32> to vector<16xi32>
    %get3A_740 = arith.constant 304 : index
    %get3A_741 = tpu.vector_load %arg8[%get3A_740] {strides = array<i32>} : memref<512xi32, #tpu.memory_space<vmem>>, vector<16xi32>,
    %get3A_742 = vector.shape_cast %get3A_741 : vector<16xi32> to vector<16xi32>
    %mul3A_743 = arith.constant 36313 : i32
    %mul3A_744 = vector.broadcast %mul3A_743 : i32 to vector<16xi32>
    %mul3A_745 = arith.muli %mul3A_744, %get3A_739 : vector<16xi32>
    %mul3A_746 = arith.constant 27191 : i32
    %mul3A_747 = vector.broadcast %mul3A_746 : i32 to vector<16xi32>
    %mul3A_748 = arith.muli %mul3A_747, %get3A_742 : vector<16xi32>
    %add3A_749 = arith.addi %mul3A_745, %mul3A_748 : vector<16xi32>
    %rem3A_750 = arith.constant 999999 : i32
    %rem3A_751 = vector.broadcast %rem3A_750 : i32 to vector<16xi32>
    %rem3A_752 = arith.remsi %add3A_749, %rem3A_751 : vector<16xi32>
    %lt3A_753 = arith.constant 0 : i32
    %lt3A_754 = vector.broadcast %lt3A_753 : i32 to vector<16xi32>
    %lt3A_755 = arith.cmpi slt, %rem3A_752, %lt3A_754 : vector<16xi32>
    %add3A_756 = arith.constant 999999 : i32
    %add3A_757 = vector.broadcast %add3A_756 : i32 to vector<16xi32>
    %add3A_758 = arith.addi %rem3A_752, %add3A_757 : vector<16xi32>
    %select_n3A_759 = arith.select %lt3A_755, %add3A_758, %rem3A_752 : vector<16xi1>, vector<16xi32>
    %shift_right_arithmetic3A_760 = arith.constant 2 : i32
    %shift_right_arithmetic3A_761 = vector.broadcast %shift_right_arithmetic3A_760 : i32 to vector<16xi32>
    %shift_right_arithmetic3A_762 = arith.shrsi %select_n3A_759, %shift_right_arithmetic3A_761 : vector<16xi32>
    %swap3A_763 = arith.constant 2 : i32
    %swap3A_764 = arith.index_cast %swap3A_763 : i32 to index
    %swap3A_765 = arith.constant 48 : index
    %swap3A_766 = tpu.vector_load %arg9[%swap3A_764, %swap3A_765] {strides = array<i32>} : memref<4x128xi32, #tpu.memory_space<vmem>>, vector<1x16xi32>,
    %swap3A_767 = vector.shape_cast %swap3A_766 : vector<1x16xi32> to vector<16xi32>
    %swap3A_768 = vector.shape_cast %shift_right_arithmetic3A_762 : vector<16xi32> to vector<1x16xi32>
    tpu.vector_store %arg9[%swap3A_764, %swap3A_765], %swap3A_768 {strides = array<i32>} : memref<4x128xi32, #tpu.memory_space<vmem>>, vector<1x16xi32>,
    %and3A_769 = arith.constant 3 : i32
    %and3A_770 = vector.broadcast %and3A_769 : i32 to vector<16xi32>
    %and3A_771 = arith.andi %select_n3A_759, %and3A_770 : vector<16xi32>
    %swap3A_772 = arith.constant 304 : index
    %swap3A_773 = tpu.vector_load %arg10[%swap3A_772] {strides = array<i32>} : memref<512xi32, #tpu.memory_space<vmem>>, vector<16xi32>,
    %swap3A_774 = vector.shape_cast %swap3A_773 : vector<16xi32> to vector<16xi32>
    %swap3A_775 = vector.shape_cast %and3A_771 : vector<16xi32> to vector<16xi32>
    tpu.vector_store %arg10[%swap3A_772], %swap3A_775 {strides = array<i32>} : memref<512xi32, #tpu.memory_space<vmem>>, vector<16xi32>,
    %get3A_776 = arith.constant 320 : index
    %get3A_777 = tpu.vector_load %arg7[%get3A_776] {strides = array<i32>} : memref<512xi32, #tpu.memory_space<vmem>>, vector<16xi32>,
    %get3A_778 = vector.shape_cast %get3A_777 : vector<16xi32> to vector<16xi32>
    %get3A_779 = arith.constant 320 : index
    %get3A_780 = tpu.vector_load %arg8[%get3A_779] {strides = array<i32>} : memref<512xi32, #tpu.memory_space<vmem>>, vector<16xi32>,
    %get3A_781 = vector.shape_cast %get3A_780 : vector<16xi32> to vector<16xi32>
    %mul3A_782 = arith.constant 36313 : i32
    %mul3A_783 = vector.broadcast %mul3A_782 : i32 to vector<16xi32>
    %mul3A_784 = arith.muli %mul3A_783, %get3A_778 : vector<16xi32>
    %mul3A_785 = arith.constant 27191 : i32
    %mul3A_786 = vector.broadcast %mul3A_785 : i32 to vector<16xi32>
    %mul3A_787 = arith.muli %mul3A_786, %get3A_781 : vector<16xi32>
    %add3A_788 = arith.addi %mul3A_784, %mul3A_787 : vector<16xi32>
    %rem3A_789 = arith.constant 999999 : i32
    %rem3A_790 = vector.broadcast %rem3A_789 : i32 to vector<16xi32>
    %rem3A_791 = arith.remsi %add3A_788, %rem3A_790 : vector<16xi32>
    %lt3A_792 = arith.constant 0 : i32
    %lt3A_793 = vector.broadcast %lt3A_792 : i32 to vector<16xi32>
    %lt3A_794 = arith.cmpi slt, %rem3A_791, %lt3A_793 : vector<16xi32>
    %add3A_795 = arith.constant 999999 : i32
    %add3A_796 = vector.broadcast %add3A_795 : i32 to vector<16xi32>
    %add3A_797 = arith.addi %rem3A_791, %add3A_796 : vector<16xi32>
    %select_n3A_798 = arith.select %lt3A_794, %add3A_797, %rem3A_791 : vector<16xi1>, vector<16xi32>
    %shift_right_arithmetic3A_799 = arith.constant 2 : i32
    %shift_right_arithmetic3A_800 = vector.broadcast %shift_right_arithmetic3A_799 : i32 to vector<16xi32>
    %shift_right_arithmetic3A_801 = arith.shrsi %select_n3A_798, %shift_right_arithmetic3A_800 : vector<16xi32>
    %swap3A_802 = arith.constant 2 : i32
    %swap3A_803 = arith.index_cast %swap3A_802 : i32 to index
    %swap3A_804 = arith.constant 64 : index
    %swap3A_805 = tpu.vector_load %arg9[%swap3A_803, %swap3A_804] {strides = array<i32>} : memref<4x128xi32, #tpu.memory_space<vmem>>, vector<1x16xi32>,
    %swap3A_806 = vector.shape_cast %swap3A_805 : vector<1x16xi32> to vector<16xi32>
    %swap3A_807 = vector.shape_cast %shift_right_arithmetic3A_801 : vector<16xi32> to vector<1x16xi32>
    tpu.vector_store %arg9[%swap3A_803, %swap3A_804], %swap3A_807 {strides = array<i32>} : memref<4x128xi32, #tpu.memory_space<vmem>>, vector<1x16xi32>,
    %and3A_808 = arith.constant 3 : i32
    %and3A_809 = vector.broadcast %and3A_808 : i32 to vector<16xi32>
    %and3A_810 = arith.andi %select_n3A_798, %and3A_809 : vector<16xi32>
    %swap3A_811 = arith.constant 320 : index
    %swap3A_812 = tpu.vector_load %arg10[%swap3A_811] {strides = array<i32>} : memref<512xi32, #tpu.memory_space<vmem>>, vector<16xi32>,
    %swap3A_813 = vector.shape_cast %swap3A_812 : vector<16xi32> to vector<16xi32>
    %swap3A_814 = vector.shape_cast %and3A_810 : vector<16xi32> to vector<16xi32>
    tpu.vector_store %arg10[%swap3A_811], %swap3A_814 {strides = array<i32>} : memref<512xi32, #tpu.memory_space<vmem>>, vector<16xi32>,
    %get3A_815 = arith.constant 336 : index
    %get3A_816 = tpu.vector_load %arg7[%get3A_815] {strides = array<i32>} : memref<512xi32, #tpu.memory_space<vmem>>, vector<16xi32>,
    %get3A_817 = vector.shape_cast %get3A_816 : vector<16xi32> to vector<16xi32>
    %get3A_818 = arith.constant 336 : index
    %get3A_819 = tpu.vector_load %arg8[%get3A_818] {strides = array<i32>} : memref<512xi32, #tpu.memory_space<vmem>>, vector<16xi32>,
    %get3A_820 = vector.shape_cast %get3A_819 : vector<16xi32> to vector<16xi32>
    %mul3A_821 = arith.constant 36313 : i32
    %mul3A_822 = vector.broadcast %mul3A_821 : i32 to vector<16xi32>
    %mul3A_823 = arith.muli %mul3A_822, %get3A_817 : vector<16xi32>
    %mul3A_824 = arith.constant 27191 : i32
    %mul3A_825 = vector.broadcast %mul3A_824 : i32 to vector<16xi32>
    %mul3A_826 = arith.muli %mul3A_825, %get3A_820 : vector<16xi32>
    %add3A_827 = arith.addi %mul3A_823, %mul3A_826 : vector<16xi32>
    %rem3A_828 = arith.constant 999999 : i32
    %rem3A_829 = vector.broadcast %rem3A_828 : i32 to vector<16xi32>
    %rem3A_830 = arith.remsi %add3A_827, %rem3A_829 : vector<16xi32>
    %lt3A_831 = arith.constant 0 : i32
    %lt3A_832 = vector.broadcast %lt3A_831 : i32 to vector<16xi32>
    %lt3A_833 = arith.cmpi slt, %rem3A_830, %lt3A_832 : vector<16xi32>
    %add3A_834 = arith.constant 999999 : i32
    %add3A_835 = vector.broadcast %add3A_834 : i32 to vector<16xi32>
    %add3A_836 = arith.addi %rem3A_830, %add3A_835 : vector<16xi32>
    %select_n3A_837 = arith.select %lt3A_833, %add3A_836, %rem3A_830 : vector<16xi1>, vector<16xi32>
    %shift_right_arithmetic3A_838 = arith.constant 2 : i32
    %shift_right_arithmetic3A_839 = vector.broadcast %shift_right_arithmetic3A_838 : i32 to vector<16xi32>
    %shift_right_arithmetic3A_840 = arith.shrsi %select_n3A_837, %shift_right_arithmetic3A_839 : vector<16xi32>
    %swap3A_841 = arith.constant 2 : i32
    %swap3A_842 = arith.index_cast %swap3A_841 : i32 to index
    %swap3A_843 = arith.constant 80 : index
    %swap3A_844 = tpu.vector_load %arg9[%swap3A_842, %swap3A_843] {strides = array<i32>} : memref<4x128xi32, #tpu.memory_space<vmem>>, vector<1x16xi32>,
    %swap3A_845 = vector.shape_cast %swap3A_844 : vector<1x16xi32> to vector<16xi32>
    %swap3A_846 = vector.shape_cast %shift_right_arithmetic3A_840 : vector<16xi32> to vector<1x16xi32>
    tpu.vector_store %arg9[%swap3A_842, %swap3A_843], %swap3A_846 {strides = array<i32>} : memref<4x128xi32, #tpu.memory_space<vmem>>, vector<1x16xi32>,
    %and3A_847 = arith.constant 3 : i32
    %and3A_848 = vector.broadcast %and3A_847 : i32 to vector<16xi32>
    %and3A_849 = arith.andi %select_n3A_837, %and3A_848 : vector<16xi32>
    %swap3A_850 = arith.constant 336 : index
    %swap3A_851 = tpu.vector_load %arg10[%swap3A_850] {strides = array<i32>} : memref<512xi32, #tpu.memory_space<vmem>>, vector<16xi32>,
    %swap3A_852 = vector.shape_cast %swap3A_851 : vector<16xi32> to vector<16xi32>
    %swap3A_853 = vector.shape_cast %and3A_849 : vector<16xi32> to vector<16xi32>
    tpu.vector_store %arg10[%swap3A_850], %swap3A_853 {strides = array<i32>} : memref<512xi32, #tpu.memory_space<vmem>>, vector<16xi32>,
    %get3A_854 = arith.constant 352 : index
    %get3A_855 = tpu.vector_load %arg7[%get3A_854] {strides = array<i32>} : memref<512xi32, #tpu.memory_space<vmem>>, vector<16xi32>,
    %get3A_856 = vector.shape_cast %get3A_855 : vector<16xi32> to vector<16xi32>
    %get3A_857 = arith.constant 352 : index
    %get3A_858 = tpu.vector_load %arg8[%get3A_857] {strides = array<i32>} : memref<512xi32, #tpu.memory_space<vmem>>, vector<16xi32>,
    %get3A_859 = vector.shape_cast %get3A_858 : vector<16xi32> to vector<16xi32>
    %mul3A_860 = arith.constant 36313 : i32
    %mul3A_861 = vector.broadcast %mul3A_860 : i32 to vector<16xi32>
    %mul3A_862 = arith.muli %mul3A_861, %get3A_856 : vector<16xi32>
    %mul3A_863 = arith.constant 27191 : i32
    %mul3A_864 = vector.broadcast %mul3A_863 : i32 to vector<16xi32>
    %mul3A_865 = arith.muli %mul3A_864, %get3A_859 : vector<16xi32>
    %add3A_866 = arith.addi %mul3A_862, %mul3A_865 : vector<16xi32>
    %rem3A_867 = arith.constant 999999 : i32
    %rem3A_868 = vector.broadcast %rem3A_867 : i32 to vector<16xi32>
    %rem3A_869 = arith.remsi %add3A_866, %rem3A_868 : vector<16xi32>
    %lt3A_870 = arith.constant 0 : i32
    %lt3A_871 = vector.broadcast %lt3A_870 : i32 to vector<16xi32>
    %lt3A_872 = arith.cmpi slt, %rem3A_869, %lt3A_871 : vector<16xi32>
    %add3A_873 = arith.constant 999999 : i32
    %add3A_874 = vector.broadcast %add3A_873 : i32 to vector<16xi32>
    %add3A_875 = arith.addi %rem3A_869, %add3A_874 : vector<16xi32>
    %select_n3A_876 = arith.select %lt3A_872, %add3A_875, %rem3A_869 : vector<16xi1>, vector<16xi32>
    %shift_right_arithmetic3A_877 = arith.constant 2 : i32
    %shift_right_arithmetic3A_878 = vector.broadcast %shift_right_arithmetic3A_877 : i32 to vector<16xi32>
    %shift_right_arithmetic3A_879 = arith.shrsi %select_n3A_876, %shift_right_arithmetic3A_878 : vector<16xi32>
    %swap3A_880 = arith.constant 2 : i32
    %swap3A_881 = arith.index_cast %swap3A_880 : i32 to index
    %swap3A_882 = arith.constant 96 : index
    %swap3A_883 = tpu.vector_load %arg9[%swap3A_881, %swap3A_882] {strides = array<i32>} : memref<4x128xi32, #tpu.memory_space<vmem>>, vector<1x16xi32>,
    %swap3A_884 = vector.shape_cast %swap3A_883 : vector<1x16xi32> to vector<16xi32>
    %swap3A_885 = vector.shape_cast %shift_right_arithmetic3A_879 : vector<16xi32> to vector<1x16xi32>
    tpu.vector_store %arg9[%swap3A_881, %swap3A_882], %swap3A_885 {strides = array<i32>} : memref<4x128xi32, #tpu.memory_space<vmem>>, vector<1x16xi32>,
    %and3A_886 = arith.constant 3 : i32
    %and3A_887 = vector.broadcast %and3A_886 : i32 to vector<16xi32>
    %and3A_888 = arith.andi %select_n3A_876, %and3A_887 : vector<16xi32>
    %swap3A_889 = arith.constant 352 : index
    %swap3A_890 = tpu.vector_load %arg10[%swap3A_889] {strides = array<i32>} : memref<512xi32, #tpu.memory_space<vmem>>, vector<16xi32>,
    %swap3A_891 = vector.shape_cast %swap3A_890 : vector<16xi32> to vector<16xi32>
    %swap3A_892 = vector.shape_cast %and3A_888 : vector<16xi32> to vector<16xi32>
    tpu.vector_store %arg10[%swap3A_889], %swap3A_892 {strides = array<i32>} : memref<512xi32, #tpu.memory_space<vmem>>, vector<16xi32>,
    %get3A_893 = arith.constant 368 : index
    %get3A_894 = tpu.vector_load %arg7[%get3A_893] {strides = array<i32>} : memref<512xi32, #tpu.memory_space<vmem>>, vector<16xi32>,
    %get3A_895 = vector.shape_cast %get3A_894 : vector<16xi32> to vector<16xi32>
    %get3A_896 = arith.constant 368 : index
    %get3A_897 = tpu.vector_load %arg8[%get3A_896] {strides = array<i32>} : memref<512xi32, #tpu.memory_space<vmem>>, vector<16xi32>,
    %get3A_898 = vector.shape_cast %get3A_897 : vector<16xi32> to vector<16xi32>
    %mul3A_899 = arith.constant 36313 : i32
    %mul3A_900 = vector.broadcast %mul3A_899 : i32 to vector<16xi32>
    %mul3A_901 = arith.muli %mul3A_900, %get3A_895 : vector<16xi32>
    %mul3A_902 = arith.constant 27191 : i32
    %mul3A_903 = vector.broadcast %mul3A_902 : i32 to vector<16xi32>
    %mul3A_904 = arith.muli %mul3A_903, %get3A_898 : vector<16xi32>
    %add3A_905 = arith.addi %mul3A_901, %mul3A_904 : vector<16xi32>
    %rem3A_906 = arith.constant 999999 : i32
    %rem3A_907 = vector.broadcast %rem3A_906 : i32 to vector<16xi32>
    %rem3A_908 = arith.remsi %add3A_905, %rem3A_907 : vector<16xi32>
    %lt3A_909 = arith.constant 0 : i32
    %lt3A_910 = vector.broadcast %lt3A_909 : i32 to vector<16xi32>
    %lt3A_911 = arith.cmpi slt, %rem3A_908, %lt3A_910 : vector<16xi32>
    %add3A_912 = arith.constant 999999 : i32
    %add3A_913 = vector.broadcast %add3A_912 : i32 to vector<16xi32>
    %add3A_914 = arith.addi %rem3A_908, %add3A_913 : vector<16xi32>
    %select_n3A_915 = arith.select %lt3A_911, %add3A_914, %rem3A_908 : vector<16xi1>, vector<16xi32>
    %shift_right_arithmetic3A_916 = arith.constant 2 : i32
    %shift_right_arithmetic3A_917 = vector.broadcast %shift_right_arithmetic3A_916 : i32 to vector<16xi32>
    %shift_right_arithmetic3A_918 = arith.shrsi %select_n3A_915, %shift_right_arithmetic3A_917 : vector<16xi32>
    %swap3A_919 = arith.constant 2 : i32
    %swap3A_920 = arith.index_cast %swap3A_919 : i32 to index
    %swap3A_921 = arith.constant 112 : index
    %swap3A_922 = tpu.vector_load %arg9[%swap3A_920, %swap3A_921] {strides = array<i32>} : memref<4x128xi32, #tpu.memory_space<vmem>>, vector<1x16xi32>,
    %swap3A_923 = vector.shape_cast %swap3A_922 : vector<1x16xi32> to vector<16xi32>
    %swap3A_924 = vector.shape_cast %shift_right_arithmetic3A_918 : vector<16xi32> to vector<1x16xi32>
    tpu.vector_store %arg9[%swap3A_920, %swap3A_921], %swap3A_924 {strides = array<i32>} : memref<4x128xi32, #tpu.memory_space<vmem>>, vector<1x16xi32>,
    %and3A_925 = arith.constant 3 : i32
    %and3A_926 = vector.broadcast %and3A_925 : i32 to vector<16xi32>
    %and3A_927 = arith.andi %select_n3A_915, %and3A_926 : vector<16xi32>
    %swap3A_928 = arith.constant 368 : index
    %swap3A_929 = tpu.vector_load %arg10[%swap3A_928] {strides = array<i32>} : memref<512xi32, #tpu.memory_space<vmem>>, vector<16xi32>,
    %swap3A_930 = vector.shape_cast %swap3A_929 : vector<16xi32> to vector<16xi32>
    %swap3A_931 = vector.shape_cast %and3A_927 : vector<16xi32> to vector<16xi32>
    tpu.vector_store %arg10[%swap3A_928], %swap3A_931 {strides = array<i32>} : memref<512xi32, #tpu.memory_space<vmem>>, vector<16xi32>,
    %get3A_932 = arith.constant 384 : index
    %get3A_933 = tpu.vector_load %arg7[%get3A_932] {strides = array<i32>} : memref<512xi32, #tpu.memory_space<vmem>>, vector<16xi32>,
    %get3A_934 = vector.shape_cast %get3A_933 : vector<16xi32> to vector<16xi32>
    %get3A_935 = arith.constant 384 : index
    %get3A_936 = tpu.vector_load %arg8[%get3A_935] {strides = array<i32>} : memref<512xi32, #tpu.memory_space<vmem>>, vector<16xi32>,
    %get3A_937 = vector.shape_cast %get3A_936 : vector<16xi32> to vector<16xi32>
    %mul3A_938 = arith.constant 36313 : i32
    %mul3A_939 = vector.broadcast %mul3A_938 : i32 to vector<16xi32>
    %mul3A_940 = arith.muli %mul3A_939, %get3A_934 : vector<16xi32>
    %mul3A_941 = arith.constant 27191 : i32
    %mul3A_942 = vector.broadcast %mul3A_941 : i32 to vector<16xi32>
    %mul3A_943 = arith.muli %mul3A_942, %get3A_937 : vector<16xi32>
    %add3A_944 = arith.addi %mul3A_940, %mul3A_943 : vector<16xi32>
    %rem3A_945 = arith.constant 999999 : i32
    %rem3A_946 = vector.broadcast %rem3A_945 : i32 to vector<16xi32>
    %rem3A_947 = arith.remsi %add3A_944, %rem3A_946 : vector<16xi32>
    %lt3A_948 = arith.constant 0 : i32
    %lt3A_949 = vector.broadcast %lt3A_948 : i32 to vector<16xi32>
    %lt3A_950 = arith.cmpi slt, %rem3A_947, %lt3A_949 : vector<16xi32>
    %add3A_951 = arith.constant 999999 : i32
    %add3A_952 = vector.broadcast %add3A_951 : i32 to vector<16xi32>
    %add3A_953 = arith.addi %rem3A_947, %add3A_952 : vector<16xi32>
    %select_n3A_954 = arith.select %lt3A_950, %add3A_953, %rem3A_947 : vector<16xi1>, vector<16xi32>
    %shift_right_arithmetic3A_955 = arith.constant 2 : i32
    %shift_right_arithmetic3A_956 = vector.broadcast %shift_right_arithmetic3A_955 : i32 to vector<16xi32>
    %shift_right_arithmetic3A_957 = arith.shrsi %select_n3A_954, %shift_right_arithmetic3A_956 : vector<16xi32>
    %swap3A_958 = arith.constant 3 : i32
    %swap3A_959 = arith.index_cast %swap3A_958 : i32 to index
    %swap3A_960 = arith.constant 0 : index
    %swap3A_961 = tpu.vector_load %arg9[%swap3A_959, %swap3A_960] {strides = array<i32>} : memref<4x128xi32, #tpu.memory_space<vmem>>, vector<1x16xi32>,
    %swap3A_962 = vector.shape_cast %swap3A_961 : vector<1x16xi32> to vector<16xi32>
    %swap3A_963 = vector.shape_cast %shift_right_arithmetic3A_957 : vector<16xi32> to vector<1x16xi32>
    tpu.vector_store %arg9[%swap3A_959, %swap3A_960], %swap3A_963 {strides = array<i32>} : memref<4x128xi32, #tpu.memory_space<vmem>>, vector<1x16xi32>,
    %and3A_964 = arith.constant 3 : i32
    %and3A_965 = vector.broadcast %and3A_964 : i32 to vector<16xi32>
    %and3A_966 = arith.andi %select_n3A_954, %and3A_965 : vector<16xi32>
    %swap3A_967 = arith.constant 384 : index
    %swap3A_968 = tpu.vector_load %arg10[%swap3A_967] {strides = array<i32>} : memref<512xi32, #tpu.memory_space<vmem>>, vector<16xi32>,
    %swap3A_969 = vector.shape_cast %swap3A_968 : vector<16xi32> to vector<16xi32>
    %swap3A_970 = vector.shape_cast %and3A_966 : vector<16xi32> to vector<16xi32>
    tpu.vector_store %arg10[%swap3A_967], %swap3A_970 {strides = array<i32>} : memref<512xi32, #tpu.memory_space<vmem>>, vector<16xi32>,
    %get3A_971 = arith.constant 400 : index
    %get3A_972 = tpu.vector_load %arg7[%get3A_971] {strides = array<i32>} : memref<512xi32, #tpu.memory_space<vmem>>, vector<16xi32>,
    %get3A_973 = vector.shape_cast %get3A_972 : vector<16xi32> to vector<16xi32>
    %get3A_974 = arith.constant 400 : index
    %get3A_975 = tpu.vector_load %arg8[%get3A_974] {strides = array<i32>} : memref<512xi32, #tpu.memory_space<vmem>>, vector<16xi32>,
    %get3A_976 = vector.shape_cast %get3A_975 : vector<16xi32> to vector<16xi32>
    %mul3A_977 = arith.constant 36313 : i32
    %mul3A_978 = vector.broadcast %mul3A_977 : i32 to vector<16xi32>
    %mul3A_979 = arith.muli %mul3A_978, %get3A_973 : vector<16xi32>
    %mul3A_980 = arith.constant 27191 : i32
    %mul3A_981 = vector.broadcast %mul3A_980 : i32 to vector<16xi32>
    %mul3A_982 = arith.muli %mul3A_981, %get3A_976 : vector<16xi32>
    %add3A_983 = arith.addi %mul3A_979, %mul3A_982 : vector<16xi32>
    %rem3A_984 = arith.constant 999999 : i32
    %rem3A_985 = vector.broadcast %rem3A_984 : i32 to vector<16xi32>
    %rem3A_986 = arith.remsi %add3A_983, %rem3A_985 : vector<16xi32>
    %lt3A_987 = arith.constant 0 : i32
    %lt3A_988 = vector.broadcast %lt3A_987 : i32 to vector<16xi32>
    %lt3A_989 = arith.cmpi slt, %rem3A_986, %lt3A_988 : vector<16xi32>
    %add3A_990 = arith.constant 999999 : i32
    %add3A_991 = vector.broadcast %add3A_990 : i32 to vector<16xi32>
    %add3A_992 = arith.addi %rem3A_986, %add3A_991 : vector<16xi32>
    %select_n3A_993 = arith.select %lt3A_989, %add3A_992, %rem3A_986 : vector<16xi1>, vector<16xi32>
    %shift_right_arithmetic3A_994 = arith.constant 2 : i32
    %shift_right_arithmetic3A_995 = vector.broadcast %shift_right_arithmetic3A_994 : i32 to vector<16xi32>
    %shift_right_arithmetic3A_996 = arith.shrsi %select_n3A_993, %shift_right_arithmetic3A_995 : vector<16xi32>
    %swap3A_997 = arith.constant 3 : i32
    %swap3A_998 = arith.index_cast %swap3A_997 : i32 to index
    %swap3A_999 = arith.constant 16 : index
    %swap3A_1000 = tpu.vector_load %arg9[%swap3A_998, %swap3A_999] {strides = array<i32>} : memref<4x128xi32, #tpu.memory_space<vmem>>, vector<1x16xi32>,
    %swap3A_1001 = vector.shape_cast %swap3A_1000 : vector<1x16xi32> to vector<16xi32>
    %swap3A_1002 = vector.shape_cast %shift_right_arithmetic3A_996 : vector<16xi32> to vector<1x16xi32>
    tpu.vector_store %arg9[%swap3A_998, %swap3A_999], %swap3A_1002 {strides = array<i32>} : memref<4x128xi32, #tpu.memory_space<vmem>>, vector<1x16xi32>,
    %and3A_1003 = arith.constant 3 : i32
    %and3A_1004 = vector.broadcast %and3A_1003 : i32 to vector<16xi32>
    %and3A_1005 = arith.andi %select_n3A_993, %and3A_1004 : vector<16xi32>
    %swap3A_1006 = arith.constant 400 : index
    %swap3A_1007 = tpu.vector_load %arg10[%swap3A_1006] {strides = array<i32>} : memref<512xi32, #tpu.memory_space<vmem>>, vector<16xi32>,
    %swap3A_1008 = vector.shape_cast %swap3A_1007 : vector<16xi32> to vector<16xi32>
    %swap3A_1009 = vector.shape_cast %and3A_1005 : vector<16xi32> to vector<16xi32>
    tpu.vector_store %arg10[%swap3A_1006], %swap3A_1009 {strides = array<i32>} : memref<512xi32, #tpu.memory_space<vmem>>, vector<16xi32>,
    %get3A_1010 = arith.constant 416 : index
    %get3A_1011 = tpu.vector_load %arg7[%get3A_1010] {strides = array<i32>} : memref<512xi32, #tpu.memory_space<vmem>>, vector<16xi32>,
    %get3A_1012 = vector.shape_cast %get3A_1011 : vector<16xi32> to vector<16xi32>
    %get3A_1013 = arith.constant 416 : index
    %get3A_1014 = tpu.vector_load %arg8[%get3A_1013] {strides = array<i32>} : memref<512xi32, #tpu.memory_space<vmem>>, vector<16xi32>,
    %get3A_1015 = vector.shape_cast %get3A_1014 : vector<16xi32> to vector<16xi32>
    %mul3A_1016 = arith.constant 36313 : i32
    %mul3A_1017 = vector.broadcast %mul3A_1016 : i32 to vector<16xi32>
    %mul3A_1018 = arith.muli %mul3A_1017, %get3A_1012 : vector<16xi32>
    %mul3A_1019 = arith.constant 27191 : i32
    %mul3A_1020 = vector.broadcast %mul3A_1019 : i32 to vector<16xi32>
    %mul3A_1021 = arith.muli %mul3A_1020, %get3A_1015 : vector<16xi32>
    %add3A_1022 = arith.addi %mul3A_1018, %mul3A_1021 : vector<16xi32>
    %rem3A_1023 = arith.constant 999999 : i32
    %rem3A_1024 = vector.broadcast %rem3A_1023 : i32 to vector<16xi32>
    %rem3A_1025 = arith.remsi %add3A_1022, %rem3A_1024 : vector<16xi32>
    %lt3A_1026 = arith.constant 0 : i32
    %lt3A_1027 = vector.broadcast %lt3A_1026 : i32 to vector<16xi32>
    %lt3A_1028 = arith.cmpi slt, %rem3A_1025, %lt3A_1027 : vector<16xi32>
    %add3A_1029 = arith.constant 999999 : i32
    %add3A_1030 = vector.broadcast %add3A_1029 : i32 to vector<16xi32>
    %add3A_1031 = arith.addi %rem3A_1025, %add3A_1030 : vector<16xi32>
    %select_n3A_1032 = arith.select %lt3A_1028, %add3A_1031, %rem3A_1025 : vector<16xi1>, vector<16xi32>
    %shift_right_arithmetic3A_1033 = arith.constant 2 : i32
    %shift_right_arithmetic3A_1034 = vector.broadcast %shift_right_arithmetic3A_1033 : i32 to vector<16xi32>
    %shift_right_arithmetic3A_1035 = arith.shrsi %select_n3A_1032, %shift_right_arithmetic3A_1034 : vector<16xi32>
    %swap3A_1036 = arith.constant 3 : i32
    %swap3A_1037 = arith.index_cast %swap3A_1036 : i32 to index
    %swap3A_1038 = arith.constant 32 : index
    %swap3A_1039 = tpu.vector_load %arg9[%swap3A_1037, %swap3A_1038] {strides = array<i32>} : memref<4x128xi32, #tpu.memory_space<vmem>>, vector<1x16xi32>,
    %swap3A_1040 = vector.shape_cast %swap3A_1039 : vector<1x16xi32> to vector<16xi32>
    %swap3A_1041 = vector.shape_cast %shift_right_arithmetic3A_1035 : vector<16xi32> to vector<1x16xi32>
    tpu.vector_store %arg9[%swap3A_1037, %swap3A_1038], %swap3A_1041 {strides = array<i32>} : memref<4x128xi32, #tpu.memory_space<vmem>>, vector<1x16xi32>,
    %and3A_1042 = arith.constant 3 : i32
    %and3A_1043 = vector.broadcast %and3A_1042 : i32 to vector<16xi32>
    %and3A_1044 = arith.andi %select_n3A_1032, %and3A_1043 : vector<16xi32>
    %swap3A_1045 = arith.constant 416 : index
    %swap3A_1046 = tpu.vector_load %arg10[%swap3A_1045] {strides = array<i32>} : memref<512xi32, #tpu.memory_space<vmem>>, vector<16xi32>,
    %swap3A_1047 = vector.shape_cast %swap3A_1046 : vector<16xi32> to vector<16xi32>
    %swap3A_1048 = vector.shape_cast %and3A_1044 : vector<16xi32> to vector<16xi32>
    tpu.vector_store %arg10[%swap3A_1045], %swap3A_1048 {strides = array<i32>} : memref<512xi32, #tpu.memory_space<vmem>>, vector<16xi32>,
    %get3A_1049 = arith.constant 432 : index
    %get3A_1050 = tpu.vector_load %arg7[%get3A_1049] {strides = array<i32>} : memref<512xi32, #tpu.memory_space<vmem>>, vector<16xi32>,
    %get3A_1051 = vector.shape_cast %get3A_1050 : vector<16xi32> to vector<16xi32>
    %get3A_1052 = arith.constant 432 : index
    %get3A_1053 = tpu.vector_load %arg8[%get3A_1052] {strides = array<i32>} : memref<512xi32, #tpu.memory_space<vmem>>, vector<16xi32>,
    %get3A_1054 = vector.shape_cast %get3A_1053 : vector<16xi32> to vector<16xi32>
    %mul3A_1055 = arith.constant 36313 : i32
    %mul3A_1056 = vector.broadcast %mul3A_1055 : i32 to vector<16xi32>
    %mul3A_1057 = arith.muli %mul3A_1056, %get3A_1051 : vector<16xi32>
    %mul3A_1058 = arith.constant 27191 : i32
    %mul3A_1059 = vector.broadcast %mul3A_1058 : i32 to vector<16xi32>
    %mul3A_1060 = arith.muli %mul3A_1059, %get3A_1054 : vector<16xi32>
    %add3A_1061 = arith.addi %mul3A_1057, %mul3A_1060 : vector<16xi32>
    %rem3A_1062 = arith.constant 999999 : i32
    %rem3A_1063 = vector.broadcast %rem3A_1062 : i32 to vector<16xi32>
    %rem3A_1064 = arith.remsi %add3A_1061, %rem3A_1063 : vector<16xi32>
    %lt3A_1065 = arith.constant 0 : i32
    %lt3A_1066 = vector.broadcast %lt3A_1065 : i32 to vector<16xi32>
    %lt3A_1067 = arith.cmpi slt, %rem3A_1064, %lt3A_1066 : vector<16xi32>
    %add3A_1068 = arith.constant 999999 : i32
    %add3A_1069 = vector.broadcast %add3A_1068 : i32 to vector<16xi32>
    %add3A_1070 = arith.addi %rem3A_1064, %add3A_1069 : vector<16xi32>
    %select_n3A_1071 = arith.select %lt3A_1067, %add3A_1070, %rem3A_1064 : vector<16xi1>, vector<16xi32>
    %shift_right_arithmetic3A_1072 = arith.constant 2 : i32
    %shift_right_arithmetic3A_1073 = vector.broadcast %shift_right_arithmetic3A_1072 : i32 to vector<16xi32>
    %shift_right_arithmetic3A_1074 = arith.shrsi %select_n3A_1071, %shift_right_arithmetic3A_1073 : vector<16xi32>
    %swap3A_1075 = arith.constant 3 : i32
    %swap3A_1076 = arith.index_cast %swap3A_1075 : i32 to index
    %swap3A_1077 = arith.constant 48 : index
    %swap3A_1078 = tpu.vector_load %arg9[%swap3A_1076, %swap3A_1077] {strides = array<i32>} : memref<4x128xi32, #tpu.memory_space<vmem>>, vector<1x16xi32>,
    %swap3A_1079 = vector.shape_cast %swap3A_1078 : vector<1x16xi32> to vector<16xi32>
    %swap3A_1080 = vector.shape_cast %shift_right_arithmetic3A_1074 : vector<16xi32> to vector<1x16xi32>
    tpu.vector_store %arg9[%swap3A_1076, %swap3A_1077], %swap3A_1080 {strides = array<i32>} : memref<4x128xi32, #tpu.memory_space<vmem>>, vector<1x16xi32>,
    %and3A_1081 = arith.constant 3 : i32
    %and3A_1082 = vector.broadcast %and3A_1081 : i32 to vector<16xi32>
    %and3A_1083 = arith.andi %select_n3A_1071, %and3A_1082 : vector<16xi32>
    %swap3A_1084 = arith.constant 432 : index
    %swap3A_1085 = tpu.vector_load %arg10[%swap3A_1084] {strides = array<i32>} : memref<512xi32, #tpu.memory_space<vmem>>, vector<16xi32>,
    %swap3A_1086 = vector.shape_cast %swap3A_1085 : vector<16xi32> to vector<16xi32>
    %swap3A_1087 = vector.shape_cast %and3A_1083 : vector<16xi32> to vector<16xi32>
    tpu.vector_store %arg10[%swap3A_1084], %swap3A_1087 {strides = array<i32>} : memref<512xi32, #tpu.memory_space<vmem>>, vector<16xi32>,
    %get3A_1088 = arith.constant 448 : index
    %get3A_1089 = tpu.vector_load %arg7[%get3A_1088] {strides = array<i32>} : memref<512xi32, #tpu.memory_space<vmem>>, vector<16xi32>,
    %get3A_1090 = vector.shape_cast %get3A_1089 : vector<16xi32> to vector<16xi32>
    %get3A_1091 = arith.constant 448 : index
    %get3A_1092 = tpu.vector_load %arg8[%get3A_1091] {strides = array<i32>} : memref<512xi32, #tpu.memory_space<vmem>>, vector<16xi32>,
    %get3A_1093 = vector.shape_cast %get3A_1092 : vector<16xi32> to vector<16xi32>
    %mul3A_1094 = arith.constant 36313 : i32
    %mul3A_1095 = vector.broadcast %mul3A_1094 : i32 to vector<16xi32>
    %mul3A_1096 = arith.muli %mul3A_1095, %get3A_1090 : vector<16xi32>
    %mul3A_1097 = arith.constant 27191 : i32
    %mul3A_1098 = vector.broadcast %mul3A_1097 : i32 to vector<16xi32>
    %mul3A_1099 = arith.muli %mul3A_1098, %get3A_1093 : vector<16xi32>
    %add3A_1100 = arith.addi %mul3A_1096, %mul3A_1099 : vector<16xi32>
    %rem3A_1101 = arith.constant 999999 : i32
    %rem3A_1102 = vector.broadcast %rem3A_1101 : i32 to vector<16xi32>
    %rem3A_1103 = arith.remsi %add3A_1100, %rem3A_1102 : vector<16xi32>
    %lt3A_1104 = arith.constant 0 : i32
    %lt3A_1105 = vector.broadcast %lt3A_1104 : i32 to vector<16xi32>
    %lt3A_1106 = arith.cmpi slt, %rem3A_1103, %lt3A_1105 : vector<16xi32>
    %add3A_1107 = arith.constant 999999 : i32
    %add3A_1108 = vector.broadcast %add3A_1107 : i32 to vector<16xi32>
    %add3A_1109 = arith.addi %rem3A_1103, %add3A_1108 : vector<16xi32>
    %select_n3A_1110 = arith.select %lt3A_1106, %add3A_1109, %rem3A_1103 : vector<16xi1>, vector<16xi32>
    %shift_right_arithmetic3A_1111 = arith.constant 2 : i32
    %shift_right_arithmetic3A_1112 = vector.broadcast %shift_right_arithmetic3A_1111 : i32 to vector<16xi32>
    %shift_right_arithmetic3A_1113 = arith.shrsi %select_n3A_1110, %shift_right_arithmetic3A_1112 : vector<16xi32>
    %swap3A_1114 = arith.constant 3 : i32
    %swap3A_1115 = arith.index_cast %swap3A_1114 : i32 to index
    %swap3A_1116 = arith.constant 64 : index
    %swap3A_1117 = tpu.vector_load %arg9[%swap3A_1115, %swap3A_1116] {strides = array<i32>} : memref<4x128xi32, #tpu.memory_space<vmem>>, vector<1x16xi32>,
    %swap3A_1118 = vector.shape_cast %swap3A_1117 : vector<1x16xi32> to vector<16xi32>
    %swap3A_1119 = vector.shape_cast %shift_right_arithmetic3A_1113 : vector<16xi32> to vector<1x16xi32>
    tpu.vector_store %arg9[%swap3A_1115, %swap3A_1116], %swap3A_1119 {strides = array<i32>} : memref<4x128xi32, #tpu.memory_space<vmem>>, vector<1x16xi32>,
    %and3A_1120 = arith.constant 3 : i32
    %and3A_1121 = vector.broadcast %and3A_1120 : i32 to vector<16xi32>
    %and3A_1122 = arith.andi %select_n3A_1110, %and3A_1121 : vector<16xi32>
    %swap3A_1123 = arith.constant 448 : index
    %swap3A_1124 = tpu.vector_load %arg10[%swap3A_1123] {strides = array<i32>} : memref<512xi32, #tpu.memory_space<vmem>>, vector<16xi32>,
    %swap3A_1125 = vector.shape_cast %swap3A_1124 : vector<16xi32> to vector<16xi32>
    %swap3A_1126 = vector.shape_cast %and3A_1122 : vector<16xi32> to vector<16xi32>
    tpu.vector_store %arg10[%swap3A_1123], %swap3A_1126 {strides = array<i32>} : memref<512xi32, #tpu.memory_space<vmem>>, vector<16xi32>,
    %get3A_1127 = arith.constant 464 : index
    %get3A_1128 = tpu.vector_load %arg7[%get3A_1127] {strides = array<i32>} : memref<512xi32, #tpu.memory_space<vmem>>, vector<16xi32>,
    %get3A_1129 = vector.shape_cast %get3A_1128 : vector<16xi32> to vector<16xi32>
    %get3A_1130 = arith.constant 464 : index
    %get3A_1131 = tpu.vector_load %arg8[%get3A_1130] {strides = array<i32>} : memref<512xi32, #tpu.memory_space<vmem>>, vector<16xi32>,
    %get3A_1132 = vector.shape_cast %get3A_1131 : vector<16xi32> to vector<16xi32>
    %mul3A_1133 = arith.constant 36313 : i32
    %mul3A_1134 = vector.broadcast %mul3A_1133 : i32 to vector<16xi32>
    %mul3A_1135 = arith.muli %mul3A_1134, %get3A_1129 : vector<16xi32>
    %mul3A_1136 = arith.constant 27191 : i32
    %mul3A_1137 = vector.broadcast %mul3A_1136 : i32 to vector<16xi32>
    %mul3A_1138 = arith.muli %mul3A_1137, %get3A_1132 : vector<16xi32>
    %add3A_1139 = arith.addi %mul3A_1135, %mul3A_1138 : vector<16xi32>
    %rem3A_1140 = arith.constant 999999 : i32
    %rem3A_1141 = vector.broadcast %rem3A_1140 : i32 to vector<16xi32>
    %rem3A_1142 = arith.remsi %add3A_1139, %rem3A_1141 : vector<16xi32>
    %lt3A_1143 = arith.constant 0 : i32
    %lt3A_1144 = vector.broadcast %lt3A_1143 : i32 to vector<16xi32>
    %lt3A_1145 = arith.cmpi slt, %rem3A_1142, %lt3A_1144 : vector<16xi32>
    %add3A_1146 = arith.constant 999999 : i32
    %add3A_1147 = vector.broadcast %add3A_1146 : i32 to vector<16xi32>
    %add3A_1148 = arith.addi %rem3A_1142, %add3A_1147 : vector<16xi32>
    %select_n3A_1149 = arith.select %lt3A_1145, %add3A_1148, %rem3A_1142 : vector<16xi1>, vector<16xi32>
    %shift_right_arithmetic3A_1150 = arith.constant 2 : i32
    %shift_right_arithmetic3A_1151 = vector.broadcast %shift_right_arithmetic3A_1150 : i32 to vector<16xi32>
    %shift_right_arithmetic3A_1152 = arith.shrsi %select_n3A_1149, %shift_right_arithmetic3A_1151 : vector<16xi32>
    %swap3A_1153 = arith.constant 3 : i32
    %swap3A_1154 = arith.index_cast %swap3A_1153 : i32 to index
    %swap3A_1155 = arith.constant 80 : index
    %swap3A_1156 = tpu.vector_load %arg9[%swap3A_1154, %swap3A_1155] {strides = array<i32>} : memref<4x128xi32, #tpu.memory_space<vmem>>, vector<1x16xi32>,
    %swap3A_1157 = vector.shape_cast %swap3A_1156 : vector<1x16xi32> to vector<16xi32>
    %swap3A_1158 = vector.shape_cast %shift_right_arithmetic3A_1152 : vector<16xi32> to vector<1x16xi32>
    tpu.vector_store %arg9[%swap3A_1154, %swap3A_1155], %swap3A_1158 {strides = array<i32>} : memref<4x128xi32, #tpu.memory_space<vmem>>, vector<1x16xi32>,
    %and3A_1159 = arith.constant 3 : i32
    %and3A_1160 = vector.broadcast %and3A_1159 : i32 to vector<16xi32>
    %and3A_1161 = arith.andi %select_n3A_1149, %and3A_1160 : vector<16xi32>
    %swap3A_1162 = arith.constant 464 : index
    %swap3A_1163 = tpu.vector_load %arg10[%swap3A_1162] {strides = array<i32>} : memref<512xi32, #tpu.memory_space<vmem>>, vector<16xi32>,
    %swap3A_1164 = vector.shape_cast %swap3A_1163 : vector<16xi32> to vector<16xi32>
    %swap3A_1165 = vector.shape_cast %and3A_1161 : vector<16xi32> to vector<16xi32>
    tpu.vector_store %arg10[%swap3A_1162], %swap3A_1165 {strides = array<i32>} : memref<512xi32, #tpu.memory_space<vmem>>, vector<16xi32>,
    %get3A_1166 = arith.constant 480 : index
    %get3A_1167 = tpu.vector_load %arg7[%get3A_1166] {strides = array<i32>} : memref<512xi32, #tpu.memory_space<vmem>>, vector<16xi32>,
    %get3A_1168 = vector.shape_cast %get3A_1167 : vector<16xi32> to vector<16xi32>
    %get3A_1169 = arith.constant 480 : index
    %get3A_1170 = tpu.vector_load %arg8[%get3A_1169] {strides = array<i32>} : memref<512xi32, #tpu.memory_space<vmem>>, vector<16xi32>,
    %get3A_1171 = vector.shape_cast %get3A_1170 : vector<16xi32> to vector<16xi32>
    %mul3A_1172 = arith.constant 36313 : i32
    %mul3A_1173 = vector.broadcast %mul3A_1172 : i32 to vector<16xi32>
    %mul3A_1174 = arith.muli %mul3A_1173, %get3A_1168 : vector<16xi32>
    %mul3A_1175 = arith.constant 27191 : i32
    %mul3A_1176 = vector.broadcast %mul3A_1175 : i32 to vector<16xi32>
    %mul3A_1177 = arith.muli %mul3A_1176, %get3A_1171 : vector<16xi32>
    %add3A_1178 = arith.addi %mul3A_1174, %mul3A_1177 : vector<16xi32>
    %rem3A_1179 = arith.constant 999999 : i32
    %rem3A_1180 = vector.broadcast %rem3A_1179 : i32 to vector<16xi32>
    %rem3A_1181 = arith.remsi %add3A_1178, %rem3A_1180 : vector<16xi32>
    %lt3A_1182 = arith.constant 0 : i32
    %lt3A_1183 = vector.broadcast %lt3A_1182 : i32 to vector<16xi32>
    %lt3A_1184 = arith.cmpi slt, %rem3A_1181, %lt3A_1183 : vector<16xi32>
    %add3A_1185 = arith.constant 999999 : i32
    %add3A_1186 = vector.broadcast %add3A_1185 : i32 to vector<16xi32>
    %add3A_1187 = arith.addi %rem3A_1181, %add3A_1186 : vector<16xi32>
    %select_n3A_1188 = arith.select %lt3A_1184, %add3A_1187, %rem3A_1181 : vector<16xi1>, vector<16xi32>
    %shift_right_arithmetic3A_1189 = arith.constant 2 : i32
    %shift_right_arithmetic3A_1190 = vector.broadcast %shift_right_arithmetic3A_1189 : i32 to vector<16xi32>
    %shift_right_arithmetic3A_1191 = arith.shrsi %select_n3A_1188, %shift_right_arithmetic3A_1190 : vector<16xi32>
    %swap3A_1192 = arith.constant 3 : i32
    %swap3A_1193 = arith.index_cast %swap3A_1192 : i32 to index
    %swap3A_1194 = arith.constant 96 : index
    %swap3A_1195 = tpu.vector_load %arg9[%swap3A_1193, %swap3A_1194] {strides = array<i32>} : memref<4x128xi32, #tpu.memory_space<vmem>>, vector<1x16xi32>,
    %swap3A_1196 = vector.shape_cast %swap3A_1195 : vector<1x16xi32> to vector<16xi32>
    %swap3A_1197 = vector.shape_cast %shift_right_arithmetic3A_1191 : vector<16xi32> to vector<1x16xi32>
    tpu.vector_store %arg9[%swap3A_1193, %swap3A_1194], %swap3A_1197 {strides = array<i32>} : memref<4x128xi32, #tpu.memory_space<vmem>>, vector<1x16xi32>,
    %and3A_1198 = arith.constant 3 : i32
    %and3A_1199 = vector.broadcast %and3A_1198 : i32 to vector<16xi32>
    %and3A_1200 = arith.andi %select_n3A_1188, %and3A_1199 : vector<16xi32>
    %swap3A_1201 = arith.constant 480 : index
    %swap3A_1202 = tpu.vector_load %arg10[%swap3A_1201] {strides = array<i32>} : memref<512xi32, #tpu.memory_space<vmem>>, vector<16xi32>,
    %swap3A_1203 = vector.shape_cast %swap3A_1202 : vector<16xi32> to vector<16xi32>
    %swap3A_1204 = vector.shape_cast %and3A_1200 : vector<16xi32> to vector<16xi32>
    tpu.vector_store %arg10[%swap3A_1201], %swap3A_1204 {strides = array<i32>} : memref<512xi32, #tpu.memory_space<vmem>>, vector<16xi32>,
    %get3A_1205 = arith.constant 496 : index
    %get3A_1206 = tpu.vector_load %arg7[%get3A_1205] {strides = array<i32>} : memref<512xi32, #tpu.memory_space<vmem>>, vector<16xi32>,
    %get3A_1207 = vector.shape_cast %get3A_1206 : vector<16xi32> to vector<16xi32>
    %get3A_1208 = arith.constant 496 : index
    %get3A_1209 = tpu.vector_load %arg8[%get3A_1208] {strides = array<i32>} : memref<512xi32, #tpu.memory_space<vmem>>, vector<16xi32>,
    %get3A_1210 = vector.shape_cast %get3A_1209 : vector<16xi32> to vector<16xi32>
    %mul3A_1211 = arith.constant 36313 : i32
    %mul3A_1212 = vector.broadcast %mul3A_1211 : i32 to vector<16xi32>
    %mul3A_1213 = arith.muli %mul3A_1212, %get3A_1207 : vector<16xi32>
    %mul3A_1214 = arith.constant 27191 : i32
    %mul3A_1215 = vector.broadcast %mul3A_1214 : i32 to vector<16xi32>
    %mul3A_1216 = arith.muli %mul3A_1215, %get3A_1210 : vector<16xi32>
    %add3A_1217 = arith.addi %mul3A_1213, %mul3A_1216 : vector<16xi32>
    %rem3A_1218 = arith.constant 999999 : i32
    %rem3A_1219 = vector.broadcast %rem3A_1218 : i32 to vector<16xi32>
    %rem3A_1220 = arith.remsi %add3A_1217, %rem3A_1219 : vector<16xi32>
    %lt3A_1221 = arith.constant 0 : i32
    %lt3A_1222 = vector.broadcast %lt3A_1221 : i32 to vector<16xi32>
    %lt3A_1223 = arith.cmpi slt, %rem3A_1220, %lt3A_1222 : vector<16xi32>
    %add3A_1224 = arith.constant 999999 : i32
    %add3A_1225 = vector.broadcast %add3A_1224 : i32 to vector<16xi32>
    %add3A_1226 = arith.addi %rem3A_1220, %add3A_1225 : vector<16xi32>
    %select_n3A_1227 = arith.select %lt3A_1223, %add3A_1226, %rem3A_1220 : vector<16xi1>, vector<16xi32>
    %shift_right_arithmetic3A_1228 = arith.constant 2 : i32
    %shift_right_arithmetic3A_1229 = vector.broadcast %shift_right_arithmetic3A_1228 : i32 to vector<16xi32>
    %shift_right_arithmetic3A_1230 = arith.shrsi %select_n3A_1227, %shift_right_arithmetic3A_1229 : vector<16xi32>
    %swap3A_1231 = arith.constant 3 : i32
    %swap3A_1232 = arith.index_cast %swap3A_1231 : i32 to index
    %swap3A_1233 = arith.constant 112 : index
    %swap3A_1234 = tpu.vector_load %arg9[%swap3A_1232, %swap3A_1233] {strides = array<i32>} : memref<4x128xi32, #tpu.memory_space<vmem>>, vector<1x16xi32>,
    %swap3A_1235 = vector.shape_cast %swap3A_1234 : vector<1x16xi32> to vector<16xi32>
    %swap3A_1236 = vector.shape_cast %shift_right_arithmetic3A_1230 : vector<16xi32> to vector<1x16xi32>
    tpu.vector_store %arg9[%swap3A_1232, %swap3A_1233], %swap3A_1236 {strides = array<i32>} : memref<4x128xi32, #tpu.memory_space<vmem>>, vector<1x16xi32>,
    %and3A_1237 = arith.constant 3 : i32
    %and3A_1238 = vector.broadcast %and3A_1237 : i32 to vector<16xi32>
    %and3A_1239 = arith.andi %select_n3A_1227, %and3A_1238 : vector<16xi32>
    %swap3A_1240 = arith.constant 496 : index
    %swap3A_1241 = tpu.vector_load %arg10[%swap3A_1240] {strides = array<i32>} : memref<512xi32, #tpu.memory_space<vmem>>, vector<16xi32>,
    %swap3A_1242 = vector.shape_cast %swap3A_1241 : vector<16xi32> to vector<16xi32>
    %swap3A_1243 = vector.shape_cast %and3A_1239 : vector<16xi32> to vector<16xi32>
    tpu.vector_store %arg10[%swap3A_1240], %swap3A_1243 {strides = array<i32>} : memref<512xi32, #tpu.memory_space<vmem>>, vector<16xi32>,
    "tpu.region"() ({
      %run_scoped3A = tpu.sem_alloc : memref<!tpu.dma_semaphore, #tpu.memory_space<semaphore_mem>>
      %dma_start3A = arith.constant 0 : i32
      %dma_start3A_1244 = tpu.memref_slice %arg5[%mul3A_2, %dma_start3A] : memref<16384x128xf32, #tpu.memory_space<hbm>> -> memref<512x128xf32, #tpu.memory_space<hbm>>
      %dma_start3A_1245 = arith.constant 0 : i32
      %dma_start3A_1246 = tpu.memref_slice %arg5[%mul3A_2, %dma_start3A_1245] : memref<16384x128xf32, #tpu.memory_space<hbm>> -> memref<512x128xf32, #tpu.memory_space<hbm>>
      tpu.enqueue_dma source(%arg11 : memref<512x128xf32, #tpu.memory_space<vmem>>) target(%dma_start3A_1246 : memref<512x128xf32, #tpu.memory_space<hbm>>) target_semaphore(%run_scoped3A : memref<!tpu.dma_semaphore, #tpu.memory_space<semaphore_mem>>)
      %dma_wait3A = arith.constant 0 : i32
      %dma_wait3A_1247 = tpu.memref_slice %arg5[%mul3A_2, %dma_wait3A] : memref<16384x128xf32, #tpu.memory_space<hbm>> -> memref<512x128xf32, #tpu.memory_space<hbm>>
      %dma_wait3A_1248 = arith.constant 0 : i32
      %dma_wait3A_1249 = tpu.memref_slice %arg5[%mul3A_2, %dma_wait3A_1248] : memref<16384x128xf32, #tpu.memory_space<hbm>> -> memref<512x128xf32, #tpu.memory_space<hbm>>
      tpu.wait_dma2 semaphore(%run_scoped3A : memref<!tpu.dma_semaphore, #tpu.memory_space<semaphore_mem>>) src(%arg11 : memref<512x128xf32, #tpu.memory_space<vmem>>) dst(%dma_wait3A_1249 : memref<512x128xf32, #tpu.memory_space<hbm>>)
      tpu.yield
    }) : () -> ()
    "tpu.region"() ({
      %run_scoped3A = tpu.sem_alloc : memref<!tpu.dma_semaphore, #tpu.memory_space<semaphore_mem>>
      %dma_start3A = tpu.memref_slice %arg6[%mul3A_2] : memref<16384xi32, #tpu.memory_space<hbm>> -> memref<512xi32, #tpu.memory_space<hbm>>
      %dma_start3A_1244 = tpu.memref_slice %arg6[%mul3A_2] : memref<16384xi32, #tpu.memory_space<hbm>> -> memref<512xi32, #tpu.memory_space<hbm>>
      tpu.enqueue_dma source(%arg10 : memref<512xi32, #tpu.memory_space<vmem>>) target(%dma_start3A_1244 : memref<512xi32, #tpu.memory_space<hbm>>) target_semaphore(%run_scoped3A : memref<!tpu.dma_semaphore, #tpu.memory_space<semaphore_mem>>)
      %dma_wait3A = tpu.memref_slice %arg6[%mul3A_2] : memref<16384xi32, #tpu.memory_space<hbm>> -> memref<512xi32, #tpu.memory_space<hbm>>
      %dma_wait3A_1245 = tpu.memref_slice %arg6[%mul3A_2] : memref<16384xi32, #tpu.memory_space<hbm>> -> memref<512xi32, #tpu.memory_space<hbm>>
      tpu.wait_dma2 semaphore(%run_scoped3A : memref<!tpu.dma_semaphore, #tpu.memory_space<semaphore_mem>>) src(%arg10 : memref<512xi32, #tpu.memory_space<vmem>>) dst(%dma_wait3A_1245 : memref<512xi32, #tpu.memory_space<hbm>>)
      tpu.yield
    }) : () -> ()
    return
  }
}

module attributes {stable_mosaic.version = 14 : i64} {
  func.func @body(%arg0: i32, %arg1: memref<1xf32, #tpu.memory_space<smem>>, %arg2: memref<1024x1xi32, #tpu.memory_space<vmem>>, %arg3: memref<1024x128xf32, #tpu.memory_space<vmem>>, %arg4: memref<32x1024xf32, #tpu.memory_space<vmem>>, %arg5: memref<1024x1024xf32, #tpu.memory_space<vmem>>) attributes {dimension_semantics = [#tpu.dimension_semantics<parallel>], iteration_bounds = array<i64: 16>, scalar_prefetch = 0 : i64, scratch_operands = 0 : i64, tpu.core_type = #tpu.core_type<tc>, window_params = [{transform_indices = @transform_0, window_bounds = array<i64: 1>}, {transform_indices = @transform_1, window_bounds = array<i64: 1024, 1>}, {transform_indices = @transform_2, window_bounds = array<i64: 1024, 128>}, {pipeline_mode = #tpu.pipeline_mode<synchronous>, transform_indices = @transform_3, window_bounds = array<i64: 32, 1024>}, {transform_indices = @transform_4, window_bounds = array<i64: 1024, 1024>}]} {
    %get3A = arith.constant 0 : index
    %get3A_0 = arith.constant 0 : index
    %get3A_1 = vector.load %arg3[%get3A, %get3A_0] : memref<1024x128xf32, #tpu.memory_space<vmem>>, vector<1024x128xf32>
    %get3A_2 = arith.constant 0 : index
    %get3A_3 = arith.constant 0 : index
    %get3A_4 = vector.load %arg2[%get3A_2, %get3A_3] : memref<1024x1xi32, #tpu.memory_space<vmem>>, vector<1024x1xi32>
    %eq3A = arith.constant 0 : i32
    %eq3A_5 = vector.broadcast %eq3A : i32 to vector<1024x1xi32>
    %eq3A_6 = arith.cmpi eq, %get3A_4, %eq3A_5 : vector<1024x1xi32>
    %slice3A = vector.extract_strided_slice %get3A_1 {offsets = [0, 0], sizes = [1024, 32], strides = [1, 1]} : vector<1024x128xf32> to vector<1024x32xf32>
    %jit3A = arith.constant 0.000000e+00 : f32
    %broadcast_in_dim3A = vector.shape_cast %eq3A_6 : vector<1024x1xi1> to vector<1024x1xi1>
    %broadcast_in_dim3A_7 = vector.broadcast %broadcast_in_dim3A : vector<1024x1xi1> to vector<1024x32xi1>
    %broadcast_in_dim3A_8 = vector.broadcast %jit3A : f32 to vector<1024x32xf32>
    %select_n3A = arith.select %broadcast_in_dim3A_7, %slice3A, %broadcast_in_dim3A_8 : vector<1024x32xi1>, vector<1024x32xf32>
    %eq3A_9 = arith.constant 1 : i32
    %eq3A_10 = vector.broadcast %eq3A_9 : i32 to vector<1024x1xi32>
    %eq3A_11 = arith.cmpi eq, %get3A_4, %eq3A_10 : vector<1024x1xi32>
    %slice3A_12 = vector.extract_strided_slice %get3A_1 {offsets = [0, 32], sizes = [1024, 32], strides = [1, 1]} : vector<1024x128xf32> to vector<1024x32xf32>
    %jit3A_13 = arith.constant 0.000000e+00 : f32
    %broadcast_in_dim3A_14 = vector.shape_cast %eq3A_11 : vector<1024x1xi1> to vector<1024x1xi1>
    %broadcast_in_dim3A_15 = vector.broadcast %broadcast_in_dim3A_14 : vector<1024x1xi1> to vector<1024x32xi1>
    %broadcast_in_dim3A_16 = vector.broadcast %jit3A_13 : f32 to vector<1024x32xf32>
    %select_n3A_17 = arith.select %broadcast_in_dim3A_15, %slice3A_12, %broadcast_in_dim3A_16 : vector<1024x32xi1>, vector<1024x32xf32>
    %add3A = arith.addf %select_n3A, %select_n3A_17 : vector<1024x32xf32>
    %eq3A_18 = arith.constant 2 : i32
    %eq3A_19 = vector.broadcast %eq3A_18 : i32 to vector<1024x1xi32>
    %eq3A_20 = arith.cmpi eq, %get3A_4, %eq3A_19 : vector<1024x1xi32>
    %slice3A_21 = vector.extract_strided_slice %get3A_1 {offsets = [0, 64], sizes = [1024, 32], strides = [1, 1]} : vector<1024x128xf32> to vector<1024x32xf32>
    %jit3A_22 = arith.constant 0.000000e+00 : f32
    %broadcast_in_dim3A_23 = vector.shape_cast %eq3A_20 : vector<1024x1xi1> to vector<1024x1xi1>
    %broadcast_in_dim3A_24 = vector.broadcast %broadcast_in_dim3A_23 : vector<1024x1xi1> to vector<1024x32xi1>
    %broadcast_in_dim3A_25 = vector.broadcast %jit3A_22 : f32 to vector<1024x32xf32>
    %select_n3A_26 = arith.select %broadcast_in_dim3A_24, %slice3A_21, %broadcast_in_dim3A_25 : vector<1024x32xi1>, vector<1024x32xf32>
    %add3A_27 = arith.addf %add3A, %select_n3A_26 : vector<1024x32xf32>
    %eq3A_28 = arith.constant 3 : i32
    %eq3A_29 = vector.broadcast %eq3A_28 : i32 to vector<1024x1xi32>
    %eq3A_30 = arith.cmpi eq, %get3A_4, %eq3A_29 : vector<1024x1xi32>
    %slice3A_31 = vector.extract_strided_slice %get3A_1 {offsets = [0, 96], sizes = [1024, 32], strides = [1, 1]} : vector<1024x128xf32> to vector<1024x32xf32>
    %jit3A_32 = arith.constant 0.000000e+00 : f32
    %broadcast_in_dim3A_33 = vector.shape_cast %eq3A_30 : vector<1024x1xi1> to vector<1024x1xi1>
    %broadcast_in_dim3A_34 = vector.broadcast %broadcast_in_dim3A_33 : vector<1024x1xi1> to vector<1024x32xi1>
    %broadcast_in_dim3A_35 = vector.broadcast %jit3A_32 : f32 to vector<1024x32xf32>
    %select_n3A_36 = arith.select %broadcast_in_dim3A_34, %slice3A_31, %broadcast_in_dim3A_35 : vector<1024x32xi1>, vector<1024x32xf32>
    %add3A_37 = arith.addf %add3A_27, %select_n3A_36 : vector<1024x32xf32>
    %get3A_38 = arith.constant 0 : index
    %get3A_39 = arith.constant 0 : index
    %get3A_40 = vector.load %arg4[%get3A_38, %get3A_39] : memref<32x1024xf32, #tpu.memory_space<vmem>>, vector<32x1024xf32>
    %dot_general3A = arith.constant dense<0.000000e+00> : vector<1024x1024xf32>
    %dot_general3A_41 = tpu.matmul %add3A_37, %get3A_40, %dot_general3A {dimension_numbers = #tpu.dot_dimension_numbers<[1], [0], [0], [1], [0, 0, 1, 1], [], []>, transpose_lhs_hint = false} : vector<1024x32xf32>, vector<32x1024xf32>, vector<1024x1024xf32> -> vector<1024x1024xf32>
    %get3A_42 = arith.constant 0 : index
    %get3A_43 = memref.load %arg1[%get3A_42] : memref<1xf32, #tpu.memory_space<smem>>
    %mul3A = vector.broadcast %get3A_43 : f32 to vector<1024x1024xf32>
    %mul3A_44 = arith.mulf %dot_general3A_41, %mul3A : vector<1024x1024xf32>
    %swap3A = arith.constant 0 : index
    %swap3A_45 = arith.constant 0 : index
    %swap3A_46 = vector.load %arg5[%swap3A, %swap3A_45] : memref<1024x1024xf32, #tpu.memory_space<vmem>>, vector<1024x1024xf32>
    tpu.vector_store %arg5[%swap3A, %swap3A_45], %mul3A_44 {strides = array<i32>} : memref<1024x1024xf32, #tpu.memory_space<vmem>>, vector<1024x1024xf32>,
    return
  }
  func.func @transform_0(%arg0: i32) -> i32 {
    %c0_i32 = arith.constant 0 : i32
    %c0_i32_0 = arith.constant 0 : i32
    return %c0_i32 : i32
  }
  func.func @transform_1(%arg0: i32) -> (i32, i32) {
    %c0_i32 = arith.constant 0 : i32
    %c0_i32_0 = arith.constant 0 : i32
    return %arg0, %c0_i32 : i32, i32
  }
  func.func @transform_2(%arg0: i32) -> (i32, i32) {
    %c0_i32 = arith.constant 0 : i32
    %c0_i32_0 = arith.constant 0 : i32
    return %arg0, %c0_i32 : i32, i32
  }
  func.func @transform_3(%arg0: i32) -> (i32, i32) {
    %c0_i32 = arith.constant 0 : i32
    %c0_i32_0 = arith.constant 0 : i32
    %c0_i32_1 = arith.constant 0 : i32
    return %c0_i32, %c0_i32_0 : i32, i32
  }
  func.func @transform_4(%arg0: i32) -> (i32, i32) {
    %c0_i32 = arith.constant 0 : i32
    %c0_i32_0 = arith.constant 0 : i32
    return %arg0, %c0_i32 : i32, i32
  }
}

</mosaic_0001>

<sc_bundles>
// kernel: kernel.4.cloned.1.call-start
scs
__scs_entry_jumppad:
0x0: {  	(pc) =	sbr.rel $0x88, $3  }
0x1: {  	(tag) =	ssettag $0x0;
	lr =	simm.s32 $0x1  }
0x2: {  	[smem:$0x3F9D] =	sst lr;
	_ =	strace $0xD0000000  }
0x3: {  	_ = 	snop  }
0x4: {  	_ = 	snop  }
0x5: {  	_ = 	snop  }
0x6: {  	_ = 	snop  }
0x7: {  	_ = 	snop  }
__scs_overlays_trampoline_lowered:
0x8: {  	[smem:$0x3FAC] =	sst s0  }
0x9: {  	[smem:$0x3FAD] =	sst s1  }
0xa: {  	[smem:$0x3FAE] =	sst s2  }
0xb: {  	[smem:$0x3FAF] =	sst s3  }
0xc: {  	[smem:$0x3FB0] =	sst s4  }
0xd: {  	[smem:$0x3FB1] =	sst s5  }
0xe: {  	[smem:$0x3FB2] =	sst s6  }
0xf: {  	[smem:$0x3FB3] =	sst s7  }
0x10: {  	[smem:$0x3FB4] =	sst s8  }
0x11: {  	[smem:$0x3FB5] =	sst s9;
	s0 =	simm.s32 @!p0 $0x0  }
0x12: {  	s1 =	sld [smem:$0x3F9B];
	s0 =	simm.s32 @p0 $0x1  }
0x13: {  	[smem:$0x3FB6] =	sst s0;
	s0 =	simm.s32 @!p1 $0x0  }
0x14: {  	s2 =	sld [smem:$0x3F9A];
	s0 =	simm.s32 @p1 $0x1  }
0x15: {  	[smem:$0x3FB7] =	sst s0;
	s0 =	simm.s32 @!p2 $0x0  }
0x16: {  	s3 =	sld [smem:$0x3FDB];
	s0 =	simm.s32 @p2 $0x1  }
0x17: {  	s4 =	simm.s32 $0x1BF5;
	[smem:$0x3FB9] =	sst s0  }
0x18: {  	s0 =	sld [smem:$0x3F9C];
	_ =	swait.ge [sflag:s4], $0x0  }
0x19: {  	s7 =	sld [smem:$0x3F9D]  }
0x1a: {  	s8 =	sadd.s32 $0xFFFFE003, lr  }
0x1b: {  	s9 =	sadd.s32 $0xFFFFFEF7, lr;
	s5 =	simm.s32 $0xFFFFFFFF;
	p2 =	slt.u32 s8, $0xFFFFF086  }
0x1c: {  	p1 =	slt.u32 s9, $0xF7A;
	s5 =	simm.s32 @!p2 $0x0  }
0x1d: {  	s5 =	simm.s32 @p1 $0x1;
	p0 =	seq.s32 s7, s2  }
0x1e: {  	s7 =	smul.u32 @!p0 $0xF7A, s2;
	p2 =	seq.s32 @!p0 s5, $0x0  }
0x1f: {  	s9 =	smul.u32 $0xF7A, s1;
	s8 =	simm.s32 @!p0 $0x1BF5;
	p2 =	por !p2, p0  }
0x20: {  	[sflag:s8] =	ssyncset.s32 @!p0 $0xFFFFF086;
	s6 =	sadd.s32 @!p0 s3, s7;
	s7 =	simm.s32 @!p0 $0x108  }
0x21: {  	s3 =	sadd.s32 s3, s9;
	s6 =	sadd.s32 @!p0 $0x88, s6;
	s7 =	simm.s32 @p2 $0x1082  }
0x22: {  	[simem:s7], [sflag:s8] =	dma.local @!p0 [hbm:s6], $0xF7A  }
0x23: {  	s9 =	sor.u32 $0xD0000000, s2;
	s6 =	simm.s32 $0x108;
	_ =	swait.ge @!p0 [sflag:s8], $0x0  }
0x24: {  	s3 =	sadd.s32 $0x88, s3;
	s6 =	simm.s32 @!p1 $0x1082;
	[sflag:s4] =	ssyncset.s32 $0xFFFFF086  }
0x25: {  	[simem:s6], [sflag:s4] =	dma.local [hbm:s3], $0xF7A  }
0x26: {  	[smem:$0x3F9D] =	sst s1;
	(tag) =	ssettag s2;
	_ =	strace s9  }
0x27: {  	s1 =	sld [smem:$0x3FAD]  }
0x28: {  	s2 =	sld [smem:$0x3FAE]  }
0x29: {  	s4 =	sld [smem:$0x3FB0]  }
0x2a: {  	p0 =	seq.s32 s5, $0x0;
	s5 =	sld [smem:$0x3FB1]  }
0x2b: {  	s6 =	sld [smem:$0x3FB2]  }
0x2c: {  	s7 =	sld [smem:$0x3FB3]  }
0x2d: {  	s3 =	simm.s32 $0x108;
	s8 =	sld [smem:$0x3FB4]  }
0x2e: {  	s3 =	simm.s32 @!p0 $0x1082;
	s9 =	sld [smem:$0x3FB5]  }
0x2f: {  	lr =	sadd.s32 s0, s3;
	s0 =	sld [smem:$0x3FAC]  }
0x30: {  	s3 =	sld [smem:$0x3FAF]  }
0x31: {  	[smem:$0x3FB8] =	sst s10  }
0x32: {  	s10 =	sld [smem:$0x3FB6];
	_ =	sdelay $0x3  }
0x33: {  	p0 =	seq.s32 s10, $0x1;
	s10 =	sld [smem:$0x3FB8];
	_ =	sdelay $0x3  }
0x34: {  	[smem:$0x3FB8] =	sst s10  }
0x35: {  	s10 =	sld [smem:$0x3FB7];
	_ =	sdelay $0x3  }
0x36: {  	p1 =	seq.s32 s10, $0x1;
	s10 =	sld [smem:$0x3FB8];
	_ =	sdelay $0x3  }
0x37: {  	[smem:$0x3FB8] =	sst s10  }
0x38: {  	s10 =	sld [smem:$0x3FB9]  }
0x39: {  	_ = 	snop;
	(pc) =	sbr.ind lr, $3  }
0x3a: {  	_ = 	snop  }
0x3b: {  	_ = 	snop  }
0x3c: {  	p2 =	seq.s32 s10, $0x1;
	s10 =	sld [smem:$0x3FB8]  }
0x3d: {  	_ =	shalt  }
0x3e: {  	_ =	shalt  }
0x3f: {  	_ =	shalt  }
0x40: {  	_ =	shalt  }
0x41: {  	_ =	shalt  }
0x42: {  	_ =	shalt  }
0x43: {  	_ =	shalt  }
0x44: {  	_ =	shalt  }
0x45: {  	_ =	shalt  }
0x46: {  	_ =	shalt  }
0x47: {  	_ =	shalt  }
0x48: {  	_ =	shalt  }
0x49: {  	_ =	shalt  }
0x4a: {  	_ =	shalt  }
0x4b: {  	_ =	shalt  }
0x4c: {  	_ =	shalt  }
0x4d: {  	_ =	shalt  }
0x4e: {  	_ =	shalt  }
0x4f: {  	_ =	shalt  }
0x50: {  	_ =	shalt  }
0x51: {  	_ =	shalt  }
0x52: {  	_ =	shalt  }
0x53: {  	_ =	shalt  }
0x54: {  	_ =	shalt  }
0x55: {  	_ =	shalt  }
0x56: {  	_ =	shalt  }
0x57: {  	_ =	shalt  }
0x58: {  	_ =	shalt  }
0x59: {  	_ =	shalt  }
0x5a: {  	_ =	shalt  }
0x5b: {  	_ =	shalt  }
0x5c: {  	_ =	shalt  }
0x5d: {  	_ =	shalt  }
0x5e: {  	_ =	shalt  }
0x5f: {  	_ =	shalt  }
0x60: {  	_ =	shalt  }
0x61: {  	_ =	shalt  }
0x62: {  	_ =	shalt  }
0x63: {  	_ =	shalt  }
0x64: {  	_ =	shalt  }
0x65: {  	_ =	shalt  }
0x66: {  	_ =	shalt  }
0x67: {  	_ =	shalt  }
0x68: {  	_ =	shalt  }
0x69: {  	_ =	shalt  }
0x6a: {  	_ =	shalt  }
0x6b: {  	_ =	shalt  }
0x6c: {  	_ =	shalt  }
0x6d: {  	_ =	shalt  }
0x6e: {  	_ =	shalt  }
0x6f: {  	_ =	shalt  }
0x70: {  	_ =	shalt  }
0x71: {  	_ =	shalt  }
0x72: {  	_ =	shalt  }
0x73: {  	_ =	shalt  }
0x74: {  	_ =	shalt  }
0x75: {  	_ =	shalt  }
0x76: {  	_ =	shalt  }
0x77: {  	_ =	shalt  }
0x78: {  	_ =	shalt  }
0x79: {  	_ =	shalt  }
0x7a: {  	_ =	shalt  }
0x7b: {  	_ =	shalt  }
0x7c: {  	_ =	shalt  }
0x7d: {  	_ =	shalt  }
0x7e: {  	_ =	shalt  }
0x7f: {  	_ =	shalt  }
0x80: {  	_ =	shalt  }
0x81: {  	_ =	shalt  }
0x82: {  	_ =	shalt  }
0x83: {  	_ =	shalt  }
0x84: {  	_ =	shalt  }
0x85: {  	_ =	shalt  }
0x86: {  	_ =	shalt  }
0x87: {  	_ =	shalt  }
.Lfunc_end0:
.L_simem_size_0:
called_computation_lowered:
.L_overlay_start_0:
0x88: {  	s2 =	sld [smem:$0x3FD9]  }
0x89: {  	s3 =	sld [smem:$0x3FFE];
	_ =	sdelay $0x1  }
0x8a: {  	s1 =	srdreg.scid  }
0x8b: {  	s0 =	sand.u32 $0x1, s1  }
0x8c: {  	s17 =	sshll.u32 s0, $0xA;
	s2 =	sadd.s32 s3, s2  }
0x8d: {  	s2 =	sadd.s32 s2, s17  }
0x8e: {  	[smem:$0x3FC4] =	sst s2  }
0x8f: {  	_ = 	snop  }
0x90: {  	s2 =	sld [smem:$0x3FD0];
	(tm) =	ssettm $0x1  }
0x91: {  	s18 =	sld [smem:$0x3FFB];
	_ =	sdelay $0x3  }
0x92: {  	_ =	strace s18  }
0x93: {  	s3 =	sld [smem:$0x3FFC];
	_ =	sdelay $0x3  }
0x94: {  	_ =	strace s3  }
0x95: {  	s3 =	sld [smem:$0x3FFD];
	_ =	sdelay $0x3  }
0x96: {  	_ =	strace s3  }
0x97: {  	_ =	strace $0x8FFFFFFF  }
0x98: {  	s19 =	sld [smem:$0x3FDB];
	_ =	sdelay $0x1  }
0x99: {  	s4 =	simm.s32 $_scs_section_size  }
0x9a: {  	s5 =	simm.s32 $_size__tile_overlayer_lowered;
	s6 =	simm.s32 $_tile_overlayer_lowered  }
0x9b: {  	s22 =	simm.s32 $0x1BFF;
	s21 =	sshll.u32 s6, $0x1;
	s3 =	sadd.s32 s4, s19  }
0x9c: {  	s7 =	simm.s32 $0x0;
	s20 =	sshll.u32 s5, $0x1;
	s5 =	sadd.s32 s21, s3  }
0x9d: {  	[timem:s7], [sflag:s22] =	dma.local [hbm:s5], s20  }
0x9e: {  	_ =	swait.ge [sflag:s22], s20  }
0x9f: {  	s4 =	ssub.s32 $0x0, s20;
	[sflag:s22] =	ssyncset.done $0x0  }
0xa0: {  	[sflag:s22] =	ssyncadd.s32 s4;
	_ =	sdelay $0x1  }
0xa1: {  	s23 =	simm.s32 $0x1B8B  }
0xa2: {  	_ =	swait.ge [sflag:s23], $0x1  }
0xa3: {  	[sflag:s23] =	ssyncset.done $0x0  }
0xa4: {  	s25 =	simm.s32 $0x1B8E;
	s24 =	sld [smem:$0x3FFE];
	[sflag:s23] =	ssyncadd.s32 $0xFFFFFFFF  }
0xa5: {  	s26 =	simm.s32 $execute0_lowered;
	[smem:$0x3FD2] =	sst s25  }
0xa6: {  	s5 =	sshll.u32 s26, $0x1;
	_ =	strace $0x80000046;
	[dreg:$0x1] =	wrdreg $0xFFFFFFFF  }
0xa7: {  	s28 =	simm.s32 $_size_execute0_lowered;
	s3 =	sadd.s32 s3, s5;
	[dreg:$0x0] =	wrdreg $0x0  }
0xa8: {  	s5 =	sshll.u32 s28, $0x1;
	[dreg:$0x2] =	wrdreg s3  }
0xa9: {  	[dreg:$0x3] =	wrdreg s5  }
0xaa: {  	[dreg:$0x4] =	wrdreg $0xC0  }
0xab: {  	_ =	task [dreg:s7], $0x5FFFF  }
0xac: {  	[dreg:$0x1] =	wrdreg $0xFFFFFFFF  }
0xad: {  	[dreg:$0x0] =	wrdreg $0x60  }
0xae: {  	[dreg:$0x2] =	wrdreg s24  }
0xaf: {  	[dreg:$0x3] =	wrdreg s2  }
0xb0: {  	[dreg:$0x4] =	wrdreg $0x9  }
0xb1: {  	_ =	task.clear_ibuf [dreg:s7], $0x5FFFF;
	_ =	strace $0x90000046  }
0xb2: {  	s29 =	simm.s32 $0x9;
	_ =	strace $0x80000048  }
0xb3: {  	_ =	swait.ge [sflag:s29], $0x1  }
0xb4: {  	[sflag:s29] =	ssyncadd.s32 $0xFFFFFFFF  }
0xb5: {  	_ =	strace $0x90000048  }
0xb6: {  	_ =	sfence  }
0xb7: {  	s30 =	sld [smem:$0x0];
	_ =	sdelay $0x2  }
0xb8: {  	s31 =	sshll.u32 s1, $0xD;
	s1 =	sshrl.u32 s1, $0x2  }
0xb9: {  	s3 =	sand.u32 $0x4000, s31;
	s1 =	sadd.s32 s1, s30  }
0xba: {  	s0 =	sor.u32 s3, s0;
	s1 =	sshll.u32 s1, $0x11  }
0xbb: {  	s0 =	sor.u32 s1, s0  }
0xbc: {  	s0 =	sadd.s32 $0x8F2B, s0  }
0xbd: {  	[sflag:s0] =	ssyncadd.remote.s32 $0x1  }
0xbe: {  	_ =	sfence.sel $0xFFFF  }
0xbf: {  	[dreg:$0x0] =	wrdreg $0xFFFFFFFF;
	(pc) =	sbr.abs _section_cstart, $3  }
0xc0: {  	[dreg:$0x1] =	wrdreg $0xFFFFFFFF  }
0xc1: {  	_ =	task.clear_ibuf [dreg:s7], $0x2FFFF;
	_ =	strace $0x9FFFFFFF  }
0xc2: {  	(tm) =	ssettm $0x7FFFFFFF  }
0xc3: {  	_ =	shalt  }
tec
execute0_lowered:
.L_overlay_start_1:
0x0: {  	(tag) =	ssettag $0x1  }
0x1: {  	s0 =	srdreg.scid  }
0x2: {  	s2 =	stileid.u32;
	s1 =	rddreg [dreg:$0x0]  }
0x3: {  	s4 =	rddreg [dreg:$0x1];
	s5 =	simm.s32 $0x0;
	s28 =	simm.s32 $0x200  }
0x4: {  	s30 =	simm.s32 $0x800;
	s31 =	simm.s32 $0x600;
	s0 =	sand.u32 $0x1, s0  }
0x5: {  	s2 =	sshll.u32 s2, $0xA;
	[smem:$0x7FF] =	sst s5;
	s3 =	sshll.u32 s0, $0x9  }
0x6: {  	_ =	strace $0x80000047;
	[dreg:$0x4] =	wrdreg s28;
	s2 =	sor.u32 s3, s2  }
0x7: {  	v0 =	vimm.s32 $0xECA86420;
	[dreg:$0x7] =	wrdreg s30;
	s3 =	sshrl.u32 s2, $0x3;
	s2 =	sshll.u32 s2, $0x4  }
0x8: {  	v0 =	vunpack.c.l.s4.s8 v0;
	[dreg:$0x9] =	wrdreg s31;
	s1 =	sadd.s32 s3, s1;
	s2 =	sadd.s32 s4, s2  }
0x9: {  	s0 =	ssub.s32 $0x2, s0;
	s3 =	sadd.s32 $0xF43A00, s1;
	[dreg:$0x6] =	wrdreg s2  }
0xa: {  	vm3 =	vmmov $0xff;
	v53 =	vunpack.c.0.s8.s32 v0;
	s29 =	sshrl.u32 s0, $0x1;
	v0 =	vimm.s32 $0x0;
	s26 =	sadd.s32 $0xF43200, s1;
	[dreg:$0x3] =	wrdreg s3  }
0xb: {  	vm0 =	vcmask $0xB08;
	v1 =	vlaneseq.u32;
	v0 =	vsel vm3, $0xFFFFFFFF, v0;
	s0 =	ssub.s32 s0, s29;
	s1 =	sadd.s32 $0xF44200, s1;
	[dreg:$0x5] =	wrdreg s26  }
0xc: {  	vm1 =	vcmask $0x1310;
	vm2 =	vcmask $0x1B18;
	v1 =	vmul.u32 $0x2, v1;
	[tilespmem:$0x1FFF0] =	vst v0;
	s0 =	smax.u32 s0, $0x1;
	[dreg:$0x8] =	wrdreg s1  }
.LBB2_1:
0xd: {  	[dreg:$0xa] =	wrdreg s0  }
0xe: {  	s22 =	rddreg [dreg:$0x3];
	s3 =	simm.s32 $0x0;
	s2 =	simm.s32 $0x1  }
0xf: {  	[tilespmem:s3], [sflag:$0x1] =	stream.linear.gather [hbm4b:s22+s3], $0x200, $0x38;
	[tilespmem:$0x10800] =	vst v63  }
0x10: {  	_ =	swait.ge [sflag:s2], $0x200  }
0x11: {  	s23 =	rddreg [dreg:$0x4];
	[sflag:s2] =	ssyncset.done $0x0  }
0x12: {  	s1 =	rddreg [dreg:$0x5];
	[sflag:s2] =	ssyncadd.s32 $0xFFFFFE00  }
0x13: {  	[tilespmem:s23], [sflag:$0x1] =	stream.linear.gather [hbm4b:s1+s3], $0x200, $0x38;
	[tilespmem:$0x10800] =	vst v63  }
0x14: {  	_ =	swait.ge [sflag:s2], $0x200  }
0x15: {  	[sflag:s2] =	ssyncset.done $0x0  }
0x16: {  	[sflag:s2] =	ssyncadd.s32 $0xFFFFFE00  }
0x17: {  	v2 =	vld [tilespmem:$0x0]  }
0x18: {  	v3 =	vld [tilespmem:$0x200];
	_ =	sdelay $0x4  }
0x19: {  	v2 =	vmul.u32 $0x8DD9, v2;
	v3 =	vmul.u32 $0x6A37, v3;
	_ =	sdelay $0x1  }
0x1a: {  	v2 =	vadd.s32 v2, v3  }
0x1b: {  	(v2sf) =	vpush v2, $0xD;
	_ =	sdelay $0x1  }
0x1c: {  	(v2sf) =	vpush v2, $0xC;
	_ =	sdelay $0x1  }
0x1d: {  	(v2sf) =	vpush v2, $0xE;
	_ =	sdelay $0x1  }
0x1e: {  	(v2sf) =	vpush v2, $0xF;
	_ =	sdelay $0x1  }
0x1f: {  	(v2sf) =	vpush v2, $0x9  }
0x20: {  	(v2sf) =	vpush v2, $0x8  }
0x21: {  	(v2sf) =	vpush v2, $0xA;
	_ =	sdelay $0x3  }
0x22: {  	(v2sf) =	vpush v2, $0xB  }
0x23: {  	(v2sf) =	vpush v2, $0x0;
	s24 =	spop (v2sf)  }
0x24: {  	(v2sf) =	vpush v2, $0x1;
	s25 =	smulhi.u32 $0x431BE2E9, s24;
	s0 =	sshra.s32 s24, $0x1F  }
0x25: {  	s26 =	spop (v2sf);
	s4 =	smul.u32 $0x431BE2E9, s0  }
0x26: {  	(v2sf) =	vpush v2, $0x2;
	s17 =	smulhi.u32 $0x431BE2E9, s26;
	s0 =	sshra.s32 s26, $0x1F  }
0x27: {  	s28 =	spop (v2sf);
	s12 =	smul.u32 $0x431BE2E9, s0  }
0x28: {  	(v2sf) =	vpush v2, $0x3;
	s19 =	smulhi.u32 $0x431BE2E9, s28;
	s0 =	sshra.s32 s28, $0x1F  }
0x29: {  	v4 =	vld [tilespmem:$0x210];
	s29 =	spop (v2sf);
	s8 =	smul.u32 $0x431BE2E9, s0  }
0x2a: {  	v3 =	vld [tilespmem:$0x10];
	s20 =	smulhi.u32 $0x431BE2E9, s29;
	s0 =	sshra.s32 s29, $0x1F  }
0x2b: {  	s30 =	spop (v2sf);
	(v2sf) =	vpush v2, $0x4;
	s11 =	smul.u32 $0x431BE2E9, s0  }
0x2c: {  	s21 =	smulhi.u32 $0x431BE2E9, s30;
	s0 =	sshra.s32 s30, $0x1F;
	s31 =	spop (v2sf);
	(v2sf) =	vpush v2, $0x5  }
0x2d: {  	s7 =	smul.u32 $0x431BE2E9, s0;
	s1 =	spop (v2sf);
	(v2sf) =	vpush v2, $0x6  }
0x2e: {  	s22 =	smulhi.u32 $0x431BE2E9, s31;
	s0 =	sshra.s32 s31, $0x1F  }
0x2f: {  	v4 =	vmul.u32 $0x6A37, v4;
	v3 =	vmul.u32 $0x8DD9, v3;
	s5 =	smul.u32 $0x431BE2E9, s0;
	(v2sf) =	vpush v2, $0x7  }
0x30: {  	[smem:$0x4B9] =	sst s25;
	s23 =	smulhi.u32 $0x431BE2E9, s1;
	s0 =	sshra.s32 s1, $0x1F  }
0x31: {  	v3 =	vadd.s32 v3, v4;
	s2 =	spop (v2sf);
	s24 =	smul.u32 $0x431BE2E9, s0  }
0x32: {  	s25 =	smulhi.u32 $0x431BE2E9, s2;
	s0 =	sshra.s32 s2, $0x1F;
	s3 =	spop (v2sf);
	(v2sf) =	vpush v3, $0xD  }
0x33: {  	s29 =	smul.u32 $0x431BE2E9, s0;
	s6 =	spop (v2sf)  }
0x34: {  	(v2sf) =	vpush v3, $0xC;
	s30 =	smulhi.u32 $0x431BE2E9, s6;
	s1 =	sshra.s32 s6, $0x1F  }
0x35: {  	s9 =	spop (v2sf);
	s14 =	smul.u32 $0x431BE2E9, s1  }
0x36: {  	(v2sf) =	vpush v3, $0xE;
	s31 =	smulhi.u32 $0x431BE2E9, s9;
	s1 =	sshra.s32 s9, $0x1F  }
0x37: {  	s10 =	spop (v2sf);
	s2 =	smul.u32 $0x431BE2E9, s1  }
0x38: {  	s13 =	smulhi.u32 $0x431BE2E9, s10;
	s1 =	sshra.s32 s10, $0x1F  }
0x39: {  	s9 =	smul.u32 $0x431BE2E9, s1  }
0x3a: {  	(v2sf) =	vpush v3, $0xF;
	[smem:$0x4BA] =	sst s13;
	s15 =	spop (v2sf)  }
0x3b: {  	s16 =	smulhi.u32 $0x431BE2E9, s15;
	s18 =	spop (v2sf)  }
0x3c: {  	(v2sf) =	vpush v3, $0x9;
	s1 =	sshra.s32 s15, $0x1F;
	s28 =	smulhi.u32 $0x431BE2E9, s18;
	s6 =	spop (v2sf)  }
0x3d: {  	[smem:$0x4BB] =	sst s16;
	s16 =	smul.u32 $0x431BE2E9, s1  }
0x3e: {  	(v2sf) =	vpush v3, $0x8;
	s1 =	sshra.s32 s18, $0x1F;
	s10 =	smulhi.u32 $0x431BE2E9, s6;
	s15 =	spop (v2sf)  }
0x3f: {  	[smem:$0x4BC] =	sst s28;
	s13 =	smul.u32 $0x431BE2E9, s1  }
0x40: {  	(v2sf) =	vpush v3, $0xA;
	s1 =	sshra.s32 s6, $0x1F;
	s28 =	smulhi.u32 $0x431BE2E9, s15;
	[smem:$0x4BD] =	sst s10  }
0x41: {  	s12 =	sadd.s32 s12, s17;
	s18 =	smul.u32 $0x431BE2E9, s1;
	s10 =	spop (v2sf)  }
0x42: {  	[smem:$0x4E3] =	sst s12;
	s6 =	smulhi.u32 $0x431BE2E9, s10  }
0x43: {  	(v2sf) =	vpush v3, $0xB;
	[smem:$0x4BE] =	sst s28;
	s10 =	sshra.s32 s10, $0x1F;
	s28 =	spop (v2sf)  }
0x44: {  	s1 =	sshra.s32 s15, $0x1F;
	s15 =	smul.u32 $0x431BE2E9, s10;
	[smem:$0x4BF] =	sst s6  }
0x45: {  	(v2sf) =	vpush v3, $0x0;
	s10 =	sshra.s32 s28, $0x1F;
	s6 =	smulhi.u32 $0x431BE2E9, s28;
	s28 =	spop (v2sf)  }
0x46: {  	[smem:$0x4C0] =	sst s15;
	s15 =	smul.u32 $0x431BE2E9, s10  }
0x47: {  	s10 =	sshra.s32 s28, $0x1F;
	[smem:$0x4C1] =	sst s6;
	s6 =	smulhi.u32 $0x431BE2E9, s28  }
0x48: {  	(v2sf) =	vpush v3, $0x1;
	[smem:$0x4C2] =	sst s15;
	s15 =	smul.u32 $0x431BE2E9, s10  }
0x49: {  	s28 =	spop (v2sf);
	[smem:$0x4C3] =	sst s6  }
0x4a: {  	s10 =	sshra.s32 s28, $0x1F;
	s6 =	smulhi.u32 $0x431BE2E9, s28;
	[smem:$0x4C4] =	sst s15  }
0x4b: {  	s15 =	smul.u32 $0x431BE2E9, s10;
	s28 =	spop (v2sf)  }
0x4c: {  	(v2sf) =	vpush v3, $0x2;
	[smem:$0x4C5] =	sst s6;
	s6 =	smulhi.u32 $0x431BE2E9, s28  }
0x4d: {  	[smem:$0x4C6] =	sst s15;
	s10 =	sshra.s32 s28, $0x1F;
	s28 =	spop (v2sf)  }
0x4e: {  	(v2sf) =	vpush v3, $0x3;
	s15 =	smul.u32 $0x431BE2E9, s10;
	[smem:$0x4C7] =	sst s6  }
0x4f: {  	s10 =	sshra.s32 s28, $0x1F;
	s6 =	smulhi.u32 $0x431BE2E9, s28;
	s28 =	spop (v2sf)  }
0x50: {  	[smem:$0x4C8] =	sst s15;
	s15 =	smul.u32 $0x431BE2E9, s10  }
0x51: {  	[smem:$0x4C9] =	sst s6;
	s6 =	smulhi.u32 $0x431BE2E9, s28  }
0x52: {  	(v2sf) =	vpush v3, $0x4;
	s10 =	sshra.s32 s28, $0x1F;
	s28 =	spop (v2sf);
	[smem:$0x4CA] =	sst s15  }
0x53: {  	s15 =	smul.u32 $0x431BE2E9, s10;
	[smem:$0x4CB] =	sst s6  }
0x54: {  	s10 =	sshra.s32 s28, $0x1F;
	s6 =	smulhi.u32 $0x431BE2E9, s28;
	s28 =	spop (v2sf)  }
0x55: {  	[smem:$0x4CC] =	sst s15;
	s15 =	smul.u32 $0x431BE2E9, s10  }
0x56: {  	[smem:$0x4CD] =	sst s6;
	s6 =	smulhi.u32 $0x431BE2E9, s28  }
0x57: {  	[smem:$0x4CE] =	sst s15;
	s15 =	spop (v2sf)  }
0x58: {  	v32 =	vld [tilespmem:$0x20];
	s8 =	sadd.s32 s8, s19;
	[smem:$0x4CF] =	sst s6;
	s6 =	smulhi.u32 $0x431BE2E9, s15  }
0x59: {  	v5 =	vld [tilespmem:$0x220];
	[smem:$0x4E4] =	sst s8;
	s26 =	smulhi.u32 $0x431BE2E9, s3;
	s10 =	sshra.s32 s28, $0x1F  }
0x5a: {  	(v2sf) =	vpush v3, $0x5;
	s28 =	smul.u32 $0x431BE2E9, s10;
	s10 =	sshra.s32 s15, $0x1F;
	[smem:$0x4D0] =	sst s6  }
0x5b: {  	s6 =	smul.u32 $0x431BE2E9, s10;
	s10 =	spop (v2sf)  }
0x5c: {  	s19 =	sadd.s32 s11, s20;
	(v2sf) =	vpush v3, $0x6;
	s15 =	smulhi.u32 $0x431BE2E9, s10;
	s10 =	sshra.s32 s10, $0x1F  }
0x5d: {  	s0 =	sshra.s32 s3, $0x1F;
	s3 =	smul.u32 $0x431BE2E9, s10;
	s10 =	spop (v2sf)  }
0x5e: {  	v5 =	vmul.u32 $0x6A37, v5;
	v4 =	vmul.u32 $0x8DD9, v32;
	[smem:$0x4D1] =	sst s15;
	s15 =	smulhi.u32 $0x431BE2E9, s10;
	s10 =	sshra.s32 s10, $0x1F  }
0x5f: {  	[smem:$0x4E5] =	sst s19;
	s7 =	sadd.s32 s7, s21;
	(v2sf) =	vpush v3, $0x7;
	s10 =	smul.u32 $0x431BE2E9, s10  }
0x60: {  	v4 =	vadd.s32 v4, v5;
	[smem:$0x4E6] =	sst s7  }
0x61: {  	(v2sf) =	vpush v4, $0xD;
	[smem:$0x4D3] =	sst s10;
	s10 =	spop (v2sf)  }
0x62: {  	s5 =	sadd.s32 s5, s22;
	[smem:$0x4D2] =	sst s15;
	s15 =	smulhi.u32 $0x431BE2E9, s10  }
0x63: {  	[smem:$0x4E7] =	sst s5;
	(v2sf) =	vpush v4, $0xC  }
0x64: {  	[smem:$0x4D4] =	sst s15  }
0x65: {  	s23 =	sadd.s32 s24, s23;
	s15 =	sld [smem:$0x4B9]  }
0x66: {  	[smem:$0x4E8] =	sst s23;
	s25 =	sadd.s32 s29, s25;
	(v2sf) =	vpush v4, $0xE  }
0x67: {  	s0 =	smul.u32 $0x431BE2E9, s0;
	[smem:$0x4E9] =	sst s25;
	s10 =	sshra.s32 s10, $0x1F  }
0x68: {  	s12 =	sld [smem:$0x4BA];
	s10 =	smul.u32 $0x431BE2E9, s10;
	s4 =	sadd.s32 s4, s15  }
0x69: {  	(v2sf) =	vpush v4, $0xF;
	[smem:$0x4E2] =	sst s4;
	s4 =	spop (v2sf)  }
0x6a: {  	s19 =	sadd.s32 s14, s30;
	s30 =	sld [smem:$0x4BE];
	s15 =	smulhi.u32 $0x431BE2E9, s4  }
0x6b: {  	[smem:$0x4D5] =	sst s10;
	s4 =	sshra.s32 s4, $0x1F;
	s17 =	spop (v2sf)  }
0x6c: {  	s4 =	smul.u32 $0x431BE2E9, s4;
	[smem:$0x4D6] =	sst s15  }
0x6d: {  	(v2sf) =	vpush v4, $0x9;
	s20 =	smulhi.u32 $0x431BE2E9, s17;
	s15 =	sadd.s32 s0, s26;
	s26 =	sld [smem:$0x4BD]  }
0x6e: {  	s21 =	spop (v2sf);
	[smem:$0x4D7] =	sst s4  }
0x6f: {  	s22 =	smulhi.u32 $0x431BE2E9, s21;
	[smem:$0x4D8] =	sst s20  }
0x70: {  	s24 =	spop (v2sf);
	s4 =	sshra.s32 s17, $0x1F;
	s17 =	sld [smem:$0x4BB]  }
0x71: {  	s29 =	smulhi.u32 $0x431BE2E9, s24;
	[smem:$0x4DA] =	sst s22  }
0x72: {  	s7 =	spop (v2sf);
	s22 =	sadd.s32 s9, s12;
	s9 =	sld [smem:$0x4C1]  }
0x73: {  	s4 =	smul.u32 $0x431BE2E9, s4;
	s12 =	sld [smem:$0x4C4]  }
0x74: {  	s8 =	smulhi.u32 $0x431BE2E9, s7;
	[smem:$0x4DC] =	sst s29  }
0x75: {  	s11 =	spop (v2sf);
	[smem:$0x4D9] =	sst s4  }
0x76: {  	s14 =	smulhi.u32 $0x431BE2E9, s11;
	s4 =	sshra.s32 s21, $0x1F;
	[smem:$0x4DE] =	sst s8  }
0x77: {  	(v2sf) =	vpush v4, $0x8;
	s21 =	sadd.s32 s2, s31;
	s2 =	sshra.s32 s11, $0x1F;
	s11 =	sld [smem:$0x4C3]  }
0x78: {  	s23 =	spop (v2sf);
	s25 =	sadd.s32 s16, s17;
	s16 =	sld [smem:$0x4C6]  }
0x79: {  	s4 =	smul.u32 $0x431BE2E9, s4;
	[smem:$0x4E0] =	sst s14  }
0x7a: {  	s20 =	smul.u32 $0x431BE2E9, s2;
	s14 =	sld [smem:$0x4C5]  }
0x7b: {  	s31 =	smulhi.u32 $0x431BE2E9, s23;
	[smem:$0x4DB] =	sst s4  }
0x7c: {  	s29 =	spop (v2sf);
	s4 =	sshra.s32 s24, $0x1F;
	[smem:$0x4E1] =	sst s20  }
0x7d: {  	s2 =	sshra.s32 s23, $0x1F;
	s24 =	sld [smem:$0x4BC];
	s5 =	smul.u32 $0x431BE2E9, s4  }
0x7e: {  	s23 =	smulhi.u32 $0x431BE2E9, s29;
	s4 =	sshra.s32 s29, $0x1F;
	s29 =	sld [smem:$0x4C7]  }
0x7f: {  	[smem:$0x4DD] =	sst s5  }
0x80: {  	s5 =	sshra.s32 s7, $0x1F;
	s0 =	sadd.s32 s13, s24;
	s7 =	sld [smem:$0x4C0]  }
0x81: {  	s1 =	smul.u32 $0x431BE2E9, s1;
	(v2sf) =	vpush v4, $0xA;
	[smem:$0x4EA] =	sst s0  }
0x82: {  	s10 =	smul.u32 $0x431BE2E9, s5;
	s5 =	sld [smem:$0x4BF]  }
0x83: {  	(v2sf) =	vpush v4, $0xB;
	s0 =	sadd.s32 s18, s26;
	s26 =	sadd.s32 s1, s30;
	s30 =	sld [smem:$0x4C8]  }
0x84: {  	s24 =	smul.u32 $0x431BE2E9, s2;
	[smem:$0x4EB] =	sst s0  }
0x85: {  	(v2sf) =	vpush v4, $0x0;
	[smem:$0x4DF] =	sst s10  }
0x86: {  	(v2sf) =	vpush v4, $0x1;
	s8 =	spop (v2sf);
	s24 =	sadd.s32 s24, s31;
	s10 =	sld [smem:$0x4C2]  }
0x87: {  	s20 =	smulhi.u32 $0x431BE2E9, s8;
	s1 =	sshra.s32 s8, $0x1F;
	s8 =	sld [smem:$0x4CB]  }
0x88: {  	[smem:$0x4FE] =	sst s24  }
0x89: {  	s0 =	sadd.s32 s7, s5;
	s5 =	sld [smem:$0x4C9]  }
0x8a: {  	s7 =	sld [smem:$0x4CA]  }
0x8b: {  	s17 =	smul.u32 $0x431BE2E9, s1;
	s1 =	sadd.s32 s16, s14;
	[smem:$0x4EC] =	sst s0  }
0x8c: {  	[smem:$0x4EF] =	sst s1  }
0x8d: {  	s1 =	sadd.s32 s30, s29;
	s29 =	sld [smem:$0x4CE]  }
0x8e: {  	s30 =	sld [smem:$0x4CF]  }
0x8f: {  	s18 =	smul.u32 $0x431BE2E9, s4;
	[smem:$0x4F0] =	sst s1  }
0x90: {  	(v2sf) =	vpush v4, $0x2;
	s13 =	spop (v2sf);
	s0 =	sadd.s32 s10, s9;
	s9 =	sld [smem:$0x4CC]  }
0x91: {  	s16 =	smulhi.u32 $0x431BE2E9, s13;
	[smem:$0x4ED] =	sst s0  }
0x92: {  	(v2sf) =	vpush v4, $0x3;
	s4 =	spop (v2sf);
	s0 =	sadd.s32 s12, s11;
	s11 =	sld [smem:$0x4CD]  }
0x93: {  	s17 =	sadd.s32 s17, s20;
	s1 =	sadd.s32 s7, s5;
	s5 =	sld [smem:$0x4D1]  }
0x94: {  	s10 =	spop (v2sf);
	[smem:$0x4FF] =	sst s17  }
0x95: {  	s2 =	spop (v2sf);
	[smem:$0x4EE] =	sst s0;
	s0 =	sshra.s32 s13, $0x1F  }
0x96: {  	[smem:$0x4F1] =	sst s1;
	s13 =	smulhi.u32 $0x431BE2E9, s4;
	s28 =	sadd.s32 s28, s30  }
0x97: {  	s30 =	sld [smem:$0x4D3];
	s14 =	smul.u32 $0x431BE2E9, s0;
	s0 =	sshra.s32 s4, $0x1F  }
0x98: {  	s1 =	sadd.s32 s9, s8;
	s4 =	sld [smem:$0x4D0];
	s12 =	smul.u32 $0x431BE2E9, s0  }
0x99: {  	[smem:$0x4F3] =	sst s1;
	s1 =	sadd.s32 s29, s11;
	s11 =	smulhi.u32 $0x431BE2E9, s10  }
0x9a: {  	s0 =	sshra.s32 s10, $0x1F;
	s10 =	smulhi.u32 $0x431BE2E9, s2;
	s29 =	sld [smem:$0x4D2]  }
0x9b: {  	[smem:$0x4F5] =	sst s1;
	s9 =	smul.u32 $0x431BE2E9, s0  }
0x9c: {  	s0 =	sshra.s32 s2, $0x1F;
	s2 =	sld [smem:$0x4D4];
	s14 =	sadd.s32 s14, s16  }
0x9d: {  	s1 =	sadd.s32 s6, s4;
	[smem:$0x500] =	sst s14  }
0x9e: {  	s7 =	smul.u32 $0x431BE2E9, s0;
	[smem:$0x4F4] =	sst s1  }
0x9f: {  	s6 =	spop (v2sf);
	s1 =	sadd.s32 s3, s5;
	s3 =	sld [smem:$0x4D5]  }
0xa0: {  	s8 =	smulhi.u32 $0x431BE2E9, s6;
	s0 =	sshra.s32 s6, $0x1F;
	[smem:$0x4F6] =	sst s1  }
0xa1: {  	v33 =	vld [tilespmem:$0x30];
	(v2sf) =	vpush v4, $0x4;
	s4 =	spop (v2sf);
	s1 =	sadd.s32 s30, s29;
	s29 =	sld [smem:$0x4D6]  }
0xa2: {  	v6 =	vld [tilespmem:$0x230];
	s5 =	smul.u32 $0x431BE2E9, s0;
	s30 =	sld [smem:$0x4D7]  }
0xa3: {  	s6 =	smulhi.u32 $0x431BE2E9, s4;
	s0 =	sshra.s32 s4, $0x1F;
	s4 =	sld [smem:$0x4D9]  }
0xa4: {  	(v2sf) =	vpush v4, $0x5;
	[smem:$0x4F7] =	sst s1  }
0xa5: {  	s1 =	sadd.s32 s3, s2;
	s3 =	sld [smem:$0x4D8]  }
0xa6: {  	(v2sf) =	vpush v4, $0x6;
	s2 =	sld [smem:$0x4DC]  }
0xa7: {  	v6 =	vmul.u32 $0x6A37, v6;
	v5 =	vmul.u32 $0x8DD9, v33;
	[smem:$0x4F8] =	sst s1  }
0xa8: {  	(v2sf) =	vpush v4, $0x7;
	s1 =	sadd.s32 s30, s29;
	s29 =	sld [smem:$0x4DA]  }
0xa9: {  	v5 =	vadd.s32 v5, v6;
	s30 =	sld [smem:$0x4DB]  }
0xaa: {  	(v2sf) =	vpush v5, $0xD;
	[smem:$0x4F9] =	sst s1;
	s1 =	sadd.s32 s4, s3  }
0xab: {  	[smem:$0x4FA] =	sst s1  }
0xac: {  	(v2sf) =	vpush v5, $0xC;
	s1 =	sadd.s32 s30, s29;
	s29 =	sld [smem:$0x4DD]  }
0xad: {  	s30 =	sld [smem:$0x4DF]  }
0xae: {  	(v2sf) =	vpush v5, $0xE;
	[smem:$0x4F2] =	sst s1  }
0xaf: {  	s3 =	smul.u32 $0x431BE2E9, s0;
	s1 =	sadd.s32 s29, s2;
	s2 =	sld [smem:$0x4DE]  }
0xb0: {  	(v2sf) =	vpush v5, $0xF;
	s0 =	spop (v2sf);
	s29 =	sld [smem:$0x4E0]  }
0xb1: {  	s4 =	smulhi.u32 $0x431BE2E9, s0;
	[smem:$0x4FB] =	sst s1  }
0xb2: {  	s0 =	sshra.s32 s0, $0x1F;
	s2 =	sadd.s32 s30, s2;
	s30 =	sld [smem:$0x4E1]  }
0xb3: {  	s31 =	sadd.s32 s18, s23;
	s1 =	smul.u32 $0x431BE2E9, s0;
	s0 =	spop (v2sf)  }
0xb4: {  	[smem:$0x4FC] =	sst s2;
	s2 =	smulhi.u32 $0x431BE2E9, s0;
	s0 =	sshra.s32 s0, $0x1F  }
0xb5: {  	s0 =	smul.u32 $0x431BE2E9, s0;
	s29 =	sadd.s32 s30, s29;
	s30 =	spop (v2sf)  }
0xb6: {  	[smem:$0x4FD] =	sst s29;
	s24 =	smulhi.u32 $0x431BE2E9, s30;
	s29 =	sshra.s32 s30, $0x1F  }
0xb7: {  	s12 =	sadd.s32 s12, s13;
	s18 =	smul.u32 $0x431BE2E9, s29;
	s29 =	spop (v2sf)  }
0xb8: {  	[smem:$0x501] =	sst s12;
	s17 =	smulhi.u32 $0x431BE2E9, s29;
	s30 =	sshra.s32 s29, $0x1F  }
0xb9: {  	s23 =	spop (v2sf);
	s14 =	smul.u32 $0x431BE2E9, s30  }
0xba: {  	s12 =	sadd.s32 s9, s11;
	s20 =	smulhi.u32 $0x431BE2E9, s23;
	s29 =	sshra.s32 s23, $0x1F  }
0xbb: {  	s9 =	sadd.s32 s7, s10;
	s30 =	spop (v2sf);
	s16 =	smul.u32 $0x431BE2E9, s29  }
0xbc: {  	s13 =	sadd.s32 s5, s8;
	s7 =	smulhi.u32 $0x431BE2E9, s30;
	s11 =	sshra.s32 s30, $0x1F  }
0xbd: {  	s8 =	sadd.s32 s3, s6;
	s23 =	spop (v2sf);
	s5 =	smul.u32 $0x431BE2E9, s11  }
0xbe: {  	s18 =	sadd.s32 s18, s24;
	s3 =	smulhi.u32 $0x431BE2E9, s23;
	s29 =	sshra.s32 s23, $0x1F  }
0xbf: {  	s11 =	sadd.s32 s1, s4;
	s30 =	spop (v2sf);
	s1 =	smul.u32 $0x431BE2E9, s29  }
0xc0: {  	s29 =	sadd.s32 s14, s17;
	s24 =	sadd.s32 s16, s20;
	s17 =	sld [smem:$0x4E5]  }
0xc1: {  	s10 =	sadd.s32 s0, s2;
	s6 =	smulhi.u32 $0x431BE2E9, s30;
	[smem:$0x502] =	sst s24  }
0xc2: {  	s23 =	sshra.s32 s30, $0x1F;
	s30 =	sadd.s32 s5, s7;
	s5 =	sld [smem:$0x4E2]  }
0xc3: {  	s20 =	sshra.s32 s26, $0x1F;
	s2 =	smul.u32 $0x431BE2E9, s23;
	s23 =	sld [smem:$0x4E4]  }
0xc4: {  	v34 =	vmov s20;
	s20 =	sld [smem:$0x4E6]  }
0xc5: {  	[smem:$0x503] =	sst s30;
	s1 =	sadd.s32 s1, s3  }
0xc6: {  	vm6 =	vcmask $0x300;
	s24 =	sshra.s32 s15, $0x12;
	[smem:$0x504] =	sst s1  }
0xc7: {  	vm10 =	vcmask $0x704;
	s16 =	sshra.s32 s15, $0x1F;
	v6 =	vsel vm6, s24, v34;
	s0 =	sadd.s32 s2, s6;
	s6 =	sld [smem:$0x4E3]  }
0xc8: {  	s30 =	sshrl.u32 s15, $0x1F;
	s24 =	sshrl.u32 s19, $0x1F;
	v6 =	vsel vm10, s16, v6;
	s16 =	sld [smem:$0x4E7]  }
0xc9: {  	[smem:$0x505] =	sst s0;
	s3 =	sshrl.u32 s5, $0x1F;
	s2 =	sshra.s32 s5, $0x12  }
0xca: {  	v8 =	vmov s30;
	s5 =	sshrl.u32 s23, $0x1F;
	s0 =	sshra.s32 s23, $0x12;
	s23 =	sshra.s32 s19, $0x12  }
0xcb: {  	vm8 =	vcmask $0xF0C;
	s14 =	sshrl.u32 s17, $0x1F;
	s1 =	sshra.s32 s17, $0x12;
	s30 =	sshra.s32 s19, $0x1F;
	v8 =	vnsel vm6, $0x0, v8;
	v6 =	vsel vm0, s23, v6  }
0xcc: {  	s19 =	sshra.s32 s21, $0x12;
	v36 =	vsel vm0, s24, v8;
	s24 =	sld [smem:$0x4E8];
	s7 =	sshrl.u32 s6, $0x1F;
	v9 =	vsel vm8, s30, v6  }
0xcd: {  	vm12 =	vcmask $0x1714;
	s23 =	sshra.s32 s21, $0x1F;
	s4 =	sshra.s32 s6, $0x12;
	s17 =	sshrl.u32 s16, $0x1F;
	v7 =	vmov s7;
	v37 =	vsel vm1, s19, v9  }
0xce: {  	s15 =	sshra.s32 s16, $0x12;
	s7 =	sshrl.u32 s20, $0x1F;
	v38 =	vmov s17;
	v10 =	vmov s4;
	s4 =	sld [smem:$0x4F0];
	v7 =	vsel vm0, s3, v7  }
0xcf: {  	s3 =	sshra.s32 s20, $0x12;
	s20 =	sshrl.u32 s21, $0x1F;
	s30 =	sshrl.u32 s24, $0x1F;
	v8 =	vsel vm12, s23, v37;
	v9 =	vsel vm0, s7, v38;
	v7 =	vsel vm1, s5, v7  }
0xd0: {  	s19 =	sshrl.u32 s22, $0x1F;
	v9 =	vsel vm1, s30, v9;
	s30 =	sld [smem:$0x4EA];
	v35 =	vsel vm2, s14, v7;
	v7 =	vsel vm1, s20, v36;
	s20 =	sshra.s32 s22, $0x12  }
0xd1: {  	vm13 =	vcmask $0x1F1C;
	s17 =	sshra.s32 s25, $0x12;
	s21 =	sshra.s32 s22, $0x1F;
	s22 =	sld [smem:$0x4E9];
	v8 =	vsel vm2, s20, v8  }
0xd2: {  	vm5 =	vcmask $0x2320;
	vm11 =	vcmask $0x2B28;
	s5 =	sshra.s32 s24, $0x12;
	s24 =	sshrl.u32 s25, $0x1F;
	v8 =	vsel vm13, s21, v8;
	s21 =	sld [smem:$0x4EB]  }
0xd3: {  	vm7 =	vcmask $0x3330;
	vm14 =	vcmask $0x2724;
	v7 =	vsel vm2, s19, v7;
	s20 =	sshra.s32 s25, $0x1F;
	s25 =	sshrl.u32 s26, $0x1F;
	s19 =	sshra.s32 s26, $0x12  }
0xd4: {  	v11 =	vmov s15;
	s26 =	sld [smem:$0x4EF];
	v7 =	vsel vm5, s24, v7;
	s16 =	sshrl.u32 s30, $0x1F;
	s23 =	sshrl.u32 s22, $0x1F;
	v8 =	vsel vm5, s17, v8  }
0xd5: {  	v11 =	vsel vm0, s3, v11;
	s6 =	sshra.s32 s22, $0x12;
	v7 =	vsel vm11, s16, v7;
	v8 =	vsel vm14, s20, v8;
	s20 =	sld [smem:$0x4EC];
	s22 =	sshrl.u32 s21, $0x1F  }
0xd6: {  	v11 =	vsel vm1, s5, v11;
	v9 =	vsel vm2, s23, v9;
	s23 =	sshra.s32 s30, $0x12;
	v7 =	vsel vm7, s22, v7;
	s22 =	sld [smem:$0x4ED]  }
0xd7: {  	vm9 =	vcmask $0x2F2C;
	s5 =	sshrl.u32 s4, $0x1F;
	s24 =	sshra.s32 s30, $0x1F;
	v13 =	vsel vm2, s6, v11;
	s6 =	sld [smem:$0x4F1];
	v8 =	vsel vm11, s23, v8  }
0xd8: {  	v10 =	vsel vm0, s2, v10;
	s2 =	sshra.s32 s26, $0x12;
	s30 =	sshra.s32 s21, $0x12;
	v8 =	vsel vm9, s24, v8;
	s24 =	sld [smem:$0x4EE]  }
0xd9: {  	vm3 =	vcmask $0x3B38;
	vm15 =	vcmask $0x3734;
	s16 =	sshra.s32 s21, $0x1F;
	s21 =	sshrl.u32 s20, $0x1F;
	s23 =	sshrl.u32 s22, $0x1F  }
0xda: {  	v10 =	vsel vm1, s0, v10;
	s0 =	sshra.s32 s20, $0x12;
	v8 =	vsel vm7, s30, v8;
	s15 =	sshra.s32 s22, $0x12;
	s22 =	sld [smem:$0x4F2];
	v12 =	vmov s23  }
0xdb: {  	v7 =	vsel vm3, s25, v7;
	s30 =	sshrl.u32 s26, $0x1F;
	s26 =	sld [smem:$0x4F4];
	v8 =	vsel vm15, s16, v8;
	s25 =	sshrl.u32 s24, $0x1F;
	v40 =	vsel vm0, s21, v12  }
0xdc: {  	v10 =	vsel vm2, s1, v10;
	s20 =	sshrl.u32 s28, $0x1F;
	s1 =	sshra.s32 s24, $0x12;
	v39 =	vsel vm3, s19, v8;
	s23 =	sld [smem:$0x4F3];
	v8 =	vsel vm1, s25, v40  }
0xdd: {  	v41 =	vmov s20;
	s24 =	sshra.s32 s28, $0x12;
	s21 =	sshra.s32 s22, $0x1F;
	v8 =	vsel vm2, s30, v8;
	s30 =	sld [smem:$0x4F5]  }
0xde: {  	v12 =	vnsel vm6, $0x0, v41;
	s25 =	sshra.s32 s28, $0x1F;
	s28 =	sshrl.u32 s26, $0x1F;
	v14 =	vmov s21;
	s21 =	sld [smem:$0x4F6]  }
0xdf: {  	s3 =	sshra.s32 s4, $0x12;
	s7 =	sshra.s32 s6, $0x12;
	v12 =	vsel vm0, s28, v12;
	s28 =	sld [smem:$0x4F7]  }
0xe0: {  	s19 =	sshrl.u32 s6, $0x1F;
	s14 =	sshrl.u32 s23, $0x1F;
	s4 =	sshra.s32 s23, $0x12;
	v14 =	vsel vm6, s24, v14  }
0xe1: {  	(v2sf) =	vpush v5, $0x9;
	v14 =	vsel vm10, s25, v14;
	s25 =	sshra.s32 s26, $0x12;
	s26 =	sshra.s32 s26, $0x1F;
	s16 =	sshrl.u32 s30, $0x1F  }
0xe2: {  	(v2sf) =	vpush v5, $0x8;
	v15 =	vmov s19;
	s24 =	sshrl.u32 s21, $0x1F;
	v14 =	vsel vm0, s25, v14;
	s17 =	sshra.s32 s30, $0x12;
	s30 =	sshrl.u32 s28, $0x1F  }
0xe3: {  	v15 =	vsel vm0, s5, v15;
	s6 =	sshra.s32 s21, $0x12;
	s23 =	sshra.s32 s21, $0x1F;
	v12 =	vsel vm1, s24, v12;
	v14 =	vsel vm8, s26, v14;
	s24 =	sld [smem:$0x4F8]  }
0xe4: {  	(v2sf) =	vpush v5, $0xA;
	v15 =	vsel vm1, s14, v15;
	s14 =	sshra.s32 s28, $0x1F;
	s26 =	sshra.s32 s28, $0x12;
	s28 =	sld [smem:$0x4F9];
	v14 =	vsel vm1, s6, v14  }
0xe5: {  	(v2sf) =	vpush v5, $0xB;
	s19 =	sshra.s32 s13, $0x12;
	v14 =	vsel vm12, s23, v14  }
0xe6: {  	v44 =	vmov s15;
	s15 =	sshra.s32 s22, $0x12;
	v12 =	vsel vm2, s30, v12;
	s6 =	sld [smem:$0x4FC];
	s25 =	sshrl.u32 s24, $0x1F;
	v14 =	vsel vm2, s26, v14  }
0xe7: {  	(v2sf) =	vpush v5, $0x0;
	s30 =	sshrl.u32 s28, $0x1F;
	s23 =	sshra.s32 s24, $0x12;
	s26 =	sld [smem:$0x4FA];
	v16 =	vsel vm5, s25, v12;
	v17 =	vsel vm13, s14, v14  }
0xe8: {  	s24 =	sshra.s32 s24, $0x1F;
	s5 =	sshra.s32 s28, $0x1F;
	v43 =	vsel vm11, s30, v16;
	v16 =	vsel vm0, s0, v44;
	v47 =	vsel vm5, s23, v17;
	s23 =	sld [smem:$0x4FD]  }
0xe9: {  	(v2sf) =	vpush v5, $0x1;
	s30 =	sshrl.u32 s22, $0x1F;
	s22 =	sshrl.u32 s6, $0x1F;
	v46 =	vsel vm1, s1, v16;
	s1 =	sld [smem:$0x4FB]  }
0xea: {  	v48 =	vmov s7;
	s25 =	sshra.s32 s28, $0x12;
	s0 =	sshra.s32 s6, $0x12;
	v16 =	vsel vm14, s24, v47;
	v18 =	vmov s22;
	s22 =	sld [smem:$0x501]  }
0xeb: {  	(v2sf) =	vpush v5, $0x2;
	v17 =	vsel vm0, s3, v48;
	s3 =	sshra.s32 s31, $0x12;
	s28 =	sshrl.u32 s26, $0x1F;
	v16 =	vsel vm11, s25, v16;
	s25 =	sld [smem:$0x4FE]  }
0xec: {  	(v2sf) =	vpush v5, $0x3;
	v42 =	vsel vm2, s16, v15;
	s20 =	sshra.s32 s26, $0x12;
	s14 =	sshra.s32 s26, $0x1F;
	v15 =	vsel vm7, s28, v43;
	s28 =	sld [smem:$0x4FF]  }
0xed: {  	(v2sf) =	vpush v5, $0x4;
	v6 =	vcombine.low v9, v35;
	s24 =	sshrl.u32 s23, $0x1F;
	s6 =	sshra.s32 s23, $0x12;
	s23 =	sshrl.u32 s31, $0x1F  }
0xee: {  	vm4 =	vmmov vm8;
	(v2sf) =	vpush v5, $0x5;
	v16 =	vsel vm9, s5, v16;
	s5 =	sld [smem:$0x500];
	s21 =	sshrl.u32 s1, $0x1F;
	s1 =	sshra.s32 s1, $0x12  }
0xef: {  	v10 =	vcombine.low v13, v10;
	v6 =	vperm.xlane v6, v53;
	v16 =	vsel vm7, s20, v16;
	s20 =	sshrl.u32 s12, $0x1F;
	s26 =	sshrl.u32 s25, $0x1F;
	s7 =	sshra.s32 s25, $0x12  }
0xf0: {  	v27 =	vld [tilespmem:$0x240];
	v45 =	vsel vm3, s30, v15;
	v15 =	vsel vm2, s2, v46;
	s30 =	sshrl.u32 s28, $0x1F;
	s2 =	sshra.s32 s28, $0x12;
	v16 =	vsel vm15, s14, v16;
	s14 =	sshrl.u32 s22, $0x1F  }
0xf1: {  	v10 =	vperm.xlane v10, v53;
	v8 =	vcombine.low v42, v8;
	v19 =	vmov s20;
	s20 =	sshra.s32 s12, $0x12;
	s12 =	sshra.s32 s12, $0x1F;
	s25 =	sshrl.u32 s9, $0x1F  }
0xf2: {  	v7 =	vperm.xlane v7, v1;
	v17 =	vsel vm1, s4, v17;
	v18 =	vsel vm0, s21, v18;
	s21 =	sshra.s32 s9, $0x12;
	s9 =	sshra.s32 s9, $0x1F;
	s28 =	sshrl.u32 s8, $0x1F  }
0xf3: {  	v11 =	vperm.xlane v39, v1;
	v8 =	vperm.xlane v8, v53;
	v17 =	vsel vm2, s17, v17;
	s17 =	sshrl.u32 s5, $0x1F;
	s4 =	sshra.s32 s5, $0x12;
	s5 =	sshra.s32 s22, $0x12  }
0xf4: {  	v18 =	vsel vm1, s24, v18;
	v16 =	vsel vm3, s15, v16;
	v20 =	vmov s30;
	s15 =	sshra.s32 s13, $0x1F;
	s30 =	spop (v2sf);
	s24 =	sshrl.u32 s11, $0x1F  }
0xf5: {  	v14 =	vmul.u32 $0x6A37, v27;
	v19 =	vnsel vm6, $0x0, v19;
	s22 =	sshra.s32 s8, $0x12;
	v18 =	vsel vm2, s26, v18;
	s26 =	sshrl.u32 s13, $0x1F;
	s31 =	smulhi.u32 $0x431BE2E9, s30  }
0xf6: {  	v51 =	vmov s0;
	v19 =	vsel vm0, s25, v19;
	v20 =	vsel vm0, s23, v20;
	s16 =	sshra.s32 s30, $0x1F;
	s25 =	sshrl.u32 s10, $0x1F;
	s23 =	sshra.s32 s8, $0x1F  }
0xf7: {  	v59 =	vperm.xlane v45, v1;
	s30 =	spop (v2sf);
	v19 =	vsel vm1, s26, v19;
	v20 =	vsel vm1, s17, v20;
	s16 =	smul.u32 $0x431BE2E9, s16;
	s26 =	sshrl.u32 s18, $0x1F  }
0xf8: {  	v60 =	vcombine.low v17, v15;
	s17 =	sshra.s32 s10, $0x12;
	v19 =	vsel vm2, s28, v19;
	v20 =	vsel vm2, s14, v20;
	s28 =	sshra.s32 s29, $0x1F;
	s14 =	sshra.s32 s10, $0x1F  }
0xf9: {  	vm15 =	vmmov vm11;
	v54 =	vsel vm0, s1, v51;
	s10 =	sshra.s32 s30, $0x1F;
	v21 =	vmov s28;
	s8 =	sadd.s32 s16, s31;
	s31 =	smulhi.u32 $0x431BE2E9, s30  }
0xfa: {  	v0 =	vld [tilespmem:$0x1FFF0];
	(v2sf) =	vpush v5, $0x6;
	v19 =	vsel vm5, s24, v19;
	s24 =	sshra.s32 s11, $0x12;
	s16 =	sshra.s32 s18, $0x12;
	s10 =	smul.u32 $0x431BE2E9, s10;
	v49 =	vsel vm6, s20, v21  }
0xfb: {  	(v2sf) =	vpush v5, $0x7;
	s28 =	spop (v2sf);
	v19 =	vsel vm11, s25, v19;
	s25 =	sshra.s32 s11, $0x1F;
	s11 =	sshra.s32 s18, $0x1F;
	v9 =	vsel vm10, s12, v49  }
0xfc: {  	v56 =	vsel vm1, s6, v54;
	v19 =	vsel vm7, s26, v19;
	s26 =	sshrl.u32 s29, $0x1F;
	s12 =	sshra.s32 s29, $0x12;
	s29 =	sld [smem:$0x502];
	v9 =	vsel vm0, s21, v9  }
0xfd: {  	v57 =	vmov s2;
	v63 =	vperm.xlane v60, v53;
	s18 =	smulhi.u32 $0x431BE2E9, s28;
	s0 =	sadd.s32 s10, s31;
	s31 =	sld [smem:$0x503];
	v9 =	vsel vm8, s9, v9  }
0xfe: {  	v17 =	vperm.xlane v16, v1;
	s30 =	spop (v2sf);
	s6 =	sshrl.u32 s8, $0x1F;
	v50 =	vsel vm3, s26, v19;
	s26 =	sld [smem:$0x505];
	v9 =	vsel vm1, s19, v9  }
0xff: {  	vm6 =	vmmov vm3;
	s21 =	smulhi.u32 $0x431BE2E9, s30;
	s30 =	sshra.s32 s30, $0x1F;
	s9 =	sshra.s32 s28, $0x1F;
	vm8 =	vnez.u8 v0;
	v9 =	vsel vm12, s15, v9  }
0x100: {  	s28 =	sld [smem:$0x504];
	s13 =	sshrl.u32 s29, $0x1F;
	v6 =	vsel vm8, v7, v6;
	v52 =	vsel vm8, v11, v10;
	s19 =	sshrl.u32 s31, $0x1F;
	v55 =	vsel vm2, s22, v9  }
0x101: {  	vm11 =	vmmov vm5;
	s20 =	smul.u32 $0x431BE2E9, s9;
	v6 =	vadd.s32 v6, v52;
	s9 =	sshrl.u32 s26, $0x1F;
	s15 =	sshrl.u32 s0, $0x1F;
	v7 =	vsel vm13, s23, v55  }
0x102: {  	vm9 =	vmmov vm6;
	s0 =	sshra.s32 s0, $0x12;
	v6 =	vmul.u32 $0xF423F, v6;
	s23 =	smul.u32 $0x431BE2E9, s30;
	v7 =	vsel vm5, s24, v7;
	s24 =	spop (v2sf)  }
0x103: {  	vm3 =	vmmov vm12;
	v19 =	vcombine.low v20, v18;
	v23 =	vperm.xlane v50, v1;
	s1 =	sadd.s32 s20, s18;
	s22 =	smulhi.u32 $0x431BE2E9, s24;
	s20 =	sshra.s32 s24, $0x1F  }
0x104: {  	v8 =	vsel vm8, v59, v8;
	v2 =	vsub.s32 v2, v6;
	v7 =	vsel vm14, s25, v7;
	s2 =	sadd.s32 s23, s21;
	s30 =	spop (v2sf);
	s18 =	smul.u32 $0x431BE2E9, s20  }
0x105: {  	v6 =	vsel vm0, s3, v57;
	vm5 =	vcmask $0x2F2C;
	v7 =	vsel vm15, s17, v7;
	s3 =	smulhi.u32 $0x431BE2E9, s30;
	s21 =	sshra.s32 s30, $0x1F;
	s23 =	spop (v2sf)  }
0x106: {  	v10 =	vsel vm8, v17, v63;
	v22 =	vperm.xlane v19, v53;
	s10 =	sshrl.u32 s28, $0x1F;
	v7 =	vsel vm5, s14, v7;
	s14 =	smul.u32 $0x431BE2E9, s21;
	s24 =	spop (v2sf)  }
0x107: {  	v20 =	vmov s19;
	v8 =	vadd.s32 v8, v10;
	v9 =	vsel vm2, s7, v56;
	s25 =	smulhi.u32 $0x431BE2E9, s23;
	s30 =	sshra.s32 s23, $0x1F;
	s20 =	spop (v2sf)  }
0x108: {  	v21 =	vsel vm0, s13, v20;
	s7 =	sshrl.u32 s1, $0x1F;
	vm15 =	vcmask $0x3734;
	v7 =	vsel vm7, s16, v7;
	s16 =	smul.u32 $0x431BE2E9, s30;
	s21 =	spop (v2sf)  }
0x109: {  	v8 =	vmul.u32 $0xF423F, v8;
	v10 =	vsel vm8, v23, v22;
	s17 =	sshra.s32 s24, $0x1F;
	v7 =	vsel vm15, s11, v7;
	s11 =	smulhi.u32 $0x431BE2E9, s24;
	s19 =	spop (v2sf)  }
0x10a: {  	vm12 =	vlt.s32 v2, $0x0;
	v58 =	vadd.s32 $0xF423F, v2;
	v61 =	vsel vm1, s4, v6;
	s18 =	sadd.s32 s18, s22;
	s22 =	smul.u32 $0x431BE2E9, s17;
	s23 =	spop (v2sf)  }
0x10b: {  	v26 =	vmov s15;
	s4 =	sshrl.u32 s2, $0x1F;
	v62 =	vsel vm12, v58, v2;
	v2 =	vsel vm2, s5, v61;
	s24 =	smulhi.u32 $0x431BE2E9, s23;
	s17 =	sshra.s32 s23, $0x1F  }
0x10c: {  	v25 =	vld [tilespmem:$0x40];
	v34 =	vmov s0;
	v11 =	vsel vm1, s10, v21;
	v2 =	vcombine.low v2, v9;
	s13 =	sshrl.u32 s18, $0x1F;
	s14 =	sadd.s32 s14, s3;
	s17 =	smul.u32 $0x431BE2E9, s17  }
0x10d: {  	v12 =	vsel vm0, s6, v26;
	v11 =	vsel vm2, s9, v11;
	vm12 =	vcmask $0x300;
	s15 =	smulhi.u32 $0x431BE2E9, s20;
	s20 =	sshra.s32 s20, $0x1F;
	s5 =	sadd.s32 s16, s25  }
0x10e: {  	v28 =	vperm.xlane v2, v53;
	v7 =	vsel vm6, s12, v7;
	s25 =	sshrl.u32 s14, $0x1F;
	v2 =	vmov s13;
	s12 =	smul.u32 $0x431BE2E9, s20;
	s3 =	sadd.s32 s17, s24  }
0x10f: {  	v12 =	vsel vm1, s7, v12;
	v3 =	vsub.s32 v3, v8;
	s20 =	smulhi.u32 $0x431BE2E9, s21;
	s16 =	sshra.s32 s18, $0x1F;
	v2 =	vnsel vm12, $0x0, v2;
	s23 =	sshra.s32 s3, $0x1F  }
0x110: {  	v12 =	vsel vm2, s4, v12;
	s11 =	sadd.s32 s22, s11;
	s22 =	sshra.s32 s21, $0x1F;
	v2 =	vsel vm0, s25, v2;
	s25 =	sshra.s32 s18, $0x12;
	v29 =	vmov s23  }
0x111: {  	v9 =	vmul.u32 $0x8DD9, v25;
	v11 =	vcombine.low v12, v11;
	s30 =	sshrl.u32 s5, $0x1F;
	s13 =	sshra.s32 s19, $0x1F;
	s9 =	smul.u32 $0x431BE2E9, s22;
	v16 =	vsel vm12, s25, v29  }
0x112: {  	vm6 =	vcmask $0x2B28;
	s12 =	sadd.s32 s12, s15;
	v2 =	vsel vm1, s30, v2;
	s24 =	sshrl.u32 s11, $0x1F;
	s17 =	sshra.s32 s14, $0x12;
	v16 =	vsel vm10, s16, v16  }
0x113: {  	v7 =	vperm.xlane v7, v1;
	s30 =	smulhi.u32 $0x431BE2E9, s19;
	s18 =	sshrl.u32 s12, $0x1F;
	s19 =	sshra.s32 s14, $0x1F;
	v2 =	vsel vm2, s24, v2;
	v30 =	vsel vm0, s17, v16  }
0x114: {  	s21 =	sshra.s32 s5, $0x12;
	v31 =	vsel vm11, s18, v2;
	v2 =	vadd.s32 v9, v14;
	v12 =	vsel vm4, s19, v30  }
0x115: {  	s5 =	sshra.s32 s5, $0x1F;
	v7 =	vsel vm8, v7, v28;
	s6 =	sadd.s32 s9, s20;
	(v2sf) =	vpush v2, $0xD;
	v12 =	vsel vm1, s21, v12  }
0x116: {  	v11 =	vperm.xlane v11, v53;
	s10 =	smul.u32 $0x431BE2E9, s13;
	v7 =	vadd.s32 v10, v7;
	s20 =	sshrl.u32 s6, $0x1F;
	s24 =	sshra.s32 s11, $0x12;
	v12 =	vsel vm3, s5, v12  }
0x117: {  	v7 =	vmul.u32 $0xF423F, v7;
	s23 =	sshra.s32 s31, $0x12;
	s25 =	sshra.s32 s29, $0x12;
	s29 =	sshra.s32 s11, $0x1F;
	(v2sf) =	vpush v2, $0xC;
	v12 =	vsel vm2, s24, v12  }
0x118: {  	s4 =	sadd.s32 s10, s30;
	s31 =	sshra.s32 s12, $0x12;
	v32 =	vsel vm6, s20, v31;
	v33 =	vmov s23;
	v12 =	vsel vm13, s29, v12  }
0x119: {  	s7 =	sshra.s32 s12, $0x1F;
	s30 =	sshra.s32 s28, $0x12;
	s22 =	sshrl.u32 s4, $0x1F;
	v14 =	vsel vm0, s25, v33;
	(v2sf) =	vpush v2, $0xE;
	v12 =	vsel vm11, s31, v12  }
0x11a: {  	s9 =	sshra.s32 s8, $0x12;
	s10 =	sshra.s32 s6, $0x12;
	v9 =	vsel vm7, s22, v32;
	v14 =	vsel vm1, s30, v14;
	v12 =	vsel vm14, s7, v12  }
0x11b: {  	s1 =	sshra.s32 s1, $0x12;
	s12 =	sshra.s32 s26, $0x12;
	s11 =	sshra.s32 s6, $0x1F;
	v16 =	vsel vm0, s9, v34;
	(v2sf) =	vpush v2, $0xF;
	v12 =	vsel vm6, s10, v12  }
0x11c: {  	s13 =	sshra.s32 s2, $0x12;
	s14 =	sshra.s32 s4, $0x12;
	v16 =	vsel vm1, s1, v16;
	v14 =	vsel vm2, s12, v14;
	v12 =	vsel vm5, s11, v12  }
0x11d: {  	s15 =	sshrl.u32 s3, $0x1F;
	s16 =	sshra.s32 s4, $0x1F;
	(v2sf) =	vpush v2, $0x9;
	v16 =	vsel vm2, s13, v16;
	v12 =	vsel vm7, s14, v12  }
0x11e: {  	v9 =	vsel vm9, s15, v9;
	s17 =	sshra.s32 s3, $0x12;
	v14 =	vcombine.low v16, v14;
	v12 =	vsel vm15, s16, v12  }
0x11f: {  	v9 =	vperm.xlane v9, v1;
	(v2sf) =	vpush v2, $0x8;
	v12 =	vsel vm9, s17, v12  }
0x120: {  	v4 =	vsub.s32 v4, v7;
	v14 =	vperm.xlane v14, v53;
	v12 =	vperm.xlane v12, v1  }
0x121: {  	v37 =	vadd.s32 $0xF423F, v3;
	v40 =	vadd.s32 $0xF423F, v4;
	(v2sf) =	vpush v2, $0xA  }
0x122: {  	v35 =	vsel vm8, v9, v11;
	(v2sf) =	vpush v2, $0xB;
	v36 =	vsel vm8, v12, v14  }
0x123: {  	vm6 =	vlt.s32 v4, $0x0;
	vm5 =	vlt.s32 v3, $0x0;
	v8 =	vadd.s32 v35, v36  }
0x124: {  	v4 =	vsel vm6, v40, v4;
	v3 =	vsel vm5, v37, v3;
	s18 =	spop (v2sf);
	v38 =	vmul.u32 $0xF423F, v8  }
0x125: {  	v39 =	vshra.s32 v3, $0x2;
	v3 =	vand.u32 $0x3, v3;
	(v2sf) =	vpush v2, $0x0;
	s28 =	smulhi.u32 $0x431BE2E9, s18;
	s0 =	sshra.s32 s18, $0x1F  }
0x126: {  	vm13 =	vmmov vm7;
	[tilespmem:$0x610] =	vst v3;
	v3 =	vshra.s32 v4, $0x2;
	s19 =	spop (v2sf);
	s21 =	smul.u32 $0x431BE2E9, s0;
	v5 =	vsub.s32 v5, v38  }
0x127: {  	(v2sf) =	vpush v2, $0x1;
	s29 =	smulhi.u32 $0x431BE2E9, s19;
	s30 =	sshra.s32 s19, $0x1F;
	vm7 =	vlt.s32 v5, $0x0;
	v41 =	vadd.s32 $0xF423F, v5  }
0x128: {  	[tilespmem:$0x420] =	vst v3;
	v3 =	vand.u32 $0x3, v4;
	s20 =	spop (v2sf);
	s16 =	smul.u32 $0x431BE2E9, s30;
	v42 =	vsel vm7, v41, v5  }
0x129: {  	[tilespmem:$0x620] =	vst v3;
	(v2sf) =	vpush v2, $0x2;
	s31 =	smulhi.u32 $0x431BE2E9, s20;
	s1 =	sshra.s32 s20, $0x1F;
	v3 =	vshra.s32 v42, $0x2  }
0x12a: {  	v43 =	vld [tilespmem:$0x250];
	s22 =	spop (v2sf);
	s17 =	smul.u32 $0x431BE2E9, s1;
	[tilespmem:$0x430] =	vst v3;
	v3 =	vand.u32 $0x3, v42  }
0x12b: {  	(v2sf) =	vpush v2, $0x3;
	s2 =	smulhi.u32 $0x431BE2E9, s22;
	s3 =	sshra.s32 s22, $0x1F;
	[tilespmem:$0x630] =	vst v3;
	v3 =	vld [tilespmem:$0x50]  }
0x12c: {  	s23 =	spop (v2sf);
	s18 =	smul.u32 $0x431BE2E9, s3  }
0x12d: {  	(v2sf) =	vpush v2, $0x4;
	s15 =	smulhi.u32 $0x431BE2E9, s23;
	s4 =	sshra.s32 s23, $0x1F  }
0x12e: {  	s24 =	spop (v2sf);
	s22 =	smul.u32 $0x431BE2E9, s4  }
0x12f: {  	(v2sf) =	vpush v2, $0x5;
	s19 =	smulhi.u32 $0x431BE2E9, s24;
	s5 =	sshra.s32 s24, $0x1F  }
0x130: {  	v4 =	vmul.u32 $0x6A37, v43;
	s25 =	spop (v2sf);
	(v2sf) =	vpush v2, $0x6;
	s23 =	smul.u32 $0x431BE2E9, s5;
	v3 =	vmul.u32 $0x8DD9, v3  }
0x131: {  	s26 =	spop (v2sf);
	s20 =	smulhi.u32 $0x431BE2E9, s25;
	s6 =	sshra.s32 s25, $0x1F;
	(v2sf) =	vpush v2, $0x7  }
0x132: {  	s24 =	smul.u32 $0x431BE2E9, s6;
	v3 =	vadd.s32 v3, v4  }
0x133: {  	[smem:$0x506] =	sst s28;
	s25 =	smulhi.u32 $0x431BE2E9, s26;
	s7 =	sshra.s32 s26, $0x1F;
	(v2sf) =	vpush v3, $0xD  }
0x134: {  	s28 =	smul.u32 $0x431BE2E9, s7;
	s8 =	spop (v2sf)  }
0x135: {  	s26 =	smulhi.u32 $0x431BE2E9, s8;
	s0 =	sshra.s32 s8, $0x1F  }
0x136: {  	s9 =	spop (v2sf);
	s8 =	smul.u32 $0x431BE2E9, s0;
	(v2sf) =	vpush v3, $0xC  }
0x137: {  	[smem:$0x507] =	sst s29;
	s29 =	smulhi.u32 $0x431BE2E9, s9;
	s0 =	sshra.s32 s9, $0x1F  }
0x138: {  	s10 =	spop (v2sf);
	s1 =	smul.u32 $0x431BE2E9, s0  }
0x139: {  	s30 =	smulhi.u32 $0x431BE2E9, s10;
	s0 =	sshra.s32 s10, $0x1F;
	(v2sf) =	vpush v3, $0xE  }
0x13a: {  	s11 =	spop (v2sf);
	s6 =	smul.u32 $0x431BE2E9, s0  }
0x13b: {  	[smem:$0x508] =	sst s31;
	s31 =	smulhi.u32 $0x431BE2E9, s11;
	s0 =	sshra.s32 s11, $0x1F  }
0x13c: {  	s12 =	spop (v2sf);
	s4 =	smul.u32 $0x431BE2E9, s0;
	(v2sf) =	vpush v3, $0xF  }
0x13d: {  	[smem:$0x509] =	sst s2;
	s13 =	smulhi.u32 $0x431BE2E9, s12;
	s0 =	sshra.s32 s12, $0x1F  }
0x13e: {  	s14 =	spop (v2sf);
	s7 =	smul.u32 $0x431BE2E9, s0  }
0x13f: {  	s3 =	smulhi.u32 $0x431BE2E9, s14;
	s5 =	spop (v2sf);
	(v2sf) =	vpush v3, $0x9  }
0x140: {  	s0 =	sshra.s32 s14, $0x1F;
	s9 =	smulhi.u32 $0x431BE2E9, s5;
	s10 =	spop (v2sf);
	(v2sf) =	vpush v3, $0x8  }
0x141: {  	[smem:$0x50B] =	sst s3;
	s3 =	smul.u32 $0x431BE2E9, s0;
	s0 =	sshra.s32 s5, $0x1F  }
0x142: {  	s2 =	smul.u32 $0x431BE2E9, s0;
	s0 =	sshra.s32 s10, $0x1F;
	(v2sf) =	vpush v3, $0xA;
	s12 =	spop (v2sf)  }
0x143: {  	s5 =	smul.u32 $0x431BE2E9, s0;
	s0 =	sshra.s32 s12, $0x1F  }
0x144: {  	[smem:$0x50A] =	sst s13;
	s0 =	smul.u32 $0x431BE2E9, s0  }
0x145: {  	s11 =	smulhi.u32 $0x431BE2E9, s10;
	s14 =	spop (v2sf)  }
0x146: {  	(v2sf) =	vpush v3, $0xB;
	[smem:$0x50F] =	sst s0;
	s0 =	sshra.s32 s14, $0x1F  }
0x147: {  	[smem:$0x50D] =	sst s11;
	s0 =	smul.u32 $0x431BE2E9, s0  }
0x148: {  	(v2sf) =	vpush v3, $0x0;
	s13 =	smulhi.u32 $0x431BE2E9, s12;
	s11 =	spop (v2sf)  }
0x149: {  	(v2sf) =	vpush v3, $0x1;
	s10 =	smulhi.u32 $0x431BE2E9, s14;
	[smem:$0x511] =	sst s0;
	s0 =	sshra.s32 s11, $0x1F  }
0x14a: {  	[smem:$0x50E] =	sst s13;
	s0 =	smul.u32 $0x431BE2E9, s0  }
0x14b: {  	(v2sf) =	vpush v3, $0x2;
	s12 =	smulhi.u32 $0x431BE2E9, s11;
	s13 =	spop (v2sf)  }
0x14c: {  	s14 =	smulhi.u32 $0x431BE2E9, s13;
	[smem:$0x513] =	sst s0;
	s0 =	sshra.s32 s13, $0x1F  }
0x14d: {  	[smem:$0x510] =	sst s10;
	s0 =	smul.u32 $0x431BE2E9, s0  }
0x14e: {  	(v2sf) =	vpush v3, $0x3;
	s10 =	spop (v2sf);
	[smem:$0x512] =	sst s12  }
0x14f: {  	s12 =	spop (v2sf);
	[smem:$0x515] =	sst s0;
	s0 =	sshra.s32 s10, $0x1F  }
0x150: {  	[smem:$0x514] =	sst s14;
	s0 =	smul.u32 $0x431BE2E9, s0  }
0x151: {  	(v2sf) =	vpush v3, $0x4;
	s14 =	spop (v2sf);
	s11 =	smulhi.u32 $0x431BE2E9, s10  }
0x152: {  	s13 =	smulhi.u32 $0x431BE2E9, s12;
	[smem:$0x517] =	sst s0;
	s0 =	sshra.s32 s12, $0x1F  }
0x153: {  	[smem:$0x516] =	sst s11;
	s0 =	smul.u32 $0x431BE2E9, s0  }
0x154: {  	(v2sf) =	vpush v3, $0x5;
	[smem:$0x518] =	sst s13;
	s10 =	smulhi.u32 $0x431BE2E9, s14  }
0x155: {  	v44 =	vld [tilespmem:$0x60];
	s11 =	spop (v2sf);
	[smem:$0x519] =	sst s0;
	s0 =	sshra.s32 s14, $0x1F  }
0x156: {  	v45 =	vld [tilespmem:$0x260];
	[smem:$0x51A] =	sst s10;
	s0 =	smul.u32 $0x431BE2E9, s0  }
0x157: {  	(v2sf) =	vpush v3, $0x6;
	s13 =	spop (v2sf);
	s12 =	smulhi.u32 $0x431BE2E9, s11  }
0x158: {  	s10 =	spop (v2sf);
	[smem:$0x51B] =	sst s0;
	s0 =	sshra.s32 s11, $0x1F  }
0x159: {  	[smem:$0x51C] =	sst s12;
	s0 =	smul.u32 $0x431BE2E9, s0  }
0x15a: {  	s12 =	spop (v2sf);
	s14 =	smulhi.u32 $0x431BE2E9, s13  }
0x15b: {  	v5 =	vmul.u32 $0x6A37, v45;
	v4 =	vmul.u32 $0x8DD9, v44;
	(v2sf) =	vpush v3, $0x7;
	s11 =	smulhi.u32 $0x431BE2E9, s10;
	[smem:$0x51D] =	sst s0;
	s0 =	sshra.s32 s13, $0x1F  }
0x15c: {  	[smem:$0x51E] =	sst s14;
	s0 =	smul.u32 $0x431BE2E9, s0  }
0x15d: {  	v5 =	vadd.s32 v4, v5;
	s14 =	spop (v2sf);
	s13 =	smulhi.u32 $0x431BE2E9, s12  }
0x15e: {  	(v2sf) =	vpush v5, $0xD;
	[smem:$0x51F] =	sst s0;
	s0 =	sshra.s32 s10, $0x1F;
	s10 =	sshra.s32 s14, $0x1F  }
0x15f: {  	[smem:$0x50C] =	sst s9;
	s10 =	smul.u32 $0x431BE2E9, s10  }
0x160: {  	[smem:$0x521] =	sst s13;
	s13 =	spop (v2sf)  }
0x161: {  	[smem:$0x523] =	sst s10;
	s10 =	sshra.s32 s13, $0x1F  }
0x162: {  	(v2sf) =	vpush v5, $0xC;
	[smem:$0x520] =	sst s11;
	s10 =	smul.u32 $0x431BE2E9, s10  }
0x163: {  	s11 =	smulhi.u32 $0x431BE2E9, s14;
	s14 =	spop (v2sf)  }
0x164: {  	[smem:$0x524] =	sst s10;
	s10 =	sshra.s32 s14, $0x1F  }
0x165: {  	[smem:$0x522] =	sst s11;
	s10 =	smul.u32 $0x431BE2E9, s10  }
0x166: {  	(v2sf) =	vpush v5, $0xE;
	s11 =	smulhi.u32 $0x431BE2E9, s14;
	s14 =	spop (v2sf)  }
0x167: {  	s9 =	smul.u32 $0x431BE2E9, s0;
	[smem:$0x526] =	sst s10;
	s10 =	sshra.s32 s14, $0x1F  }
0x168: {  	s10 =	smul.u32 $0x431BE2E9, s10  }
0x169: {  	s0 =	sshra.s32 s12, $0x1F;
	s12 =	smulhi.u32 $0x431BE2E9, s13  }
0x16a: {  	(v2sf) =	vpush v5, $0xF;
	[smem:$0x527] =	sst s10;
	s10 =	spop (v2sf)  }
0x16b: {  	[smem:$0x525] =	sst s11;
	s11 =	smulhi.u32 $0x431BE2E9, s10;
	s10 =	sshra.s32 s10, $0x1F  }
0x16c: {  	s10 =	smul.u32 $0x431BE2E9, s10  }
0x16d: {  	[smem:$0x528] =	sst s11;
	s11 =	spop (v2sf)  }
0x16e: {  	(v2sf) =	vpush v5, $0x9;
	s13 =	smulhi.u32 $0x431BE2E9, s14;
	[smem:$0x529] =	sst s10;
	s10 =	sshra.s32 s11, $0x1F  }
0x16f: {  	s10 =	smul.u32 $0x431BE2E9, s10  }
0x170: {  	s14 =	smulhi.u32 $0x431BE2E9, s11  }
0x171: {  	[smem:$0x52A] =	sst s10;
	s10 =	spop (v2sf)  }
0x172: {  	s11 =	smulhi.u32 $0x431BE2E9, s10;
	s10 =	sshra.s32 s10, $0x1F  }
0x173: {  	(v2sf) =	vpush v5, $0x8;
	s10 =	smul.u32 $0x431BE2E9, s10;
	_ =	sdelay $0x1  }
0x174: {  	[smem:$0x52C] =	sst s10;
	s10 =	spop (v2sf)  }
0x175: {  	[smem:$0x52B] =	sst s11;
	s11 =	smulhi.u32 $0x431BE2E9, s10;
	s10 =	sshra.s32 s10, $0x1F  }
0x176: {  	(v2sf) =	vpush v5, $0xA;
	s10 =	smul.u32 $0x431BE2E9, s10;
	_ =	sdelay $0x1  }
0x177: {  	[smem:$0x52E] =	sst s10;
	s10 =	spop (v2sf)  }
0x178: {  	[smem:$0x52D] =	sst s11;
	s11 =	smulhi.u32 $0x431BE2E9, s10;
	s10 =	sshra.s32 s10, $0x1F  }
0x179: {  	(v2sf) =	vpush v5, $0xB;
	s10 =	smul.u32 $0x431BE2E9, s10;
	_ =	sdelay $0x1  }
0x17a: {  	(v2sf) =	vpush v5, $0x0;
	[smem:$0x530] =	sst s10;
	s10 =	spop (v2sf)  }
0x17b: {  	v24 =	vshra.s32 v62, $0x2;
	(v2sf) =	vpush v5, $0x1;
	[smem:$0x52F] =	sst s11;
	s11 =	smulhi.u32 $0x431BE2E9, s10;
	s10 =	sshra.s32 s10, $0x1F  }
0x17c: {  	v6 =	vand.u32 $0x3, v62;
	[tilespmem:$0x400] =	vst v24;
	(v2sf) =	vpush v5, $0x2;
	s10 =	smul.u32 $0x431BE2E9, s10  }
0x17d: {  	v47 =	vld [tilespmem:$0x270];
	[tilespmem:$0x600] =	vst v6;
	(v2sf) =	vpush v5, $0x3;
	[smem:$0x531] =	sst s11  }
0x17e: {  	v46 =	vld [tilespmem:$0x70];
	[tilespmem:$0x410] =	vst v39;
	(v2sf) =	vpush v5, $0x4;
	[smem:$0x532] =	sst s10  }
0x17f: {  	s10 =	spop (v2sf)  }
0x180: {  	s11 =	smulhi.u32 $0x431BE2E9, s10;
	s10 =	sshra.s32 s10, $0x1F  }
0x181: {  	s10 =	smul.u32 $0x431BE2E9, s10;
	_ =	sdelay $0x1  }
0x182: {  	[smem:$0x534] =	sst s10;
	s10 =	spop (v2sf)  }
0x183: {  	[smem:$0x533] =	sst s11;
	s11 =	smulhi.u32 $0x431BE2E9, s10;
	s10 =	sshra.s32 s10, $0x1F  }
0x184: {  	s10 =	smul.u32 $0x431BE2E9, s10;
	_ =	sdelay $0x1  }
0x185: {  	[smem:$0x536] =	sst s10;
	s10 =	spop (v2sf)  }
0x186: {  	[smem:$0x535] =	sst s11;
	s11 =	smulhi.u32 $0x431BE2E9, s10;
	s10 =	sshra.s32 s10, $0x1F  }
0x187: {  	s10 =	smul.u32 $0x431BE2E9, s10;
	_ =	sdelay $0x1  }
0x188: {  	[smem:$0x538] =	sst s10;
	s10 =	spop (v2sf)  }
0x189: {  	[smem:$0x537] =	sst s11;
	s11 =	smulhi.u32 $0x431BE2E9, s10;
	s10 =	sshra.s32 s10, $0x1F  }
0x18a: {  	s10 =	smul.u32 $0x431BE2E9, s10;
	_ =	sdelay $0x1  }
0x18b: {  	[smem:$0x53A] =	sst s10;
	s10 =	spop (v2sf)  }
0x18c: {  	(v2sf) =	vpush v5, $0x5;
	[smem:$0x539] =	sst s11;
	s11 =	smulhi.u32 $0x431BE2E9, s10;
	s10 =	sshra.s32 s10, $0x1F  }
0x18d: {  	s10 =	smul.u32 $0x431BE2E9, s10;
	_ =	sdelay $0x1  }
0x18e: {  	[smem:$0x53C] =	sst s10;
	s10 =	spop (v2sf)  }
0x18f: {  	(v2sf) =	vpush v5, $0x6;
	[smem:$0x53B] =	sst s11;
	s11 =	smulhi.u32 $0x431BE2E9, s10;
	s10 =	sshra.s32 s10, $0x1F  }
0x190: {  	s10 =	smul.u32 $0x431BE2E9, s10;
	_ =	sdelay $0x1  }
0x191: {  	[smem:$0x53E] =	sst s10;
	s10 =	spop (v2sf)  }
0x192: {  	(v2sf) =	vpush v5, $0x7;
	[smem:$0x53D] =	sst s11;
	s11 =	smulhi.u32 $0x431BE2E9, s10;
	s10 =	sshra.s32 s10, $0x1F  }
0x193: {  	v6 =	vmul.u32 $0x6A37, v47;
	v4 =	vmul.u32 $0x8DD9, v46;
	s10 =	smul.u32 $0x431BE2E9, s10;
	_ =	sdelay $0x1  }
0x194: {  	v4 =	vadd.s32 v4, v6;
	[smem:$0x540] =	sst s10;
	s10 =	spop (v2sf)  }
0x195: {  	(v2sf) =	vpush v4, $0xD;
	[smem:$0x53F] =	sst s11;
	s11 =	smulhi.u32 $0x431BE2E9, s10;
	s10 =	sshra.s32 s10, $0x1F  }
0x196: {  	s10 =	smul.u32 $0x431BE2E9, s10;
	_ =	sdelay $0x1  }
0x197: {  	[smem:$0x542] =	sst s10;
	s10 =	spop (v2sf)  }
0x198: {  	(v2sf) =	vpush v4, $0xC;
	[smem:$0x541] =	sst s11;
	s11 =	smulhi.u32 $0x431BE2E9, s10;
	s10 =	sshra.s32 s10, $0x1F  }
0x199: {  	s10 =	smul.u32 $0x431BE2E9, s10;
	_ =	sdelay $0x1  }
0x19a: {  	[smem:$0x544] =	sst s10;
	s10 =	spop (v2sf)  }
0x19b: {  	(v2sf) =	vpush v4, $0xE;
	[smem:$0x543] =	sst s11;
	s11 =	smulhi.u32 $0x431BE2E9, s10;
	s10 =	sshra.s32 s10, $0x1F  }
0x19c: {  	s10 =	smul.u32 $0x431BE2E9, s10;
	_ =	sdelay $0x1  }
0x19d: {  	[smem:$0x546] =	sst s10;
	s10 =	spop (v2sf)  }
0x19e: {  	(v2sf) =	vpush v4, $0xF;
	[smem:$0x545] =	sst s11;
	s11 =	smulhi.u32 $0x431BE2E9, s10;
	s10 =	sshra.s32 s10, $0x1F  }
0x19f: {  	s10 =	smul.u32 $0x431BE2E9, s10;
	_ =	sdelay $0x1  }
0x1a0: {  	[smem:$0x548] =	sst s10;
	s10 =	spop (v2sf)  }
0x1a1: {  	(v2sf) =	vpush v4, $0x9;
	[smem:$0x547] =	sst s11;
	s11 =	smulhi.u32 $0x431BE2E9, s10;
	s10 =	sshra.s32 s10, $0x1F  }
0x1a2: {  	s10 =	smul.u32 $0x431BE2E9, s10;
	_ =	sdelay $0x1  }
0x1a3: {  	[smem:$0x54A] =	sst s10;
	s10 =	spop (v2sf)  }
0x1a4: {  	(v2sf) =	vpush v4, $0x8;
	[smem:$0x549] =	sst s11;
	s11 =	smulhi.u32 $0x431BE2E9, s10;
	s10 =	sshra.s32 s10, $0x1F  }
0x1a5: {  	s10 =	smul.u32 $0x431BE2E9, s10;
	_ =	sdelay $0x1  }
0x1a6: {  	[smem:$0x54C] =	sst s10;
	s10 =	spop (v2sf)  }
0x1a7: {  	(v2sf) =	vpush v4, $0xA;
	[smem:$0x54B] =	sst s11;
	s11 =	smulhi.u32 $0x431BE2E9, s10;
	s10 =	sshra.s32 s10, $0x1F  }
0x1a8: {  	s10 =	smul.u32 $0x431BE2E9, s10;
	_ =	sdelay $0x1  }
0x1a9: {  	[smem:$0x54E] =	sst s10;
	s10 =	spop (v2sf)  }
0x1aa: {  	(v2sf) =	vpush v4, $0xB;
	[smem:$0x54D] =	sst s11;
	s11 =	smulhi.u32 $0x431BE2E9, s10;
	s10 =	sshra.s32 s10, $0x1F  }
0x1ab: {  	s10 =	smul.u32 $0x431BE2E9, s10;
	_ =	sdelay $0x1  }
0x1ac: {  	[smem:$0x550] =	sst s10;
	s10 =	spop (v2sf)  }
0x1ad: {  	(v2sf) =	vpush v4, $0x0;
	[smem:$0x54F] =	sst s11;
	s11 =	smulhi.u32 $0x431BE2E9, s10;
	s10 =	sshra.s32 s10, $0x1F  }
0x1ae: {  	s10 =	smul.u32 $0x431BE2E9, s10;
	_ =	sdelay $0x1  }
0x1af: {  	[smem:$0x552] =	sst s10;
	s10 =	spop (v2sf)  }
0x1b0: {  	(v2sf) =	vpush v4, $0x1;
	[smem:$0x551] =	sst s11;
	s11 =	smulhi.u32 $0x431BE2E9, s10;
	s10 =	sshra.s32 s10, $0x1F  }
0x1b1: {  	s10 =	smul.u32 $0x431BE2E9, s10;
	_ =	sdelay $0x1  }
0x1b2: {  	[smem:$0x554] =	sst s10;
	s10 =	spop (v2sf)  }
0x1b3: {  	(v2sf) =	vpush v4, $0x2;
	[smem:$0x553] =	sst s11;
	s11 =	smulhi.u32 $0x431BE2E9, s10;
	s10 =	sshra.s32 s10, $0x1F  }
0x1b4: {  	s10 =	smul.u32 $0x431BE2E9, s10;
	_ =	sdelay $0x1  }
0x1b5: {  	[smem:$0x556] =	sst s10;
	s10 =	spop (v2sf)  }
0x1b6: {  	(v2sf) =	vpush v4, $0x3;
	[smem:$0x555] =	sst s11;
	s11 =	smulhi.u32 $0x431BE2E9, s10;
	s10 =	sshra.s32 s10, $0x1F  }
0x1b7: {  	s10 =	smul.u32 $0x431BE2E9, s10;
	_ =	sdelay $0x1  }
0x1b8: {  	[smem:$0x558] =	sst s10;
	s10 =	spop (v2sf)  }
0x1b9: {  	(v2sf) =	vpush v4, $0x4;
	[smem:$0x557] =	sst s11;
	s11 =	smulhi.u32 $0x431BE2E9, s10;
	s10 =	sshra.s32 s10, $0x1F  }
0x1ba: {  	s10 =	smul.u32 $0x431BE2E9, s10;
	_ =	sdelay $0x1  }
0x1bb: {  	[smem:$0x55A] =	sst s10;
	s10 =	spop (v2sf)  }
0x1bc: {  	(v2sf) =	vpush v4, $0x5;
	[smem:$0x559] =	sst s11;
	s11 =	smulhi.u32 $0x431BE2E9, s10;
	s10 =	sshra.s32 s10, $0x1F  }
0x1bd: {  	s10 =	smul.u32 $0x431BE2E9, s10;
	_ =	sdelay $0x1  }
0x1be: {  	v48 =	vld [tilespmem:$0x80];
	[smem:$0x55C] =	sst s10;
	s10 =	spop (v2sf)  }
0x1bf: {  	v49 =	vld [tilespmem:$0x280];
	(v2sf) =	vpush v4, $0x6;
	[smem:$0x55B] =	sst s11;
	s11 =	smulhi.u32 $0x431BE2E9, s10;
	s10 =	sshra.s32 s10, $0x1F  }
0x1c0: {  	s10 =	smul.u32 $0x431BE2E9, s10;
	_ =	sdelay $0x1  }
0x1c1: {  	[smem:$0x55E] =	sst s10;
	s10 =	spop (v2sf)  }
0x1c2: {  	(v2sf) =	vpush v4, $0x7;
	[smem:$0x55D] =	sst s11;
	s11 =	smulhi.u32 $0x431BE2E9, s10;
	s10 =	sshra.s32 s10, $0x1F  }
0x1c3: {  	v6 =	vmul.u32 $0x8DD9, v48;
	v7 =	vmul.u32 $0x6A37, v49;
	s10 =	smul.u32 $0x431BE2E9, s10;
	_ =	sdelay $0x1  }
0x1c4: {  	v6 =	vadd.s32 v6, v7;
	[smem:$0x560] =	sst s10;
	s10 =	spop (v2sf)  }
0x1c5: {  	(v2sf) =	vpush v6, $0xD;
	[smem:$0x55F] =	sst s11;
	s11 =	smulhi.u32 $0x431BE2E9, s10;
	s10 =	sshra.s32 s10, $0x1F  }
0x1c6: {  	s10 =	smul.u32 $0x431BE2E9, s10;
	_ =	sdelay $0x1  }
0x1c7: {  	[smem:$0x562] =	sst s10;
	s10 =	spop (v2sf)  }
0x1c8: {  	(v2sf) =	vpush v6, $0xC;
	[smem:$0x561] =	sst s11;
	s11 =	smulhi.u32 $0x431BE2E9, s10;
	s10 =	sshra.s32 s10, $0x1F  }
0x1c9: {  	s10 =	smul.u32 $0x431BE2E9, s10;
	_ =	sdelay $0x1  }
0x1ca: {  	[smem:$0x564] =	sst s10;
	s10 =	spop (v2sf)  }
0x1cb: {  	(v2sf) =	vpush v6, $0xE;
	[smem:$0x563] =	sst s11;
	s11 =	smulhi.u32 $0x431BE2E9, s10;
	s10 =	sshra.s32 s10, $0x1F  }
0x1cc: {  	s10 =	smul.u32 $0x431BE2E9, s10;
	_ =	sdelay $0x1  }
0x1cd: {  	[smem:$0x566] =	sst s10;
	s10 =	spop (v2sf)  }
0x1ce: {  	(v2sf) =	vpush v6, $0xF;
	[smem:$0x565] =	sst s11;
	s11 =	smulhi.u32 $0x431BE2E9, s10;
	s10 =	sshra.s32 s10, $0x1F  }
0x1cf: {  	s10 =	smul.u32 $0x431BE2E9, s10;
	_ =	sdelay $0x1  }
0x1d0: {  	[smem:$0x568] =	sst s10;
	s10 =	spop (v2sf)  }
0x1d1: {  	(v2sf) =	vpush v6, $0x9;
	[smem:$0x567] =	sst s11;
	s11 =	smulhi.u32 $0x431BE2E9, s10;
	s10 =	sshra.s32 s10, $0x1F  }
0x1d2: {  	s10 =	smul.u32 $0x431BE2E9, s10;
	_ =	sdelay $0x1  }
0x1d3: {  	[smem:$0x56A] =	sst s10;
	s10 =	spop (v2sf)  }
0x1d4: {  	(v2sf) =	vpush v6, $0x8;
	[smem:$0x569] =	sst s11;
	s11 =	smulhi.u32 $0x431BE2E9, s10;
	s10 =	sshra.s32 s10, $0x1F  }
0x1d5: {  	s10 =	smul.u32 $0x431BE2E9, s10;
	_ =	sdelay $0x1  }
0x1d6: {  	[smem:$0x56C] =	sst s10;
	s10 =	spop (v2sf)  }
0x1d7: {  	(v2sf) =	vpush v6, $0xA;
	[smem:$0x56B] =	sst s11;
	s11 =	smulhi.u32 $0x431BE2E9, s10;
	s10 =	sshra.s32 s10, $0x1F  }
0x1d8: {  	s10 =	smul.u32 $0x431BE2E9, s10;
	_ =	sdelay $0x1  }
0x1d9: {  	[smem:$0x56E] =	sst s10;
	s10 =	spop (v2sf)  }
0x1da: {  	(v2sf) =	vpush v6, $0xB;
	[smem:$0x56D] =	sst s11;
	s11 =	smulhi.u32 $0x431BE2E9, s10;
	s10 =	sshra.s32 s10, $0x1F  }
0x1db: {  	s10 =	smul.u32 $0x431BE2E9, s10;
	_ =	sdelay $0x1  }
0x1dc: {  	[smem:$0x570] =	sst s10;
	s10 =	spop (v2sf)  }
0x1dd: {  	(v2sf) =	vpush v6, $0x0;
	[smem:$0x56F] =	sst s11;
	s11 =	smulhi.u32 $0x431BE2E9, s10;
	s10 =	sshra.s32 s10, $0x1F  }
0x1de: {  	s10 =	smul.u32 $0x431BE2E9, s10;
	_ =	sdelay $0x1  }
0x1df: {  	[smem:$0x572] =	sst s10;
	s10 =	spop (v2sf)  }
0x1e0: {  	(v2sf) =	vpush v6, $0x1;
	[smem:$0x571] =	sst s11;
	s11 =	smulhi.u32 $0x431BE2E9, s10;
	s10 =	sshra.s32 s10, $0x1F  }
0x1e1: {  	s10 =	smul.u32 $0x431BE2E9, s10;
	_ =	sdelay $0x1  }
0x1e2: {  	[smem:$0x574] =	sst s10;
	s10 =	spop (v2sf)  }
0x1e3: {  	(v2sf) =	vpush v6, $0x2;
	[smem:$0x573] =	sst s11;
	s11 =	smulhi.u32 $0x431BE2E9, s10;
	s10 =	sshra.s32 s10, $0x1F  }
0x1e4: {  	s10 =	smul.u32 $0x431BE2E9, s10;
	_ =	sdelay $0x1  }
0x1e5: {  	[smem:$0x576] =	sst s10;
	s10 =	spop (v2sf)  }
0x1e6: {  	(v2sf) =	vpush v6, $0x3;
	[smem:$0x575] =	sst s11;
	s11 =	smulhi.u32 $0x431BE2E9, s10;
	s10 =	sshra.s32 s10, $0x1F  }
0x1e7: {  	s10 =	smul.u32 $0x431BE2E9, s10;
	_ =	sdelay $0x1  }
0x1e8: {  	[smem:$0x578] =	sst s10;
	s10 =	spop (v2sf)  }
0x1e9: {  	(v2sf) =	vpush v6, $0x4;
	[smem:$0x577] =	sst s11;
	s11 =	smulhi.u32 $0x431BE2E9, s10;
	s10 =	sshra.s32 s10, $0x1F  }
0x1ea: {  	s10 =	smul.u32 $0x431BE2E9, s10;
	_ =	sdelay $0x1  }
0x1eb: {  	[smem:$0x57A] =	sst s10;
	s10 =	spop (v2sf)  }
0x1ec: {  	(v2sf) =	vpush v6, $0x5;
	[smem:$0x579] =	sst s11;
	s11 =	smulhi.u32 $0x431BE2E9, s10;
	s10 =	sshra.s32 s10, $0x1F  }
0x1ed: {  	s10 =	smul.u32 $0x431BE2E9, s10;
	_ =	sdelay $0x1  }
0x1ee: {  	v50 =	vld [tilespmem:$0x90];
	[smem:$0x57C] =	sst s10;
	s10 =	spop (v2sf)  }
0x1ef: {  	v51 =	vld [tilespmem:$0x290];
	(v2sf) =	vpush v6, $0x6;
	[smem:$0x57B] =	sst s11;
	s11 =	smulhi.u32 $0x431BE2E9, s10;
	s10 =	sshra.s32 s10, $0x1F  }
0x1f0: {  	s10 =	smul.u32 $0x431BE2E9, s10;
	_ =	sdelay $0x1  }
0x1f1: {  	[smem:$0x57E] =	sst s10;
	s10 =	spop (v2sf)  }
0x1f2: {  	(v2sf) =	vpush v6, $0x7;
	[smem:$0x57D] =	sst s11;
	s11 =	smulhi.u32 $0x431BE2E9, s10;
	s10 =	sshra.s32 s10, $0x1F  }
0x1f3: {  	v8 =	vmul.u32 $0x6A37, v51;
	v7 =	vmul.u32 $0x8DD9, v50;
	s10 =	smul.u32 $0x431BE2E9, s10;
	_ =	sdelay $0x1  }
0x1f4: {  	v7 =	vadd.s32 v7, v8;
	[smem:$0x580] =	sst s10;
	s10 =	spop (v2sf)  }
0x1f5: {  	(v2sf) =	vpush v7, $0xD;
	[smem:$0x57F] =	sst s11;
	s11 =	smulhi.u32 $0x431BE2E9, s10;
	s10 =	sshra.s32 s10, $0x1F  }
0x1f6: {  	s10 =	smul.u32 $0x431BE2E9, s10;
	_ =	sdelay $0x1  }
0x1f7: {  	[smem:$0x582] =	sst s10;
	s10 =	spop (v2sf)  }
0x1f8: {  	(v2sf) =	vpush v7, $0xC;
	[smem:$0x581] =	sst s11;
	s11 =	smulhi.u32 $0x431BE2E9, s10;
	s10 =	sshra.s32 s10, $0x1F  }
0x1f9: {  	s10 =	smul.u32 $0x431BE2E9, s10;
	_ =	sdelay $0x1  }
0x1fa: {  	[smem:$0x584] =	sst s10;
	s10 =	spop (v2sf)  }
0x1fb: {  	(v2sf) =	vpush v7, $0xE;
	[smem:$0x583] =	sst s11;
	s11 =	smulhi.u32 $0x431BE2E9, s10;
	s10 =	sshra.s32 s10, $0x1F  }
0x1fc: {  	s10 =	smul.u32 $0x431BE2E9, s10;
	_ =	sdelay $0x1  }
0x1fd: {  	[smem:$0x586] =	sst s10;
	s10 =	spop (v2sf)  }
0x1fe: {  	(v2sf) =	vpush v7, $0xF;
	[smem:$0x585] =	sst s11;
	s11 =	smulhi.u32 $0x431BE2E9, s10;
	s10 =	sshra.s32 s10, $0x1F  }
0x1ff: {  	s10 =	smul.u32 $0x431BE2E9, s10;
	_ =	sdelay $0x1  }
0x200: {  	[smem:$0x588] =	sst s10;
	s10 =	spop (v2sf)  }
0x201: {  	(v2sf) =	vpush v7, $0x9;
	[smem:$0x587] =	sst s11;
	s11 =	smulhi.u32 $0x431BE2E9, s10;
	s10 =	sshra.s32 s10, $0x1F  }
0x202: {  	s10 =	smul.u32 $0x431BE2E9, s10;
	_ =	sdelay $0x1  }
0x203: {  	[smem:$0x58A] =	sst s10;
	s10 =	spop (v2sf)  }
0x204: {  	(v2sf) =	vpush v7, $0x8;
	[smem:$0x589] =	sst s11;
	s11 =	smulhi.u32 $0x431BE2E9, s10;
	s10 =	sshra.s32 s10, $0x1F  }
0x205: {  	s10 =	smul.u32 $0x431BE2E9, s10;
	_ =	sdelay $0x1  }
0x206: {  	[smem:$0x58C] =	sst s10;
	s10 =	spop (v2sf)  }
0x207: {  	(v2sf) =	vpush v7, $0xA;
	[smem:$0x58B] =	sst s11;
	s11 =	smulhi.u32 $0x431BE2E9, s10;
	s10 =	sshra.s32 s10, $0x1F  }
0x208: {  	s10 =	smul.u32 $0x431BE2E9, s10;
	_ =	sdelay $0x1  }
0x209: {  	[smem:$0x58E] =	sst s10;
	s10 =	spop (v2sf)  }
0x20a: {  	[smem:$0x58D] =	sst s11;
	s11 =	smulhi.u32 $0x431BE2E9, s10;
	s10 =	sshra.s32 s10, $0x1F  }
0x20b: {  	s10 =	smul.u32 $0x431BE2E9, s10;
	_ =	sdelay $0x1  }
0x20c: {  	[smem:$0x590] =	sst s10;
	s10 =	spop (v2sf)  }
0x20d: {  	[smem:$0x58F] =	sst s11;
	s11 =	smulhi.u32 $0x431BE2E9, s10;
	s10 =	sshra.s32 s10, $0x1F  }
0x20e: {  	s10 =	smul.u32 $0x431BE2E9, s10;
	_ =	sdelay $0x1  }
0x20f: {  	[smem:$0x592] =	sst s10;
	s10 =	spop (v2sf)  }
0x210: {  	[smem:$0x591] =	sst s11;
	s11 =	smulhi.u32 $0x431BE2E9, s10;
	s10 =	sshra.s32 s10, $0x1F  }
0x211: {  	s10 =	smul.u32 $0x431BE2E9, s10;
	_ =	sdelay $0x1  }
0x212: {  	[smem:$0x594] =	sst s10;
	s10 =	spop (v2sf)  }
0x213: {  	s15 =	sadd.s32 s22, s15;
	[smem:$0x593] =	sst s11;
	s11 =	smulhi.u32 $0x431BE2E9, s10  }
0x214: {  	[smem:$0x5EB] =	sst s15  }
0x215: {  	[smem:$0x595] =	sst s11  }
0x216: {  	s22 =	sadd.s32 s23, s19;
	(v2sf) =	vpush v7, $0xB;
	s11 =	sld [smem:$0x506]  }
0x217: {  	s23 =	sadd.s32 s24, s20;
	[smem:$0x5EC] =	sst s22  }
0x218: {  	s25 =	sadd.s32 s28, s25;
	[smem:$0x5EF] =	sst s23;
	(v2sf) =	vpush v7, $0x0  }
0x219: {  	[smem:$0x5F2] =	sst s25;
	s11 =	sadd.s32 s21, s11  }
0x21a: {  	(v2sf) =	vpush v7, $0x1;
	[smem:$0x5E5] =	sst s11  }
0x21b: {  	s8 =	sadd.s32 s8, s26;
	s11 =	sld [smem:$0x507]  }
0x21c: {  	s1 =	sadd.s32 s1, s29;
	[smem:$0x5EA] =	sst s8;
	(v2sf) =	vpush v7, $0x2  }
0x21d: {  	s6 =	sadd.s32 s6, s30;
	[smem:$0x5ED] =	sst s1  }
0x21e: {  	[smem:$0x5EE] =	sst s6;
	(v2sf) =	vpush v7, $0x3;
	s11 =	sadd.s32 s16, s11  }
0x21f: {  	[smem:$0x5E6] =	sst s11  }
0x220: {  	s4 =	sadd.s32 s4, s31;
	(v2sf) =	vpush v7, $0x4;
	s11 =	sld [smem:$0x508]  }
0x221: {  	[smem:$0x5F0] =	sst s4  }
0x222: {  	s31 =	sld [smem:$0x50A];
	(v2sf) =	vpush v7, $0x5  }
0x223: {  	s25 =	sld [smem:$0x50C];
	s10 =	sshra.s32 s10, $0x1F;
	s11 =	sadd.s32 s17, s11  }
0x224: {  	(v2sf) =	vpush v7, $0x6;
	s21 =	smul.u32 $0x431BE2E9, s10;
	[smem:$0x5E7] =	sst s11  }
0x225: {  	s4 =	sadd.s32 s7, s31;
	s10 =	spop (v2sf);
	s11 =	sld [smem:$0x509]  }
0x226: {  	v52 =	vld [tilespmem:$0xA0];
	[smem:$0x5F1] =	sst s4;
	s16 =	smulhi.u32 $0x431BE2E9, s10;
	s10 =	sshra.s32 s10, $0x1F  }
0x227: {  	v54 =	vld [tilespmem:$0x2A0];
	s17 =	smul.u32 $0x431BE2E9, s10;
	s10 =	spop (v2sf)  }
0x228: {  	s11 =	sadd.s32 s18, s11;
	s18 =	smulhi.u32 $0x431BE2E9, s10;
	s10 =	sshra.s32 s10, $0x1F  }
0x229: {  	s2 =	sadd.s32 s2, s25;
	s15 =	smul.u32 $0x431BE2E9, s10;
	s10 =	spop (v2sf)  }
0x22a: {  	[smem:$0x5F4] =	sst s2;
	s19 =	smulhi.u32 $0x431BE2E9, s10;
	s10 =	sshra.s32 s10, $0x1F  }
0x22b: {  	s24 =	spop (v2sf);
	s20 =	smul.u32 $0x431BE2E9, s10  }
0x22c: {  	v9 =	vmul.u32 $0x6A37, v54;
	v8 =	vmul.u32 $0x8DD9, v52;
	(v2sf) =	vpush v7, $0x7;
	[smem:$0x5E8] =	sst s11;
	s11 =	smulhi.u32 $0x431BE2E9, s24;
	s10 =	sshra.s32 s24, $0x1F  }
0x22d: {  	s28 =	spop (v2sf);
	s22 =	smul.u32 $0x431BE2E9, s10  }
0x22e: {  	v8 =	vadd.s32 v8, v9;
	s24 =	sld [smem:$0x50B];
	s10 =	smulhi.u32 $0x431BE2E9, s28;
	s29 =	sshra.s32 s28, $0x1F  }
0x22f: {  	(v2sf) =	vpush v8, $0xD;
	s30 =	spop (v2sf);
	s8 =	smul.u32 $0x431BE2E9, s29  }
0x230: {  	s28 =	sld [smem:$0x50D];
	s6 =	smulhi.u32 $0x431BE2E9, s30  }
0x231: {  	s1 =	sshra.s32 s30, $0x1F;
	s23 =	spop (v2sf);
	s29 =	sld [smem:$0x50E]  }
0x232: {  	s30 =	sld [smem:$0x50F];
	s7 =	smul.u32 $0x431BE2E9, s1;
	s3 =	sadd.s32 s3, s24  }
0x233: {  	s4 =	smulhi.u32 $0x431BE2E9, s23;
	s1 =	sshra.s32 s23, $0x1F;
	s26 =	spop (v2sf)  }
0x234: {  	[smem:$0x5F3] =	sst s3;
	s23 =	smul.u32 $0x431BE2E9, s1;
	s2 =	sadd.s32 s5, s28  }
0x235: {  	s5 =	smulhi.u32 $0x431BE2E9, s26;
	s1 =	sshra.s32 s26, $0x1F;
	s26 =	sld [smem:$0x510]  }
0x236: {  	s28 =	sld [smem:$0x511]  }
0x237: {  	[smem:$0x5E9] =	sst s2  }
0x238: {  	(v2sf) =	vpush v8, $0xC;
	s2 =	sadd.s32 s30, s29;
	s29 =	sld [smem:$0x512]  }
0x239: {  	s30 =	sld [smem:$0x513]  }
0x23a: {  	[smem:$0x5F5] =	sst s2  }
0x23b: {  	s31 =	spop (v2sf);
	s2 =	sadd.s32 s28, s26;
	s26 =	sld [smem:$0x514]  }
0x23c: {  	s24 =	smul.u32 $0x431BE2E9, s1;
	[smem:$0x5F6] =	sst s2  }
0x23d: {  	s25 =	smulhi.u32 $0x431BE2E9, s31;
	s2 =	sadd.s32 s30, s29;
	s29 =	sld [smem:$0x515]  }
0x23e: {  	s1 =	sshra.s32 s31, $0x1F;
	s31 =	spop (v2sf);
	s30 =	sld [smem:$0x516]  }
0x23f: {  	s28 =	smul.u32 $0x431BE2E9, s1;
	[smem:$0x5F7] =	sst s2;
	s1 =	sshra.s32 s31, $0x1F  }
0x240: {  	(v2sf) =	vpush v8, $0xE;
	s2 =	sadd.s32 s29, s26;
	s26 =	smulhi.u32 $0x431BE2E9, s31;
	s31 =	sld [smem:$0x517]  }
0x241: {  	s29 =	sld [smem:$0x518]  }
0x242: {  	[smem:$0x5F9] =	sst s2  }
0x243: {  	s2 =	sadd.s32 s31, s30;
	s31 =	sld [smem:$0x519]  }
0x244: {  	s3 =	sld [smem:$0x51A]  }
0x245: {  	[smem:$0x5FB] =	sst s2  }
0x246: {  	s2 =	sadd.s32 s31, s29;
	s31 =	sld [smem:$0x51B]  }
0x247: {  	(v2sf) =	vpush v8, $0xF;
	s30 =	smul.u32 $0x431BE2E9, s1;
	s1 =	spop (v2sf)  }
0x248: {  	s29 =	smulhi.u32 $0x431BE2E9, s1;
	s1 =	sshra.s32 s1, $0x1F;
	[smem:$0x5FC] =	sst s2  }
0x249: {  	s1 =	smul.u32 $0x431BE2E9, s1;
	s2 =	sadd.s32 s31, s3;
	s3 =	sld [smem:$0x51C]  }
0x24a: {  	s31 =	sld [smem:$0x51D]  }
0x24b: {  	(v2sf) =	vpush v8, $0x9;
	[smem:$0x596] =	sst s1  }
0x24c: {  	[smem:$0x5FE] =	sst s2  }
0x24d: {  	s2 =	sadd.s32 s31, s3;
	s3 =	sld [smem:$0x51F]  }
0x24e: {  	[smem:$0x600] =	sst s2  }
0x24f: {  	s1 =	spop (v2sf);
	s2 =	sld [smem:$0x51E]  }
0x250: {  	s31 =	smulhi.u32 $0x431BE2E9, s1;
	s1 =	sshra.s32 s1, $0x1F  }
0x251: {  	s1 =	smul.u32 $0x431BE2E9, s1  }
0x252: {  	s2 =	sadd.s32 s3, s2;
	s3 =	sld [smem:$0x520]  }
0x253: {  	[smem:$0x597] =	sst s1  }
0x254: {  	[smem:$0x5FA] =	sst s2  }
0x255: {  	s0 =	smul.u32 $0x431BE2E9, s0;
	s2 =	sadd.s32 s9, s3;
	s9 =	sld [smem:$0x521]  }
0x256: {  	(v2sf) =	vpush v8, $0x8;
	s1 =	spop (v2sf);
	[smem:$0x5FD] =	sst s2  }
0x257: {  	s3 =	smulhi.u32 $0x431BE2E9, s1;
	s1 =	sshra.s32 s1, $0x1F;
	s2 =	sld [smem:$0x523]  }
0x258: {  	s0 =	sadd.s32 s0, s9;
	s9 =	smul.u32 $0x431BE2E9, s1;
	s1 =	sld [smem:$0x522]  }
0x259: {  	_ = 	snop  }
0x25a: {  	[smem:$0x5FF] =	sst s0;
	s0 =	spop (v2sf)  }
0x25b: {  	s1 =	sadd.s32 s2, s1;
	s2 =	smulhi.u32 $0x431BE2E9, s0;
	_ =	sdelay $0x1  }
0x25c: {  	[smem:$0x598] =	sst s2  }
0x25d: {  	s2 =	sld [smem:$0x524];
	_ =	sdelay $0x1  }
0x25e: {  	[smem:$0x601] =	sst s1  }
0x25f: {  	s1 =	sadd.s32 s2, s12;
	s2 =	sld [smem:$0x526]  }
0x260: {  	[smem:$0x602] =	sst s1  }
0x261: {  	s1 =	sld [smem:$0x525]  }
0x262: {  	s0 =	sshra.s32 s0, $0x1F  }
0x263: {  	s12 =	smul.u32 $0x431BE2E9, s0;
	s0 =	spop (v2sf)  }
0x264: {  	s1 =	sadd.s32 s2, s1;
	s2 =	smulhi.u32 $0x431BE2E9, s0  }
0x265: {  	(v2sf) =	vpush v8, $0xA  }
0x266: {  	[smem:$0x599] =	sst s2  }
0x267: {  	(v2sf) =	vpush v8, $0xB;
	s2 =	sld [smem:$0x527];
	_ =	sdelay $0x1  }
0x268: {  	[smem:$0x603] =	sst s1  }
0x269: {  	s1 =	sadd.s32 s2, s13;
	s2 =	sld [smem:$0x528]  }
0x26a: {  	s13 =	sld [smem:$0x529];
	_ =	sdelay $0x1  }
0x26b: {  	[smem:$0x604] =	sst s1  }
0x26c: {  	s1 =	sadd.s32 s13, s2;
	s2 =	sld [smem:$0x52A];
	_ =	sdelay $0x1  }
0x26d: {  	[smem:$0x5F8] =	sst s1  }
0x26e: {  	s0 =	sshra.s32 s0, $0x1F;
	s1 =	sadd.s32 s2, s14;
	s2 =	sld [smem:$0x52C]  }
0x26f: {  	s0 =	smul.u32 $0x431BE2E9, s0;
	[smem:$0x605] =	sst s1  }
0x270: {  	(v2sf) =	vpush v8, $0x0;
	s1 =	sld [smem:$0x52B]  }
0x271: {  	[smem:$0x59A] =	sst s0;
	s0 =	spop (v2sf)  }
0x272: {  	s13 =	smulhi.u32 $0x431BE2E9, s0;
	s0 =	sshra.s32 s0, $0x1F  }
0x273: {  	s14 =	smul.u32 $0x431BE2E9, s0;
	s0 =	spop (v2sf);
	s1 =	sadd.s32 s2, s1  }
0x274: {  	s2 =	smulhi.u32 $0x431BE2E9, s0;
	[smem:$0x606] =	sst s1  }
0x275: {  	s1 =	sld [smem:$0x52D]  }
0x276: {  	[smem:$0x59B] =	sst s2  }
0x277: {  	s2 =	sld [smem:$0x52E];
	_ =	sdelay $0x2  }
0x278: {  	s1 =	sadd.s32 s2, s1;
	s2 =	sld [smem:$0x530]  }
0x279: {  	[smem:$0x607] =	sst s1  }
0x27a: {  	(v2sf) =	vpush v8, $0x1;
	s0 =	sshra.s32 s0, $0x1F;
	s1 =	sld [smem:$0x52F]  }
0x27b: {  	s0 =	smul.u32 $0x431BE2E9, s0;
	_ =	sdelay $0x1  }
0x27c: {  	[smem:$0x59C] =	sst s0;
	s0 =	spop (v2sf);
	s1 =	sadd.s32 s2, s1  }
0x27d: {  	s2 =	smulhi.u32 $0x431BE2E9, s0;
	[smem:$0x609] =	sst s1  }
0x27e: {  	s1 =	sld [smem:$0x531]  }
0x27f: {  	[smem:$0x59D] =	sst s2  }
0x280: {  	s2 =	sld [smem:$0x532];
	_ =	sdelay $0x2  }
0x281: {  	s1 =	sadd.s32 s2, s1;
	s2 =	sld [smem:$0x534]  }
0x282: {  	[smem:$0x60B] =	sst s1  }
0x283: {  	(v2sf) =	vpush v8, $0x2;
	s0 =	sshra.s32 s0, $0x1F;
	s1 =	sld [smem:$0x533]  }
0x284: {  	s0 =	smul.u32 $0x431BE2E9, s0;
	_ =	sdelay $0x1  }
0x285: {  	[smem:$0x59E] =	sst s0;
	s0 =	spop (v2sf);
	s1 =	sadd.s32 s2, s1  }
0x286: {  	s2 =	smulhi.u32 $0x431BE2E9, s0;
	[smem:$0x60D] =	sst s1  }
0x287: {  	s1 =	sld [smem:$0x535]  }
0x288: {  	[smem:$0x59F] =	sst s2  }
0x289: {  	s2 =	sld [smem:$0x536];
	_ =	sdelay $0x2  }
0x28a: {  	s1 =	sadd.s32 s2, s1;
	s2 =	sld [smem:$0x538]  }
0x28b: {  	[smem:$0x60E] =	sst s1  }
0x28c: {  	(v2sf) =	vpush v8, $0x3;
	s0 =	sshra.s32 s0, $0x1F;
	s1 =	sld [smem:$0x537]  }
0x28d: {  	s0 =	smul.u32 $0x431BE2E9, s0;
	_ =	sdelay $0x1  }
0x28e: {  	[smem:$0x5A0] =	sst s0;
	s0 =	spop (v2sf);
	s1 =	sadd.s32 s2, s1  }
0x28f: {  	s2 =	smulhi.u32 $0x431BE2E9, s0;
	[smem:$0x610] =	sst s1  }
0x290: {  	s1 =	sld [smem:$0x539]  }
0x291: {  	[smem:$0x5A1] =	sst s2  }
0x292: {  	s2 =	sld [smem:$0x53A];
	_ =	sdelay $0x2  }
0x293: {  	s1 =	sadd.s32 s2, s1;
	s2 =	sld [smem:$0x53C]  }
0x294: {  	[smem:$0x60A] =	sst s1  }
0x295: {  	(v2sf) =	vpush v8, $0x4;
	s0 =	sshra.s32 s0, $0x1F;
	s1 =	sld [smem:$0x53B]  }
0x296: {  	s0 =	smul.u32 $0x431BE2E9, s0;
	_ =	sdelay $0x1  }
0x297: {  	[smem:$0x5A2] =	sst s0;
	s0 =	spop (v2sf);
	s1 =	sadd.s32 s2, s1  }
0x298: {  	s2 =	smulhi.u32 $0x431BE2E9, s0;
	[smem:$0x60C] =	sst s1  }
0x299: {  	s1 =	sld [smem:$0x53D]  }
0x29a: {  	[smem:$0x5A3] =	sst s2  }
0x29b: {  	s2 =	sld [smem:$0x53E];
	_ =	sdelay $0x2  }
0x29c: {  	s1 =	sadd.s32 s2, s1;
	s2 =	sld [smem:$0x540]  }
0x29d: {  	[smem:$0x60F] =	sst s1  }
0x29e: {  	(v2sf) =	vpush v8, $0x5;
	s0 =	sshra.s32 s0, $0x1F;
	s1 =	sld [smem:$0x53F]  }
0x29f: {  	s0 =	smul.u32 $0x431BE2E9, s0;
	_ =	sdelay $0x1  }
0x2a0: {  	[smem:$0x5A4] =	sst s0;
	s0 =	spop (v2sf);
	s1 =	sadd.s32 s2, s1  }
0x2a1: {  	s2 =	smulhi.u32 $0x431BE2E9, s0;
	[smem:$0x611] =	sst s1  }
0x2a2: {  	s1 =	sld [smem:$0x541]  }
0x2a3: {  	[smem:$0x5A5] =	sst s2  }
0x2a4: {  	s2 =	sld [smem:$0x542];
	_ =	sdelay $0x2  }
0x2a5: {  	s1 =	sadd.s32 s2, s1;
	s2 =	sld [smem:$0x544]  }
0x2a6: {  	[smem:$0x612] =	sst s1  }
0x2a7: {  	(v2sf) =	vpush v8, $0x6;
	s0 =	sshra.s32 s0, $0x1F;
	s1 =	sld [smem:$0x543]  }
0x2a8: {  	s0 =	smul.u32 $0x431BE2E9, s0;
	_ =	sdelay $0x1  }
0x2a9: {  	[smem:$0x5A6] =	sst s0;
	s0 =	spop (v2sf);
	s1 =	sadd.s32 s2, s1  }
0x2aa: {  	s2 =	smulhi.u32 $0x431BE2E9, s0;
	[smem:$0x613] =	sst s1  }
0x2ab: {  	s1 =	sld [smem:$0x545]  }
0x2ac: {  	[smem:$0x5A7] =	sst s2  }
0x2ad: {  	s2 =	sld [smem:$0x546];
	_ =	sdelay $0x2  }
0x2ae: {  	s1 =	sadd.s32 s2, s1;
	s2 =	sld [smem:$0x548]  }
0x2af: {  	[smem:$0x614] =	sst s1  }
0x2b0: {  	(v2sf) =	vpush v8, $0x7;
	s0 =	sshra.s32 s0, $0x1F;
	s1 =	sld [smem:$0x547]  }
0x2b1: {  	s0 =	smul.u32 $0x431BE2E9, s0;
	_ =	sdelay $0x1  }
0x2b2: {  	v55 =	vld [tilespmem:$0xB0];
	[smem:$0x5A8] =	sst s0;
	s0 =	spop (v2sf);
	s1 =	sadd.s32 s2, s1  }
0x2b3: {  	v56 =	vld [tilespmem:$0x2B0];
	s2 =	smulhi.u32 $0x431BE2E9, s0;
	[smem:$0x608] =	sst s1  }
0x2b4: {  	s1 =	sld [smem:$0x549]  }
0x2b5: {  	[smem:$0x5A9] =	sst s2  }
0x2b6: {  	s2 =	sld [smem:$0x54A];
	_ =	sdelay $0x1  }
0x2b7: {  	v10 =	vmul.u32 $0x6A37, v56;
	v9 =	vmul.u32 $0x8DD9, v55  }
0x2b8: {  	s1 =	sadd.s32 s2, s1;
	s2 =	sld [smem:$0x54C]  }
0x2b9: {  	v9 =	vadd.s32 v9, v10;
	[smem:$0x615] =	sst s1  }
0x2ba: {  	(v2sf) =	vpush v9, $0xD;
	s0 =	sshra.s32 s0, $0x1F;
	s1 =	sld [smem:$0x54B]  }
0x2bb: {  	s0 =	smul.u32 $0x431BE2E9, s0;
	_ =	sdelay $0x1  }
0x2bc: {  	[smem:$0x5AA] =	sst s0;
	s0 =	spop (v2sf);
	s1 =	sadd.s32 s2, s1  }
0x2bd: {  	s2 =	smulhi.u32 $0x431BE2E9, s0;
	[smem:$0x616] =	sst s1  }
0x2be: {  	s1 =	sld [smem:$0x54D]  }
0x2bf: {  	[smem:$0x5AB] =	sst s2  }
0x2c0: {  	s2 =	sld [smem:$0x54E];
	_ =	sdelay $0x2  }
0x2c1: {  	s1 =	sadd.s32 s2, s1;
	s2 =	sld [smem:$0x550]  }
0x2c2: {  	[smem:$0x617] =	sst s1  }
0x2c3: {  	(v2sf) =	vpush v9, $0xC;
	s0 =	sshra.s32 s0, $0x1F;
	s1 =	sld [smem:$0x54F]  }
0x2c4: {  	s0 =	smul.u32 $0x431BE2E9, s0;
	_ =	sdelay $0x1  }
0x2c5: {  	[smem:$0x5AC] =	sst s0;
	s0 =	spop (v2sf);
	s1 =	sadd.s32 s2, s1  }
0x2c6: {  	s2 =	smulhi.u32 $0x431BE2E9, s0;
	[smem:$0x618] =	sst s1  }
0x2c7: {  	s1 =	sld [smem:$0x551]  }
0x2c8: {  	[smem:$0x5AD] =	sst s2  }
0x2c9: {  	s2 =	sld [smem:$0x552];
	_ =	sdelay $0x2  }
0x2ca: {  	s1 =	sadd.s32 s2, s1;
	s2 =	sld [smem:$0x554]  }
0x2cb: {  	[smem:$0x619] =	sst s1  }
0x2cc: {  	(v2sf) =	vpush v9, $0xE;
	s0 =	sshra.s32 s0, $0x1F;
	s1 =	sld [smem:$0x553]  }
0x2cd: {  	s0 =	smul.u32 $0x431BE2E9, s0;
	_ =	sdelay $0x1  }
0x2ce: {  	[smem:$0x5AE] =	sst s0;
	s0 =	spop (v2sf);
	s1 =	sadd.s32 s2, s1  }
0x2cf: {  	s2 =	smulhi.u32 $0x431BE2E9, s0;
	[smem:$0x61B] =	sst s1  }
0x2d0: {  	s1 =	sld [smem:$0x555]  }
0x2d1: {  	[smem:$0x5AF] =	sst s2  }
0x2d2: {  	s2 =	sld [smem:$0x556];
	_ =	sdelay $0x2  }
0x2d3: {  	s1 =	sadd.s32 s2, s1;
	s2 =	sld [smem:$0x558]  }
0x2d4: {  	[smem:$0x61D] =	sst s1  }
0x2d5: {  	(v2sf) =	vpush v9, $0xF;
	s0 =	sshra.s32 s0, $0x1F;
	s1 =	sld [smem:$0x557]  }
0x2d6: {  	s0 =	smul.u32 $0x431BE2E9, s0;
	_ =	sdelay $0x1  }
0x2d7: {  	[smem:$0x5B0] =	sst s0;
	s0 =	spop (v2sf);
	s1 =	sadd.s32 s2, s1  }
0x2d8: {  	s2 =	smulhi.u32 $0x431BE2E9, s0;
	[smem:$0x61F] =	sst s1  }
0x2d9: {  	s1 =	sld [smem:$0x559]  }
0x2da: {  	[smem:$0x5B1] =	sst s2  }
0x2db: {  	s2 =	sld [smem:$0x55A];
	_ =	sdelay $0x2  }
0x2dc: {  	s1 =	sadd.s32 s2, s1;
	s2 =	sld [smem:$0x55C]  }
0x2dd: {  	[smem:$0x61C] =	sst s1  }
0x2de: {  	(v2sf) =	vpush v9, $0x9;
	s0 =	sshra.s32 s0, $0x1F;
	s1 =	sld [smem:$0x55B]  }
0x2df: {  	s0 =	smul.u32 $0x431BE2E9, s0;
	_ =	sdelay $0x1  }
0x2e0: {  	[smem:$0x5B2] =	sst s0;
	s0 =	spop (v2sf);
	s1 =	sadd.s32 s2, s1  }
0x2e1: {  	s2 =	smulhi.u32 $0x431BE2E9, s0;
	[smem:$0x61E] =	sst s1  }
0x2e2: {  	s1 =	sld [smem:$0x55D]  }
0x2e3: {  	[smem:$0x5B3] =	sst s2  }
0x2e4: {  	s2 =	sld [smem:$0x55E];
	_ =	sdelay $0x2  }
0x2e5: {  	s1 =	sadd.s32 s2, s1;
	s2 =	sld [smem:$0x560]  }
0x2e6: {  	[smem:$0x620] =	sst s1  }
0x2e7: {  	(v2sf) =	vpush v9, $0x8;
	s0 =	sshra.s32 s0, $0x1F;
	s1 =	sld [smem:$0x55F]  }
0x2e8: {  	s0 =	smul.u32 $0x431BE2E9, s0;
	_ =	sdelay $0x1  }
0x2e9: {  	[smem:$0x5B4] =	sst s0;
	s0 =	spop (v2sf);
	s1 =	sadd.s32 s2, s1  }
0x2ea: {  	s2 =	smulhi.u32 $0x431BE2E9, s0;
	[smem:$0x621] =	sst s1  }
0x2eb: {  	s1 =	sld [smem:$0x561]  }
0x2ec: {  	[smem:$0x5B5] =	sst s2  }
0x2ed: {  	s2 =	sld [smem:$0x562];
	_ =	sdelay $0x2  }
0x2ee: {  	s1 =	sadd.s32 s2, s1;
	s2 =	sld [smem:$0x564]  }
0x2ef: {  	[smem:$0x622] =	sst s1  }
0x2f0: {  	(v2sf) =	vpush v9, $0xA;
	s0 =	sshra.s32 s0, $0x1F;
	s1 =	sld [smem:$0x563]  }
0x2f1: {  	s0 =	smul.u32 $0x431BE2E9, s0;
	_ =	sdelay $0x1  }
0x2f2: {  	[smem:$0x5B6] =	sst s0;
	s0 =	spop (v2sf);
	s1 =	sadd.s32 s2, s1  }
0x2f3: {  	s2 =	smulhi.u32 $0x431BE2E9, s0;
	[smem:$0x623] =	sst s1  }
0x2f4: {  	s1 =	sld [smem:$0x565]  }
0x2f5: {  	[smem:$0x5B7] =	sst s2  }
0x2f6: {  	s2 =	sld [smem:$0x566];
	_ =	sdelay $0x2  }
0x2f7: {  	s1 =	sadd.s32 s2, s1;
	s2 =	sld [smem:$0x568]  }
0x2f8: {  	[smem:$0x624] =	sst s1  }
0x2f9: {  	(v2sf) =	vpush v9, $0xB;
	s0 =	sshra.s32 s0, $0x1F;
	s1 =	sld [smem:$0x567]  }
0x2fa: {  	s0 =	smul.u32 $0x431BE2E9, s0;
	_ =	sdelay $0x1  }
0x2fb: {  	[smem:$0x5B8] =	sst s0;
	s0 =	spop (v2sf);
	s1 =	sadd.s32 s2, s1  }
0x2fc: {  	s2 =	smulhi.u32 $0x431BE2E9, s0;
	[smem:$0x61A] =	sst s1  }
0x2fd: {  	s1 =	sld [smem:$0x569]  }
0x2fe: {  	[smem:$0x5B9] =	sst s2  }
0x2ff: {  	s2 =	sld [smem:$0x56A];
	_ =	sdelay $0x2  }
0x300: {  	s1 =	sadd.s32 s2, s1;
	s2 =	sld [smem:$0x56C]  }
0x301: {  	[smem:$0x625] =	sst s1  }
0x302: {  	(v2sf) =	vpush v9, $0x0;
	s0 =	sshra.s32 s0, $0x1F;
	s1 =	sld [smem:$0x56B]  }
0x303: {  	s0 =	smul.u32 $0x431BE2E9, s0;
	_ =	sdelay $0x1  }
0x304: {  	[smem:$0x5BA] =	sst s0;
	s0 =	spop (v2sf);
	s1 =	sadd.s32 s2, s1  }
0x305: {  	s2 =	smulhi.u32 $0x431BE2E9, s0;
	[smem:$0x626] =	sst s1  }
0x306: {  	s1 =	sld [smem:$0x56D]  }
0x307: {  	[smem:$0x5BB] =	sst s2  }
0x308: {  	s2 =	sld [smem:$0x56E];
	_ =	sdelay $0x2  }
0x309: {  	s1 =	sadd.s32 s2, s1;
	s2 =	sld [smem:$0x570]  }
0x30a: {  	(v2sf) =	vpush v9, $0x1;
	[smem:$0x627] =	sst s1  }
0x30b: {  	s0 =	sshra.s32 s0, $0x1F;
	s1 =	sld [smem:$0x56F]  }
0x30c: {  	s0 =	smul.u32 $0x431BE2E9, s0;
	_ =	sdelay $0x1  }
0x30d: {  	[smem:$0x5BC] =	sst s0;
	s0 =	spop (v2sf);
	s1 =	sadd.s32 s2, s1  }
0x30e: {  	s2 =	smulhi.u32 $0x431BE2E9, s0;
	[smem:$0x628] =	sst s1  }
0x30f: {  	s1 =	sld [smem:$0x571]  }
0x310: {  	[smem:$0x5BD] =	sst s2  }
0x311: {  	v57 =	vld [tilespmem:$0xC0];
	s2 =	sld [smem:$0x572]  }
0x312: {  	v58 =	vld [tilespmem:$0x2C0];
	_ =	sdelay $0x1  }
0x313: {  	(v2sf) =	vpush v9, $0x2;
	s1 =	sadd.s32 s2, s1;
	s2 =	sld [smem:$0x574]  }
0x314: {  	(v2sf) =	vpush v9, $0x3;
	s0 =	sshra.s32 s0, $0x1F;
	[smem:$0x629] =	sst s1  }
0x315: {  	(v2sf) =	vpush v9, $0x4;
	s0 =	smul.u32 $0x431BE2E9, s0;
	s1 =	sld [smem:$0x573]  }
0x316: {  	v11 =	vmul.u32 $0x6A37, v58;
	v10 =	vmul.u32 $0x8DD9, v57;
	(v2sf) =	vpush v9, $0x5  }
0x317: {  	(v2sf) =	vpush v9, $0x6;
	[smem:$0x5BE] =	sst s0;
	s0 =	spop (v2sf)  }
0x318: {  	v10 =	vadd.s32 v10, v11;
	(v2sf) =	vpush v9, $0x7;
	s1 =	sadd.s32 s2, s1;
	s2 =	smulhi.u32 $0x431BE2E9, s0  }
0x319: {  	(v2sf) =	vpush v10, $0xD;
	[smem:$0x62B] =	sst s1  }
0x31a: {  	[smem:$0x5BF] =	sst s2  }
0x31b: {  	s1 =	sld [smem:$0x575]  }
0x31c: {  	s2 =	sld [smem:$0x576];
	_ =	sdelay $0x2  }
0x31d: {  	s1 =	sadd.s32 s2, s1;
	s2 =	sld [smem:$0x578]  }
0x31e: {  	[smem:$0x62D] =	sst s1  }
0x31f: {  	s0 =	sshra.s32 s0, $0x1F;
	s1 =	sld [smem:$0x577]  }
0x320: {  	s0 =	smul.u32 $0x431BE2E9, s0;
	_ =	sdelay $0x1  }
0x321: {  	[smem:$0x5C0] =	sst s0;
	s0 =	spop (v2sf);
	s1 =	sadd.s32 s2, s1  }
0x322: {  	s2 =	smulhi.u32 $0x431BE2E9, s0;
	[smem:$0x62F] =	sst s1  }
0x323: {  	s1 =	sld [smem:$0x579]  }
0x324: {  	[smem:$0x5C1] =	sst s2  }
0x325: {  	s2 =	sld [smem:$0x57A];
	_ =	sdelay $0x2  }
0x326: {  	s1 =	sadd.s32 s2, s1;
	s2 =	sld [smem:$0x57C]  }
0x327: {  	[smem:$0x62C] =	sst s1  }
0x328: {  	s0 =	sshra.s32 s0, $0x1F;
	s1 =	sld [smem:$0x57B]  }
0x329: {  	s0 =	smul.u32 $0x431BE2E9, s0;
	_ =	sdelay $0x1  }
0x32a: {  	[smem:$0x5C2] =	sst s0;
	s0 =	spop (v2sf);
	s1 =	sadd.s32 s2, s1  }
0x32b: {  	s2 =	smulhi.u32 $0x431BE2E9, s0;
	[smem:$0x62E] =	sst s1  }
0x32c: {  	s1 =	sld [smem:$0x57D]  }
0x32d: {  	[smem:$0x5C3] =	sst s2  }
0x32e: {  	s2 =	sld [smem:$0x57E];
	_ =	sdelay $0x2  }
0x32f: {  	s1 =	sadd.s32 s2, s1;
	s2 =	sld [smem:$0x580]  }
0x330: {  	[smem:$0x630] =	sst s1  }
0x331: {  	s0 =	sshra.s32 s0, $0x1F;
	s1 =	sld [smem:$0x57F]  }
0x332: {  	s0 =	smul.u32 $0x431BE2E9, s0;
	_ =	sdelay $0x1  }
0x333: {  	[smem:$0x5C4] =	sst s0;
	s0 =	spop (v2sf);
	s1 =	sadd.s32 s2, s1  }
0x334: {  	s2 =	smulhi.u32 $0x431BE2E9, s0;
	[smem:$0x631] =	sst s1  }
0x335: {  	s1 =	sld [smem:$0x581]  }
0x336: {  	[smem:$0x5C5] =	sst s2  }
0x337: {  	s2 =	sld [smem:$0x582];
	_ =	sdelay $0x2  }
0x338: {  	s1 =	sadd.s32 s2, s1;
	s2 =	sld [smem:$0x584]  }
0x339: {  	[smem:$0x632] =	sst s1  }
0x33a: {  	s0 =	sshra.s32 s0, $0x1F;
	s1 =	sld [smem:$0x583]  }
0x33b: {  	s0 =	smul.u32 $0x431BE2E9, s0;
	_ =	sdelay $0x1  }
0x33c: {  	[smem:$0x5C6] =	sst s0;
	s0 =	spop (v2sf);
	s1 =	sadd.s32 s2, s1  }
0x33d: {  	s2 =	smulhi.u32 $0x431BE2E9, s0;
	[smem:$0x633] =	sst s1  }
0x33e: {  	s1 =	sld [smem:$0x585]  }
0x33f: {  	[smem:$0x5C7] =	sst s2  }
0x340: {  	s2 =	sld [smem:$0x586];
	_ =	sdelay $0x2  }
0x341: {  	s1 =	sadd.s32 s2, s1;
	s2 =	sld [smem:$0x588]  }
0x342: {  	[smem:$0x634] =	sst s1  }
0x343: {  	s0 =	sshra.s32 s0, $0x1F;
	s1 =	sld [smem:$0x587]  }
0x344: {  	s20 =	sadd.s32 s20, s19;
	s0 =	smul.u32 $0x431BE2E9, s0  }
0x345: {  	[smem:$0x63E] =	sst s20  }
0x346: {  	[smem:$0x5C8] =	sst s0;
	s0 =	spop (v2sf);
	s1 =	sadd.s32 s2, s1  }
0x347: {  	s2 =	smulhi.u32 $0x431BE2E9, s0;
	[smem:$0x62A] =	sst s1  }
0x348: {  	s1 =	sld [smem:$0x589]  }
0x349: {  	[smem:$0x5C9] =	sst s2  }
0x34a: {  	s22 =	sadd.s32 s22, s11;
	s2 =	sld [smem:$0x58A]  }
0x34b: {  	s10 =	sadd.s32 s8, s10;
	[smem:$0x640] =	sst s22  }
0x34c: {  	[smem:$0x641] =	sst s10  }
0x34d: {  	s1 =	sadd.s32 s2, s1;
	s2 =	sld [smem:$0x58C]  }
0x34e: {  	[smem:$0x635] =	sst s1  }
0x34f: {  	s11 =	sadd.s32 s7, s6;
	s0 =	sshra.s32 s0, $0x1F;
	s1 =	sld [smem:$0x58B]  }
0x350: {  	s19 =	sadd.s32 s28, s25;
	[smem:$0x642] =	sst s11;
	s0 =	smul.u32 $0x431BE2E9, s0  }
0x351: {  	[smem:$0x639] =	sst s19  }
0x352: {  	[smem:$0x5CA] =	sst s0;
	s0 =	spop (v2sf);
	s1 =	sadd.s32 s2, s1  }
0x353: {  	s2 =	smulhi.u32 $0x431BE2E9, s0;
	[smem:$0x636] =	sst s1  }
0x354: {  	s1 =	sld [smem:$0x58D]  }
0x355: {  	[smem:$0x5CB] =	sst s2  }
0x356: {  	s20 =	sadd.s32 s30, s26;
	s2 =	sld [smem:$0x58E]  }
0x357: {  	[smem:$0x645] =	sst s20  }
0x358: {  	s22 =	sld [smem:$0x596]  }
0x359: {  	s1 =	sadd.s32 s2, s1;
	s2 =	sld [smem:$0x590]  }
0x35a: {  	(v2sf) =	vpush v10, $0xC;
	[smem:$0x637] =	sst s1  }
0x35b: {  	s26 =	sadd.s32 s9, s3;
	s0 =	sshra.s32 s0, $0x1F;
	s1 =	sld [smem:$0x58F]  }
0x35c: {  	[smem:$0x648] =	sst s26;
	s0 =	smul.u32 $0x431BE2E9, s0  }
0x35d: {  	s28 =	sld [smem:$0x598]  }
0x35e: {  	[smem:$0x5CC] =	sst s0;
	s0 =	spop (v2sf);
	s1 =	sadd.s32 s2, s1  }
0x35f: {  	s2 =	smulhi.u32 $0x431BE2E9, s0;
	[smem:$0x638] =	sst s1  }
0x360: {  	s1 =	sld [smem:$0x591]  }
0x361: {  	[smem:$0x5CD] =	sst s2  }
0x362: {  	s2 =	sld [smem:$0x592]  }
0x363: {  	s9 =	sadd.s32 s14, s13;
	s30 =	sld [smem:$0x599]  }
0x364: {  	[smem:$0x64B] =	sst s9  }
0x365: {  	(v2sf) =	vpush v10, $0xE;
	s1 =	sadd.s32 s2, s1;
	s2 =	sld [smem:$0x594]  }
0x366: {  	s0 =	sshra.s32 s0, $0x1F;
	[smem:$0x63A] =	sst s1  }
0x367: {  	(v2sf) =	vpush v10, $0xF;
	s0 =	smul.u32 $0x431BE2E9, s0;
	s1 =	sld [smem:$0x593]  }
0x368: {  	s11 =	sld [smem:$0x59B]  }
0x369: {  	[smem:$0x5CE] =	sst s0;
	s0 =	spop (v2sf)  }
0x36a: {  	s14 =	sld [smem:$0x59D];
	s1 =	sadd.s32 s2, s1;
	s2 =	smulhi.u32 $0x431BE2E9, s0  }
0x36b: {  	s20 =	sld [smem:$0x5A1]  }
0x36c: {  	[smem:$0x5CF] =	sst s2  }
0x36d: {  	s0 =	sshra.s32 s0, $0x1F;
	s2 =	sld [smem:$0x595]  }
0x36e: {  	s26 =	sld [smem:$0x5A5];
	(v2sf) =	vpush v10, $0x9;
	s0 =	smul.u32 $0x431BE2E9, s0  }
0x36f: {  	(v2sf) =	vpush v10, $0x8;
	[smem:$0x63C] =	sst s1  }
0x370: {  	[smem:$0x5D0] =	sst s0;
	s1 =	sadd.s32 s21, s2  }
0x371: {  	s2 =	sadd.s32 s17, s16;
	[smem:$0x63D] =	sst s1  }
0x372: {  	(v2sf) =	vpush v10, $0xA;
	s17 =	sadd.s32 s15, s18;
	[smem:$0x63F] =	sst s2  }
0x373: {  	(v2sf) =	vpush v10, $0xB;
	[smem:$0x63B] =	sst s17  }
0x374: {  	s21 =	spop (v2sf);
	s17 =	sadd.s32 s24, s5;
	s24 =	sld [smem:$0x597]  }
0x375: {  	s16 =	smulhi.u32 $0x431BE2E9, s21;
	s1 =	sadd.s32 s22, s29;
	[smem:$0x644] =	sst s17  }
0x376: {  	s0 =	sshra.s32 s21, $0x1F;
	s18 =	spop (v2sf);
	[smem:$0x646] =	sst s1  }
0x377: {  	s0 =	smul.u32 $0x431BE2E9, s0;
	s17 =	sld [smem:$0x59F]  }
0x378: {  	s21 =	smulhi.u32 $0x431BE2E9, s18;
	[smem:$0x5D1] =	sst s16  }
0x379: {  	(v2sf) =	vpush v10, $0x0;
	[smem:$0x5D2] =	sst s0  }
0x37a: {  	(v2sf) =	vpush v10, $0x1;
	s16 =	sadd.s32 s23, s4;
	[smem:$0x5D3] =	sst s21  }
0x37b: {  	[smem:$0x643] =	sst s16  }
0x37c: {  	s1 =	sadd.s32 s24, s31;
	s31 =	sld [smem:$0x59A]  }
0x37d: {  	s2 =	spop (v2sf);
	s24 =	sld [smem:$0x5A4]  }
0x37e: {  	s15 =	spop (v2sf);
	[smem:$0x647] =	sst s1  }
0x37f: {  	s0 =	sshra.s32 s18, $0x1F;
	s1 =	sadd.s32 s12, s28;
	s12 =	sld [smem:$0x59C]  }
0x380: {  	s0 =	smul.u32 $0x431BE2E9, s0;
	s28 =	sld [smem:$0x5A6]  }
0x381: {  	s18 =	spop (v2sf);
	[smem:$0x649] =	sst s1  }
0x382: {  	s21 =	spop (v2sf);
	[smem:$0x5D4] =	sst s0  }
0x383: {  	s23 =	smulhi.u32 $0x431BE2E9, s21;
	s1 =	sadd.s32 s31, s30;
	s30 =	sld [smem:$0x5A7]  }
0x384: {  	s8 =	smulhi.u32 $0x431BE2E9, s2;
	s31 =	sld [smem:$0x5A8]  }
0x385: {  	s4 =	smulhi.u32 $0x431BE2E9, s15;
	[smem:$0x5D6] =	sst s23  }
0x386: {  	s5 =	smulhi.u32 $0x431BE2E9, s18;
	s0 =	sshra.s32 s2, $0x1F;
	[smem:$0x64A] =	sst s1  }
0x387: {  	s6 =	smul.u32 $0x431BE2E9, s0;
	s0 =	sshra.s32 s15, $0x1F;
	s15 =	sld [smem:$0x59E]  }
0x388: {  	(v2sf) =	vpush v10, $0x2;
	s25 =	spop (v2sf);
	s23 =	sld [smem:$0x5A3]  }
0x389: {  	s29 =	spop (v2sf);
	s1 =	sadd.s32 s12, s11;
	s11 =	sld [smem:$0x5AA]  }
0x38a: {  	s2 =	smulhi.u32 $0x431BE2E9, s29;
	[smem:$0x64E] =	sst s1  }
0x38b: {  	s7 =	smul.u32 $0x431BE2E9, s0;
	s0 =	sshra.s32 s18, $0x1F;
	s18 =	sld [smem:$0x5A0]  }
0x38c: {  	[smem:$0x5D9] =	sst s2  }
0x38d: {  	s0 =	smul.u32 $0x431BE2E9, s0;
	s2 =	sld [smem:$0x5C1]  }
0x38e: {  	(v2sf) =	vpush v10, $0x3;
	s1 =	sadd.s32 s15, s14;
	s14 =	sld [smem:$0x5AC]  }
0x38f: {  	[smem:$0x5D5] =	sst s0  }
0x390: {  	[smem:$0x64D] =	sst s1  }
0x391: {  	(v2sf) =	vpush v10, $0x4;
	s0 =	sshra.s32 s21, $0x1F;
	s21 =	sld [smem:$0x5A2]  }
0x392: {  	s1 =	sadd.s32 s18, s17;
	s17 =	sld [smem:$0x5AE];
	s0 =	smul.u32 $0x431BE2E9, s0  }
0x393: {  	(v2sf) =	vpush v10, $0x5;
	[smem:$0x64F] =	sst s1  }
0x394: {  	[smem:$0x5D7] =	sst s0  }
0x395: {  	s1 =	sadd.s32 s21, s20;
	s20 =	sld [smem:$0x5B0]  }
0x396: {  	(v2sf) =	vpush v10, $0x6;
	s0 =	sshra.s32 s25, $0x1F;
	[smem:$0x650] =	sst s1  }
0x397: {  	s10 =	spop (v2sf);
	s1 =	sadd.s32 s24, s23;
	s23 =	sld [smem:$0x5B2]  }
0x398: {  	(v2sf) =	vpush v10, $0x7;
	s0 =	smul.u32 $0x431BE2E9, s0;
	[smem:$0x651] =	sst s1  }
0x399: {  	s13 =	smulhi.u32 $0x431BE2E9, s10;
	s1 =	sadd.s32 s28, s26;
	s28 =	sld [smem:$0x5B4]  }
0x39a: {  	[smem:$0x5D8] =	sst s0  }
0x39b: {  	[smem:$0x5DB] =	sst s13  }
0x39c: {  	[smem:$0x652] =	sst s1  }
0x39d: {  	s16 =	spop (v2sf);
	s13 =	sld [smem:$0x5AB]  }
0x39e: {  	s19 =	smulhi.u32 $0x431BE2E9, s16;
	s1 =	sadd.s32 s31, s30;
	s30 =	sld [smem:$0x5B5]  }
0x39f: {  	s3 =	smulhi.u32 $0x431BE2E9, s25;
	s31 =	sld [smem:$0x5B6]  }
0x3a0: {  	s22 =	spop (v2sf);
	[smem:$0x5DD] =	sst s19  }
0x3a1: {  	s25 =	smulhi.u32 $0x431BE2E9, s22;
	[smem:$0x653] =	sst s1  }
0x3a2: {  	s0 =	sshra.s32 s29, $0x1F;
	s29 =	spop (v2sf);
	s19 =	sld [smem:$0x5AF]  }
0x3a3: {  	s0 =	smul.u32 $0x431BE2E9, s0;
	[smem:$0x5DF] =	sst s25  }
0x3a4: {  	s9 =	smulhi.u32 $0x431BE2E9, s29;
	s25 =	sld [smem:$0x5B3]  }
0x3a5: {  	v59 =	vld [tilespmem:$0xD0];
	s12 =	spop (v2sf);
	[smem:$0x5DA] =	sst s0  }
0x3a6: {  	v60 =	vld [tilespmem:$0x2D0];
	s15 =	smulhi.u32 $0x431BE2E9, s12;
	[smem:$0x5E1] =	sst s9  }
0x3a7: {  	s18 =	spop (v2sf);
	s0 =	sshra.s32 s10, $0x1F;
	s10 =	sld [smem:$0x5A9]  }
0x3a8: {  	s21 =	smulhi.u32 $0x431BE2E9, s18;
	[smem:$0x5E2] =	sst s15  }
0x3a9: {  	s0 =	smul.u32 $0x431BE2E9, s0;
	s15 =	sld [smem:$0x5BB]  }
0x3aa: {  	[smem:$0x5E4] =	sst s21  }
0x3ab: {  	v11 =	vmul.u32 $0x8DD9, v59;
	v12 =	vmul.u32 $0x6A37, v60;
	[smem:$0x5DC] =	sst s0  }
0x3ac: {  	s0 =	sshra.s32 s16, $0x1F;
	s16 =	sld [smem:$0x5AD]  }
0x3ad: {  	v11 =	vadd.s32 v11, v12;
	s1 =	sadd.s32 s11, s10;
	s10 =	sld [smem:$0x5B7]  }
0x3ae: {  	(v2sf) =	vpush v11, $0xD;
	s11 =	sld [smem:$0x5B8]  }
0x3af: {  	[smem:$0x654] =	sst s1  }
0x3b0: {  	(v2sf) =	vpush v11, $0xC;
	s0 =	smul.u32 $0x431BE2E9, s0;
	s1 =	sadd.s32 s14, s13;
	s13 =	sld [smem:$0x5BA]  }
0x3b1: {  	(v2sf) =	vpush v11, $0xE;
	[smem:$0x64C] =	sst s1  }
0x3b2: {  	[smem:$0x5DE] =	sst s0  }
0x3b3: {  	s0 =	sshra.s32 s22, $0x1F;
	s22 =	sld [smem:$0x5B1]  }
0x3b4: {  	s1 =	sadd.s32 s17, s16;
	s16 =	sld [smem:$0x5BC]  }
0x3b5: {  	s17 =	sld [smem:$0x5BD]  }
0x3b6: {  	s0 =	smul.u32 $0x431BE2E9, s0;
	[smem:$0x655] =	sst s1;
	s1 =	sadd.s32 s20, s19  }
0x3b7: {  	[smem:$0x656] =	sst s1  }
0x3b8: {  	[smem:$0x5E0] =	sst s0;
	s0 =	sshra.s32 s29, $0x1F;
	s1 =	sadd.s32 s23, s22  }
0x3b9: {  	s29 =	smul.u32 $0x431BE2E9, s0;
	[smem:$0x657] =	sst s1  }
0x3ba: {  	(v2sf) =	vpush v11, $0xF;
	s0 =	sshra.s32 s12, $0x1F;
	s1 =	sadd.s32 s28, s25;
	s12 =	sld [smem:$0x5B9]  }
0x3bb: {  	[smem:$0x658] =	sst s1  }
0x3bc: {  	(v2sf) =	vpush v11, $0x9;
	s1 =	sadd.s32 s31, s30;
	s30 =	sld [smem:$0x5BF]  }
0x3bd: {  	(v2sf) =	vpush v11, $0x8;
	s24 =	spop (v2sf);
	s31 =	sld [smem:$0x5C0]  }
0x3be: {  	s0 =	smul.u32 $0x431BE2E9, s0;
	[smem:$0x659] =	sst s1  }
0x3bf: {  	s9 =	spop (v2sf);
	s1 =	sadd.s32 s11, s10;
	s11 =	sld [smem:$0x5C3]  }
0x3c0: {  	s14 =	spop (v2sf);
	[smem:$0x5E3] =	sst s0  }
0x3c1: {  	s28 =	smulhi.u32 $0x431BE2E9, s24;
	[smem:$0x65A] =	sst s1  }
0x3c2: {  	s25 =	smulhi.u32 $0x431BE2E9, s9;
	s0 =	sshra.s32 s18, $0x1F;
	s18 =	sld [smem:$0x5BE]  }
0x3c3: {  	(v2sf) =	vpush v11, $0xA;
	s23 =	smulhi.u32 $0x431BE2E9, s14;
	s1 =	sadd.s32 s13, s12;
	s12 =	sld [smem:$0x5C4]  }
0x3c4: {  	s13 =	sld [smem:$0x5C5];
	s26 =	smul.u32 $0x431BE2E9, s0  }
0x3c5: {  	s0 =	sshra.s32 s24, $0x1F;
	[smem:$0x65C] =	sst s1;
	s1 =	sadd.s32 s16, s15  }
0x3c6: {  	s24 =	smul.u32 $0x431BE2E9, s0;
	s0 =	sshra.s32 s9, $0x1F;
	[smem:$0x65E] =	sst s1  }
0x3c7: {  	s9 =	sld [smem:$0x5C2];
	s22 =	smul.u32 $0x431BE2E9, s0  }
0x3c8: {  	s0 =	sshra.s32 s14, $0x1F;
	s1 =	sadd.s32 s18, s17;
	s14 =	sld [smem:$0x5C6]  }
0x3c9: {  	s19 =	spop (v2sf);
	[smem:$0x65D] =	sst s1  }
0x3ca: {  	s21 =	smulhi.u32 $0x431BE2E9, s19;
	s1 =	sadd.s32 s31, s30;
	s30 =	sld [smem:$0x5C7]  }
0x3cb: {  	s10 =	spop (v2sf);
	s31 =	sld [smem:$0x5C8]  }
0x3cc: {  	s15 =	spop (v2sf);
	[smem:$0x65F] =	sst s1  }
0x3cd: {  	s18 =	smulhi.u32 $0x431BE2E9, s10;
	s1 =	sadd.s32 s9, s2;
	s2 =	sld [smem:$0x5C9]  }
0x3ce: {  	s17 =	smulhi.u32 $0x431BE2E9, s15;
	s24 =	sadd.s32 s24, s28;
	s9 =	sld [smem:$0x5CA]  }
0x3cf: {  	s20 =	smul.u32 $0x431BE2E9, s0;
	s0 =	sshra.s32 s19, $0x1F;
	[smem:$0x674] =	sst s24  }
0x3d0: {  	s19 =	smul.u32 $0x431BE2E9, s0;
	[smem:$0x660] =	sst s1  }
0x3d1: {  	s0 =	sshra.s32 s10, $0x1F;
	s1 =	sadd.s32 s12, s11;
	s11 =	sld [smem:$0x5CB]  }
0x3d2: {  	s10 =	spop (v2sf);
	s22 =	sadd.s32 s22, s25;
	s12 =	sld [smem:$0x5CC]  }
0x3d3: {  	s16 =	smul.u32 $0x431BE2E9, s0;
	[smem:$0x675] =	sst s22  }
0x3d4: {  	s0 =	sshra.s32 s15, $0x1F;
	s15 =	smulhi.u32 $0x431BE2E9, s10;
	[smem:$0x661] =	sst s1  }
0x3d5: {  	s20 =	sadd.s32 s20, s23;
	s1 =	sadd.s32 s14, s13;
	s13 =	sld [smem:$0x5CD]  }
0x3d6: {  	s14 =	smul.u32 $0x431BE2E9, s0;
	s0 =	sshra.s32 s10, $0x1F;
	s10 =	sld [smem:$0x5D0]  }
0x3d7: {  	(v2sf) =	vpush v11, $0xB;
	[smem:$0x676] =	sst s20  }
0x3d8: {  	[smem:$0x662] =	sst s1  }
0x3d9: {  	s19 =	sadd.s32 s19, s21;
	s1 =	sadd.s32 s31, s30;
	s30 =	sld [smem:$0x5CE]  }
0x3da: {  	(v2sf) =	vpush v11, $0x0;
	[smem:$0x677] =	sst s19  }
0x3db: {  	[smem:$0x663] =	sst s1  }
0x3dc: {  	s1 =	sadd.s32 s9, s2;
	s9 =	sld [smem:$0x5CF]  }
0x3dd: {  	s16 =	sadd.s32 s16, s18;
	s2 =	sadd.s32 s7, s4;
	s4 =	sld [smem:$0x5D5]  }
0x3de: {  	[smem:$0x678] =	sst s16  }
0x3df: {  	(v2sf) =	vpush v11, $0x1;
	[smem:$0x664] =	sst s1  }
0x3e0: {  	s1 =	sadd.s32 s12, s11;
	s11 =	sld [smem:$0x5D1]  }
0x3e1: {  	[smem:$0x66A] =	sst s2  }
0x3e2: {  	s14 =	sadd.s32 s14, s17;
	s2 =	sld [smem:$0x5D8]  }
0x3e3: {  	(v2sf) =	vpush v11, $0x2;
	[smem:$0x679] =	sst s14  }
0x3e4: {  	[smem:$0x65B] =	sst s1  }
0x3e5: {  	s1 =	sadd.s32 s30, s13;
	s30 =	sld [smem:$0x5D2]  }
0x3e6: {  	s31 =	spop (v2sf);
	[smem:$0x665] =	sst s1  }
0x3e7: {  	(v2sf) =	vpush v11, $0x3;
	s12 =	smulhi.u32 $0x431BE2E9, s31;
	s1 =	sadd.s32 s10, s9;
	s9 =	sld [smem:$0x5D3]  }
0x3e8: {  	s13 =	smul.u32 $0x431BE2E9, s0;
	s10 =	sld [smem:$0x5D4]  }
0x3e9: {  	s0 =	sshra.s32 s31, $0x1F;
	s31 =	spop (v2sf);
	[smem:$0x666] =	sst s1  }
0x3ea: {  	s13 =	sadd.s32 s13, s15;
	s1 =	sadd.s32 s30, s11;
	s11 =	smul.u32 $0x431BE2E9, s0  }
0x3eb: {  	s0 =	sshra.s32 s31, $0x1F;
	s30 =	sadd.s32 s6, s8;
	[smem:$0x67A] =	sst s13  }
0x3ec: {  	[smem:$0x667] =	sst s1;
	s1 =	sadd.s32 s10, s9;
	s10 =	smulhi.u32 $0x431BE2E9, s31  }
0x3ed: {  	[smem:$0x669] =	sst s30;
	s8 =	smul.u32 $0x431BE2E9, s0  }
0x3ee: {  	s31 =	spop (v2sf);
	s30 =	sld [smem:$0x5D6]  }
0x3ef: {  	s9 =	smulhi.u32 $0x431BE2E9, s31;
	s0 =	sshra.s32 s31, $0x1F;
	s31 =	sld [smem:$0x5D7]  }
0x3f0: {  	[smem:$0x668] =	sst s1;
	s1 =	sadd.s32 s4, s5  }
0x3f1: {  	[smem:$0x66B] =	sst s1  }
0x3f2: {  	s5 =	spop (v2sf);
	s1 =	sadd.s32 s31, s30;
	s30 =	sld [smem:$0x5D9]  }
0x3f3: {  	s7 =	smul.u32 $0x431BE2E9, s0;
	s31 =	sld [smem:$0x5DA]  }
0x3f4: {  	s6 =	smulhi.u32 $0x431BE2E9, s5;
	s0 =	sshra.s32 s5, $0x1F;
	[smem:$0x66C] =	sst s1  }
0x3f5: {  	(v2sf) =	vpush v11, $0x4;
	s5 =	smul.u32 $0x431BE2E9, s0;
	s1 =	sadd.s32 s2, s3;
	s2 =	sld [smem:$0x5DB]  }
0x3f6: {  	v61 =	vld [tilespmem:$0xE0];
	s3 =	spop (v2sf);
	[smem:$0x66D] =	sst s1  }
0x3f7: {  	v62 =	vld [tilespmem:$0x2E0];
	(v2sf) =	vpush v11, $0x5;
	s4 =	smulhi.u32 $0x431BE2E9, s3;
	s0 =	sshra.s32 s3, $0x1F;
	s3 =	sld [smem:$0x5DC]  }
0x3f8: {  	s1 =	sadd.s32 s31, s30;
	s30 =	sld [smem:$0x5DD]  }
0x3f9: {  	s31 =	sld [smem:$0x5DE]  }
0x3fa: {  	[smem:$0x66E] =	sst s1;
	s1 =	sadd.s32 s3, s2  }
0x3fb: {  	(v2sf) =	vpush v11, $0x6;
	[smem:$0x66F] =	sst s1  }
0x3fc: {  	v13 =	vmul.u32 $0x6A37, v62;
	v12 =	vmul.u32 $0x8DD9, v61;
	s1 =	sadd.s32 s31, s30;
	s30 =	sld [smem:$0x5E0]  }
0x3fd: {  	(v2sf) =	vpush v11, $0x7;
	[smem:$0x670] =	sst s1  }
0x3fe: {  	v12 =	vadd.s32 v12, v13;
	s11 =	sadd.s32 s11, s12;
	s1 =	sld [smem:$0x5DF]  }
0x3ff: {  	(v2sf) =	vpush v12, $0xD;
	[smem:$0x67B] =	sst s11;
	s8 =	sadd.s32 s8, s10  }
0x400: {  	[smem:$0x67C] =	sst s8  }
0x401: {  	(v2sf) =	vpush v12, $0xC;
	s7 =	sadd.s32 s7, s9;
	s1 =	sadd.s32 s30, s1;
	s30 =	sld [smem:$0x5E1]  }
0x402: {  	[smem:$0x67D] =	sst s7  }
0x403: {  	(v2sf) =	vpush v12, $0xE;
	s3 =	smul.u32 $0x431BE2E9, s0;
	[smem:$0x671] =	sst s1  }
0x404: {  	s0 =	spop (v2sf);
	s31 =	sadd.s32 s29, s30;
	s29 =	sld [smem:$0x5E2]  }
0x405: {  	(v2sf) =	vpush v12, $0xF;
	s2 =	smulhi.u32 $0x431BE2E9, s0;
	s0 =	sshra.s32 s0, $0x1F;
	s30 =	sld [smem:$0x5E3]  }
0x406: {  	s1 =	smul.u32 $0x431BE2E9, s0;
	s0 =	spop (v2sf)  }
0x407: {  	s5 =	sadd.s32 s5, s6;
	(v2sf) =	vpush v12, $0x9;
	[smem:$0x672] =	sst s31;
	s31 =	smulhi.u32 $0x431BE2E9, s0  }
0x408: {  	s0 =	sshra.s32 s0, $0x1F;
	s29 =	sadd.s32 s30, s29;
	s30 =	sld [smem:$0x5E4]  }
0x409: {  	[smem:$0x67E] =	sst s5;
	(v2sf) =	vpush v12, $0x8;
	s0 =	smul.u32 $0x431BE2E9, s0  }
0x40a: {  	[smem:$0x673] =	sst s29;
	s29 =	spop (v2sf)  }
0x40b: {  	s30 =	sadd.s32 s26, s30;
	s26 =	smulhi.u32 $0x431BE2E9, s29;
	s29 =	sshra.s32 s29, $0x1F  }
0x40c: {  	s3 =	sadd.s32 s3, s4;
	s24 =	smul.u32 $0x431BE2E9, s29;
	s29 =	spop (v2sf)  }
0x40d: {  	[smem:$0x67F] =	sst s3;
	s22 =	smulhi.u32 $0x431BE2E9, s29;
	s28 =	sshra.s32 s29, $0x1F  }
0x40e: {  	s1 =	sadd.s32 s1, s2;
	s29 =	spop (v2sf);
	s20 =	smul.u32 $0x431BE2E9, s28  }
0x40f: {  	[dreg:$0x1c] =	wrdreg s1;
	(v2sf) =	vpush v12, $0xA;
	s19 =	smulhi.u32 $0x431BE2E9, s29;
	s23 =	sshra.s32 s29, $0x1F  }
0x410: {  	s0 =	sadd.s32 s0, s31;
	s25 =	spop (v2sf);
	s16 =	smul.u32 $0x431BE2E9, s23  }
0x411: {  	[dreg:$0x18] =	wrdreg s0;
	s14 =	smulhi.u32 $0x431BE2E9, s25;
	s28 =	sshra.s32 s25, $0x1F  }
0x412: {  	(v2sf) =	vpush v12, $0xB;
	s10 =	sadd.s32 s24, s26;
	s29 =	spop (v2sf);
	s13 =	smul.u32 $0x431BE2E9, s28  }
0x413: {  	s24 =	sld [smem:$0x5E6];
	s11 =	smulhi.u32 $0x431BE2E9, s29;
	s15 =	sshra.s32 s29, $0x1F  }
0x414: {  	s17 =	spop (v2sf);
	s8 =	smul.u32 $0x431BE2E9, s15  }
0x415: {  	[dreg:$0x13] =	wrdreg s10;
	s7 =	smulhi.u32 $0x431BE2E9, s17;
	s18 =	sshra.s32 s17, $0x1F  }
0x416: {  	s26 =	sadd.s32 s20, s22;
	s23 =	spop (v2sf);
	s21 =	smul.u32 $0x431BE2E9, s18  }
0x417: {  	s22 =	sld [smem:$0x5E5];
	s16 =	sadd.s32 s16, s19;
	s25 =	smulhi.u32 $0x431BE2E9, s23  }
0x418: {  	s28 =	sshra.s32 s23, $0x1F;
	s4 =	spop (v2sf);
	[dreg:$0xf] =	wrdreg s16  }
0x419: {  	s18 =	sadd.s32 s13, s14;
	s16 =	sld [smem:$0x5E8];
	s29 =	smul.u32 $0x431BE2E9, s28  }
0x41a: {  	s14 =	sld [smem:$0x5EB];
	s6 =	smulhi.u32 $0x431BE2E9, s4;
	s2 =	sshra.s32 s4, $0x1F  }
0x41b: {  	[dreg:$0xd] =	wrdreg s18;
	s31 =	sadd.s32 s8, s11;
	s23 =	sshrl.u32 s22, $0x1F  }
0x41c: {  	s11 =	sld [smem:$0x5EA];
	s2 =	smul.u32 $0x431BE2E9, s2;
	s5 =	sadd.s32 s21, s7  }
0x41d: {  	[dreg:$0xc] =	wrdreg s5;
	s1 =	sadd.s32 s29, s25;
	s25 =	sshrl.u32 s24, $0x1F  }
0x41e: {  	s28 =	sadd.s32 s2, s6;
	s6 =	sld [smem:$0x5E7];
	s12 =	spop (v2sf)  }
0x41f: {  	s5 =	sshra.s32 s24, $0x12;
	s15 =	smulhi.u32 $0x431BE2E9, s12;
	s4 =	sshra.s32 s12, $0x1F  }
0x420: {  	s8 =	sshra.s32 s14, $0x12;
	[dreg:$0xb] =	wrdreg s1;
	s4 =	smul.u32 $0x431BE2E9, s4  }
0x421: {  	v18 =	vmov s25;
	s25 =	sld [smem:$0x5EE];
	s7 =	sshrl.u32 s6, $0x1F;
	s17 =	spop (v2sf)  }
0x422: {  	v14 =	vsel vm0, s23, v18;
	s19 =	smulhi.u32 $0x431BE2E9, s17;
	s9 =	sshra.s32 s17, $0x1F;
	s29 =	sadd.s32 s4, s15  }
0x423: {  	v14 =	vsel vm1, s7, v14;
	s17 =	sshrl.u32 s16, $0x1F;
	s15 =	sld [smem:$0x5E9];
	s20 =	smul.u32 $0x431BE2E9, s9  }
0x424: {  	s2 =	sshra.s32 s22, $0x12;
	s1 =	sshra.s32 s16, $0x12;
	v45 =	vsel vm2, s17, v14;
	s17 =	sld [smem:$0x5F0]  }
0x425: {  	s13 =	sshra.s32 s11, $0x12;
	s21 =	sadd.s32 s20, s19;
	s19 =	sld [smem:$0x5EC]  }
0x426: {  	s18 =	sshra.s32 s11, $0x1F;
	s0 =	sshra.s32 s6, $0x12;
	[smem:$0x680] =	sst s21  }
0x427: {  	s12 =	sshrl.u32 s11, $0x1F;
	s10 =	sshra.s32 s15, $0x1F;
	s21 =	sld [smem:$0x5ED]  }
0x428: {  	s11 =	sshrl.u32 s25, $0x1F;
	v19 =	vmov s12;
	s12 =	sld [smem:$0x5FB];
	s16 =	sshrl.u32 s14, $0x1F;
	v63 =	vmov s10  }
0x429: {  	v13 =	vsel vm12, s13, v63;
	s13 =	sld [smem:$0x5EF];
	s20 =	sshrl.u32 s19, $0x1F;
	s6 =	sshra.s32 s19, $0x12  }
0x42a: {  	vm11 =	vcmask $0xF0C;
	v13 =	vsel vm10, s18, v13;
	s18 =	sshrl.u32 s17, $0x1F;
	s19 =	sshra.s32 s25, $0x12;
	s22 =	sshrl.u32 s21, $0x1F  }
0x42b: {  	vm6 =	vcmask $0x2320;
	vm5 =	vmmov vm12;
	vm15 =	vmmov vm9;
	s23 =	sshra.s32 s21, $0x12;
	s24 =	sshra.s32 s21, $0x1F;
	s21 =	sld [smem:$0x5F1]  }
0x42c: {  	v15 =	vnsel vm5, $0x0, v19;
	v21 =	vmov s20;
	s20 =	sshra.s32 s25, $0x1F;
	s25 =	sld [smem:$0x5F3];
	v23 =	vmov s6;
	s6 =	sshrl.u32 s12, $0x1F  }
0x42d: {  	vm7 =	vcmask $0x2B28;
	v15 =	vsel vm0, s22, v15;
	v13 =	vsel vm0, s23, v13;
	s14 =	sshrl.u32 s13, $0x1F;
	s3 =	sshra.s32 s13, $0x12;
	s23 =	sld [smem:$0x5F2]  }
0x42e: {  	s13 =	sld [smem:$0x5F8];
	v20 =	vsel vm1, s11, v15;
	v13 =	vsel vm11, s24, v13;
	v15 =	vsel vm0, s16, v21;
	s16 =	sshra.s32 s17, $0x12;
	s17 =	sshra.s32 s17, $0x1F  }
0x42f: {  	v22 =	vmov s5;
	v14 =	vsel vm2, s18, v20;
	v13 =	vsel vm1, s19, v13;
	s22 =	sshrl.u32 s21, $0x1F;
	s10 =	sshrl.u32 s25, $0x1F;
	s18 =	sld [smem:$0x5F4]  }
0x430: {  	vm12 =	vmmov vm10;
	v15 =	vsel vm1, s14, v15;
	s14 =	sld [smem:$0x5F5];
	v13 =	vsel vm3, s20, v13;
	s24 =	sshrl.u32 s23, $0x1F;
	s7 =	sshra.s32 s23, $0x12  }
0x431: {  	vm10 =	vmmov vm3;
	vm3 =	vcmask $0x1F1C;
	s20 =	sshra.s32 s21, $0x12;
	s21 =	sshra.s32 s21, $0x1F;
	s23 =	sshra.s32 s25, $0x12;
	v13 =	vsel vm2, s16, v13  }
0x432: {  	v14 =	vsel vm6, s22, v14;
	v47 =	vsel vm2, s24, v15;
	s24 =	sshra.s32 s25, $0x1F;
	s16 =	sld [smem:$0x5F6];
	s19 =	sshrl.u32 s18, $0x1F;
	v13 =	vsel vm3, s17, v13  }
0x433: {  	v14 =	vsel vm7, s10, v14;
	v15 =	vsel vm0, s8, v23;
	s25 =	sshra.s32 s18, $0x12;
	s9 =	sshra.s32 s18, $0x1F;
	s18 =	sld [smem:$0x5F7];
	v13 =	vsel vm6, s20, v13  }
0x434: {  	s11 =	sshra.s32 s15, $0x12;
	s22 =	sshrl.u32 s15, $0x1F;
	v24 =	vsel vm1, s3, v15;
	v14 =	vsel vm13, s19, v14;
	v13 =	vsel vm14, s21, v13;
	s21 =	sld [smem:$0x5F9]  }
0x435: {  	s15 =	sshrl.u32 s14, $0x1F;
	s3 =	sshra.s32 s12, $0x12;
	v46 =	vsel vm15, s22, v14;
	v14 =	vsel vm0, s2, v22;
	v13 =	vsel vm7, s23, v13;
	s23 =	sld [smem:$0x5FA]  }
0x436: {  	vm4 =	vmmov vm13;
	s20 =	sshra.s32 s13, $0x1F;
	v14 =	vsel vm1, s0, v14;
	s0 =	sshra.s32 s14, $0x12;
	s14 =	sld [smem:$0x5FC]  }
0x437: {  	vm9 =	vcmask $0x3734;
	vm13 =	vcmask $0x2F2C;
	s17 =	sshrl.u32 s16, $0x1F;
	s8 =	sshra.s32 s16, $0x12;
	v25 =	vmov s20;
	s16 =	sld [smem:$0x5FD]  }
0x438: {  	s20 =	sld [smem:$0x5FE];
	s19 =	sshrl.u32 s18, $0x1F;
	v26 =	vmov s17;
	v0 =	vsel vm2, s1, v14;
	v13 =	vsel vm13, s24, v13;
	s1 =	sshra.s32 s18, $0x12  }
0x439: {  	v27 =	vsel vm0, s15, v26;
	[tilespmem:$0x1FE50] =	vst v0;
	v0 =	vsel vm2, s7, v24;
	v13 =	vsel vm4, s25, v13;
	s22 =	sshrl.u32 s21, $0x1F;
	s24 =	sshra.s32 s23, $0x12;
	s15 =	sshrl.u32 s14, $0x1F  }
0x43a: {  	s2 =	sshra.s32 s21, $0x12;
	v13 =	vsel vm9, s9, v13;
	s10 =	sshra.s32 s23, $0x1F;
	v14 =	vsel vm5, s24, v25;
	v31 =	vmov s15;
	s15 =	sld [smem:$0x601]  }
0x43b: {  	s17 =	sshra.s32 s16, $0x12;
	[tilespmem:$0x1FE60] =	vst v0;
	s25 =	sshrl.u32 s23, $0x1F;
	v0 =	vsel vm15, s11, v13;
	v13 =	vsel vm1, s19, v27;
	s11 =	sld [smem:$0x600];
	v14 =	vsel vm12, s10, v14  }
0x43c: {  	s18 =	sshrl.u32 s16, $0x1F;
	v28 =	vmov s25;
	s19 =	sshra.s32 s16, $0x1F;
	[tilespmem:$0x1FE70] =	vst v0;
	v0 =	vsel vm2, s22, v13;
	s22 =	sld [smem:$0x5FF];
	v14 =	vsel vm0, s17, v14  }
0x43d: {  	s21 =	sshrl.u32 s20, $0x1F;
	v30 =	vnsel vm5, $0x0, v28;
	v29 =	vsel vm11, s19, v14;
	s16 =	sshrl.u32 s15, $0x1F;
	s19 =	sld [smem:$0x602]  }
0x43e: {  	v14 =	vsel vm0, s18, v30;
	s17 =	sshra.s32 s15, $0x12;
	s18 =	sshra.s32 s15, $0x1F;
	s15 =	sld [smem:$0x604]  }
0x43f: {  	s10 =	sshra.s32 s20, $0x12;
	s23 =	sshra.s32 s22, $0x12;
	s24 =	sshrl.u32 s22, $0x1F  }
0x440: {  	v15 =	vsel vm0, s6, v31;
	s25 =	sshra.s32 s22, $0x1F;
	v13 =	vsel vm1, s23, v29;
	v14 =	vsel vm1, s24, v14;
	s23 =	sld [smem:$0x603];
	s20 =	sshrl.u32 s19, $0x1F  }
0x441: {  	v15 =	vsel vm1, s21, v15;
	v13 =	vsel vm10, s25, v13;
	v14 =	vsel vm2, s16, v14;
	s21 =	sshra.s32 s19, $0x12;
	s22 =	sshra.s32 s19, $0x1F;
	s16 =	sshrl.u32 s15, $0x1F  }
0x442: {  	s19 =	sshrl.u32 s13, $0x1F;
	v13 =	vsel vm2, s17, v13;
	v14 =	vsel vm6, s20, v14;
	s20 =	sshra.s32 s13, $0x12;
	s13 =	sld [smem:$0x609]  }
0x443: {  	s17 =	sshra.s32 s15, $0x12;
	v13 =	vsel vm3, s18, v13;
	s18 =	sshra.s32 s15, $0x1F;
	s15 =	sld [smem:$0x60A]  }
0x444: {  	s4 =	sshra.s32 s14, $0x12;
	s24 =	sshrl.u32 s23, $0x1F;
	v13 =	vsel vm6, s21, v13;
	s21 =	sld [smem:$0x605]  }
0x445: {  	v32 =	vmov s8;
	s14 =	sshrl.u32 s11, $0x1F;
	s5 =	sshra.s32 s11, $0x12;
	v14 =	vsel vm7, s24, v14;
	s24 =	sld [smem:$0x607]  }
0x446: {  	[tilespmem:$0x1FE80] =	vst v0;
	v0 =	vsel vm2, s14, v15;
	s25 =	sshra.s32 s23, $0x12;
	s14 =	sshra.s32 s23, $0x1F;
	v14 =	vsel vm4, s16, v14;
	v13 =	vsel vm14, s22, v13;
	s22 =	sld [smem:$0x606]  }
0x447: {  	v15 =	vsel vm0, s0, v32;
	s7 =	sshrl.u32 s13, $0x1F;
	v26 =	vsel vm15, s19, v14;
	v13 =	vsel vm7, s25, v13;
	s16 =	sshra.s32 s15, $0x12;
	s19 =	sld [smem:$0x60B]  }
0x448: {  	v33 =	vsel vm1, s1, v15;
	s11 =	sshrl.u32 s21, $0x1F;
	s0 =	sshra.s32 s21, $0x12;
	v13 =	vsel vm13, s14, v13;
	s14 =	sld [smem:$0x608]  }
0x449: {  	v34 =	vmov s4;
	v32 =	vsel vm2, s2, v33;
	s4 =	sshrl.u32 s24, $0x1F;
	s2 =	sshra.s32 s24, $0x12;
	s24 =	sld [smem:$0x60D];
	v13 =	vsel vm4, s17, v13  }
0x44a: {  	v14 =	vsel vm0, s3, v34;
	s17 =	sshrl.u32 s15, $0x1F;
	v13 =	vsel vm9, s18, v13;
	s18 =	sshra.s32 s15, $0x1F;
	s15 =	sld [smem:$0x60E]  }
0x44b: {  	v14 =	vsel vm1, s10, v14;
	s23 =	sshrl.u32 s22, $0x1F;
	s25 =	sshra.s32 s14, $0x1F;
	v30 =	vsel vm15, s20, v13;
	s20 =	sld [smem:$0x60C]  }
0x44c: {  	s1 =	sshra.s32 s22, $0x12;
	v38 =	vsel vm2, s5, v14;
	s8 =	sshrl.u32 s19, $0x1F;
	s5 =	sshra.s32 s19, $0x12;
	v35 =	vmov s25  }
0x44d: {  	v37 =	vmov s23;
	v39 =	vmov s17;
	s9 =	sshra.s32 s24, $0x12;
	s25 =	sshrl.u32 s24, $0x1F;
	v15 =	vsel vm5, s16, v35;
	s16 =	sld [smem:$0x60F]  }
0x44e: {  	v14 =	vsel vm0, s11, v37;
	s11 =	sshrl.u32 s15, $0x1F;
	v41 =	vmov s25;
	s25 =	sld [smem:$0x612];
	v36 =	vsel vm12, s18, v15;
	s21 =	sshra.s32 s20, $0x12  }
0x44f: {  	s22 =	sshrl.u32 s20, $0x1F;
	s23 =	sshra.s32 s20, $0x1F;
	v15 =	vnsel vm5, $0x0, v39;
	v13 =	vsel vm0, s21, v36;
	s21 =	sld [smem:$0x611]  }
0x450: {  	s20 =	sld [smem:$0x610];
	v15 =	vsel vm0, s22, v15;
	v13 =	vsel vm11, s23, v13;
	s17 =	sshra.s32 s16, $0x12;
	s18 =	sshrl.u32 s16, $0x1F  }
0x451: {  	s6 =	sshra.s32 s15, $0x12;
	s19 =	sshra.s32 s16, $0x1F;
	v13 =	vsel vm1, s17, v13;
	v40 =	vsel vm1, s18, v15;
	s18 =	sld [smem:$0x613]  }
0x452: {  	v14 =	vsel vm1, s4, v14;
	s16 =	sshra.s32 s25, $0x12;
	v13 =	vsel vm10, s19, v13;
	s22 =	sshrl.u32 s21, $0x1F;
	s23 =	sshra.s32 s21, $0x12  }
0x453: {  	[tilespmem:$0x1FE90] =	vst v0;
	v0 =	vsel vm2, s7, v14;
	s4 =	sshrl.u32 s20, $0x1F;
	s24 =	sshra.s32 s21, $0x1F;
	v14 =	vsel vm2, s22, v40;
	v13 =	vsel vm2, s23, v13;
	s22 =	sld [smem:$0x614]  }
0x454: {  	s7 =	sshra.s32 s20, $0x12;
	s17 =	sshra.s32 s25, $0x1F;
	v13 =	vsel vm3, s24, v13;
	s19 =	sshrl.u32 s18, $0x1F  }
0x455: {  	s20 =	sshra.s32 s18, $0x12;
	s21 =	sshra.s32 s18, $0x1F;
	s18 =	sld [smem:$0x616];
	v13 =	vsel vm6, s16, v13  }
0x456: {  	s15 =	sshrl.u32 s25, $0x1F;
	s23 =	sshrl.u32 s22, $0x1F;
	v13 =	vsel vm14, s17, v13;
	s17 =	sld [smem:$0x615]  }
0x457: {  	s24 =	sshra.s32 s22, $0x12;
	s25 =	sshra.s32 s22, $0x1F;
	s22 =	sld [smem:$0x619]  }
0x458: {  	v42 =	vmov s1;
	v14 =	vsel vm6, s15, v14;
	v13 =	vsel vm7, s20, v13;
	s20 =	sld [smem:$0x617]  }
0x459: {  	v15 =	vsel vm0, s8, v41;
	v14 =	vsel vm7, s19, v14;
	s19 =	sshrl.u32 s18, $0x1F;
	v13 =	vsel vm13, s21, v13;
	s21 =	sld [smem:$0x618]  }
0x45a: {  	s3 =	sshra.s32 s13, $0x12;
	v43 =	vmov s9;
	v15 =	vsel vm1, s11, v15;
	s15 =	sshrl.u32 s14, $0x1F;
	v49 =	vmov s19;
	s19 =	sld [smem:$0x61D]  }
0x45b: {  	v25 =	vsel vm2, s4, v15;
	v15 =	vsel vm0, s5, v43;
	v14 =	vsel vm4, s23, v14;
	s13 =	sshrl.u32 s17, $0x1F;
	s1 =	sshra.s32 s17, $0x12;
	s17 =	sld [smem:$0x61A]  }
0x45c: {  	[tilespmem:$0x1FEA0] =	vst v0;
	s16 =	sshra.s32 s14, $0x12;
	s4 =	sshra.s32 s18, $0x12;
	v0 =	vsel vm15, s15, v14;
	v14 =	vsel vm0, s0, v42;
	v13 =	vsel vm4, s24, v13;
	s24 =	sld [smem:$0x61B]  }
0x45d: {  	v44 =	vsel vm1, s6, v15;
	v14 =	vsel vm1, s2, v14;
	s6 =	sshrl.u32 s22, $0x1F;
	s11 =	sshrl.u32 s20, $0x1F;
	v13 =	vsel vm9, s25, v13;
	s25 =	sld [smem:$0x61C]  }
0x45e: {  	s2 =	sshra.s32 s20, $0x12;
	v33 =	vsel vm2, s3, v14;
	s3 =	sshra.s32 s22, $0x12;
	s20 =	sld [smem:$0x61E]  }
0x45f: {  	v14 =	vsel vm0, s13, v49;
	s5 =	sshrl.u32 s21, $0x1F;
	s0 =	sshra.s32 s21, $0x12;
	s10 =	sshrl.u32 s19, $0x1F  }
0x460: {  	s9 =	sshra.s32 s19, $0x12;
	v14 =	vsel vm1, s11, v14;
	s11 =	sld [smem:$0x623];
	s23 =	sshra.s32 s17, $0x1F  }
0x461: {  	v37 =	vsel vm2, s7, v44;
	s7 =	sshrl.u32 s24, $0x1F;
	s8 =	sshra.s32 s24, $0x12;
	s24 =	sld [smem:$0x61F]  }
0x462: {  	v21 =	vsel vm15, s16, v13;
	v48 =	vmov s23;
	s15 =	sshrl.u32 s25, $0x1F;
	s16 =	sshra.s32 s25, $0x12;
	s18 =	sshra.s32 s25, $0x1F  }
0x463: {  	s21 =	sshrl.u32 s20, $0x1F;
	s22 =	sshra.s32 s20, $0x12;
	s25 =	sld [smem:$0x620];
	v13 =	vsel vm5, s16, v48  }
0x464: {  	s23 =	sshra.s32 s20, $0x1F;
	v50 =	vmov s15;
	s16 =	sshrl.u32 s11, $0x1F;
	v13 =	vsel vm12, s18, v13;
	s18 =	sld [smem:$0x621]  }
0x465: {  	[tilespmem:$0x1FEB0] =	vst v0;
	v0 =	vsel vm2, s5, v14;
	v15 =	vnsel vm5, $0x0, v50;
	s12 =	sshrl.u32 s24, $0x1F;
	s5 =	sshra.s32 s24, $0x12;
	v13 =	vsel vm0, s22, v13;
	s22 =	sld [smem:$0x622]  }
0x466: {  	v15 =	vsel vm0, s21, v15;
	s15 =	sshrl.u32 s25, $0x1F;
	s20 =	sshra.s32 s25, $0x12;
	s21 =	sshra.s32 s25, $0x1F  }
0x467: {  	v51 =	vsel vm1, s15, v15;
	v13 =	vsel vm11, s23, v13;
	s19 =	sshrl.u32 s18, $0x1F;
	s24 =	sshra.s32 s18, $0x12;
	s25 =	sshra.s32 s18, $0x1F  }
0x468: {  	v13 =	vsel vm1, s20, v13;
	s20 =	sld [smem:$0x624];
	v14 =	vsel vm2, s19, v51;
	s23 =	sshrl.u32 s22, $0x1F;
	s18 =	sshra.s32 s22, $0x12  }
0x469: {  	v13 =	vsel vm10, s21, v13;
	s19 =	sshra.s32 s22, $0x1F;
	s22 =	sshra.s32 s11, $0x12;
	v14 =	vsel vm6, s23, v14;
	s23 =	sshra.s32 s11, $0x1F  }
0x46a: {  	v13 =	vsel vm2, s24, v13;
	s24 =	sshrl.u32 s17, $0x1F;
	s11 =	sshra.s32 s17, $0x12;
	s17 =	sld [smem:$0x626]  }
0x46b: {  	v52 =	vmov s7;
	v14 =	vsel vm7, s16, v14;
	s21 =	sshrl.u32 s20, $0x1F;
	s16 =	sld [smem:$0x625]  }
0x46c: {  	v15 =	vsel vm0, s6, v52;
	v13 =	vsel vm3, s25, v13;
	s25 =	sshra.s32 s20, $0x12;
	s15 =	sshra.s32 s20, $0x1F;
	s20 =	sld [smem:$0x628]  }
0x46d: {  	v15 =	vsel vm1, s10, v15;
	v14 =	vsel vm4, s21, v14;
	v13 =	vsel vm6, s18, v13;
	s21 =	sld [smem:$0x629]  }
0x46e: {  	[tilespmem:$0x1FEC0] =	vst v0;
	v55 =	vmov s8;
	v0 =	vsel vm2, s12, v15;
	v13 =	vsel vm14, s19, v13;
	s19 =	sld [smem:$0x627]  }
0x46f: {  	v54 =	vmov s4;
	v15 =	vsel vm0, s3, v55;
	[tilespmem:$0x1FED0] =	vst v0;
	v0 =	vsel vm15, s24, v14;
	s18 =	sshrl.u32 s17, $0x1F;
	s4 =	sshra.s32 s17, $0x12;
	s24 =	sld [smem:$0x62C]  }
0x470: {  	v56 =	vsel vm1, s9, v15;
	v14 =	vsel vm0, s1, v54;
	s17 =	sld [smem:$0x62D];
	s14 =	sshrl.u32 s16, $0x1F;
	s1 =	sshra.s32 s16, $0x12  }
0x471: {  	v29 =	vsel vm2, s5, v56;
	v14 =	vsel vm1, s2, v14;
	s13 =	sshrl.u32 s20, $0x1F;
	s3 =	sshra.s32 s20, $0x12;
	s16 =	sld [smem:$0x62A]  }
0x472: {  	[tilespmem:$0x1FEF0] =	vst v0;
	v13 =	vsel vm7, s22, v13;
	v58 =	vmov s18;
	s18 =	sld [smem:$0x62E];
	v0 =	vsel vm2, s0, v14;
	s0 =	sshrl.u32 s21, $0x1F;
	s5 =	sshra.s32 s21, $0x12  }
0x473: {  	v13 =	vsel vm13, s23, v13;
	s23 =	sld [smem:$0x62B];
	s8 =	sshrl.u32 s19, $0x1F;
	s2 =	sshra.s32 s19, $0x12  }
0x474: {  	v18 =	vmov s4;
	v59 =	vsel vm0, s14, v58;
	v13 =	vsel vm4, s25, v13;
	s25 =	sshra.s32 s24, $0x12;
	s12 =	sshrl.u32 s24, $0x1F;
	s22 =	sshra.s32 s16, $0x1F  }
0x475: {  	s6 =	sshra.s32 s17, $0x12;
	v13 =	vsel vm9, s15, v13;
	s15 =	sshra.s32 s24, $0x1F;
	v60 =	vmov s12;
	v57 =	vmov s22;
	s22 =	sld [smem:$0x62F]  }
0x476: {  	s9 =	sshrl.u32 s23, $0x1F;
	s7 =	sshra.s32 s23, $0x12;
	v31 =	vsel vm15, s11, v13;
	v13 =	vsel vm1, s8, v59;
	s23 =	sld [smem:$0x630];
	v14 =	vsel vm5, s25, v57  }
0x477: {  	s19 =	sshra.s32 s18, $0x12;
	s11 =	sshrl.u32 s17, $0x1F;
	v62 =	vnsel vm5, $0x0, v60;
	s17 =	sld [smem:$0x631];
	v63 =	vmov s9;
	v14 =	vsel vm12, s15, v14  }
0x478: {  	s20 =	sshrl.u32 s18, $0x1F;
	s21 =	sshra.s32 s18, $0x1F;
	v20 =	vmov s7;
	s7 =	sld [smem:$0x638];
	v15 =	vsel vm0, s0, v63;
	v14 =	vsel vm0, s19, v14  }
0x479: {  	s12 =	sshrl.u32 s22, $0x1F;
	s24 =	sshrl.u32 s23, $0x1F;
	v15 =	vsel vm1, s11, v15;
	v61 =	vsel vm11, s21, v14;
	v14 =	vsel vm0, s20, v62;
	s21 =	sld [smem:$0x632]  }
0x47a: {  	s8 =	sshra.s32 s22, $0x12;
	s25 =	sshra.s32 s23, $0x12;
	v43 =	vsel vm2, s12, v15;
	v15 =	vsel vm0, s1, v18;
	v14 =	vsel vm1, s24, v14;
	s24 =	sld [smem:$0x633]  }
0x47b: {  	[tilespmem:$0x1FEE0] =	vst v0;
	v0 =	vsel vm2, s13, v13;
	s15 =	sshra.s32 s23, $0x1F;
	s18 =	sshrl.u32 s17, $0x1F;
	v13 =	vsel vm1, s25, v61;
	v19 =	vsel vm1, s2, v15;
	s2 =	sld [smem:$0x637]  }
0x47c: {  	s19 =	sshra.s32 s17, $0x12;
	s20 =	sshra.s32 s17, $0x1F;
	v13 =	vsel vm10, s15, v13;
	v14 =	vsel vm2, s18, v14;
	s18 =	sld [smem:$0x634]  }
0x47d: {  	s22 =	sshrl.u32 s21, $0x1F;
	s23 =	sshra.s32 s21, $0x12;
	v13 =	vsel vm2, s19, v13;
	s25 =	sshrl.u32 s24, $0x1F  }
0x47e: {  	s14 =	sshra.s32 s24, $0x12;
	v14 =	vsel vm6, s22, v14;
	v13 =	vsel vm3, s20, v13;
	s17 =	sshra.s32 s24, $0x1F;
	s24 =	sld [smem:$0x635]  }
0x47f: {  	s10 =	sshra.s32 s21, $0x1F;
	s22 =	sshrl.u32 s16, $0x1F;
	v14 =	vsel vm7, s25, v14;
	v13 =	vsel vm6, s23, v13;
	s25 =	sld [smem:$0x636]  }
0x480: {  	s19 =	sshrl.u32 s18, $0x1F;
	s23 =	sshra.s32 s16, $0x12;
	s16 =	sld [smem:$0x63A];
	v13 =	vsel vm14, s10, v13  }
0x481: {  	s20 =	sshra.s32 s18, $0x12;
	s21 =	sshra.s32 s18, $0x1F;
	s18 =	sld [smem:$0x63B];
	v13 =	vsel vm7, s14, v13  }
0x482: {  	s1 =	sshra.s32 s7, $0x12;
	v14 =	vsel vm4, s19, v14;
	v13 =	vsel vm13, s17, v13;
	s17 =	sld [smem:$0x639]  }
0x483: {  	v28 =	vsel vm2, s3, v19;
	s3 =	sshrl.u32 s7, $0x1F;
	s10 =	sshrl.u32 s24, $0x1F;
	v40 =	vsel vm15, s22, v14;
	s22 =	sld [smem:$0x63C]  }
0x484: {  	s0 =	sshra.s32 s24, $0x12;
	s14 =	sshrl.u32 s2, $0x1F;
	s24 =	sld [smem:$0x63E];
	v13 =	vsel vm4, s20, v13  }
0x485: {  	s15 =	sshrl.u32 s25, $0x1F;
	s4 =	sshra.s32 s25, $0x12;
	v13 =	vsel vm9, s21, v13;
	s9 =	sshra.s32 s17, $0x1F  }
0x486: {  	s19 =	sshra.s32 s18, $0x12;
	s20 =	sshrl.u32 s18, $0x1F;
	v27 =	vsel vm15, s23, v13;
	s23 =	sld [smem:$0x63D];
	v22 =	vmov s9  }
0x487: {  	s21 =	sshra.s32 s18, $0x1F;
	s11 =	sshrl.u32 s22, $0x1F;
	v34 =	vmov s20;
	s20 =	sld [smem:$0x640];
	v15 =	vsel vm5, s19, v22  }
0x488: {  	v24 =	vmov s15;
	s25 =	sshra.s32 s24, $0x12;
	s15 =	sshrl.u32 s24, $0x1F;
	s19 =	sld [smem:$0x63F];
	v23 =	vsel vm12, s21, v15  }
0x489: {  	v14 =	vsel vm0, s5, v20;
	s18 =	sshra.s32 s24, $0x1F;
	s24 =	sld [smem:$0x641];
	s12 =	sshrl.u32 s23, $0x1F;
	v13 =	vsel vm0, s25, v23  }
0x48a: {  	v14 =	vsel vm1, s6, v14;
	s7 =	sshra.s32 s23, $0x12;
	s21 =	sshra.s32 s20, $0x12;
	s23 =	sshra.s32 s20, $0x1F;
	v13 =	vsel vm11, s18, v13  }
0x48b: {  	v52 =	vsel vm2, s8, v14;
	v14 =	vsel vm0, s10, v24;
	s10 =	sshrl.u32 s19, $0x1F;
	s13 =	sshra.s32 s19, $0x12;
	s19 =	sld [smem:$0x642];
	v13 =	vsel vm1, s21, v13  }
0x48c: {  	s8 =	sshra.s32 s22, $0x12;
	s9 =	sshrl.u32 s16, $0x1F;
	v15 =	vnsel vm5, $0x0, v34;
	v13 =	vsel vm10, s23, v13;
	s23 =	sld [smem:$0x643]  }
0x48d: {  	v14 =	vsel vm1, s14, v14;
	s22 =	sshrl.u32 s20, $0x1F;
	s14 =	sshra.s32 s24, $0x12;
	v15 =	vsel vm0, s15, v15;
	s25 =	sshrl.u32 s24, $0x1F  }
0x48e: {  	v36 =	vmov s11;
	v35 =	vsel vm1, s22, v15;
	s18 =	sshra.s32 s24, $0x1F;
	s20 =	sshrl.u32 s19, $0x1F;
	v13 =	vsel vm2, s14, v13;
	s21 =	sshra.s32 s19, $0x12  }
0x48f: {  	v41 =	vsel vm2, s3, v14;
	v14 =	vsel vm2, s25, v35;
	s22 =	sshra.s32 s19, $0x1F;
	s14 =	sld [smem:$0x644];
	v13 =	vsel vm3, s18, v13;
	s24 =	sshrl.u32 s23, $0x1F  }
0x490: {  	v15 =	vsel vm0, s9, v36;
	v14 =	vsel vm6, s20, v14;
	s25 =	sshra.s32 s23, $0x12;
	s9 =	sshra.s32 s23, $0x1F;
	v13 =	vsel vm6, s21, v13;
	s23 =	sld [smem:$0x645]  }
0x491: {  	s21 =	sshrl.u32 s17, $0x1F;
	v14 =	vsel vm7, s24, v14;
	v13 =	vsel vm14, s22, v13;
	s24 =	sld [smem:$0x646]  }
0x492: {  	s18 =	sshrl.u32 s14, $0x1F;
	s22 =	sshra.s32 s17, $0x12;
	s17 =	sld [smem:$0x648];
	v13 =	vsel vm7, s25, v13  }
0x493: {  	s19 =	sshra.s32 s14, $0x12;
	v14 =	vsel vm4, s18, v14;
	s18 =	sld [smem:$0x649];
	v13 =	vsel vm13, s9, v13  }
0x494: {  	s2 =	sshra.s32 s2, $0x12;
	v39 =	vmov s4;
	s20 =	sshra.s32 s14, $0x1F;
	s25 =	sld [smem:$0x647];
	v13 =	vsel vm4, s19, v13  }
0x495: {  	s5 =	sshra.s32 s16, $0x12;
	s11 =	sshrl.u32 s23, $0x1F;
	v42 =	vsel vm15, s21, v14;
	v14 =	vsel vm0, s0, v39;
	v13 =	vsel vm9, s20, v13;
	s20 =	sld [smem:$0x64B]  }
0x496: {  	v15 =	vsel vm1, s12, v15;
	v14 =	vsel vm1, s2, v14;
	s12 =	sshrl.u32 s18, $0x1F;
	s2 =	sshra.s32 s18, $0x12;
	s18 =	sld [smem:$0x64C]  }
0x497: {  	v44 =	vmov s8;
	s3 =	sshra.s32 s23, $0x12;
	s14 =	sshrl.u32 s24, $0x1F;
	v34 =	vsel vm15, s22, v13;
	s22 =	sld [smem:$0x64D]  }
0x498: {  	v48 =	vsel vm2, s10, v15;
	v15 =	vsel vm0, s5, v44;
	s6 =	sshra.s32 s24, $0x12;
	s8 =	sshrl.u32 s17, $0x1F;
	s19 =	sld [smem:$0x64A]  }
0x499: {  	v49 =	vsel vm1, s7, v15;
	s16 =	sshrl.u32 s25, $0x1F;
	s4 =	sshra.s32 s25, $0x12;
	s21 =	sshra.s32 s18, $0x1F  }
0x49a: {  	v50 =	vsel vm2, s1, v14;
	v55 =	vmov s14;
	s25 =	sld [smem:$0x64E];
	s1 =	sshrl.u32 s20, $0x1F;
	v51 =	vmov s21;
	s24 =	sshra.s32 s22, $0x12  }
0x49b: {  	v54 =	vsel vm2, s13, v49;
	v14 =	vsel vm0, s11, v55;
	s7 =	sshra.s32 s20, $0x12;
	s20 =	sld [smem:$0x650];
	s13 =	sshra.s32 s22, $0x1F;
	v13 =	vsel vm5, s24, v51  }
0x49c: {  	s0 =	sshra.s32 s17, $0x12;
	s17 =	sshrl.u32 s19, $0x1F;
	v14 =	vsel vm1, s16, v14;
	v13 =	vsel vm12, s13, v13;
	s13 =	sld [smem:$0x64F]  }
0x49d: {  	s5 =	sshra.s32 s19, $0x12;
	v36 =	vsel vm2, s8, v14;
	s8 =	sld [smem:$0x652];
	s23 =	sshrl.u32 s22, $0x1F  }
0x49e: {  	s10 =	sshrl.u32 s25, $0x1F;
	s9 =	sshra.s32 s25, $0x12;
	v56 =	vmov s23;
	s23 =	sld [smem:$0x651]  }
0x49f: {  	v15 =	vnsel vm5, $0x0, v56;
	s21 =	sshrl.u32 s20, $0x1F;
	s15 =	sshrl.u32 s13, $0x1F;
	s19 =	sshra.s32 s13, $0x12  }
0x4a0: {  	v58 =	vmov s17;
	s22 =	sshra.s32 s20, $0x12;
	s14 =	sshra.s32 s13, $0x1F;
	v15 =	vsel vm0, s15, v15;
	v13 =	vsel vm0, s19, v13;
	s19 =	sld [smem:$0x653]  }
0x4a1: {  	s17 =	sshrl.u32 s8, $0x1F;
	s24 =	sshrl.u32 s23, $0x1F;
	s25 =	sshra.s32 s23, $0x12;
	v57 =	vsel vm1, s21, v15;
	v13 =	vsel vm11, s14, v13;
	v15 =	vsel vm0, s12, v58  }
0x4a2: {  	s15 =	sshra.s32 s20, $0x1F;
	v14 =	vsel vm2, s24, v57;
	v13 =	vsel vm1, s22, v13;
	v15 =	vsel vm1, s1, v15;
	s22 =	sld [smem:$0x654];
	s24 =	sshrl.u32 s18, $0x1F  }
0x4a3: {  	s20 =	sshrl.u32 s19, $0x1F;
	v49 =	vsel vm2, s10, v15;
	s10 =	sshra.s32 s18, $0x12;
	s18 =	sld [smem:$0x656]  }
0x4a4: {  	v13 =	vsel vm10, s15, v13;
	s21 =	sshra.s32 s19, $0x12;
	s15 =	sshra.s32 s19, $0x1F;
	s19 =	sld [smem:$0x657]  }
0x4a5: {  	s16 =	sshra.s32 s8, $0x1F;
	v14 =	vsel vm6, s17, v14;
	v13 =	vsel vm2, s25, v13;
	s25 =	sld [smem:$0x655]  }
0x4a6: {  	s14 =	sshra.s32 s23, $0x1F;
	v14 =	vsel vm7, s20, v14;
	s20 =	sld [smem:$0x658];
	s23 =	sshrl.u32 s22, $0x1F  }
0x4a7: {  	v59 =	vmov s6;
	s11 =	sshra.s32 s22, $0x12;
	s17 =	sshra.s32 s22, $0x1F;
	s22 =	sld [smem:$0x65A];
	v14 =	vsel vm4, s23, v14  }
0x4a8: {  	v60 =	vmov s5;
	s5 =	sshra.s32 s19, $0x12;
	v35 =	vsel vm15, s24, v14;
	v14 =	vsel vm0, s3, v59;
	s3 =	sshrl.u32 s19, $0x1F;
	s19 =	sld [smem:$0x65B]  }
0x4a9: {  	s13 =	sshra.s32 s8, $0x12;
	v13 =	vsel vm3, s14, v13;
	s6 =	sshra.s32 s18, $0x12;
	s24 =	sld [smem:$0x65C]  }
0x4aa: {  	v13 =	vsel vm6, s13, v13;
	s14 =	sshrl.u32 s25, $0x1F;
	s1 =	sshra.s32 s25, $0x12;
	s25 =	sld [smem:$0x65D]  }
0x4ab: {  	v15 =	vsel vm0, s2, v60;
	s13 =	sshrl.u32 s18, $0x1F;
	v13 =	vsel vm14, s16, v13;
	v23 =	vmov s6;
	s6 =	sld [smem:$0x665]  }
0x4ac: {  	s16 =	sshrl.u32 s20, $0x1F;
	v63 =	vmov s13;
	v14 =	vsel vm1, s4, v14;
	v13 =	vsel vm7, s21, v13;
	s4 =	sshra.s32 s20, $0x12;
	s21 =	sld [smem:$0x659]  }
0x4ad: {  	v61 =	vsel vm1, s7, v15;
	s8 =	sshra.s32 s22, $0x12;
	v17 =	vsel vm0, s14, v63;
	s14 =	sld [smem:$0x660];
	v57 =	vsel vm2, s0, v14;
	s0 =	sshrl.u32 s22, $0x1F  }
0x4ae: {  	v59 =	vsel vm2, s9, v61;
	s22 =	sld [smem:$0x65E];
	s23 =	sshra.s32 s19, $0x1F;
	s9 =	sshrl.u32 s24, $0x1F  }
0x4af: {  	v13 =	vsel vm13, s15, v13;
	s7 =	sshra.s32 s24, $0x12;
	s18 =	sshra.s32 s25, $0x12;
	v62 =	vmov s23;
	s23 =	sld [smem:$0x65F]  }
0x4b0: {  	v13 =	vsel vm4, s11, v13;
	s20 =	sshrl.u32 s25, $0x1F;
	s12 =	sshrl.u32 s21, $0x1F;
	s2 =	sshra.s32 s21, $0x12  }
0x4b1: {  	v13 =	vsel vm9, s17, v13;
	s21 =	sshra.s32 s25, $0x1F;
	v18 =	vmov s20;
	s13 =	sshrl.u32 s14, $0x1F;
	s20 =	sshra.s32 s14, $0x1F;
	v14 =	vsel vm5, s18, v62  }
0x4b2: {  	v22 =	vmov s0;
	s15 =	sshrl.u32 s22, $0x1F;
	v58 =	vsel vm15, s10, v13;
	v14 =	vsel vm12, s21, v14;
	s21 =	sld [smem:$0x661];
	s24 =	sshra.s32 s23, $0x12  }
0x4b3: {  	v20 =	vnsel vm5, $0x0, v18;
	v15 =	vsel vm0, s12, v22;
	s12 =	sld [smem:$0x666];
	s10 =	sshrl.u32 s23, $0x1F;
	s25 =	sshra.s32 s23, $0x1F;
	v14 =	vsel vm0, s24, v14  }
0x4b4: {  	s11 =	sshra.s32 s22, $0x12;
	s18 =	sshra.s32 s14, $0x12;
	s24 =	sld [smem:$0x662];
	v19 =	vsel vm11, s25, v14;
	v14 =	vsel vm0, s10, v20  }
0x4b5: {  	v13 =	vsel vm1, s3, v17;
	s22 =	sshrl.u32 s21, $0x1F;
	s23 =	sshra.s32 s21, $0x12;
	v14 =	vsel vm1, s13, v14;
	s13 =	sld [smem:$0x663]  }
0x4b6: {  	v39 =	vsel vm2, s16, v13;
	s0 =	sshra.s32 s21, $0x1F;
	v13 =	vsel vm1, s18, v19;
	s18 =	sshra.s32 s19, $0x12;
	v14 =	vsel vm2, s22, v14;
	s22 =	sld [smem:$0x664]  }
0x4b7: {  	s25 =	sshrl.u32 s24, $0x1F;
	s14 =	sshra.s32 s24, $0x12;
	v13 =	vsel vm10, s20, v13;
	s3 =	sshra.s32 s24, $0x1F  }
0x4b8: {  	v13 =	vsel vm2, s23, v13;
	v14 =	vsel vm6, s25, v14;
	s25 =	sshrl.u32 s19, $0x1F;
	s19 =	sshrl.u32 s12, $0x1F;
	s20 =	sshrl.u32 s13, $0x1F  }
0x4b9: {  	v15 =	vsel vm1, s9, v15;
	s21 =	sshra.s32 s13, $0x12;
	v13 =	vsel vm3, s0, v13;
	s23 =	sshrl.u32 s22, $0x1F;
	v14 =	vsel vm7, s20, v14;
	s20 =	sld [smem:$0x667]  }
0x4ba: {  	v51 =	vsel vm2, s15, v15;
	s24 =	sshra.s32 s22, $0x12;
	s15 =	sshra.s32 s22, $0x1F;
	v13 =	vsel vm6, s14, v13;
	s22 =	sld [smem:$0x669]  }
0x4bb: {  	s17 =	sshra.s32 s13, $0x1F;
	s0 =	sshra.s32 s6, $0x12;
	v14 =	vsel vm4, s23, v14;
	v13 =	vsel vm14, s3, v13;
	s23 =	sld [smem:$0x66A]  }
0x4bc: {  	v56 =	vmov s19;
	s19 =	sshra.s32 s30, $0x1F;
	s14 =	sshrl.u32 s6, $0x1F;
	v13 =	vsel vm7, s21, v13;
	s21 =	sld [smem:$0x668]  }
0x4bd: {  	v44 =	vmov s8;
	v15 =	vsel vm0, s1, v23;
	s3 =	sshra.s32 s12, $0x12;
	v55 =	vsel vm15, s25, v14;
	s25 =	sld [smem:$0x66C];
	s16 =	sshrl.u32 s20, $0x1F  }
0x4be: {  	v24 =	vsel vm1, s5, v15;
	v14 =	vsel vm0, s2, v44;
	s1 =	sshra.s32 s20, $0x12;
	s20 =	sshrl.u32 s22, $0x1F;
	s9 =	sshra.s32 s22, $0x12  }
0x4bf: {  	v60 =	vsel vm2, s4, v24;
	v13 =	vsel vm13, s17, v13;
	v14 =	vsel vm1, s7, v14;
	s7 =	sld [smem:$0x66D];
	s4 =	sshrl.u32 s23, $0x1F;
	s12 =	sshra.s32 s23, $0x12  }
0x4c0: {  	v13 =	vsel vm4, s24, v13;
	s24 =	sld [smem:$0x66B];
	s13 =	sshrl.u32 s21, $0x1F;
	s6 =	sshra.s32 s21, $0x12  }
0x4c1: {  	(v2sf) =	vpush v12, $0x0;
	s8 =	sshrl.u32 s25, $0x1F;
	s5 =	sshra.s32 s25, $0x12;
	s25 =	sld [smem:$0x66E]  }
0x4c2: {  	v19 =	vmov s19;
	v18 =	vsel vm0, s14, v56;
	v13 =	vsel vm9, s15, v13;
	s21 =	sld [smem:$0x66F];
	s15 =	sshrl.u32 s7, $0x1F;
	s23 =	sshra.s32 s7, $0x12  }
0x4c3: {  	v63 =	vsel vm2, s11, v14;
	v22 =	vmov s4;
	s2 =	sshrl.u32 s24, $0x1F;
	s10 =	sshra.s32 s24, $0x12;
	v14 =	vsel vm5, s23, v19;
	s23 =	sld [smem:$0x670]  }
0x4c4: {  	v61 =	vsel vm15, s18, v13;
	v13 =	vsel vm1, s16, v18;
	v15 =	vsel vm0, s20, v22;
	s24 =	sshra.s32 s7, $0x1F;
	s14 =	sshrl.u32 s25, $0x1F;
	s16 =	sshra.s32 s25, $0x12  }
0x4c5: {  	v23 =	vmov s3;
	s17 =	sshra.s32 s25, $0x1F;
	s22 =	sshrl.u32 s21, $0x1F;
	v14 =	vsel vm12, s24, v14;
	s24 =	sld [smem:$0x671];
	v15 =	vsel vm1, s2, v15  }
0x4c6: {  	v56 =	vsel vm2, s13, v13;
	v20 =	vmov s15;
	s7 =	sshra.s32 s21, $0x12;
	v24 =	vsel vm2, s8, v15;
	s8 =	sld [smem:$0x677];
	s15 =	sshrl.u32 s23, $0x1F  }
0x4c7: {  	v13 =	vnsel vm5, $0x0, v20;
	v14 =	vsel vm0, s16, v14;
	v15 =	vsel vm0, s0, v23;
	s11 =	sshra.s32 s23, $0x12;
	s19 =	sshra.s32 s23, $0x1F;
	s23 =	sld [smem:$0x672]  }
0x4c8: {  	s13 =	sshra.s32 s21, $0x1F;
	v13 =	vsel vm0, s14, v13;
	v14 =	vsel vm11, s17, v14;
	v44 =	vsel vm1, s1, v15;
	s1 =	sld [smem:$0x67A];
	s25 =	sshrl.u32 s24, $0x1F  }
0x4c9: {  	v13 =	vsel vm1, s22, v13;
	s14 =	sshra.s32 s24, $0x12;
	s16 =	sshra.s32 s24, $0x1F;
	s24 =	sld [smem:$0x673];
	v14 =	vsel vm1, s7, v14  }
0x4ca: {  	v13 =	vsel vm2, s15, v13;
	v14 =	vsel vm10, s13, v14;
	s13 =	sshra.s32 s30, $0x12;
	s21 =	sshrl.u32 s23, $0x1F;
	s17 =	sshra.s32 s23, $0x12  }
0x4cb: {  	v13 =	vsel vm6, s25, v13;
	s18 =	sshra.s32 s23, $0x1F;
	s23 =	sshrl.u32 s30, $0x1F;
	s30 =	sld [smem:$0x675]  }
0x4cc: {  	(v2sf) =	vpush v12, $0x1;
	s7 =	sld [smem:$0x676];
	s20 =	sshrl.u32 s24, $0x1F;
	v13 =	vsel vm7, s21, v13  }
0x4cd: {  	(v2sf) =	vpush v12, $0x2;
	v13 =	vsel vm4, s20, v13;
	s20 =	sld [smem:$0x678]  }
0x4ce: {  	(v2sf) =	vpush v12, $0x3;
	v14 =	vsel vm2, s11, v14;
	s21 =	sshrl.u32 s30, $0x1F;
	s11 =	sshra.s32 s30, $0x12;
	s30 =	sld [smem:$0x679]  }
0x4cf: {  	(v2sf) =	vpush v12, $0x4;
	[tilespmem:$0x1FF00] =	vst v0;
	s25 =	sld [smem:$0x674];
	s3 =	sshra.s32 s8, $0x12;
	v14 =	vsel vm3, s19, v14;
	s19 =	sshrl.u32 s8, $0x1F  }
0x4d0: {  	v14 =	vsel vm6, s14, v14;
	v23 =	vsel vm15, s23, v13;
	s23 =	sld [smem:$0x67B];
	s14 =	sshrl.u32 s20, $0x1F;
	s2 =	sshra.s32 s20, $0x12  }
0x4d1: {  	s20 =	sshrl.u32 s30, $0x1F;
	s8 =	sshra.s32 s30, $0x12;
	s30 =	sld [smem:$0x67C]  }
0x4d2: {  	_ = 	snop  }
0x4d3: {  	v14 =	vsel vm14, s16, v14  }
0x4d4: {  	v62 =	vmov s12;
	v14 =	vsel vm7, s17, v14;
	s17 =	sshrl.u32 s23, $0x1F;
	s0 =	sshra.s32 s23, $0x12;
	s12 =	sshrl.u32 s30, $0x1F  }
0x4d5: {  	v14 =	vsel vm13, s18, v14;
	s18 =	sshra.s32 s30, $0x12;
	s23 =	sshra.s32 s30, $0x1F;
	s30 =	spop (v2sf)  }
0x4d6: {  	v18 =	vsel vm0, s9, v62;
	v20 =	vsel vm2, s6, v44;
	s6 =	smulhi.u32 $0x431BE2E9, s30;
	s9 =	sshra.s32 s30, $0x1F;
	s30 =	sld [smem:$0x67D]  }
0x4d7: {  	_ = 	snop  }
0x4d8: {  	s15 =	sshra.s32 s24, $0x12  }
0x4d9: {  	s22 =	sshra.s32 s24, $0x1F;
	s24 =	sshrl.u32 s25, $0x1F;
	v13 =	vsel vm1, s10, v18;
	s10 =	sshrl.u32 s30, $0x1F  }
0x4da: {  	(v2sf) =	vpush v12, $0x5;
	v19 =	vmov s21;
	v14 =	vsel vm4, s15, v14;
	s15 =	sshra.s32 s30, $0x12;
	s21 =	sshra.s32 s30, $0x1F;
	s30 =	sld [smem:$0x67E]  }
0x4db: {  	s4 =	sshra.s32 s25, $0x12;
	s25 =	sshrl.u32 s7, $0x1F;
	(v2sf) =	vpush v12, $0x6;
	v15 =	vsel vm0, s24, v19;
	v14 =	vsel vm9, s22, v14;
	s22 =	sshra.s32 s26, $0x1F  }
0x4dc: {  	s7 =	sshra.s32 s7, $0x12;
	v0 =	vld [tilespmem:$0x2F0];
	v16 =	vsel vm2, s5, v13;
	v22 =	vsel vm1, s25, v15;
	v17 =	vmov s22  }
0x4dd: {  	s16 =	sshrl.u32 s1, $0x1F;
	v62 =	vsel vm2, s19, v22;
	v19 =	vsel vm15, s13, v14;
	s25 =	spop (v2sf);
	v14 =	vsel vm5, s18, v17;
	s13 =	sshrl.u32 s30, $0x1F  }
0x4de: {  	v18 =	vmov s20;
	v44 =	vmov s12;
	v14 =	vsel vm12, s23, v14;
	s19 =	sshra.s32 s30, $0x12;
	s24 =	sshra.s32 s30, $0x1F;
	s30 =	sld [smem:$0x67F]  }
0x4df: {  	v15 =	vsel vm0, s14, v18;
	v17 =	vld [tilespmem:$0xF0];
	s5 =	smulhi.u32 $0x431BE2E9, s25;
	v13 =	vnsel vm5, $0x0, v44;
	s12 =	sshra.s32 s25, $0x1F;
	s25 =	rddreg [dreg:$0x1c];
	v14 =	vsel vm0, s15, v14  }
0x4e0: {  	v15 =	vsel vm1, s16, v15;
	s16 =	sshra.s32 s25, $0x1F;
	v13 =	vsel vm0, s10, v13;
	s10 =	smul.u32 $0x431BE2E9, s12;
	v14 =	vsel vm11, s21, v14;
	s21 =	rddreg [dreg:$0x18]  }
0x4e1: {  	v22 =	vmov s11;
	v0 =	vmul.u32 $0x6A37, v0;
	v18 =	vsel vm2, s17, v15;
	s15 =	sshra.s32 s25, $0x12;
	s23 =	sshrl.u32 s21, $0x1F;
	s18 =	sshrl.u32 s30, $0x1F  }
0x4e2: {  	v15 =	vsel vm0, s4, v22;
	v13 =	vsel vm1, s13, v13;
	v14 =	vsel vm1, s19, v14;
	s22 =	sshra.s32 s30, $0x12;
	s20 =	sshra.s32 s30, $0x1F;
	s30 =	spop (v2sf)  }
0x4e3: {  	v44 =	vsel vm1, s7, v15;
	v14 =	vsel vm10, s24, v14;
	s12 =	smulhi.u32 $0x431BE2E9, s30;
	s14 =	sshra.s32 s30, $0x1F;
	s30 =	sshrl.u32 s25, $0x1F;
	v13 =	vsel vm2, s18, v13  }
0x4e4: {  	v15 =	vmul.u32 $0x8DD9, v17;
	s17 =	sshra.s32 s21, $0x12;
	s25 =	smov.u32 s21;
	s21 =	rddreg [dreg:$0x13];
	v14 =	vsel vm2, s22, v14;
	v13 =	vsel vm6, s30, v13  }
0x4e5: {  	v17 =	vsel vm2, s3, v44;
	v14 =	vsel vm3, s20, v14;
	v13 =	vsel vm7, s23, v13;
	s23 =	sshrl.u32 s21, $0x1F  }
0x4e6: {  	v44 =	vmov s8;
	s11 =	sshra.s32 s25, $0x1F;
	s25 =	sshrl.u32 s26, $0x1F;
	v14 =	vsel vm6, s15, v14;
	v13 =	vsel vm4, s23, v13  }
0x4e7: {  	s1 =	sshra.s32 s1, $0x12;
	v44 =	vsel vm0, s2, v44;
	v14 =	vsel vm14, s16, v14;
	v22 =	vsel vm15, s25, v13  }
0x4e8: {  	v14 =	vsel vm7, s17, v14;
	v13 =	vadd.s32 v15, v0;
	v15 =	vsel vm1, s1, v44;
	v44 =	vld [tilespmem:$0x1FE50]  }
0x4e9: {  	v0 =	vsel vm13, s11, v14;
	v14 =	vcombine.low v47, v45;
	v45 =	vld [tilespmem:$0x1FE60]  }
0x4ea: {  	(v2sf) =	vpush v12, $0x7;
	_ =	sdelay $0x1  }
0x4eb: {  	s9 =	smul.u32 $0x431BE2E9, s9  }
0x4ec: {  	s13 =	smul.u32 $0x431BE2E9, s14;
	s30 =	spop (v2sf)  }
0x4ed: {  	s20 =	sshra.s32 s21, $0x1F;
	s19 =	smulhi.u32 $0x431BE2E9, s30;
	s24 =	sshra.s32 s30, $0x1F;
	v44 =	vcombine.low v45, v44  }
0x4ee: {  	s30 =	sshra.s32 s21, $0x12;
	s21 =	sshra.s32 s26, $0x12;
	s4 =	smul.u32 $0x431BE2E9, s24  }
0x4ef: {  	s15 =	sshrl.u32 s29, $0x1F;
	s24 =	rddreg [dreg:$0xf];
	s25 =	spop (v2sf);
	v45 =	vperm.xlane v46, v1;
	v46 =	vperm.xlane v44, v53;
	v44 =	vld [tilespmem:$0x1FE70]  }
0x4f0: {  	s16 =	sshrl.u32 s24, $0x1F;
	s17 =	sshrl.u32 s31, $0x1F;
	s22 =	smulhi.u32 $0x431BE2E9, s25;
	(v2sf) =	vpush v13, $0xD  }
0x4f1: {  	s7 =	sshra.s32 s25, $0x1F;
	s26 =	spop (v2sf);
	s25 =	rddreg [dreg:$0xd];
	(v2sf) =	vpush v13, $0xC  }
0x4f2: {  	v33 =	vcombine.low v37, v33;
	v21 =	vperm.xlane v21, v1;
	s11 =	sadd.s32 s10, s5;
	s3 =	smul.u32 $0x431BE2E9, s7;
	s7 =	sadd.s32 s9, s6;
	(v2sf) =	vpush v13, $0xE  }
0x4f3: {  	s9 =	smulhi.u32 $0x431BE2E9, s26;
	s8 =	sshra.s32 s26, $0x1F;
	s26 =	rddreg [dreg:$0xc];
	v0 =	vsel vm4, s30, v0;
	v14 =	vperm.xlane v14, v53;
	(v2sf) =	vpush v13, $0xF  }
0x4f4: {  	s2 =	sshrl.u32 s25, $0x1F;
	s18 =	spop (v2sf);
	s6 =	rddreg [dreg:$0xb];
	v0 =	vsel vm9, s20, v0;
	(v2sf) =	vpush v13, $0x9;
	v47 =	vperm.xlane v44, v1  }
0x4f5: {  	s23 =	sshrl.u32 s26, $0x1F;
	s30 =	smul.u32 $0x431BE2E9, s8;
	s8 =	sadd.s32 s13, s12;
	v44 =	vsel vm2, s0, v15;
	v15 =	vsel vm15, s21, v0;
	v0 =	vsel vm8, v45, v14;
	v45 =	vld [tilespmem:$0x1FE80]  }
0x4f6: {  	v33 =	vperm.xlane v33, v53;
	s14 =	sshrl.u32 s6, $0x1F;
	s10 =	smulhi.u32 $0x431BE2E9, s18;
	s5 =	sshra.s32 s18, $0x1F;
	(v2sf) =	vpush v13, $0x8;
	v14 =	vsel vm8, v47, v46;
	v46 =	vld [tilespmem:$0x1FE90]  }
0x4f7: {  	s18 =	sshrl.u32 s28, $0x1F;
	s9 =	sadd.s32 s30, s9;
	s30 =	sld [smem:$0x680];
	(v2sf) =	vpush v13, $0xA  }
0x4f8: {  	v30 =	vperm.xlane v30, v1;
	v21 =	vsel vm8, v21, v33;
	s12 =	sadd.s32 s4, s19;
	s6 =	sshra.s32 s6, $0x12;
	s21 =	spop (v2sf);
	(v2sf) =	vpush v13, $0xB  }
0x4f9: {  	s19 =	smul.u32 $0x431BE2E9, s5;
	s13 =	sadd.s32 s3, s22;
	s5 =	sshrl.u32 s7, $0x1F;
	(v2sf) =	vpush v13, $0x0;
	v0 =	vadd.s32 v0, v14;
	v14 =	vcombine.low v38, v32  }
0x4fa: {  	s20 =	sshrl.u32 s30, $0x1F;
	s22 =	smulhi.u32 $0x431BE2E9, s21;
	s4 =	sshra.s32 s21, $0x1F;
	v47 =	vmov s5;
	(v2sf) =	vpush v13, $0x1;
	v0 =	vmul.u32 $0xF423F, v0  }
0x4fb: {  	s0 =	sadd.s32 s19, s10;
	s10 =	sshrl.u32 s11, $0x1F;
	s4 =	smul.u32 $0x431BE2E9, s4;
	v38 =	vmov s2;
	v14 =	vperm.xlane v14, v53;
	v45 =	vcombine.low v46, v45  }
0x4fc: {  	s19 =	sshrl.u32 s8, $0x1F;
	s21 =	sshrl.u32 s12, $0x1F;
	s5 =	sshra.s32 s29, $0x12;
	v0 =	vsub.s32 v2, v0;
	v46 =	vsel vm0, s16, v38;
	v38 =	vnsel vm5, $0x0, v47  }
0x4fd: {  	s29 =	sshra.s32 s11, $0x1F;
	s2 =	sshra.s32 s26, $0x12;
	s1 =	sadd.s32 s4, s22;
	v14 =	vsel vm8, v30, v14;
	v32 =	vperm.xlane v45, v53;
	v45 =	vperm.xlane v26, v1  }
0x4fe: {  	s22 =	sshrl.u32 s9, $0x1F;
	s4 =	sshra.s32 s28, $0x12;
	s3 =	sshrl.u32 s1, $0x1F;
	vm9 =	vlt.s32 v0, $0x0;
	v38 =	vsel vm0, s10, v38;
	v26 =	vsel vm1, s17, v46  }
0x4ff: {  	s16 =	sshra.s32 s24, $0x12;
	s24 =	sshra.s32 s25, $0x12;
	s25 =	sshrl.u32 s0, $0x1F;
	v46 =	vmov s18;
	v47 =	vsel vm1, s19, v38;
	v2 =	vsel vm8, v45, v32  }
0x500: {  	s10 =	sshra.s32 s31, $0x12;
	s31 =	sshra.s32 s1, $0x1F;
	s17 =	sshrl.u32 s13, $0x1F;
	v30 =	vsel vm2, s21, v47;
	v2 =	vadd.s32 v2, v14;
	v14 =	vsel vm0, s14, v46  }
0x501: {  	s19 =	sshra.s32 s8, $0x12;
	v26 =	vsel vm2, s23, v26;
	s23 =	sshra.s32 s7, $0x12;
	v47 =	vld [tilespmem:$0x1FEA0];
	v30 =	vsel vm6, s17, v30;
	v14 =	vsel vm1, s15, v14;
	s15 =	spop (v2sf)  }
0x502: {  	s21 =	sshra.s32 s11, $0x12;
	v45 =	vadd.s32 $0xF423F, v0;
	v30 =	vsel vm7, s22, v30;
	v46 =	vmov s31;
	s22 =	smulhi.u32 $0x431BE2E9, s15;
	s11 =	sshra.s32 s15, $0x1F  }
0x503: {  	s18 =	sshra.s32 s8, $0x1F;
	v2 =	vmul.u32 $0xF423F, v2;
	v32 =	vsel vm2, s20, v14;
	s26 =	spop (v2sf);
	v14 =	vsel vm5, s23, v46;
	v46 =	vld [tilespmem:$0x1FEB0];
	s20 =	smul.u32 $0x431BE2E9, s11  }
0x504: {  	(v2sf) =	vpush v13, $0x2;
	s7 =	sshra.s32 s7, $0x1F;
	v0 =	vsel vm9, v45, v0;
	v38 =	vsel vm4, s25, v30;
	s25 =	smulhi.u32 $0x431BE2E9, s26;
	s11 =	sshra.s32 s26, $0x1F  }
0x505: {  	s14 =	sshra.s32 s9, $0x12;
	(v2sf) =	vpush v13, $0x3;
	v3 =	vsub.s32 v3, v2;
	v2 =	vmov s24;
	s31 =	spop (v2sf);
	s24 =	smul.u32 $0x431BE2E9, s11  }
0x506: {  	v30 =	vsel vm15, s3, v38;
	s15 =	sshra.s32 s9, $0x1F;
	(v2sf) =	vpush v13, $0x4;
	v25 =	vcombine.low v25, v47;
	s23 =	smulhi.u32 $0x431BE2E9, s31;
	s3 =	sshra.s32 s31, $0x1F  }
0x507: {  	s9 =	sshra.s32 s0, $0x1F;
	v14 =	vsel vm12, s7, v14;
	v45 =	vsel vm0, s16, v2;
	s16 =	spop (v2sf);
	v2 =	vshra.s32 v0, $0x2;
	s26 =	smul.u32 $0x431BE2E9, s3  }
0x508: {  	s7 =	sshra.s32 s1, $0x12;
	v14 =	vsel vm0, s21, v14;
	s21 =	smulhi.u32 $0x431BE2E9, s16;
	s28 =	sshra.s32 s16, $0x1F;
	v25 =	vperm.xlane v25, v53;
	v38 =	vperm.xlane v46, v1  }
0x509: {  	s11 =	sshra.s32 s0, $0x12;
	vm9 =	vlt.s32 v3, $0x0;
	v47 =	vadd.s32 $0xF423F, v3;
	v14 =	vsel vm11, s29, v14;
	s31 =	spop (v2sf);
	s29 =	smul.u32 $0x431BE2E9, s28  }
0x50a: {  	s0 =	sadd.s32 s20, s22;
	v37 =	vsel vm1, s10, v45;
	v3 =	vsel vm9, v47, v3;
	s20 =	smulhi.u32 $0x431BE2E9, s31;
	s1 =	sshra.s32 s31, $0x1F;
	v25 =	vsel vm8, v38, v25  }
0x50b: {  	v14 =	vsel vm1, s19, v14;
	s3 =	spop (v2sf);
	(v2sf) =	vpush v13, $0x5;
	s22 =	smul.u32 $0x431BE2E9, s1;
	s1 =	sadd.s32 s24, s25;
	v21 =	vadd.s32 v25, v21  }
0x50c: {  	s24 =	smulhi.u32 $0x431BE2E9, s3;
	s10 =	sshra.s32 s3, $0x1F;
	v14 =	vsel vm10, s18, v14;
	s18 =	spop (v2sf);
	(v2sf) =	vpush v13, $0x6;
	v45 =	vmul.u32 $0xF423F, v21  }
0x50d: {  	v33 =	vsel vm2, s2, v37;
	s2 =	sadd.s32 s26, s23;
	s25 =	smul.u32 $0x431BE2E9, s10;
	s26 =	spop (v2sf);
	(v2sf) =	vpush v13, $0x7;
	v25 =	vshra.s32 v3, $0x2  }
0x50e: {  	s17 =	sshra.s32 s12, $0x12;
	s23 =	smulhi.u32 $0x431BE2E9, s18;
	s10 =	sshra.s32 s18, $0x1F;
	v21 =	vand.u32 $0x3, v0;
	v0 =	vsub.s32 v5, v45;
	v5 =	vand.u32 $0x3, v3;
	v3 =	vld [tilespmem:$0x1FEC0]  }
0x50f: {  	s30 =	sshra.s32 s30, $0x12;
	s8 =	sshra.s32 s12, $0x1F;
	v46 =	vmov s4;
	v14 =	vsel vm2, s17, v14;
	s17 =	smul.u32 $0x431BE2E9, s10;
	v45 =	vld [tilespmem:$0x1FED0]  }
0x510: {  	v47 =	vld [tilespmem:$0x1FEF0];
	s4 =	sadd.s32 s29, s21;
	v37 =	vsel vm0, s6, v46;
	s21 =	smulhi.u32 $0x431BE2E9, s26;
	s29 =	sshra.s32 s26, $0x1F;
	vm9 =	vlt.s32 v0, $0x0;
	v46 =	vadd.s32 $0xF423F, v0  }
0x511: {  	s12 =	sshra.s32 s13, $0x12;
	s31 =	spop (v2sf);
	s26 =	smul.u32 $0x431BE2E9, s29;
	v0 =	vsel vm9, v46, v0;
	v46 =	vld [tilespmem:$0x1FEE0]  }
0x512: {  	v14 =	vsel vm3, s8, v14;
	s8 =	sadd.s32 s22, s20;
	s20 =	smulhi.u32 $0x431BE2E9, s31;
	s3 =	sshra.s32 s31, $0x1F  }
0x513: {  	v31 =	vperm.xlane v31, v1;
	s13 =	sshra.s32 s13, $0x1F;
	v37 =	vsel vm1, s5, v37;
	s28 =	spop (v2sf);
	s5 =	smul.u32 $0x431BE2E9, s3  }
0x514: {  	v40 =	vperm.xlane v40, v1;
	v14 =	vsel vm6, s12, v14;
	s12 =	sadd.s32 s25, s24;
	s24 =	smulhi.u32 $0x431BE2E9, s28;
	s22 =	sshra.s32 s28, $0x1F;
	v3 =	vcombine.low v45, v3  }
0x515: {  	v28 =	vcombine.low v52, v28;
	s16 =	sshrl.u32 s0, $0x1F;
	v38 =	vld [tilespmem:$0x100];
	v47 =	vperm.xlane v47, v1;
	v14 =	vsel vm14, s13, v14;
	s29 =	spop (v2sf);
	s22 =	smul.u32 $0x431BE2E9, s22  }
0x516: {  	s19 =	sshrl.u32 s1, $0x1F;
	v14 =	vsel vm7, s14, v14;
	s14 =	smulhi.u32 $0x431BE2E9, s29;
	s31 =	spop (v2sf);
	v3 =	vperm.xlane v3, v53;
	v46 =	vcombine.low v29, v46  }
0x517: {  	v52 =	vperm.xlane v27, v1;
	v42 =	vperm.xlane v42, v1;
	v14 =	vsel vm13, s15, v14;
	s15 =	sadd.s32 s26, s21;
	s26 =	smulhi.u32 $0x431BE2E9, s31;
	s28 =	sshra.s32 s31, $0x1F;
	v45 =	vld [tilespmem:$0x300]  }
0x518: {  	s18 =	sshrl.u32 s2, $0x1F;
	v29 =	vsel vm2, s30, v37;
	s30 =	sshra.s32 s29, $0x1F;
	s29 =	smul.u32 $0x431BE2E9, s28;
	v37 =	vperm.xlane v46, v53;
	v46 =	vsel vm8, v47, v3;
	v3 =	vld [tilespmem:$0x1FF00]  }
0x519: {  	v34 =	vperm.xlane v34, v1;
	v35 =	vperm.xlane v35, v1;
	s17 =	sadd.s32 s17, s23;
	s23 =	smul.u32 $0x431BE2E9, s30;
	s30 =	spop (v2sf)  }
0x51a: {  	s20 =	sadd.s32 s5, s20;
	vm13 =	vcmask $0x3734;
	v38 =	vmul.u32 $0x8DD9, v38;
	v14 =	vsel vm4, s11, v14;
	s5 =	smulhi.u32 $0x431BE2E9, s30;
	s21 =	sshra.s32 s30, $0x1F  }
0x51b: {  	v14 =	vsel vm13, s9, v14;
	v27 =	vand.u32 $0x3, v0;
	s31 =	spop (v2sf);
	s9 =	smul.u32 $0x431BE2E9, s21;
	s21 =	sadd.s32 s22, s24;
	v31 =	vsel vm8, v31, v37  }
0x51c: {  	v47 =	vmov s19;
	v45 =	vmul.u32 $0x6A37, v45;
	s28 =	smulhi.u32 $0x431BE2E9, s31;
	s24 =	sshra.s32 s31, $0x1F;
	s25 =	spop (v2sf);
	v31 =	vadd.s32 v46, v31  }
0x51d: {  	s23 =	sadd.s32 s23, s14;
	s14 =	smulhi.u32 $0x431BE2E9, s25;
	s30 =	spop (v2sf);
	v46 =	vcombine.low v54, v50;
	v31 =	vmul.u32 $0xF423F, v31;
	v37 =	vcombine.low v43, v3  }
0x51e: {  	s22 =	sshra.s32 s25, $0x1F;
	s31 =	smulhi.u32 $0x431BE2E9, s30;
	s25 =	sshra.s32 s30, $0x1F;
	v3 =	vadd.s32 v38, v45;
	v43 =	vsel vm0, s16, v47;
	v45 =	vperm.xlane v28, v53  }
0x51f: {  	s25 =	smul.u32 $0x431BE2E9, s25;
	v28 =	vshra.s32 v0, $0x2;
	(v2sf) =	vpush v3, $0xD;
	v47 =	vsel vm1, s18, v43  }
0x520: {  	s10 =	sshrl.u32 s4, $0x1F;
	s6 =	sshrl.u32 s8, $0x1F;
	v4 =	vsub.s32 v4, v31;
	v38 =	vperm.xlane v37, v53;
	(v2sf) =	vpush v3, $0xC  }
0x521: {  	s13 =	sshrl.u32 s12, $0x1F;
	s19 =	sadd.s32 s25, s31;
	v37 =	vsel vm15, s7, v14;
	s7 =	smul.u32 $0x431BE2E9, s24;
	v52 =	vsel vm8, v52, v45;
	vm13 =	vlt.s32 v4, $0x0  }
0x522: {  	s24 =	sadd.s32 s29, s26;
	s29 =	smul.u32 $0x431BE2E9, s22;
	s22 =	sadd.s32 s9, s5;
	v31 =	vadd.s32 $0xF423F, v4;
	v45 =	vcombine.low v48, v41;
	v48 =	vperm.xlane v46, v53  }
0x523: {  	s5 =	sshra.s32 s8, $0x12;
	s8 =	sshra.s32 s12, $0x12;
	s12 =	sshra.s32 s19, $0x1F;
	(v2sf) =	vpush v3, $0xE;
	v4 =	vsel vm13, v31, v4;
	v31 =	vsel vm2, s10, v47  }
0x524: {  	s16 =	sshrl.u32 s20, $0x1F;
	v47 =	vmov s13;
	v50 =	vmov s12;
	v0 =	vsel vm8, v40, v38  }
0x525: {  	(v2sf) =	vpush v3, $0xF;
	v40 =	vmov s16;
	v14 =	vperm.xlane v45, v53  }
0x526: {  	v34 =	vsel vm8, v34, v48;
	v45 =	vcombine.low v59, v57;
	v57 =	vcombine.low v51, v39  }
0x527: {  	s18 =	sshrl.u32 s21, $0x1F;
	s16 =	sshra.s32 s0, $0x12;
	s0 =	sshra.s32 s1, $0x12;
	v0 =	vadd.s32 v0, v52;
	(v2sf) =	vpush v3, $0x9;
	v43 =	vnsel vm5, $0x0, v40  }
0x528: {  	v54 =	vmov s0;
	v0 =	vmul.u32 $0xF423F, v0;
	v38 =	vsel vm0, s18, v43  }
0x529: {  	(v2sf) =	vpush v3, $0x8;
	v43 =	vsel vm0, s6, v47;
	v14 =	vsel vm8, v42, v14  }
0x52a: {  	s3 =	sshrl.u32 s17, $0x1F;
	s26 =	sshrl.u32 s23, $0x1F;
	v46 =	vsel vm0, s16, v54;
	v47 =	vperm.xlane v58, v1;
	v58 =	vcombine.low v63, v60  }
0x52b: {  	s11 =	sshrl.u32 s15, $0x1F;
	s18 =	sshra.s32 s2, $0x12;
	s2 =	sshra.s32 s20, $0x12;
	v60 =	vperm.xlane v55, v1;
	(v2sf) =	vpush v3, $0xA;
	v38 =	vsel vm1, s26, v38  }
0x52c: {  	s9 =	sadd.s32 s7, s28;
	s28 =	sshrl.u32 s24, $0x1F;
	s7 =	sadd.s32 s29, s14;
	v43 =	vsel vm1, s3, v43;
	v42 =	vsel vm5, s2, v50;
	v14 =	vadd.s32 v14, v34  }
0x52d: {  	s14 =	sshra.s32 s4, $0x12;
	s4 =	sshra.s32 s17, $0x12;
	s17 =	sshra.s32 s20, $0x1F;
	v0 =	vsub.s32 v6, v0;
	v38 =	vsel vm2, s28, v38;
	(v2sf) =	vpush v3, $0xB  }
0x52e: {  	s31 =	sshra.s32 s15, $0x12;
	s30 =	sshrl.u32 s19, $0x1F;
	s13 =	sshra.s32 s22, $0x12;
	v40 =	vsel vm2, s11, v43;
	v52 =	vsel vm12, s17, v42;
	v14 =	vmul.u32 $0xF423F, v14  }
0x52f: {  	s29 =	sshrl.u32 s22, $0x1F;
	s10 =	sshrl.u32 s9, $0x1F;
	s25 =	sshrl.u32 s7, $0x1F;
	v43 =	vcombine.low v49, v36;
	v36 =	vperm.xlane v45, v53;
	vm13 =	vlt.s32 v0, $0x0  }
0x530: {  	s12 =	sshra.s32 s9, $0x1F;
	s20 =	sshra.s32 s21, $0x12;
	s21 =	sshra.s32 s21, $0x1F;
	v41 =	vadd.s32 $0xF423F, v0;
	v38 =	vsel vm6, s29, v38;
	(v2sf) =	vpush v3, $0x0  }
0x531: {  	s6 =	sshra.s32 s24, $0x1F;
	s26 =	sshra.s32 s23, $0x12;
	v34 =	vsel vm0, s20, v52;
	v38 =	vsel vm7, s10, v38;
	(v2sf) =	vpush v3, $0x1;
	s28 =	spop (v2sf)  }
0x532: {  	s3 =	sshra.s32 s24, $0x12;
	v0 =	vsel vm13, v41, v0;
	v34 =	vsel vm11, s21, v34;
	vm13 =	vmmov vm11;
	s24 =	smulhi.u32 $0x431BE2E9, s28;
	s29 =	sshra.s32 s28, $0x1F  }
0x533: {  	s23 =	sshra.s32 s23, $0x1F;
	v7 =	vsub.s32 v7, v14;
	v14 =	vperm.xlane v43, v53;
	v41 =	vsel vm1, s18, v46;
	s15 =	spop (v2sf);
	s1 =	smul.u32 $0x431BE2E9, s29  }
0x534: {  	s11 =	sshra.s32 s22, $0x1F;
	v49 =	vsel vm8, v47, v36;
	vm11 =	vmmov vm14;
	v38 =	vsel vm4, s25, v38;
	s22 =	smulhi.u32 $0x431BE2E9, s15;
	s10 =	sshra.s32 s15, $0x1F  }
0x535: {  	v54 =	vld [tilespmem:$0x310];
	(v2sf) =	vpush v3, $0x2;
	v34 =	vsel vm1, s26, v34;
	vm9 =	vlt.s32 v7, $0x0;
	s15 =	sshra.s32 s9, $0x12;
	s28 =	spop (v2sf);
	s2 =	smul.u32 $0x431BE2E9, s10  }
0x536: {  	v48 =	vadd.s32 $0xF423F, v7;
	v36 =	vshra.s32 v0, $0x2;
	v38 =	vsel vm15, s30, v38;
	s9 =	sshra.s32 s7, $0x1F;
	s17 =	smulhi.u32 $0x431BE2E9, s28;
	s29 =	sshra.s32 s28, $0x1F  }
0x537: {  	(v2sf) =	vpush v3, $0x3;
	v34 =	vsel vm10, s23, v34;
	v14 =	vsel vm8, v35, v14;
	s10 =	sshra.s32 s7, $0x12;
	s30 =	spop (v2sf);
	s20 =	smul.u32 $0x431BE2E9, s29  }
0x538: {  	v35 =	vand.u32 $0x3, v0;
	v0 =	vld [tilespmem:$0x110];
	v34 =	vsel vm2, s3, v34;
	v14 =	vadd.s32 v14, v49;
	s7 =	sshra.s32 s19, $0x12;
	s21 =	smulhi.u32 $0x431BE2E9, s30;
	s0 =	sshra.s32 s30, $0x1F  }
0x539: {  	v7 =	vsel vm9, v48, v7;
	v34 =	vsel vm3, s6, v34;
	v14 =	vmul.u32 $0xF423F, v14;
	s1 =	sadd.s32 s1, s24;
	s26 =	smul.u32 $0x431BE2E9, s0;
	s0 =	spop (v2sf)  }
0x53a: {  	v45 =	vmul.u32 $0x6A37, v54;
	v52 =	vsel vm6, s13, v34;
	v34 =	vshra.s32 v7, $0x2;
	s16 =	sshrl.u32 s1, $0x1F;
	s24 =	smulhi.u32 $0x431BE2E9, s0;
	s19 =	sshra.s32 s0, $0x1F  }
0x53b: {  	(v2sf) =	vpush v3, $0x4;
	v14 =	vsub.s32 v8, v14;
	v43 =	vsel vm14, s11, v52;
	s2 =	sadd.s32 s2, s22;
	s25 =	spop (v2sf);
	s23 =	smul.u32 $0x431BE2E9, s19  }
0x53c: {  	v8 =	vand.u32 $0x3, v7;
	vm14 =	vcmask $0x2F2C;
	v43 =	vsel vm7, s15, v43;
	s3 =	sadd.s32 s20, s17;
	s22 =	smulhi.u32 $0x431BE2E9, s25;
	s28 =	sshra.s32 s25, $0x1F  }
0x53d: {  	v7 =	vperm.xlane v57, v53;
	v0 =	vmul.u32 $0x8DD9, v0;
	v43 =	vsel vm14, s12, v43;
	s19 =	sshrl.u32 s2, $0x1F;
	s29 =	spop (v2sf);
	s25 =	smul.u32 $0x431BE2E9, s28  }
0x53e: {  	v41 =	vsel vm2, s14, v41;
	vm3 =	vcmask $0x3734;
	v43 =	vsel vm4, s10, v43;
	s18 =	sshrl.u32 s3, $0x1F;
	s17 =	smulhi.u32 $0x431BE2E9, s29;
	s30 =	sshra.s32 s29, $0x1F  }
0x53f: {  	v47 =	vsel vm8, v60, v7;
	v7 =	vadd.s32 v0, v45;
	v0 =	vsel vm3, s9, v43;
	s6 =	sadd.s32 s26, s21;
	s0 =	spop (v2sf);
	s14 =	smul.u32 $0x431BE2E9, s30  }
0x540: {  	(v2sf) =	vpush v3, $0x5;
	v43 =	vsel vm15, s7, v0;
	s7 =	sshra.s32 s1, $0x12;
	s21 =	smulhi.u32 $0x431BE2E9, s0;
	s20 =	sshra.s32 s0, $0x1F  }
0x541: {  	s13 =	sshrl.u32 s6, $0x1F;
	s28 =	spop (v2sf);
	s20 =	smul.u32 $0x431BE2E9, s20  }
0x542: {  	v50 =	vmov s8;
	(v2sf) =	vpush v3, $0x6;
	s6 =	sshra.s32 s6, $0x12;
	s8 =	sadd.s32 s23, s24;
	s23 =	smulhi.u32 $0x431BE2E9, s28  }
0x543: {  	v42 =	vsel vm0, s5, v50;
	s29 =	sshra.s32 s28, $0x1F;
	s30 =	sshrl.u32 s8, $0x1F;
	s5 =	spop (v2sf)  }
0x544: {  	(v2sf) =	vpush v3, $0x7;
	s11 =	sadd.s32 s25, s22;
	[smem:$0x681] =	sst s30;
	s24 =	smul.u32 $0x431BE2E9, s29  }
0x545: {  	v61 =	vperm.xlane v61, v1;
	v42 =	vsel vm1, s4, v42;
	s22 =	smulhi.u32 $0x431BE2E9, s5;
	s28 =	sshra.s32 s5, $0x1F;
	s4 =	sshrl.u32 s11, $0x1F  }
0x546: {  	v55 =	vcombine.low v24, v56;
	v39 =	vperm.xlane v58, v53;
	s29 =	spop (v2sf);
	s15 =	sadd.s32 s14, s17;
	s25 =	smul.u32 $0x431BE2E9, s28  }
0x547: {  	v23 =	vperm.xlane v23, v1;
	v16 =	vcombine.low v16, v20;
	s28 =	smulhi.u32 $0x431BE2E9, s29;
	s30 =	sshra.s32 s29, $0x1F;
	s5 =	sshrl.u32 s15, $0x1F  }
0x548: {  	v42 =	vsel vm2, s31, v42;
	v49 =	vsel vm8, v61, v39;
	v57 =	vperm.xlane v55, v53;
	s31 =	spop (v2sf);
	s17 =	sadd.s32 s20, s21;
	s12 =	smul.u32 $0x431BE2E9, s30  }
0x549: {  	vm9 =	vlt.s32 v14, $0x0;
	(v2sf) =	vpush v7, $0xD;
	v61 =	vmov s4;
	s4 =	sshra.s32 s3, $0x12;
	s10 =	sshra.s32 s15, $0x12;
	s20 =	smulhi.u32 $0x431BE2E9, s31  }
0x54a: {  	v59 =	vadd.s32 $0xF423F, v14;
	v63 =	vmov s19;
	(v2sf) =	vpush v7, $0xC;
	s0 =	sshra.s32 s31, $0x1F;
	s14 =	sshrl.u32 s17, $0x1F;
	s19 =	sadd.s32 s24, s23  }
0x54b: {  	v58 =	vperm.xlane v16, v53;
	v14 =	vsel vm9, v59, v14;
	v52 =	vsel vm0, s16, v63;
	s26 =	smul.u32 $0x431BE2E9, s0;
	s9 =	sshrl.u32 s19, $0x1F;
	s16 =	sadd.s32 s25, s22  }
0x54c: {  	v59 =	vperm.xlane v19, v1;
	v20 =	vsel vm8, v23, v57;
	s30 =	spop (v2sf);
	v63 =	vmov s9;
	s9 =	sshra.s32 s8, $0x12;
	s8 =	sshra.s32 s17, $0x12  }
0x54d: {  	v39 =	vshra.s32 v14, $0x2;
	v24 =	vand.u32 $0x3, v14;
	v45 =	vcombine.low v18, v62;
	s17 =	sld [smem:$0x681];
	s23 =	smulhi.u32 $0x431BE2E9, s30;
	s21 =	sshra.s32 s30, $0x1F  }
0x54e: {  	v14 =	vsel vm8, v59, v58;
	v0 =	vsel vm1, s18, v52;
	s25 =	sshrl.u32 s16, $0x1F;
	s26 =	sadd.s32 s26, s20;
	v46 =	vnsel vm5, $0x0, v63;
	s21 =	smul.u32 $0x431BE2E9, s21  }
0x54f: {  	(v2sf) =	vpush v7, $0xE;
	v19 =	vsel vm2, s13, v0;
	s13 =	sshrl.u32 s26, $0x1F;
	v18 =	vsel vm0, s25, v46;
	s25 =	sshra.s32 s16, $0x12;
	s31 =	spop (v2sf)  }
0x550: {  	v17 =	vcombine.low v44, v17;
	v0 =	vadd.s32 v20, v14;
	s1 =	sshra.s32 s26, $0x12;
	v14 =	vsel vm0, s17, v61;
	s22 =	smulhi.u32 $0x431BE2E9, s31;
	s24 =	sshra.s32 s31, $0x1F  }
0x551: {  	v14 =	vsel vm1, s5, v14;
	s5 =	sshra.s32 s26, $0x1F;
	(v2sf) =	vpush v7, $0xF;
	s29 =	spop (v2sf);
	s0 =	smul.u32 $0x431BE2E9, s24  }
0x552: {  	v15 =	vperm.xlane v15, v1;
	v17 =	vperm.xlane v17, v53;
	s24 =	sadd.s32 s12, s28;
	s30 =	smulhi.u32 $0x431BE2E9, s29;
	s18 =	sshra.s32 s29, $0x1F  }
0x553: {  	(v2sf) =	vpush v7, $0x9;
	s20 =	spop (v2sf);
	s28 =	sadd.s32 s21, s23;
	s31 =	smul.u32 $0x431BE2E9, s18  }
0x554: {  	v15 =	vsel vm8, v15, v17;
	v6 =	vshra.s32 v4, $0x2;
	s12 =	sshra.s32 s11, $0x12;
	s11 =	sshra.s32 s19, $0x1F;
	s21 =	smulhi.u32 $0x431BE2E9, s20  }
0x555: {  	v54 =	vadd.s32 v47, v49;
	v47 =	vperm.xlane v22, v1;
	(v2sf) =	vpush v7, $0x8;
	s18 =	sshra.s32 s20, $0x1F;
	s29 =	sshrl.u32 s24, $0x1F;
	s20 =	sshra.s32 s2, $0x12  }
0x556: {  	v4 =	vand.u32 $0x3, v4;
	v49 =	vcombine.low v32, v26;
	v62 =	vcombine.low v42, v41;
	s2 =	sshra.s32 s19, $0x12;
	s15 =	sshra.s32 s24, $0x12;
	s19 =	sshra.s32 s28, $0x12  }
0x557: {  	v56 =	vmul.u32 $0xF423F, v54;
	v54 =	vcombine.low v29, v33;
	(v2sf) =	vpush v7, $0xA;
	s17 =	sshra.s32 s28, $0x1F;
	s23 =	sadd.s32 s0, s22;
	s0 =	smul.u32 $0x431BE2E9, s18  }
0x558: {  	v51 =	vperm.xlane v49, v53;
	s26 =	spop (v2sf);
	v18 =	vsel vm1, s29, v18;
	s29 =	sshra.s32 s16, $0x1F;
	(v2sf) =	vpush v7, $0xB;
	s22 =	sadd.s32 s31, s30  }
0x559: {  	v26 =	vperm.xlane v62, v53;
	v9 =	vsub.s32 v9, v56;
	s30 =	sshrl.u32 s28, $0x1F;
	v18 =	vsel vm2, s13, v18;
	s28 =	spop (v2sf);
	s21 =	sadd.s32 s0, s21  }
0x55a: {  	v23 =	vperm.xlane v54, v53;
	s31 =	sshrl.u32 s23, $0x1F;
	(v2sf) =	vpush v7, $0x0;
	v18 =	vsel vm6, s30, v18;
	s30 =	sshra.s32 s28, $0x1F;
	s3 =	sshra.s32 s21, $0x1F  }
0x55b: {  	v14 =	vsel vm2, s14, v14;
	s14 =	sshra.s32 s26, $0x1F;
	s13 =	sshra.s32 s24, $0x1F;
	v18 =	vsel vm7, s31, v18;
	s31 =	smul.u32 $0x431BE2E9, s30;
	v48 =	vmov s3  }
0x55c: {  	v56 =	vperm.xlane v37, v1;
	vm9 =	vlt.s32 v9, $0x0;
	s16 =	sshra.s32 s23, $0x12;
	s0 =	sshrl.u32 s22, $0x1F;
	s3 =	smulhi.u32 $0x431BE2E9, s26;
	v22 =	vsel vm5, s2, v48  }
0x55d: {  	v60 =	vadd.s32 $0xF423F, v9;
	s24 =	sshra.s32 s22, $0x12;
	(v2sf) =	vpush v7, $0x1;
	s26 =	sshra.s32 s23, $0x1F;
	s23 =	smulhi.u32 $0x431BE2E9, s28;
	v22 =	vsel vm12, s11, v22  }
0x55e: {  	v37 =	vperm.xlane v38, v1;
	v9 =	vsel vm9, v60, v9;
	s18 =	sshrl.u32 s21, $0x1F;
	s2 =	smul.u32 $0x431BE2E9, s14;
	v22 =	vsel vm0, s25, v22;
	s25 =	spop (v2sf)  }
0x55f: {  	v58 =	vsel vm8, v56, v23;
	v52 =	vperm.xlane v30, v1;
	(v2sf) =	vpush v7, $0x2;
	s11 =	sshra.s32 s21, $0x12;
	s21 =	smulhi.u32 $0x431BE2E9, s25;
	s28 =	sshra.s32 s25, $0x1F  }
0x560: {  	v18 =	vsel vm4, s0, v18;
	(v2sf) =	vpush v7, $0x3;
	s0 =	sadd.s32 s2, s3;
	v50 =	vsel vm13, s29, v22;
	s3 =	smul.u32 $0x431BE2E9, s28;
	s29 =	spop (v2sf)  }
0x561: {  	v17 =	vsel vm8, v52, v51;
	s14 =	sshra.s32 s22, $0x1F;
	(v2sf) =	vpush v7, $0x4;
	v20 =	vsel vm1, s15, v50;
	s15 =	smulhi.u32 $0x431BE2E9, s29;
	s30 =	sshra.s32 s29, $0x1F  }
0x562: {  	v0 =	vmul.u32 $0xF423F, v0;
	v17 =	vadd.s32 v17, v58;
	s2 =	sadd.s32 s31, s23;
	(v2sf) =	vpush v7, $0x5;
	s31 =	spop (v2sf);
	s25 =	smul.u32 $0x431BE2E9, s30  }
0x563: {  	v18 =	vsel vm15, s18, v18;
	s18 =	sshrl.u32 s0, $0x1F;
	v20 =	vsel vm10, s13, v20;
	(v2sf) =	vpush v7, $0x6;
	s13 =	smulhi.u32 $0x431BE2E9, s31;
	s28 =	sshra.s32 s31, $0x1F  }
0x564: {  	v0 =	vsub.s32 v10, v0;
	v55 =	vmov s20;
	s23 =	sshrl.u32 s2, $0x1F;
	s30 =	spop (v2sf);
	(v2sf) =	vpush v7, $0x7;
	s29 =	smul.u32 $0x431BE2E9, s28  }
0x565: {  	v10 =	vperm.xlane v45, v53;
	v17 =	vmul.u32 $0xF423F, v17;
	v57 =	vsel vm0, s7, v55;
	s3 =	sadd.s32 s3, s21;
	s7 =	smulhi.u32 $0x431BE2E9, s30;
	s20 =	sshra.s32 s30, $0x1F  }
0x566: {  	vm13 =	vmmov vm10;
	vm10 =	vcmask $0x1F1C;
	v20 =	vsel vm2, s1, v20;
	s28 =	spop (v2sf);
	s1 =	sadd.s32 s25, s15;
	s31 =	smul.u32 $0x431BE2E9, s20  }
0x567: {  	vm9 =	vlt.s32 v0, $0x0;
	v10 =	vsel vm8, v47, v10;
	v20 =	vsel vm10, s5, v20;
	s5 =	smulhi.u32 $0x431BE2E9, s28;
	s25 =	sshra.s32 s28, $0x1F;
	s30 =	spop (v2sf)  }
0x568: {  	v59 =	vadd.s32 $0xF423F, v0;
	v10 =	vadd.s32 v10, v15;
	v15 =	vsel vm1, s4, v57;
	s4 =	sadd.s32 s29, s13;
	s29 =	smul.u32 $0x431BE2E9, s25;
	s28 =	sshra.s32 s30, $0x1F  }
0x569: {  	vm3 =	vcmask $0x3734;
	v0 =	vsel vm9, v59, v0;
	v10 =	vmul.u32 $0xF423F, v10;
	s7 =	sadd.s32 s31, s7;
	s31 =	smulhi.u32 $0x431BE2E9, s30;
	s30 =	spop (v2sf)  }
0x56a: {  	v38 =	vperm.xlane v43, v1;
	v17 =	vsub.s32 v12, v17;
	v12 =	vand.u32 $0x3, v0;
	s5 =	sadd.s32 s29, s5;
	s29 =	smul.u32 $0x431BE2E9, s28;
	s28 =	sshra.s32 s30, $0x1F  }
0x56b: {  	v11 =	vsub.s32 v11, v10;
	v10 =	vshra.s32 v0, $0x2;
	s22 =	sshrl.u32 s3, $0x1F;
	v20 =	vsel vm6, s19, v20;
	s20 =	sshrl.u32 s1, $0x1F;
	s15 =	smul.u32 $0x431BE2E9, s28  }
0x56c: {  	v61 =	vmov s12;
	v15 =	vsel vm2, s6, v15;
	v20 =	vsel vm11, s17, v20;
	s6 =	sadd.s32 s29, s31;
	s31 =	smulhi.u32 $0x431BE2E9, s30;
	s29 =	spop (v2sf)  }
0x56d: {  	v0 =	vcombine.low v40, v31;
	v23 =	vsel vm0, s9, v61;
	v20 =	vsel vm7, s16, v20;
	s21 =	sshrl.u32 s4, $0x1F;
	s16 =	smulhi.u32 $0x431BE2E9, s29;
	s17 =	sshra.s32 s29, $0x1F  }
0x56e: {  	v16 =	vshra.s32 v9, $0x2;
	v9 =	vand.u32 $0x3, v9;
	v23 =	vsel vm1, s10, v23;
	s30 =	spop (v2sf);
	s10 =	sadd.s32 s15, s31;
	s13 =	smul.u32 $0x431BE2E9, s17  }
0x56f: {  	v49 =	vld [tilespmem:$0x320];
	v42 =	vsel vm8, v38, v26;
	v63 =	vadd.s32 $0xF423F, v17;
	v0 =	vperm.xlane v0, v53;
	s31 =	spop (v2sf);
	s28 =	smulhi.u32 $0x431BE2E9, s30;
	s29 =	sshra.s32 s30, $0x1F  }
0x570: {  	vm9 =	vlt.s32 v11, $0x0;
	v19 =	vcombine.low v14, v19;
	v20 =	vsel vm14, s26, v20;
	s25 =	spop (v2sf);
	s30 =	smulhi.u32 $0x431BE2E9, s31;
	s15 =	sshra.s32 s31, $0x1F  }
0x571: {  	v0 =	vsel vm8, v37, v0;
	v40 =	vmov s23;
	v20 =	vsel vm4, s24, v20;
	s23 =	sshrl.u32 s10, $0x1F;
	s15 =	smul.u32 $0x431BE2E9, s15;
	s24 =	spop (v2sf)  }
0x572: {  	v0 =	vadd.s32 v0, v42;
	v32 =	vsel vm0, s18, v40;
	v20 =	vsel vm3, s14, v20;
	s17 =	smul.u32 $0x431BE2E9, s29;
	s16 =	sadd.s32 s13, s16;
	s18 =	spop (v2sf)  }
0x573: {  	v60 =	vadd.s32 $0xF423F, v11;
	v0 =	vmul.u32 $0xF423F, v0;
	v20 =	vsel vm15, s11, v20;
	s11 =	sadd.s32 s15, s30;
	s30 =	smulhi.u32 $0x431BE2E9, s25;
	s31 =	spop (v2sf)  }
0x574: {  	v19 =	vperm.xlane v19, v53;
	v23 =	vsel vm2, s8, v23;
	v57 =	vmul.u32 $0x6A37, v49;
	v48 =	vld [tilespmem:$0x120];
	s13 =	sadd.s32 s17, s28;
	s8 =	smulhi.u32 $0x431BE2E9, s31;
	s28 =	sshra.s32 s31, $0x1F  }
0x575: {  	v0 =	vsub.s32 v13, v0;
	v22 =	vsel vm9, v60, v11;
	s19 =	sshrl.u32 s7, $0x1F;
	v47 =	vmov s23;
	s31 =	sshra.s32 s25, $0x1F;
	s17 =	smul.u32 $0x431BE2E9, s28  }
0x576: {  	v11 =	vshra.s32 v22, $0x2;
	v44 =	vand.u32 $0x3, v22;
	s29 =	sshrl.u32 s16, $0x1F;
	v22 =	vnsel vm5, $0x0, v47;
	s25 =	sshra.s32 s24, $0x1F;
	s15 =	smul.u32 $0x431BE2E9, s31  }
0x577: {  	v23 =	vcombine.low v23, v15;
	vm9 =	vlt.s32 v17, $0x0;
	s12 =	sshrl.u32 s5, $0x1F;
	s9 =	sshrl.u32 s6, $0x1F;
	v22 =	vsel vm0, s29, v22;
	s29 =	smul.u32 $0x431BE2E9, s25  }
0x578: {  	v18 =	vperm.xlane v18, v1;
	v41 =	vsel vm9, v63, v17;
	vm9 =	vcmask $0xF0C;
	s26 =	sshrl.u32 s13, $0x1F;
	s23 =	sshrl.u32 s11, $0x1F;
	s31 =	smulhi.u32 $0x431BE2E9, s18  }
0x579: {  	[tilespmem:$0x440] =	vst v2;
	v56 =	vmul.u32 $0x8DD9, v48;
	v43 =	vsel vm1, s22, v32;
	v2 =	vmov s19;
	s18 =	sshra.s32 s18, $0x1F;
	s8 =	sadd.s32 s17, s8;
	s17 =	smulhi.u32 $0x431BE2E9, s24  }
0x57a: {  	v26 =	vsel vm2, s20, v43;
	v2 =	vsel vm0, s21, v2;
	v51 =	vsel vm1, s26, v22;
	s18 =	smul.u32 $0x431BE2E9, s18;
	s14 =	sadd.s32 s15, s30;
	s28 =	sshra.s32 s8, $0x1F  }
0x57b: {  	[tilespmem:$0x640] =	vst v21;
	v2 =	vsel vm1, s12, v2;
	v21 =	vsel vm2, s23, v51;
	s30 =	sshra.s32 s10, $0x12;
	s19 =	sshrl.u32 s14, $0x1F;
	v50 =	vmov s28;
	s22 =	sadd.s32 s29, s17  }
0x57c: {  	v2 =	vsel vm2, s9, v2;
	s10 =	sshra.s32 s10, $0x1F;
	s25 =	sadd.s32 s18, s31;
	v54 =	vsel vm6, s19, v21;
	v52 =	vsel vm5, s30, v50;
	s24 =	sshrl.u32 s22, $0x1F  }
0x57d: {  	v58 =	vcombine.low v2, v26;
	s21 =	sshra.s32 s16, $0x12;
	s28 =	sshrl.u32 s25, $0x1F;
	v22 =	vsel vm12, s10, v52;
	v2 =	vsel vm7, s24, v54  }
0x57e: {  	s23 =	sshra.s32 s16, $0x1F;
	v55 =	vsel vm0, s21, v22;
	v60 =	vsel vm4, s28, v2;
	v2 =	vadd.s32 v56, v57  }
0x57f: {  	v46 =	vperm.xlane v23, v53;
	s26 =	sshra.s32 s13, $0x12;
	v21 =	vsel vm9, s23, v55;
	(v2sf) =	vpush v2, $0xD  }
0x580: {  	v18 =	vsel vm8, v18, v19;
	s2 =	sshra.s32 s2, $0x12;
	v20 =	vperm.xlane v20, v1;
	s29 =	sshra.s32 s13, $0x1F;
	v59 =	vsel vm1, s26, v21  }
0x581: {  	[tilespmem:$0x650] =	vst v5;
	s0 =	sshra.s32 s0, $0x12;
	v61 =	vmov s2;
	s30 =	sshra.s32 s11, $0x12;
	(v2sf) =	vpush v2, $0xC;
	v5 =	vsel vm13, s29, v59  }
0x582: {  	[tilespmem:$0x670] =	vst v4;
	v4 =	vsel vm0, s0, v61;
	v20 =	vsel vm8, v20, v46;
	s31 =	sshra.s32 s11, $0x1F;
	v5 =	vsel vm2, s30, v5  }
0x583: {  	[tilespmem:$0x6B0] =	vst v9;
	s12 =	sshra.s32 s7, $0x12;
	v9 =	vadd.s32 v18, v20;
	s11 =	sshra.s32 s14, $0x12;
	(v2sf) =	vpush v2, $0xE;
	v5 =	vsel vm10, s31, v5  }
0x584: {  	v62 =	vmov s12;
	v9 =	vmul.u32 $0xF423F, v9;
	s13 =	sshra.s32 s14, $0x1F;
	s14 =	sshra.s32 s4, $0x12;
	v5 =	vsel vm6, s11, v5  }
0x585: {  	s16 =	sshra.s32 s22, $0x12;
	s10 =	sshra.s32 s3, $0x12;
	v63 =	vsel vm0, s14, v62;
	(v2sf) =	vpush v2, $0xF;
	v5 =	vsel vm11, s13, v5  }
0x586: {  	s1 =	sshra.s32 s1, $0x12;
	s17 =	sshra.s32 s5, $0x12;
	s18 =	sshra.s32 s22, $0x1F;
	v4 =	vsel vm1, s10, v4;
	(v2sf) =	vpush v2, $0x9;
	v5 =	vsel vm7, s16, v5  }
0x587: {  	[tilespmem:$0x690] =	vst v8;
	s19 =	sshra.s32 s6, $0x12;
	s20 =	sshra.s32 s25, $0x12;
	v8 =	vsel vm1, s17, v63;
	s21 =	sshrl.u32 s8, $0x1F;
	v4 =	vsel vm2, s1, v4;
	v5 =	vsel vm14, s18, v5  }
0x588: {  	[tilespmem:$0x470] =	vst v6;
	s22 =	sshra.s32 s25, $0x1F;
	v8 =	vsel vm2, s19, v8;
	v6 =	vsel vm15, s21, v60;
	v5 =	vsel vm4, s20, v5  }
0x589: {  	s23 =	sshra.s32 s8, $0x12;
	v4 =	vcombine.low v8, v4;
	(v2sf) =	vpush v2, $0x8;
	v5 =	vsel vm3, s22, v5  }
0x58a: {  	[tilespmem:$0x4B0] =	vst v16;
	v16 =	vperm.xlane v58, v53;
	v6 =	vperm.xlane v6, v1;
	v5 =	vsel vm15, s23, v5  }
0x58b: {  	v4 =	vperm.xlane v4, v53;
	(v2sf) =	vpush v2, $0xA;
	v5 =	vperm.xlane v5, v1  }
0x58c: {  	v3 =	vsub.s32 v3, v9;
	v22 =	vadd.s32 $0xF423F, v0;
	vm9 =	vlt.s32 v0, $0x0  }
0x58d: {  	v6 =	vsel vm8, v6, v16;
	(v2sf) =	vpush v2, $0xB;
	v4 =	vsel vm8, v5, v4  }
0x58e: {  	v23 =	vadd.s32 $0xF423F, v3;
	v0 =	vsel vm9, v22, v0;
	v4 =	vadd.s32 v6, v4;
	s24 =	spop (v2sf)  }
0x58f: {  	vm9 =	vlt.s32 v3, $0x0;
	(v2sf) =	vpush v2, $0x0;
	v4 =	vmul.u32 $0xF423F, v4;
	s31 =	smulhi.u32 $0x431BE2E9, s24;
	s0 =	sshra.s32 s24, $0x1F  }
0x590: {  	v3 =	vsel vm9, v23, v3;
	v5 =	vshra.s32 v0, $0x2;
	s25 =	spop (v2sf);
	s18 =	smul.u32 $0x431BE2E9, s0  }
0x591: {  	[tilespmem:$0x6A0] =	vst v24;
	v0 =	vand.u32 $0x3, v0;
	(v2sf) =	vpush v2, $0x1;
	s15 =	smulhi.u32 $0x431BE2E9, s25;
	s6 =	sshra.s32 s25, $0x1F;
	v4 =	vsub.s32 v7, v4  }
0x592: {  	[tilespmem:$0x6F0] =	vst v0;
	v0 =	vshra.s32 v3, $0x2;
	s26 =	spop (v2sf);
	s20 =	smul.u32 $0x431BE2E9, s6;
	vm9 =	vlt.s32 v4, $0x0;
	v24 =	vadd.s32 $0xF423F, v4  }
0x593: {  	[tilespmem:$0x500] =	vst v0;
	v0 =	vand.u32 $0x3, v3;
	(v2sf) =	vpush v2, $0x2;
	s16 =	smulhi.u32 $0x431BE2E9, s26;
	s7 =	sshra.s32 s26, $0x1F;
	v3 =	vsel vm9, v24, v4  }
0x594: {  	[tilespmem:$0x700] =	vst v0;
	s28 =	spop (v2sf);
	(v2sf) =	vpush v2, $0x3;
	s21 =	smul.u32 $0x431BE2E9, s7;
	v0 =	vshra.s32 v3, $0x2  }
0x595: {  	s29 =	spop (v2sf);
	s17 =	smulhi.u32 $0x431BE2E9, s28;
	s8 =	sshra.s32 s28, $0x1F;
	(v2sf) =	vpush v2, $0x4;
	[tilespmem:$0x510] =	vst v0;
	v0 =	vand.u32 $0x3, v3;
	v3 =	vld [tilespmem:$0x330]  }
0x596: {  	s22 =	smul.u32 $0x431BE2E9, s8;
	[tilespmem:$0x710] =	vst v0;
	v0 =	vld [tilespmem:$0x130]  }
0x597: {  	s19 =	smulhi.u32 $0x431BE2E9, s29;
	s9 =	sshra.s32 s29, $0x1F  }
0x598: {  	s30 =	spop (v2sf);
	(v2sf) =	vpush v2, $0x5;
	s25 =	smul.u32 $0x431BE2E9, s9  }
0x599: {  	s23 =	smulhi.u32 $0x431BE2E9, s30;
	s10 =	sshra.s32 s30, $0x1F  }
0x59a: {  	s11 =	spop (v2sf);
	(v2sf) =	vpush v2, $0x6;
	s26 =	smul.u32 $0x431BE2E9, s10  }
0x59b: {  	s24 =	smulhi.u32 $0x431BE2E9, s11;
	s0 =	sshra.s32 s11, $0x1F;
	v3 =	vmul.u32 $0x6A37, v3;
	v0 =	vmul.u32 $0x8DD9, v0  }
0x59c: {  	s12 =	spop (v2sf);
	(v2sf) =	vpush v2, $0x7;
	s28 =	smul.u32 $0x431BE2E9, s0  }
0x59d: {  	[smem:$0x682] =	sst s31;
	s29 =	smulhi.u32 $0x431BE2E9, s12;
	s0 =	sshra.s32 s12, $0x1F;
	v3 =	vadd.s32 v0, v3  }
0x59e: {  	s13 =	spop (v2sf);
	s31 =	smul.u32 $0x431BE2E9, s0;
	(v2sf) =	vpush v3, $0xD  }
0x59f: {  	s30 =	smulhi.u32 $0x431BE2E9, s13;
	s0 =	sshra.s32 s13, $0x1F  }
0x5a0: {  	s8 =	smul.u32 $0x431BE2E9, s0;
	s14 =	spop (v2sf)  }
0x5a1: {  	s2 =	smulhi.u32 $0x431BE2E9, s14;
	s0 =	sshra.s32 s14, $0x1F;
	(v2sf) =	vpush v3, $0xC  }
0x5a2: {  	s3 =	spop (v2sf);
	s11 =	smul.u32 $0x431BE2E9, s0  }
0x5a3: {  	s4 =	smulhi.u32 $0x431BE2E9, s3;
	s5 =	spop (v2sf)  }
0x5a4: {  	s0 =	sshra.s32 s3, $0x1F;
	(v2sf) =	vpush v3, $0xE;
	s6 =	smulhi.u32 $0x431BE2E9, s5;
	s7 =	spop (v2sf)  }
0x5a5: {  	[smem:$0x684] =	sst s4;
	s4 =	smul.u32 $0x431BE2E9, s0  }
0x5a6: {  	s0 =	sshra.s32 s5, $0x1F;
	s9 =	smulhi.u32 $0x431BE2E9, s7  }
0x5a7: {  	(v2sf) =	vpush v3, $0xF;
	s10 =	spop (v2sf);
	s3 =	smul.u32 $0x431BE2E9, s0  }
0x5a8: {  	[smem:$0x683] =	sst s2;
	s0 =	sshra.s32 s7, $0x1F;
	s12 =	smulhi.u32 $0x431BE2E9, s10  }
0x5a9: {  	s13 =	spop (v2sf);
	s5 =	smul.u32 $0x431BE2E9, s0  }
0x5aa: {  	(v2sf) =	vpush v3, $0x9;
	[smem:$0x685] =	sst s6;
	s0 =	sshra.s32 s10, $0x1F;
	s14 =	smulhi.u32 $0x431BE2E9, s13  }
0x5ab: {  	s6 =	spop (v2sf);
	s2 =	smul.u32 $0x431BE2E9, s0  }
0x5ac: {  	(v2sf) =	vpush v3, $0x8;
	[smem:$0x686] =	sst s9;
	s0 =	sshra.s32 s13, $0x1F;
	s9 =	smulhi.u32 $0x431BE2E9, s6  }
0x5ad: {  	s7 =	smul.u32 $0x431BE2E9, s0;
	s0 =	sshra.s32 s6, $0x1F;
	s10 =	spop (v2sf)  }
0x5ae: {  	(v2sf) =	vpush v3, $0xA;
	s6 =	smul.u32 $0x431BE2E9, s0;
	s0 =	sshra.s32 s10, $0x1F  }
0x5af: {  	[smem:$0x687] =	sst s12;
	s0 =	smul.u32 $0x431BE2E9, s0  }
0x5b0: {  	(v2sf) =	vpush v3, $0xB;
	[smem:$0x688] =	sst s14;
	s13 =	spop (v2sf)  }
0x5b1: {  	[smem:$0x68B] =	sst s0;
	s0 =	sshra.s32 s13, $0x1F  }
0x5b2: {  	[smem:$0x689] =	sst s9;
	s0 =	smul.u32 $0x431BE2E9, s0  }
0x5b3: {  	(v2sf) =	vpush v3, $0x0;
	s12 =	smulhi.u32 $0x431BE2E9, s10;
	s9 =	spop (v2sf)  }
0x5b4: {  	s14 =	smulhi.u32 $0x431BE2E9, s13;
	[smem:$0x68D] =	sst s0;
	s0 =	sshra.s32 s9, $0x1F  }
0x5b5: {  	(v2sf) =	vpush v3, $0x1;
	s0 =	smul.u32 $0x431BE2E9, s0  }
0x5b6: {  	[smem:$0x68A] =	sst s12;
	s12 =	spop (v2sf)  }
0x5b7: {  	s10 =	smulhi.u32 $0x431BE2E9, s9;
	[smem:$0x68F] =	sst s0;
	s0 =	sshra.s32 s12, $0x1F  }
0x5b8: {  	(v2sf) =	vpush v3, $0x2;
	[smem:$0x68C] =	sst s14;
	s0 =	smul.u32 $0x431BE2E9, s0  }
0x5b9: {  	s14 =	spop (v2sf);
	[smem:$0x68E] =	sst s10  }
0x5ba: {  	s13 =	smulhi.u32 $0x431BE2E9, s12;
	[smem:$0x691] =	sst s0;
	s0 =	sshra.s32 s14, $0x1F  }
0x5bb: {  	(v2sf) =	vpush v3, $0x3;
	s10 =	spop (v2sf);
	s0 =	smul.u32 $0x431BE2E9, s0  }
0x5bc: {  	[smem:$0x690] =	sst s13;
	s9 =	smulhi.u32 $0x431BE2E9, s14  }
0x5bd: {  	(v2sf) =	vpush v3, $0x4;
	s13 =	spop (v2sf);
	[smem:$0x693] =	sst s0;
	s0 =	sshra.s32 s10, $0x1F  }
0x5be: {  	[smem:$0x692] =	sst s9;
	s0 =	smul.u32 $0x431BE2E9, s0  }
0x5bf: {  	(v2sf) =	vpush v3, $0x5;
	s9 =	spop (v2sf);
	s12 =	smulhi.u32 $0x431BE2E9, s10  }
0x5c0: {  	s14 =	smulhi.u32 $0x431BE2E9, s13;
	[smem:$0x695] =	sst s0;
	s0 =	sshra.s32 s13, $0x1F  }
0x5c1: {  	[smem:$0x694] =	sst s12;
	s0 =	smul.u32 $0x431BE2E9, s0  }
0x5c2: {  	[tilespmem:$0x450] =	vst v25;
	v25 =	vld [tilespmem:$0x340];
	[smem:$0x696] =	sst s14;
	s12 =	spop (v2sf)  }
0x5c3: {  	v0 =	vld [tilespmem:$0x140];
	(v2sf) =	vpush v3, $0x6;
	s10 =	smulhi.u32 $0x431BE2E9, s9;
	[smem:$0x697] =	sst s0;
	s0 =	sshra.s32 s9, $0x1F  }
0x5c4: {  	s14 =	spop (v2sf);
	s0 =	smul.u32 $0x431BE2E9, s0  }
0x5c5: {  	[smem:$0x698] =	sst s10;
	s10 =	smulhi.u32 $0x431BE2E9, s14  }
0x5c6: {  	s13 =	smulhi.u32 $0x431BE2E9, s12;
	[smem:$0x699] =	sst s0;
	s0 =	sshra.s32 s12, $0x1F  }
0x5c7: {  	(v2sf) =	vpush v3, $0x7;
	s12 =	spop (v2sf);
	s9 =	smul.u32 $0x431BE2E9, s0  }
0x5c8: {  	v4 =	vmul.u32 $0x6A37, v25;
	v0 =	vmul.u32 $0x8DD9, v0;
	[smem:$0x69A] =	sst s13;
	s0 =	sshra.s32 s14, $0x1F;
	s13 =	smulhi.u32 $0x431BE2E9, s12  }
0x5c9: {  	[smem:$0x69B] =	sst s10;
	s10 =	smul.u32 $0x431BE2E9, s0;
	s0 =	sshra.s32 s12, $0x1F  }
0x5ca: {  	v4 =	vadd.s32 v0, v4;
	s14 =	spop (v2sf);
	s12 =	smul.u32 $0x431BE2E9, s0  }
0x5cb: {  	(v2sf) =	vpush v4, $0xD;
	[smem:$0x69C] =	sst s13;
	s13 =	smulhi.u32 $0x431BE2E9, s14;
	s0 =	sshra.s32 s14, $0x1F  }
0x5cc: {  	s1 =	smul.u32 $0x431BE2E9, s0;
	s0 =	spop (v2sf)  }
0x5cd: {  	s14 =	smulhi.u32 $0x431BE2E9, s0  }
0x5ce: {  	[smem:$0x69D] =	sst s13;
	s13 =	spop (v2sf)  }
0x5cf: {  	(v2sf) =	vpush v4, $0xC;
	[smem:$0x69E] =	sst s14;
	s14 =	smulhi.u32 $0x431BE2E9, s13;
	s13 =	sshra.s32 s13, $0x1F  }
0x5d0: {  	s13 =	smul.u32 $0x431BE2E9, s13;
	_ =	sdelay $0x1  }
0x5d1: {  	[smem:$0x6A0] =	sst s13;
	s13 =	spop (v2sf)  }
0x5d2: {  	(v2sf) =	vpush v4, $0xE;
	[smem:$0x69F] =	sst s14;
	s14 =	smulhi.u32 $0x431BE2E9, s13;
	s13 =	sshra.s32 s13, $0x1F  }
0x5d3: {  	s13 =	smul.u32 $0x431BE2E9, s13;
	_ =	sdelay $0x1  }
0x5d4: {  	[smem:$0x6A2] =	sst s13;
	s13 =	spop (v2sf)  }
0x5d5: {  	(v2sf) =	vpush v4, $0xF;
	[smem:$0x6A1] =	sst s14;
	s14 =	smulhi.u32 $0x431BE2E9, s13;
	s13 =	sshra.s32 s13, $0x1F  }
0x5d6: {  	s13 =	smul.u32 $0x431BE2E9, s13;
	_ =	sdelay $0x1  }
0x5d7: {  	[smem:$0x6A4] =	sst s13;
	s13 =	spop (v2sf)  }
0x5d8: {  	(v2sf) =	vpush v4, $0x9;
	[smem:$0x6A3] =	sst s14;
	s14 =	smulhi.u32 $0x431BE2E9, s13;
	s13 =	sshra.s32 s13, $0x1F  }
0x5d9: {  	s13 =	smul.u32 $0x431BE2E9, s13;
	_ =	sdelay $0x1  }
0x5da: {  	[smem:$0x6A6] =	sst s13;
	s13 =	spop (v2sf)  }
0x5db: {  	(v2sf) =	vpush v4, $0x8;
	[smem:$0x6A5] =	sst s14;
	s14 =	smulhi.u32 $0x431BE2E9, s13;
	s13 =	sshra.s32 s13, $0x1F  }
0x5dc: {  	s13 =	smul.u32 $0x431BE2E9, s13;
	_ =	sdelay $0x1  }
0x5dd: {  	[smem:$0x6A8] =	sst s13;
	s13 =	spop (v2sf)  }
0x5de: {  	(v2sf) =	vpush v4, $0xA;
	[smem:$0x6A7] =	sst s14;
	s14 =	smulhi.u32 $0x431BE2E9, s13;
	s13 =	sshra.s32 s13, $0x1F  }
0x5df: {  	s13 =	smul.u32 $0x431BE2E9, s13;
	_ =	sdelay $0x1  }
0x5e0: {  	[smem:$0x6AA] =	sst s13;
	s13 =	spop (v2sf)  }
0x5e1: {  	(v2sf) =	vpush v4, $0xB;
	[smem:$0x6A9] =	sst s14;
	s14 =	smulhi.u32 $0x431BE2E9, s13;
	s13 =	sshra.s32 s13, $0x1F  }
0x5e2: {  	s13 =	smul.u32 $0x431BE2E9, s13;
	_ =	sdelay $0x1  }
0x5e3: {  	[smem:$0x6AC] =	sst s13;
	s13 =	spop (v2sf)  }
0x5e4: {  	(v2sf) =	vpush v4, $0x0;
	[smem:$0x6AB] =	sst s14;
	s14 =	smulhi.u32 $0x431BE2E9, s13;
	s13 =	sshra.s32 s13, $0x1F  }
0x5e5: {  	s13 =	smul.u32 $0x431BE2E9, s13;
	_ =	sdelay $0x1  }
0x5e6: {  	[smem:$0x6AE] =	sst s13;
	s13 =	spop (v2sf)  }
0x5e7: {  	(v2sf) =	vpush v4, $0x1;
	[smem:$0x6AD] =	sst s14;
	s14 =	smulhi.u32 $0x431BE2E9, s13;
	s13 =	sshra.s32 s13, $0x1F  }
0x5e8: {  	s13 =	smul.u32 $0x431BE2E9, s13;
	_ =	sdelay $0x1  }
0x5e9: {  	[smem:$0x6B0] =	sst s13;
	s13 =	spop (v2sf)  }
0x5ea: {  	(v2sf) =	vpush v4, $0x2;
	[smem:$0x6AF] =	sst s14;
	s14 =	smulhi.u32 $0x431BE2E9, s13;
	s13 =	sshra.s32 s13, $0x1F  }
0x5eb: {  	s13 =	smul.u32 $0x431BE2E9, s13;
	_ =	sdelay $0x1  }
0x5ec: {  	[smem:$0x6B2] =	sst s13;
	s13 =	spop (v2sf)  }
0x5ed: {  	(v2sf) =	vpush v4, $0x3;
	[smem:$0x6B1] =	sst s14;
	s14 =	smulhi.u32 $0x431BE2E9, s13;
	s13 =	sshra.s32 s13, $0x1F  }
0x5ee: {  	s13 =	smul.u32 $0x431BE2E9, s13;
	_ =	sdelay $0x1  }
0x5ef: {  	[smem:$0x6B4] =	sst s13;
	s13 =	spop (v2sf)  }
0x5f0: {  	(v2sf) =	vpush v4, $0x4;
	[smem:$0x6B3] =	sst s14;
	s14 =	smulhi.u32 $0x431BE2E9, s13;
	s13 =	sshra.s32 s13, $0x1F  }
0x5f1: {  	s13 =	smul.u32 $0x431BE2E9, s13;
	_ =	sdelay $0x1  }
0x5f2: {  	[smem:$0x6B6] =	sst s13;
	s13 =	spop (v2sf)  }
0x5f3: {  	(v2sf) =	vpush v4, $0x5;
	[smem:$0x6B5] =	sst s14;
	s14 =	smulhi.u32 $0x431BE2E9, s13;
	s13 =	sshra.s32 s13, $0x1F  }
0x5f4: {  	s13 =	smul.u32 $0x431BE2E9, s13;
	_ =	sdelay $0x1  }
0x5f5: {  	v26 =	vld [tilespmem:$0x350];
	[smem:$0x6B8] =	sst s13;
	s13 =	spop (v2sf)  }
0x5f6: {  	v0 =	vld [tilespmem:$0x150];
	(v2sf) =	vpush v4, $0x6;
	[smem:$0x6B7] =	sst s14;
	s14 =	smulhi.u32 $0x431BE2E9, s13;
	s13 =	sshra.s32 s13, $0x1F  }
0x5f7: {  	s13 =	smul.u32 $0x431BE2E9, s13;
	_ =	sdelay $0x1  }
0x5f8: {  	[smem:$0x6BA] =	sst s13;
	s13 =	spop (v2sf)  }
0x5f9: {  	(v2sf) =	vpush v4, $0x7;
	[smem:$0x6B9] =	sst s14;
	s14 =	smulhi.u32 $0x431BE2E9, s13;
	s13 =	sshra.s32 s13, $0x1F  }
0x5fa: {  	[tilespmem:$0x4F0] =	vst v5;
	v5 =	vmul.u32 $0x6A37, v26;
	v0 =	vmul.u32 $0x8DD9, v0;
	s13 =	smul.u32 $0x431BE2E9, s13;
	_ =	sdelay $0x1  }
0x5fb: {  	v6 =	vadd.s32 v0, v5;
	[smem:$0x6BC] =	sst s13;
	s13 =	spop (v2sf)  }
0x5fc: {  	(v2sf) =	vpush v6, $0xD;
	[smem:$0x6BB] =	sst s14;
	s14 =	smulhi.u32 $0x431BE2E9, s13;
	s13 =	sshra.s32 s13, $0x1F  }
0x5fd: {  	s13 =	smul.u32 $0x431BE2E9, s13;
	_ =	sdelay $0x1  }
0x5fe: {  	[smem:$0x6BE] =	sst s13;
	s13 =	spop (v2sf)  }
0x5ff: {  	(v2sf) =	vpush v6, $0xC;
	[smem:$0x6BD] =	sst s14;
	s14 =	smulhi.u32 $0x431BE2E9, s13;
	s13 =	sshra.s32 s13, $0x1F  }
0x600: {  	s13 =	smul.u32 $0x431BE2E9, s13;
	_ =	sdelay $0x1  }
0x601: {  	[smem:$0x6C0] =	sst s13;
	s13 =	spop (v2sf)  }
0x602: {  	(v2sf) =	vpush v6, $0xE;
	[smem:$0x6BF] =	sst s14;
	s14 =	smulhi.u32 $0x431BE2E9, s13;
	s13 =	sshra.s32 s13, $0x1F  }
0x603: {  	s13 =	smul.u32 $0x431BE2E9, s13;
	_ =	sdelay $0x1  }
0x604: {  	[smem:$0x6C2] =	sst s13;
	s13 =	spop (v2sf)  }
0x605: {  	(v2sf) =	vpush v6, $0xF;
	[smem:$0x6C1] =	sst s14;
	s14 =	smulhi.u32 $0x431BE2E9, s13;
	s13 =	sshra.s32 s13, $0x1F  }
0x606: {  	s13 =	smul.u32 $0x431BE2E9, s13;
	_ =	sdelay $0x1  }
0x607: {  	[smem:$0x6C4] =	sst s13;
	s13 =	spop (v2sf)  }
0x608: {  	(v2sf) =	vpush v6, $0x9;
	[smem:$0x6C3] =	sst s14;
	s14 =	smulhi.u32 $0x431BE2E9, s13;
	s13 =	sshra.s32 s13, $0x1F  }
0x609: {  	s13 =	smul.u32 $0x431BE2E9, s13;
	_ =	sdelay $0x1  }
0x60a: {  	[smem:$0x6C6] =	sst s13;
	s13 =	spop (v2sf)  }
0x60b: {  	(v2sf) =	vpush v6, $0x8;
	[smem:$0x6C5] =	sst s14;
	s14 =	smulhi.u32 $0x431BE2E9, s13;
	s13 =	sshra.s32 s13, $0x1F  }
0x60c: {  	s13 =	smul.u32 $0x431BE2E9, s13;
	_ =	sdelay $0x1  }
0x60d: {  	[smem:$0x6C8] =	sst s13;
	s13 =	spop (v2sf)  }
0x60e: {  	(v2sf) =	vpush v6, $0xA;
	[smem:$0x6C7] =	sst s14;
	s14 =	smulhi.u32 $0x431BE2E9, s13;
	s13 =	sshra.s32 s13, $0x1F  }
0x60f: {  	s13 =	smul.u32 $0x431BE2E9, s13;
	_ =	sdelay $0x1  }
0x610: {  	[smem:$0x6CA] =	sst s13;
	s13 =	spop (v2sf)  }
0x611: {  	(v2sf) =	vpush v6, $0xB;
	[smem:$0x6C9] =	sst s14;
	s14 =	smulhi.u32 $0x431BE2E9, s13;
	s13 =	sshra.s32 s13, $0x1F  }
0x612: {  	s13 =	smul.u32 $0x431BE2E9, s13;
	_ =	sdelay $0x1  }
0x613: {  	[smem:$0x6CC] =	sst s13;
	s13 =	spop (v2sf)  }
0x614: {  	(v2sf) =	vpush v6, $0x0;
	[smem:$0x6CB] =	sst s14;
	s14 =	smulhi.u32 $0x431BE2E9, s13;
	s13 =	sshra.s32 s13, $0x1F  }
0x615: {  	s13 =	smul.u32 $0x431BE2E9, s13;
	_ =	sdelay $0x1  }
0x616: {  	[smem:$0x6CE] =	sst s13;
	s13 =	spop (v2sf)  }
0x617: {  	(v2sf) =	vpush v6, $0x1;
	[smem:$0x6CD] =	sst s14;
	s14 =	smulhi.u32 $0x431BE2E9, s13;
	s13 =	sshra.s32 s13, $0x1F  }
0x618: {  	s13 =	smul.u32 $0x431BE2E9, s13;
	_ =	sdelay $0x1  }
0x619: {  	[smem:$0x6D0] =	sst s13;
	s13 =	spop (v2sf)  }
0x61a: {  	(v2sf) =	vpush v6, $0x2;
	[smem:$0x6CF] =	sst s14;
	s14 =	smulhi.u32 $0x431BE2E9, s13;
	s13 =	sshra.s32 s13, $0x1F  }
0x61b: {  	s13 =	smul.u32 $0x431BE2E9, s13;
	_ =	sdelay $0x1  }
0x61c: {  	[smem:$0x6D2] =	sst s13;
	s13 =	spop (v2sf)  }
0x61d: {  	(v2sf) =	vpush v6, $0x3;
	[smem:$0x6D1] =	sst s14;
	s14 =	smulhi.u32 $0x431BE2E9, s13;
	s13 =	sshra.s32 s13, $0x1F  }
0x61e: {  	s13 =	smul.u32 $0x431BE2E9, s13;
	_ =	sdelay $0x1  }
0x61f: {  	[smem:$0x6D4] =	sst s13;
	s13 =	spop (v2sf)  }
0x620: {  	(v2sf) =	vpush v6, $0x4;
	[smem:$0x6D3] =	sst s14;
	s14 =	smulhi.u32 $0x431BE2E9, s13;
	s13 =	sshra.s32 s13, $0x1F  }
0x621: {  	s13 =	smul.u32 $0x431BE2E9, s13;
	_ =	sdelay $0x1  }
0x622: {  	[smem:$0x6D6] =	sst s13;
	s13 =	spop (v2sf)  }
0x623: {  	(v2sf) =	vpush v6, $0x5;
	[smem:$0x6D5] =	sst s14;
	s14 =	smulhi.u32 $0x431BE2E9, s13;
	s13 =	sshra.s32 s13, $0x1F  }
0x624: {  	s13 =	smul.u32 $0x431BE2E9, s13;
	_ =	sdelay $0x1  }
0x625: {  	[tilespmem:$0x660] =	vst v27;
	v27 =	vld [tilespmem:$0x360];
	[smem:$0x6D8] =	sst s13;
	s13 =	spop (v2sf)  }
0x626: {  	v0 =	vld [tilespmem:$0x160];
	(v2sf) =	vpush v6, $0x6;
	[smem:$0x6D7] =	sst s14;
	s14 =	smulhi.u32 $0x431BE2E9, s13;
	s13 =	sshra.s32 s13, $0x1F  }
0x627: {  	s13 =	smul.u32 $0x431BE2E9, s13;
	_ =	sdelay $0x1  }
0x628: {  	[smem:$0x6DA] =	sst s13;
	s13 =	spop (v2sf)  }
0x629: {  	(v2sf) =	vpush v6, $0x7;
	[smem:$0x6D9] =	sst s14;
	s14 =	smulhi.u32 $0x431BE2E9, s13;
	s13 =	sshra.s32 s13, $0x1F  }
0x62a: {  	v5 =	vmul.u32 $0x6A37, v27;
	v0 =	vmul.u32 $0x8DD9, v0;
	s13 =	smul.u32 $0x431BE2E9, s13;
	_ =	sdelay $0x1  }
0x62b: {  	v5 =	vadd.s32 v0, v5;
	[smem:$0x6DC] =	sst s13;
	s13 =	spop (v2sf)  }
0x62c: {  	(v2sf) =	vpush v5, $0xD;
	[smem:$0x6DB] =	sst s14;
	s14 =	smulhi.u32 $0x431BE2E9, s13;
	s13 =	sshra.s32 s13, $0x1F  }
0x62d: {  	s13 =	smul.u32 $0x431BE2E9, s13;
	_ =	sdelay $0x1  }
0x62e: {  	[smem:$0x6DE] =	sst s13;
	s13 =	spop (v2sf)  }
0x62f: {  	(v2sf) =	vpush v5, $0xC;
	[smem:$0x6DD] =	sst s14;
	s14 =	smulhi.u32 $0x431BE2E9, s13;
	s13 =	sshra.s32 s13, $0x1F  }
0x630: {  	s13 =	smul.u32 $0x431BE2E9, s13;
	_ =	sdelay $0x1  }
0x631: {  	[smem:$0x6E0] =	sst s13;
	s13 =	spop (v2sf)  }
0x632: {  	(v2sf) =	vpush v5, $0xE;
	[smem:$0x6DF] =	sst s14;
	s14 =	smulhi.u32 $0x431BE2E9, s13;
	s13 =	sshra.s32 s13, $0x1F  }
0x633: {  	s13 =	smul.u32 $0x431BE2E9, s13;
	_ =	sdelay $0x1  }
0x634: {  	[smem:$0x6E2] =	sst s13;
	s13 =	spop (v2sf)  }
0x635: {  	(v2sf) =	vpush v5, $0xF;
	[smem:$0x6E1] =	sst s14;
	s14 =	smulhi.u32 $0x431BE2E9, s13;
	s13 =	sshra.s32 s13, $0x1F  }
0x636: {  	s13 =	smul.u32 $0x431BE2E9, s13;
	_ =	sdelay $0x1  }
0x637: {  	[smem:$0x6E4] =	sst s13;
	s13 =	spop (v2sf)  }
0x638: {  	(v2sf) =	vpush v5, $0x9;
	[smem:$0x6E3] =	sst s14;
	s14 =	smulhi.u32 $0x431BE2E9, s13;
	s13 =	sshra.s32 s13, $0x1F  }
0x639: {  	s13 =	smul.u32 $0x431BE2E9, s13;
	_ =	sdelay $0x1  }
0x63a: {  	[smem:$0x6E6] =	sst s13;
	s13 =	spop (v2sf)  }
0x63b: {  	(v2sf) =	vpush v5, $0x8;
	[smem:$0x6E5] =	sst s14;
	s14 =	smulhi.u32 $0x431BE2E9, s13;
	s13 =	sshra.s32 s13, $0x1F  }
0x63c: {  	s13 =	smul.u32 $0x431BE2E9, s13;
	_ =	sdelay $0x1  }
0x63d: {  	[smem:$0x6E8] =	sst s13;
	s13 =	spop (v2sf)  }
0x63e: {  	(v2sf) =	vpush v5, $0xA;
	[smem:$0x6E7] =	sst s14;
	s14 =	smulhi.u32 $0x431BE2E9, s13;
	s13 =	sshra.s32 s13, $0x1F  }
0x63f: {  	s13 =	smul.u32 $0x431BE2E9, s13;
	_ =	sdelay $0x1  }
0x640: {  	[smem:$0x6EA] =	sst s13;
	s13 =	spop (v2sf)  }
0x641: {  	(v2sf) =	vpush v5, $0xB;
	[smem:$0x6E9] =	sst s14;
	s14 =	smulhi.u32 $0x431BE2E9, s13;
	s13 =	sshra.s32 s13, $0x1F  }
0x642: {  	s13 =	smul.u32 $0x431BE2E9, s13;
	_ =	sdelay $0x1  }
0x643: {  	[smem:$0x6EC] =	sst s13;
	s13 =	spop (v2sf)  }
0x644: {  	(v2sf) =	vpush v5, $0x0;
	[smem:$0x6EB] =	sst s14;
	s14 =	smulhi.u32 $0x431BE2E9, s13;
	s13 =	sshra.s32 s13, $0x1F  }
0x645: {  	s13 =	smul.u32 $0x431BE2E9, s13;
	_ =	sdelay $0x1  }
0x646: {  	[smem:$0x6EE] =	sst s13;
	s13 =	spop (v2sf)  }
0x647: {  	(v2sf) =	vpush v5, $0x1;
	[smem:$0x6ED] =	sst s14;
	s14 =	smulhi.u32 $0x431BE2E9, s13;
	s13 =	sshra.s32 s13, $0x1F  }
0x648: {  	s13 =	smul.u32 $0x431BE2E9, s13;
	_ =	sdelay $0x1  }
0x649: {  	[smem:$0x6F0] =	sst s13;
	s13 =	spop (v2sf)  }
0x64a: {  	(v2sf) =	vpush v5, $0x2;
	[smem:$0x6EF] =	sst s14;
	s14 =	smulhi.u32 $0x431BE2E9, s13;
	s13 =	sshra.s32 s13, $0x1F  }
0x64b: {  	s13 =	smul.u32 $0x431BE2E9, s13;
	_ =	sdelay $0x1  }
0x64c: {  	[smem:$0x6F2] =	sst s13;
	s13 =	spop (v2sf)  }
0x64d: {  	(v2sf) =	vpush v5, $0x3;
	[smem:$0x6F1] =	sst s14;
	s14 =	smulhi.u32 $0x431BE2E9, s13;
	s13 =	sshra.s32 s13, $0x1F  }
0x64e: {  	s13 =	smul.u32 $0x431BE2E9, s13;
	_ =	sdelay $0x1  }
0x64f: {  	[smem:$0x6F4] =	sst s13;
	s13 =	spop (v2sf)  }
0x650: {  	(v2sf) =	vpush v5, $0x4;
	[smem:$0x6F3] =	sst s14;
	s14 =	smulhi.u32 $0x431BE2E9, s13;
	s13 =	sshra.s32 s13, $0x1F  }
0x651: {  	s13 =	smul.u32 $0x431BE2E9, s13;
	_ =	sdelay $0x1  }
0x652: {  	[smem:$0x6F6] =	sst s13;
	s13 =	spop (v2sf)  }
0x653: {  	(v2sf) =	vpush v5, $0x5;
	[smem:$0x6F5] =	sst s14;
	s14 =	smulhi.u32 $0x431BE2E9, s13;
	s13 =	sshra.s32 s13, $0x1F  }
0x654: {  	s13 =	smul.u32 $0x431BE2E9, s13;
	_ =	sdelay $0x1  }
0x655: {  	[tilespmem:$0x460] =	vst v28;
	v28 =	vld [tilespmem:$0x370];
	[smem:$0x6F8] =	sst s13;
	s13 =	spop (v2sf)  }
0x656: {  	v0 =	vld [tilespmem:$0x170];
	(v2sf) =	vpush v5, $0x6;
	[smem:$0x6F7] =	sst s14;
	s14 =	smulhi.u32 $0x431BE2E9, s13;
	s13 =	sshra.s32 s13, $0x1F  }
0x657: {  	s13 =	smul.u32 $0x431BE2E9, s13;
	_ =	sdelay $0x1  }
0x658: {  	[smem:$0x6FA] =	sst s13;
	s13 =	spop (v2sf)  }
0x659: {  	(v2sf) =	vpush v5, $0x7;
	[smem:$0x6F9] =	sst s14;
	s14 =	smulhi.u32 $0x431BE2E9, s13;
	s13 =	sshra.s32 s13, $0x1F  }
0x65a: {  	v7 =	vmul.u32 $0x6A37, v28;
	v0 =	vmul.u32 $0x8DD9, v0;
	s13 =	smul.u32 $0x431BE2E9, s13;
	_ =	sdelay $0x1  }
0x65b: {  	v7 =	vadd.s32 v0, v7;
	[smem:$0x6FC] =	sst s13;
	s13 =	spop (v2sf)  }
0x65c: {  	(v2sf) =	vpush v7, $0xD;
	[smem:$0x6FB] =	sst s14;
	s14 =	smulhi.u32 $0x431BE2E9, s13;
	s13 =	sshra.s32 s13, $0x1F  }
0x65d: {  	s13 =	smul.u32 $0x431BE2E9, s13;
	_ =	sdelay $0x1  }
0x65e: {  	[smem:$0x6FE] =	sst s13;
	s13 =	spop (v2sf)  }
0x65f: {  	(v2sf) =	vpush v7, $0xC;
	[smem:$0x6FD] =	sst s14;
	s14 =	smulhi.u32 $0x431BE2E9, s13;
	s13 =	sshra.s32 s13, $0x1F  }
0x660: {  	s13 =	smul.u32 $0x431BE2E9, s13;
	_ =	sdelay $0x1  }
0x661: {  	[smem:$0x700] =	sst s13;
	s13 =	spop (v2sf)  }
0x662: {  	(v2sf) =	vpush v7, $0xE;
	[smem:$0x6FF] =	sst s14;
	s14 =	smulhi.u32 $0x431BE2E9, s13;
	s13 =	sshra.s32 s13, $0x1F  }
0x663: {  	s13 =	smul.u32 $0x431BE2E9, s13;
	_ =	sdelay $0x1  }
0x664: {  	[smem:$0x702] =	sst s13;
	s13 =	spop (v2sf)  }
0x665: {  	(v2sf) =	vpush v7, $0xF;
	[smem:$0x701] =	sst s14;
	s14 =	smulhi.u32 $0x431BE2E9, s13;
	s13 =	sshra.s32 s13, $0x1F  }
0x666: {  	s13 =	smul.u32 $0x431BE2E9, s13;
	_ =	sdelay $0x1  }
0x667: {  	[smem:$0x704] =	sst s13;
	s13 =	spop (v2sf)  }
0x668: {  	(v2sf) =	vpush v7, $0x9;
	[smem:$0x703] =	sst s14;
	s14 =	smulhi.u32 $0x431BE2E9, s13;
	s13 =	sshra.s32 s13, $0x1F  }
0x669: {  	s13 =	smul.u32 $0x431BE2E9, s13;
	_ =	sdelay $0x1  }
0x66a: {  	[smem:$0x706] =	sst s13;
	s13 =	spop (v2sf)  }
0x66b: {  	[smem:$0x705] =	sst s14;
	s14 =	smulhi.u32 $0x431BE2E9, s13;
	s13 =	sshra.s32 s13, $0x1F  }
0x66c: {  	(v2sf) =	vpush v7, $0x8;
	s13 =	smul.u32 $0x431BE2E9, s13;
	_ =	sdelay $0x1  }
0x66d: {  	[smem:$0x708] =	sst s13;
	s13 =	spop (v2sf)  }
0x66e: {  	[smem:$0x707] =	sst s14;
	s14 =	smulhi.u32 $0x431BE2E9, s13;
	s13 =	sshra.s32 s13, $0x1F  }
0x66f: {  	(v2sf) =	vpush v7, $0xA;
	s13 =	smul.u32 $0x431BE2E9, s13  }
0x670: {  	[tilespmem:$0x480] =	vst v36  }
0x671: {  	[tilespmem:$0x680] =	vst v35;
	[smem:$0x70A] =	sst s13;
	s13 =	spop (v2sf)  }
0x672: {  	[tilespmem:$0x490] =	vst v34;
	[smem:$0x709] =	sst s14;
	s14 =	smulhi.u32 $0x431BE2E9, s13;
	s13 =	sshra.s32 s13, $0x1F  }
0x673: {  	[tilespmem:$0x4A0] =	vst v39;
	(v2sf) =	vpush v7, $0xB;
	s13 =	smul.u32 $0x431BE2E9, s13  }
0x674: {  	[tilespmem:$0x6C0] =	vst v12  }
0x675: {  	[tilespmem:$0x4C0] =	vst v10;
	(v2sf) =	vpush v7, $0x0;
	[smem:$0x70C] =	sst s13;
	s13 =	spop (v2sf)  }
0x676: {  	[tilespmem:$0x4D0] =	vst v11;
	(v2sf) =	vpush v7, $0x1;
	[smem:$0x70B] =	sst s14;
	s14 =	smulhi.u32 $0x431BE2E9, s13;
	s13 =	sshra.s32 s13, $0x1F  }
0x677: {  	v45 =	vshra.s32 v41, $0x2;
	[tilespmem:$0x6D0] =	vst v44;
	(v2sf) =	vpush v7, $0x2;
	s13 =	smul.u32 $0x431BE2E9, s13  }
0x678: {  	v29 =	vld [tilespmem:$0x380];
	[tilespmem:$0x4E0] =	vst v45;
	v21 =	vand.u32 $0x3, v41;
	(v2sf) =	vpush v7, $0x3;
	[smem:$0x70D] =	sst s14  }
0x679: {  	[tilespmem:$0x6E0] =	vst v21;
	v0 =	vld [tilespmem:$0x180];
	(v2sf) =	vpush v7, $0x4;
	[smem:$0x70E] =	sst s13  }
0x67a: {  	s13 =	spop (v2sf)  }
0x67b: {  	s14 =	smulhi.u32 $0x431BE2E9, s13;
	s13 =	sshra.s32 s13, $0x1F  }
0x67c: {  	s13 =	smul.u32 $0x431BE2E9, s13;
	_ =	sdelay $0x1  }
0x67d: {  	[smem:$0x710] =	sst s13;
	s13 =	spop (v2sf)  }
0x67e: {  	[smem:$0x70F] =	sst s14;
	s14 =	smulhi.u32 $0x431BE2E9, s13;
	s13 =	sshra.s32 s13, $0x1F  }
0x67f: {  	s13 =	smul.u32 $0x431BE2E9, s13;
	_ =	sdelay $0x1  }
0x680: {  	[smem:$0x712] =	sst s13;
	s13 =	spop (v2sf)  }
0x681: {  	[smem:$0x711] =	sst s14;
	s14 =	smulhi.u32 $0x431BE2E9, s13;
	s13 =	sshra.s32 s13, $0x1F  }
0x682: {  	s13 =	smul.u32 $0x431BE2E9, s13;
	_ =	sdelay $0x1  }
0x683: {  	[smem:$0x714] =	sst s13;
	s13 =	spop (v2sf)  }
0x684: {  	[smem:$0x713] =	sst s14;
	s14 =	smulhi.u32 $0x431BE2E9, s13;
	s13 =	sshra.s32 s13, $0x1F  }
0x685: {  	s15 =	sadd.s32 s20, s15;
	s13 =	smul.u32 $0x431BE2E9, s13  }
0x686: {  	[smem:$0x76E] =	sst s15  }
0x687: {  	(v2sf) =	vpush v7, $0x5;
	[smem:$0x716] =	sst s13;
	s13 =	spop (v2sf)  }
0x688: {  	s20 =	sadd.s32 s21, s16;
	[smem:$0x715] =	sst s14;
	s14 =	smulhi.u32 $0x431BE2E9, s13  }
0x689: {  	[smem:$0x771] =	sst s20  }
0x68a: {  	[smem:$0x717] =	sst s14  }
0x68b: {  	s17 =	sadd.s32 s22, s17;
	(v2sf) =	vpush v7, $0x6;
	s14 =	sld [smem:$0x682]  }
0x68c: {  	s8 =	sadd.s32 s8, s30;
	[smem:$0x772] =	sst s17  }
0x68d: {  	[smem:$0x770] =	sst s8;
	s13 =	sshra.s32 s13, $0x1F  }
0x68e: {  	(v2sf) =	vpush v7, $0x7;
	s14 =	sadd.s32 s18, s14;
	s18 =	smul.u32 $0x431BE2E9, s13;
	s13 =	spop (v2sf)  }
0x68f: {  	s30 =	sld [smem:$0x686];
	s15 =	smulhi.u32 $0x431BE2E9, s13;
	s13 =	sshra.s32 s13, $0x1F  }
0x690: {  	v8 =	vmul.u32 $0x6A37, v29;
	v0 =	vmul.u32 $0x8DD9, v0;
	s21 =	spop (v2sf);
	s20 =	smul.u32 $0x431BE2E9, s13  }
0x691: {  	[smem:$0x76D] =	sst s14;
	s16 =	smulhi.u32 $0x431BE2E9, s21  }
0x692: {  	v8 =	vadd.s32 v0, v8;
	s13 =	sshra.s32 s21, $0x1F;
	s21 =	sadd.s32 s25, s19;
	s22 =	spop (v2sf)  }
0x693: {  	(v2sf) =	vpush v8, $0xD;
	s25 =	sadd.s32 s26, s23;
	s26 =	sadd.s32 s28, s24;
	s24 =	sld [smem:$0x683]  }
0x694: {  	[smem:$0x777] =	sst s21;
	s19 =	smul.u32 $0x431BE2E9, s13  }
0x695: {  	[smem:$0x775] =	sst s25;
	s17 =	smulhi.u32 $0x431BE2E9, s22  }
0x696: {  	s13 =	sshra.s32 s22, $0x1F;
	[smem:$0x779] =	sst s26;
	s28 =	spop (v2sf)  }
0x697: {  	s22 =	sadd.s32 s31, s29;
	s25 =	sld [smem:$0x684];
	s21 =	smul.u32 $0x431BE2E9, s13  }
0x698: {  	[smem:$0x77B] =	sst s22;
	s14 =	smulhi.u32 $0x431BE2E9, s28  }
0x699: {  	(v2sf) =	vpush v8, $0xC;
	s13 =	sshra.s32 s28, $0x1F;
	s28 =	sld [smem:$0x685];
	s11 =	sadd.s32 s11, s24  }
0x69a: {  	s23 =	spop (v2sf);
	[smem:$0x773] =	sst s11  }
0x69b: {  	s22 =	smul.u32 $0x431BE2E9, s13;
	s4 =	sadd.s32 s4, s25;
	s25 =	sld [smem:$0x688]  }
0x69c: {  	s13 =	smulhi.u32 $0x431BE2E9, s23;
	[smem:$0x774] =	sst s4  }
0x69d: {  	s26 =	spop (v2sf);
	s4 =	sadd.s32 s5, s30;
	s5 =	sld [smem:$0x687]  }
0x69e: {  	s29 =	sshra.s32 s26, $0x1F;
	s3 =	sadd.s32 s3, s28;
	s28 =	sld [smem:$0x689]  }
0x69f: {  	(v2sf) =	vpush v8, $0xE;
	s8 =	sshra.s32 s23, $0x1F;
	s23 =	smul.u32 $0x431BE2E9, s29;
	s29 =	sld [smem:$0x68A]  }
0x6a0: {  	s30 =	sld [smem:$0x68B]  }
0x6a1: {  	(v2sf) =	vpush v8, $0xF;
	[smem:$0x776] =	sst s3  }
0x6a2: {  	s31 =	spop (v2sf);
	[smem:$0x778] =	sst s4  }
0x6a3: {  	s24 =	sshra.s32 s31, $0x1F;
	s4 =	sld [smem:$0x68C]  }
0x6a4: {  	s3 =	sadd.s32 s7, s25;
	s7 =	smul.u32 $0x431BE2E9, s24;
	s24 =	sld [smem:$0x68D]  }
0x6a5: {  	s11 =	smul.u32 $0x431BE2E9, s8;
	[smem:$0x77C] =	sst s3  }
0x6a6: {  	s2 =	sadd.s32 s2, s5;
	s3 =	sadd.s32 s6, s28;
	s28 =	sld [smem:$0x68F]  }
0x6a7: {  	s8 =	smulhi.u32 $0x431BE2E9, s26;
	[smem:$0x77A] =	sst s2  }
0x6a8: {  	s26 =	spop (v2sf);
	[smem:$0x76F] =	sst s3  }
0x6a9: {  	s6 =	smulhi.u32 $0x431BE2E9, s26;
	s2 =	sshra.s32 s26, $0x1F;
	s26 =	sld [smem:$0x68E]  }
0x6aa: {  	s3 =	sadd.s32 s30, s29;
	s30 =	sld [smem:$0x690]  }
0x6ab: {  	[smem:$0x780] =	sst s3  }
0x6ac: {  	s5 =	smulhi.u32 $0x431BE2E9, s31;
	s3 =	sadd.s32 s24, s4;
	s4 =	sld [smem:$0x692]  }
0x6ad: {  	s25 =	smul.u32 $0x431BE2E9, s2;
	[smem:$0x77E] =	sst s3;
	s3 =	sadd.s32 s28, s26  }
0x6ae: {  	s31 =	spop (v2sf);
	[smem:$0x781] =	sst s3  }
0x6af: {  	s24 =	smulhi.u32 $0x431BE2E9, s31;
	s2 =	sshra.s32 s31, $0x1F;
	s31 =	sld [smem:$0x691]  }
0x6b0: {  	s29 =	spop (v2sf);
	s26 =	smul.u32 $0x431BE2E9, s2  }
0x6b1: {  	s28 =	smulhi.u32 $0x431BE2E9, s29;
	s2 =	sshra.s32 s29, $0x1F;
	s29 =	sld [smem:$0x693]  }
0x6b2: {  	s3 =	sadd.s32 s31, s30;
	s30 =	sld [smem:$0x694]  }
0x6b3: {  	s31 =	sld [smem:$0x695]  }
0x6b4: {  	[smem:$0x783] =	sst s3  }
0x6b5: {  	(v2sf) =	vpush v8, $0x9;
	s3 =	sadd.s32 s29, s4;
	s4 =	sld [smem:$0x696]  }
0x6b6: {  	[smem:$0x786] =	sst s3  }
0x6b7: {  	s3 =	sadd.s32 s31, s30;
	s31 =	sld [smem:$0x697]  }
0x6b8: {  	(v2sf) =	vpush v8, $0x8  }
0x6b9: {  	[smem:$0x784] =	sst s3  }
0x6ba: {  	s3 =	sadd.s32 s31, s4;
	s4 =	sld [smem:$0x699]  }
0x6bb: {  	[smem:$0x787] =	sst s3  }
0x6bc: {  	(v2sf) =	vpush v8, $0xA;
	s3 =	sld [smem:$0x698];
	_ =	sdelay $0x2  }
0x6bd: {  	(v2sf) =	vpush v8, $0xB;
	s3 =	sadd.s32 s4, s3  }
0x6be: {  	[smem:$0x789] =	sst s3  }
0x6bf: {  	s3 =	sld [smem:$0x69A];
	_ =	sdelay $0x1  }
0x6c0: {  	s29 =	smul.u32 $0x431BE2E9, s2  }
0x6c1: {  	(v2sf) =	vpush v8, $0x0;
	s2 =	spop (v2sf);
	s3 =	sadd.s32 s9, s3;
	s9 =	sld [smem:$0x69B]  }
0x6c2: {  	s30 =	smulhi.u32 $0x431BE2E9, s2;
	s2 =	sshra.s32 s2, $0x1F  }
0x6c3: {  	s31 =	smul.u32 $0x431BE2E9, s2;
	[smem:$0x77F] =	sst s3  }
0x6c4: {  	s2 =	spop (v2sf);
	s3 =	sadd.s32 s10, s9;
	s10 =	sld [smem:$0x69C]  }
0x6c5: {  	s4 =	smulhi.u32 $0x431BE2E9, s2;
	s2 =	sshra.s32 s2, $0x1F  }
0x6c6: {  	s0 =	sshra.s32 s0, $0x1F;
	s2 =	smul.u32 $0x431BE2E9, s2;
	[smem:$0x782] =	sst s3  }
0x6c7: {  	s0 =	smul.u32 $0x431BE2E9, s0;
	s3 =	sadd.s32 s12, s10;
	s12 =	sld [smem:$0x69D]  }
0x6c8: {  	[smem:$0x718] =	sst s2;
	s2 =	spop (v2sf)  }
0x6c9: {  	s9 =	smulhi.u32 $0x431BE2E9, s2;
	s2 =	sshra.s32 s2, $0x1F;
	[smem:$0x785] =	sst s3  }
0x6ca: {  	s10 =	smul.u32 $0x431BE2E9, s2;
	s1 =	sadd.s32 s1, s12;
	s12 =	sld [smem:$0x69E]  }
0x6cb: {  	s2 =	spop (v2sf);
	[smem:$0x788] =	sst s1  }
0x6cc: {  	s3 =	smulhi.u32 $0x431BE2E9, s2;
	s1 =	sshra.s32 s2, $0x1F;
	s2 =	sld [smem:$0x6A0]  }
0x6cd: {  	(v2sf) =	vpush v8, $0x1;
	s0 =	sadd.s32 s0, s12;
	s12 =	smul.u32 $0x431BE2E9, s1;
	s1 =	sld [smem:$0x69F]  }
0x6ce: {  	_ =	sdelay $0x1  }
0x6cf: {  	[smem:$0x78A] =	sst s0;
	s0 =	spop (v2sf);
	s1 =	sadd.s32 s2, s1  }
0x6d0: {  	s2 =	smulhi.u32 $0x431BE2E9, s0;
	[smem:$0x78B] =	sst s1  }
0x6d1: {  	s1 =	sld [smem:$0x6A1]  }
0x6d2: {  	[smem:$0x719] =	sst s2  }
0x6d3: {  	s2 =	sld [smem:$0x6A2];
	_ =	sdelay $0x2  }
0x6d4: {  	s1 =	sadd.s32 s2, s1;
	s2 =	sld [smem:$0x6A4]  }
0x6d5: {  	[smem:$0x78C] =	sst s1  }
0x6d6: {  	(v2sf) =	vpush v8, $0x2;
	s0 =	sshra.s32 s0, $0x1F;
	s1 =	sld [smem:$0x6A3]  }
0x6d7: {  	s0 =	smul.u32 $0x431BE2E9, s0;
	_ =	sdelay $0x1  }
0x6d8: {  	[smem:$0x71A] =	sst s0;
	s0 =	spop (v2sf);
	s1 =	sadd.s32 s2, s1  }
0x6d9: {  	s2 =	smulhi.u32 $0x431BE2E9, s0;
	[smem:$0x77D] =	sst s1  }
0x6da: {  	s1 =	sld [smem:$0x6A5]  }
0x6db: {  	[smem:$0x71B] =	sst s2  }
0x6dc: {  	s2 =	sld [smem:$0x6A6];
	_ =	sdelay $0x2  }
0x6dd: {  	s1 =	sadd.s32 s2, s1;
	s2 =	sld [smem:$0x6A8]  }
0x6de: {  	[smem:$0x791] =	sst s1  }
0x6df: {  	(v2sf) =	vpush v8, $0x3;
	s0 =	sshra.s32 s0, $0x1F;
	s1 =	sld [smem:$0x6A7]  }
0x6e0: {  	s0 =	smul.u32 $0x431BE2E9, s0;
	_ =	sdelay $0x1  }
0x6e1: {  	[smem:$0x71C] =	sst s0;
	s0 =	spop (v2sf);
	s1 =	sadd.s32 s2, s1  }
0x6e2: {  	s2 =	smulhi.u32 $0x431BE2E9, s0;
	[smem:$0x78F] =	sst s1  }
0x6e3: {  	s1 =	sld [smem:$0x6A9]  }
0x6e4: {  	[smem:$0x71D] =	sst s2  }
0x6e5: {  	s2 =	sld [smem:$0x6AA];
	_ =	sdelay $0x2  }
0x6e6: {  	s1 =	sadd.s32 s2, s1;
	s2 =	sld [smem:$0x6AC]  }
0x6e7: {  	[smem:$0x792] =	sst s1  }
0x6e8: {  	(v2sf) =	vpush v8, $0x4;
	s0 =	sshra.s32 s0, $0x1F;
	s1 =	sld [smem:$0x6AB]  }
0x6e9: {  	s0 =	smul.u32 $0x431BE2E9, s0;
	_ =	sdelay $0x1  }
0x6ea: {  	[smem:$0x71E] =	sst s0;
	s0 =	spop (v2sf);
	s1 =	sadd.s32 s2, s1  }
0x6eb: {  	s2 =	smulhi.u32 $0x431BE2E9, s0;
	[smem:$0x794] =	sst s1  }
0x6ec: {  	s1 =	sld [smem:$0x6AD]  }
0x6ed: {  	[smem:$0x71F] =	sst s2  }
0x6ee: {  	s2 =	sld [smem:$0x6AE];
	_ =	sdelay $0x2  }
0x6ef: {  	s1 =	sadd.s32 s2, s1;
	s2 =	sld [smem:$0x6B0]  }
0x6f0: {  	[smem:$0x797] =	sst s1  }
0x6f1: {  	(v2sf) =	vpush v8, $0x5;
	s0 =	sshra.s32 s0, $0x1F;
	s1 =	sld [smem:$0x6AF]  }
0x6f2: {  	s0 =	smul.u32 $0x431BE2E9, s0;
	_ =	sdelay $0x1  }
0x6f3: {  	[smem:$0x720] =	sst s0;
	s0 =	spop (v2sf);
	s1 =	sadd.s32 s2, s1  }
0x6f4: {  	s2 =	smulhi.u32 $0x431BE2E9, s0;
	[smem:$0x795] =	sst s1  }
0x6f5: {  	s1 =	sld [smem:$0x6B1]  }
0x6f6: {  	[smem:$0x721] =	sst s2  }
0x6f7: {  	s2 =	sld [smem:$0x6B2];
	_ =	sdelay $0x2  }
0x6f8: {  	s1 =	sadd.s32 s2, s1;
	s2 =	sld [smem:$0x6B4]  }
0x6f9: {  	[smem:$0x799] =	sst s1  }
0x6fa: {  	(v2sf) =	vpush v8, $0x6;
	s0 =	sshra.s32 s0, $0x1F;
	s1 =	sld [smem:$0x6B3]  }
0x6fb: {  	s0 =	smul.u32 $0x431BE2E9, s0;
	_ =	sdelay $0x1  }
0x6fc: {  	[smem:$0x722] =	sst s0;
	s0 =	spop (v2sf);
	s1 =	sadd.s32 s2, s1  }
0x6fd: {  	s2 =	smulhi.u32 $0x431BE2E9, s0;
	[smem:$0x79B] =	sst s1  }
0x6fe: {  	s1 =	sld [smem:$0x6B5]  }
0x6ff: {  	[smem:$0x723] =	sst s2  }
0x700: {  	s2 =	sld [smem:$0x6B6];
	_ =	sdelay $0x2  }
0x701: {  	s1 =	sadd.s32 s2, s1;
	s2 =	sld [smem:$0x6B8]  }
0x702: {  	[smem:$0x78E] =	sst s1  }
0x703: {  	(v2sf) =	vpush v8, $0x7;
	s0 =	sshra.s32 s0, $0x1F;
	s1 =	sld [smem:$0x6B7]  }
0x704: {  	s0 =	smul.u32 $0x431BE2E9, s0;
	_ =	sdelay $0x1  }
0x705: {  	v0 =	vld [tilespmem:$0x190];
	[smem:$0x724] =	sst s0;
	s0 =	spop (v2sf);
	s1 =	sadd.s32 s2, s1  }
0x706: {  	v30 =	vld [tilespmem:$0x390];
	s2 =	smulhi.u32 $0x431BE2E9, s0;
	[smem:$0x790] =	sst s1  }
0x707: {  	s1 =	sld [smem:$0x6B9]  }
0x708: {  	[smem:$0x725] =	sst s2  }
0x709: {  	s2 =	sld [smem:$0x6BA];
	_ =	sdelay $0x1  }
0x70a: {  	v0 =	vmul.u32 $0x8DD9, v0;
	v9 =	vmul.u32 $0x6A37, v30  }
0x70b: {  	s1 =	sadd.s32 s2, s1;
	s2 =	sld [smem:$0x6BC]  }
0x70c: {  	v9 =	vadd.s32 v0, v9;
	[smem:$0x793] =	sst s1  }
0x70d: {  	(v2sf) =	vpush v9, $0xD;
	s0 =	sshra.s32 s0, $0x1F;
	s1 =	sld [smem:$0x6BB]  }
0x70e: {  	s0 =	smul.u32 $0x431BE2E9, s0;
	_ =	sdelay $0x1  }
0x70f: {  	[smem:$0x726] =	sst s0;
	s0 =	spop (v2sf);
	s1 =	sadd.s32 s2, s1  }
0x710: {  	s2 =	smulhi.u32 $0x431BE2E9, s0;
	[smem:$0x796] =	sst s1  }
0x711: {  	s1 =	sld [smem:$0x6BD]  }
0x712: {  	[smem:$0x727] =	sst s2  }
0x713: {  	s2 =	sld [smem:$0x6BE];
	_ =	sdelay $0x2  }
0x714: {  	s1 =	sadd.s32 s2, s1;
	s2 =	sld [smem:$0x6C0]  }
0x715: {  	[smem:$0x798] =	sst s1  }
0x716: {  	(v2sf) =	vpush v9, $0xC;
	s0 =	sshra.s32 s0, $0x1F;
	s1 =	sld [smem:$0x6BF]  }
0x717: {  	s0 =	smul.u32 $0x431BE2E9, s0;
	_ =	sdelay $0x1  }
0x718: {  	[smem:$0x728] =	sst s0;
	s0 =	spop (v2sf);
	s1 =	sadd.s32 s2, s1  }
0x719: {  	s2 =	smulhi.u32 $0x431BE2E9, s0;
	[smem:$0x79A] =	sst s1  }
0x71a: {  	s1 =	sld [smem:$0x6C1]  }
0x71b: {  	[smem:$0x729] =	sst s2  }
0x71c: {  	s2 =	sld [smem:$0x6C2];
	_ =	sdelay $0x2  }
0x71d: {  	s1 =	sadd.s32 s2, s1;
	s2 =	sld [smem:$0x6C4]  }
0x71e: {  	[smem:$0x79C] =	sst s1  }
0x71f: {  	(v2sf) =	vpush v9, $0xE;
	s0 =	sshra.s32 s0, $0x1F;
	s1 =	sld [smem:$0x6C3]  }
0x720: {  	s0 =	smul.u32 $0x431BE2E9, s0;
	_ =	sdelay $0x1  }
0x721: {  	[smem:$0x72A] =	sst s0;
	s0 =	spop (v2sf);
	s1 =	sadd.s32 s2, s1  }
0x722: {  	s2 =	smulhi.u32 $0x431BE2E9, s0;
	[smem:$0x78D] =	sst s1  }
0x723: {  	s1 =	sld [smem:$0x6C5]  }
0x724: {  	[smem:$0x72B] =	sst s2  }
0x725: {  	s2 =	sld [smem:$0x6C6];
	_ =	sdelay $0x2  }
0x726: {  	s1 =	sadd.s32 s2, s1;
	s2 =	sld [smem:$0x6C8]  }
0x727: {  	[smem:$0x79D] =	sst s1  }
0x728: {  	(v2sf) =	vpush v9, $0xF;
	s0 =	sshra.s32 s0, $0x1F;
	s1 =	sld [smem:$0x6C7]  }
0x729: {  	s0 =	smul.u32 $0x431BE2E9, s0;
	_ =	sdelay $0x1  }
0x72a: {  	[smem:$0x72C] =	sst s0;
	s0 =	spop (v2sf);
	s1 =	sadd.s32 s2, s1  }
0x72b: {  	s2 =	smulhi.u32 $0x431BE2E9, s0;
	[smem:$0x79F] =	sst s1  }
0x72c: {  	s1 =	sld [smem:$0x6C9]  }
0x72d: {  	[smem:$0x72D] =	sst s2  }
0x72e: {  	s2 =	sld [smem:$0x6CA];
	_ =	sdelay $0x2  }
0x72f: {  	s1 =	sadd.s32 s2, s1;
	s2 =	sld [smem:$0x6CC]  }
0x730: {  	[smem:$0x7A1] =	sst s1  }
0x731: {  	(v2sf) =	vpush v9, $0x9;
	s0 =	sshra.s32 s0, $0x1F;
	s1 =	sld [smem:$0x6CB]  }
0x732: {  	s0 =	smul.u32 $0x431BE2E9, s0;
	_ =	sdelay $0x1  }
0x733: {  	[smem:$0x72E] =	sst s0;
	s0 =	spop (v2sf);
	s1 =	sadd.s32 s2, s1  }
0x734: {  	s2 =	smulhi.u32 $0x431BE2E9, s0;
	[smem:$0x7A3] =	sst s1  }
0x735: {  	s1 =	sld [smem:$0x6CD]  }
0x736: {  	[smem:$0x72F] =	sst s2  }
0x737: {  	s2 =	sld [smem:$0x6CE];
	_ =	sdelay $0x2  }
0x738: {  	s1 =	sadd.s32 s2, s1;
	s2 =	sld [smem:$0x6D0]  }
0x739: {  	[smem:$0x7A7] =	sst s1  }
0x73a: {  	(v2sf) =	vpush v9, $0x8;
	s0 =	sshra.s32 s0, $0x1F;
	s1 =	sld [smem:$0x6CF]  }
0x73b: {  	s0 =	smul.u32 $0x431BE2E9, s0;
	_ =	sdelay $0x1  }
0x73c: {  	[smem:$0x730] =	sst s0;
	s0 =	spop (v2sf);
	s1 =	sadd.s32 s2, s1  }
0x73d: {  	s2 =	smulhi.u32 $0x431BE2E9, s0;
	[smem:$0x7A5] =	sst s1  }
0x73e: {  	s1 =	sld [smem:$0x6D1]  }
0x73f: {  	[smem:$0x731] =	sst s2  }
0x740: {  	s2 =	sld [smem:$0x6D2];
	_ =	sdelay $0x2  }
0x741: {  	s1 =	sadd.s32 s2, s1;
	s2 =	sld [smem:$0x6D4]  }
0x742: {  	[smem:$0x7A9] =	sst s1  }
0x743: {  	(v2sf) =	vpush v9, $0xA;
	s0 =	sshra.s32 s0, $0x1F;
	s1 =	sld [smem:$0x6D3]  }
0x744: {  	s0 =	smul.u32 $0x431BE2E9, s0;
	_ =	sdelay $0x1  }
0x745: {  	[smem:$0x732] =	sst s0;
	s0 =	spop (v2sf);
	s1 =	sadd.s32 s2, s1  }
0x746: {  	s2 =	smulhi.u32 $0x431BE2E9, s0;
	[smem:$0x7AB] =	sst s1  }
0x747: {  	s1 =	sld [smem:$0x6D5]  }
0x748: {  	[smem:$0x733] =	sst s2  }
0x749: {  	s2 =	sld [smem:$0x6D6];
	_ =	sdelay $0x2  }
0x74a: {  	s1 =	sadd.s32 s2, s1;
	s2 =	sld [smem:$0x6D8]  }
0x74b: {  	[smem:$0x7A0] =	sst s1  }
0x74c: {  	(v2sf) =	vpush v9, $0xB;
	s0 =	sshra.s32 s0, $0x1F;
	s1 =	sld [smem:$0x6D7]  }
0x74d: {  	s0 =	smul.u32 $0x431BE2E9, s0;
	_ =	sdelay $0x1  }
0x74e: {  	[smem:$0x734] =	sst s0;
	s0 =	spop (v2sf);
	s1 =	sadd.s32 s2, s1  }
0x74f: {  	s2 =	smulhi.u32 $0x431BE2E9, s0;
	[smem:$0x7A2] =	sst s1  }
0x750: {  	s1 =	sld [smem:$0x6D9]  }
0x751: {  	[smem:$0x735] =	sst s2  }
0x752: {  	s2 =	sld [smem:$0x6DA];
	_ =	sdelay $0x2  }
0x753: {  	s1 =	sadd.s32 s2, s1;
	s2 =	sld [smem:$0x6DC]  }
0x754: {  	[smem:$0x7A4] =	sst s1  }
0x755: {  	(v2sf) =	vpush v9, $0x0;
	s0 =	sshra.s32 s0, $0x1F;
	s1 =	sld [smem:$0x6DB]  }
0x756: {  	s0 =	smul.u32 $0x431BE2E9, s0;
	_ =	sdelay $0x1  }
0x757: {  	[smem:$0x736] =	sst s0;
	s0 =	spop (v2sf);
	s1 =	sadd.s32 s2, s1  }
0x758: {  	s2 =	smulhi.u32 $0x431BE2E9, s0;
	[smem:$0x7A6] =	sst s1  }
0x759: {  	s1 =	sld [smem:$0x6DD]  }
0x75a: {  	[smem:$0x737] =	sst s2  }
0x75b: {  	s2 =	sld [smem:$0x6DE];
	_ =	sdelay $0x2  }
0x75c: {  	s1 =	sadd.s32 s2, s1;
	s2 =	sld [smem:$0x6E0]  }
0x75d: {  	[smem:$0x7A8] =	sst s1  }
0x75e: {  	(v2sf) =	vpush v9, $0x1;
	s0 =	sshra.s32 s0, $0x1F;
	s1 =	sld [smem:$0x6DF]  }
0x75f: {  	s0 =	smul.u32 $0x431BE2E9, s0;
	_ =	sdelay $0x1  }
0x760: {  	[smem:$0x738] =	sst s0;
	s0 =	spop (v2sf);
	s1 =	sadd.s32 s2, s1  }
0x761: {  	s2 =	smulhi.u32 $0x431BE2E9, s0;
	[smem:$0x7AA] =	sst s1  }
0x762: {  	s1 =	sld [smem:$0x6E1]  }
0x763: {  	[smem:$0x739] =	sst s2  }
0x764: {  	s2 =	sld [smem:$0x6E2];
	_ =	sdelay $0x2  }
0x765: {  	s1 =	sadd.s32 s2, s1;
	s2 =	sld [smem:$0x6E4]  }
0x766: {  	[smem:$0x7AC] =	sst s1  }
0x767: {  	(v2sf) =	vpush v9, $0x2;
	s0 =	sshra.s32 s0, $0x1F;
	s1 =	sld [smem:$0x6E3]  }
0x768: {  	s0 =	smul.u32 $0x431BE2E9, s0;
	_ =	sdelay $0x1  }
0x769: {  	[smem:$0x73A] =	sst s0;
	s0 =	spop (v2sf);
	s1 =	sadd.s32 s2, s1  }
0x76a: {  	s2 =	smulhi.u32 $0x431BE2E9, s0;
	[smem:$0x79E] =	sst s1  }
0x76b: {  	s1 =	sld [smem:$0x6E5]  }
0x76c: {  	[smem:$0x73B] =	sst s2  }
0x76d: {  	s2 =	sld [smem:$0x6E6];
	_ =	sdelay $0x2  }
0x76e: {  	s1 =	sadd.s32 s2, s1;
	s2 =	sld [smem:$0x6E8]  }
0x76f: {  	[smem:$0x7AE] =	sst s1  }
0x770: {  	(v2sf) =	vpush v9, $0x3;
	s0 =	sshra.s32 s0, $0x1F;
	s1 =	sld [smem:$0x6E7]  }
0x771: {  	s0 =	smul.u32 $0x431BE2E9, s0;
	_ =	sdelay $0x1  }
0x772: {  	[smem:$0x73C] =	sst s0;
	s0 =	spop (v2sf);
	s1 =	sadd.s32 s2, s1  }
0x773: {  	s2 =	smulhi.u32 $0x431BE2E9, s0;
	[smem:$0x7B0] =	sst s1  }
0x774: {  	s1 =	sld [smem:$0x6E9]  }
0x775: {  	[smem:$0x73D] =	sst s2  }
0x776: {  	s2 =	sld [smem:$0x6EA];
	_ =	sdelay $0x2  }
0x777: {  	s1 =	sadd.s32 s2, s1;
	s2 =	sld [smem:$0x6EC]  }
0x778: {  	[smem:$0x7B1] =	sst s1  }
0x779: {  	(v2sf) =	vpush v9, $0x4;
	s0 =	sshra.s32 s0, $0x1F;
	s1 =	sld [smem:$0x6EB]  }
0x77a: {  	s0 =	smul.u32 $0x431BE2E9, s0;
	_ =	sdelay $0x1  }
0x77b: {  	[smem:$0x73E] =	sst s0;
	s0 =	spop (v2sf);
	s1 =	sadd.s32 s2, s1  }
0x77c: {  	s2 =	smulhi.u32 $0x431BE2E9, s0;
	[smem:$0x7B3] =	sst s1  }
0x77d: {  	s1 =	sld [smem:$0x6ED]  }
0x77e: {  	[smem:$0x73F] =	sst s2  }
0x77f: {  	s2 =	sld [smem:$0x6EE];
	_ =	sdelay $0x2  }
0x780: {  	s1 =	sadd.s32 s2, s1;
	s2 =	sld [smem:$0x6F0]  }
0x781: {  	[smem:$0x7B6] =	sst s1  }
0x782: {  	(v2sf) =	vpush v9, $0x5;
	s0 =	sshra.s32 s0, $0x1F;
	s1 =	sld [smem:$0x6EF]  }
0x783: {  	s0 =	smul.u32 $0x431BE2E9, s0;
	_ =	sdelay $0x1  }
0x784: {  	[smem:$0x740] =	sst s0;
	s0 =	spop (v2sf);
	s1 =	sadd.s32 s2, s1  }
0x785: {  	s2 =	smulhi.u32 $0x431BE2E9, s0;
	[smem:$0x7B5] =	sst s1  }
0x786: {  	s1 =	sld [smem:$0x6F1]  }
0x787: {  	[smem:$0x741] =	sst s2  }
0x788: {  	s2 =	sld [smem:$0x6F2];
	_ =	sdelay $0x2  }
0x789: {  	s1 =	sadd.s32 s2, s1;
	s2 =	sld [smem:$0x6F4]  }
0x78a: {  	[smem:$0x7B8] =	sst s1  }
0x78b: {  	(v2sf) =	vpush v9, $0x6;
	s0 =	sshra.s32 s0, $0x1F;
	s1 =	sld [smem:$0x6F3]  }
0x78c: {  	s0 =	smul.u32 $0x431BE2E9, s0;
	_ =	sdelay $0x1  }
0x78d: {  	[smem:$0x742] =	sst s0;
	s0 =	spop (v2sf);
	s1 =	sadd.s32 s2, s1  }
0x78e: {  	s2 =	smulhi.u32 $0x431BE2E9, s0;
	[smem:$0x7BA] =	sst s1  }
0x78f: {  	s1 =	sld [smem:$0x6F5]  }
0x790: {  	[smem:$0x743] =	sst s2  }
0x791: {  	s2 =	sld [smem:$0x6F6];
	_ =	sdelay $0x2  }
0x792: {  	s1 =	sadd.s32 s2, s1;
	s2 =	sld [smem:$0x6F8]  }
0x793: {  	[smem:$0x7AF] =	sst s1  }
0x794: {  	(v2sf) =	vpush v9, $0x7;
	s0 =	sshra.s32 s0, $0x1F;
	s1 =	sld [smem:$0x6F7]  }
0x795: {  	s0 =	smul.u32 $0x431BE2E9, s0;
	_ =	sdelay $0x1  }
0x796: {  	v31 =	vld [tilespmem:$0x3A0];
	[smem:$0x744] =	sst s0;
	s0 =	spop (v2sf);
	s1 =	sadd.s32 s2, s1  }
0x797: {  	v0 =	vld [tilespmem:$0x1A0];
	s2 =	smulhi.u32 $0x431BE2E9, s0;
	[smem:$0x7B2] =	sst s1  }
0x798: {  	s1 =	sld [smem:$0x6F9]  }
0x799: {  	[smem:$0x745] =	sst s2  }
0x79a: {  	s2 =	sld [smem:$0x6FA];
	_ =	sdelay $0x1  }
0x79b: {  	v10 =	vmul.u32 $0x6A37, v31;
	v0 =	vmul.u32 $0x8DD9, v0  }
0x79c: {  	s1 =	sadd.s32 s2, s1;
	s2 =	sld [smem:$0x6FC]  }
0x79d: {  	v10 =	vadd.s32 v0, v10;
	[smem:$0x7B4] =	sst s1  }
0x79e: {  	(v2sf) =	vpush v10, $0xD;
	s0 =	sshra.s32 s0, $0x1F;
	s1 =	sld [smem:$0x6FB]  }
0x79f: {  	s0 =	smul.u32 $0x431BE2E9, s0;
	_ =	sdelay $0x1  }
0x7a0: {  	[smem:$0x746] =	sst s0;
	s0 =	spop (v2sf);
	s1 =	sadd.s32 s2, s1  }
0x7a1: {  	s2 =	smulhi.u32 $0x431BE2E9, s0;
	[smem:$0x7B7] =	sst s1  }
0x7a2: {  	s1 =	sld [smem:$0x6FD]  }
0x7a3: {  	[smem:$0x747] =	sst s2  }
0x7a4: {  	s2 =	sld [smem:$0x6FE];
	_ =	sdelay $0x2  }
0x7a5: {  	s1 =	sadd.s32 s2, s1;
	s2 =	sld [smem:$0x700]  }
0x7a6: {  	[smem:$0x7B9] =	sst s1  }
0x7a7: {  	(v2sf) =	vpush v10, $0xC;
	s0 =	sshra.s32 s0, $0x1F;
	s1 =	sld [smem:$0x6FF]  }
0x7a8: {  	s0 =	smul.u32 $0x431BE2E9, s0;
	_ =	sdelay $0x1  }
0x7a9: {  	[smem:$0x748] =	sst s0;
	s0 =	spop (v2sf);
	s1 =	sadd.s32 s2, s1  }
0x7aa: {  	s2 =	smulhi.u32 $0x431BE2E9, s0;
	[smem:$0x7BB] =	sst s1  }
0x7ab: {  	s1 =	sld [smem:$0x701]  }
0x7ac: {  	[smem:$0x749] =	sst s2  }
0x7ad: {  	s2 =	sld [smem:$0x702];
	_ =	sdelay $0x2  }
0x7ae: {  	s1 =	sadd.s32 s2, s1;
	s2 =	sld [smem:$0x704]  }
0x7af: {  	[smem:$0x7BC] =	sst s1  }
0x7b0: {  	s15 =	sadd.s32 s20, s15;
	(v2sf) =	vpush v10, $0xE;
	s0 =	sshra.s32 s0, $0x1F;
	s1 =	sld [smem:$0x703]  }
0x7b1: {  	[smem:$0x7C4] =	sst s15;
	s19 =	sadd.s32 s19, s16;
	s0 =	smul.u32 $0x431BE2E9, s0  }
0x7b2: {  	[smem:$0x7C6] =	sst s19  }
0x7b3: {  	[smem:$0x74A] =	sst s0;
	s0 =	spop (v2sf);
	s1 =	sadd.s32 s2, s1  }
0x7b4: {  	s2 =	smulhi.u32 $0x431BE2E9, s0;
	[smem:$0x7AD] =	sst s1  }
0x7b5: {  	s1 =	sld [smem:$0x705]  }
0x7b6: {  	[smem:$0x74B] =	sst s2  }
0x7b7: {  	s21 =	sadd.s32 s21, s17;
	s2 =	sld [smem:$0x706]  }
0x7b8: {  	[smem:$0x7C8] =	sst s21;
	s15 =	sadd.s32 s22, s14  }
0x7b9: {  	[smem:$0x7CA] =	sst s15  }
0x7ba: {  	s1 =	sadd.s32 s2, s1;
	s2 =	sld [smem:$0x708]  }
0x7bb: {  	[smem:$0x7C0] =	sst s1  }
0x7bc: {  	s17 =	sadd.s32 s11, s13;
	(v2sf) =	vpush v10, $0xF;
	s0 =	sshra.s32 s0, $0x1F;
	s1 =	sld [smem:$0x707]  }
0x7bd: {  	[smem:$0x7CC] =	sst s17;
	s19 =	sadd.s32 s23, s8;
	s0 =	smul.u32 $0x431BE2E9, s0  }
0x7be: {  	[smem:$0x7BD] =	sst s19  }
0x7bf: {  	[smem:$0x74C] =	sst s0;
	s0 =	spop (v2sf);
	s1 =	sadd.s32 s2, s1  }
0x7c0: {  	s2 =	smulhi.u32 $0x431BE2E9, s0;
	[smem:$0x7BF] =	sst s1  }
0x7c1: {  	s1 =	sld [smem:$0x709]  }
0x7c2: {  	[smem:$0x74D] =	sst s2  }
0x7c3: {  	s22 =	sadd.s32 s25, s6;
	s2 =	sld [smem:$0x70A]  }
0x7c4: {  	[smem:$0x7CE] =	sst s22;
	s23 =	sadd.s32 s26, s24  }
0x7c5: {  	[smem:$0x7D1] =	sst s23  }
0x7c6: {  	s1 =	sadd.s32 s2, s1;
	s2 =	sld [smem:$0x70C]  }
0x7c7: {  	[smem:$0x7C2] =	sst s1  }
0x7c8: {  	s25 =	sadd.s32 s29, s28;
	(v2sf) =	vpush v10, $0x9;
	s0 =	sshra.s32 s0, $0x1F;
	s1 =	sld [smem:$0x70B]  }
0x7c9: {  	[smem:$0x7D3] =	sst s25;
	s28 =	sadd.s32 s31, s30;
	s0 =	smul.u32 $0x431BE2E9, s0  }
0x7ca: {  	[smem:$0x7D6] =	sst s28  }
0x7cb: {  	[smem:$0x74E] =	sst s0;
	s0 =	spop (v2sf);
	s1 =	sadd.s32 s2, s1  }
0x7cc: {  	s2 =	smulhi.u32 $0x431BE2E9, s0;
	[smem:$0x7C3] =	sst s1  }
0x7cd: {  	s1 =	sld [smem:$0x70D]  }
0x7ce: {  	[smem:$0x74F] =	sst s2  }
0x7cf: {  	s2 =	sld [smem:$0x70E]  }
0x7d0: {  	s30 =	sld [smem:$0x718];
	s31 =	sadd.s32 s10, s9  }
0x7d1: {  	[smem:$0x7D8] =	sst s31  }
0x7d2: {  	s1 =	sadd.s32 s2, s1;
	s2 =	sld [smem:$0x710]  }
0x7d3: {  	[smem:$0x7C7] =	sst s1  }
0x7d4: {  	s9 =	sadd.s32 s12, s3;
	(v2sf) =	vpush v10, $0x8;
	s0 =	sshra.s32 s0, $0x1F;
	s1 =	sld [smem:$0x70F]  }
0x7d5: {  	[smem:$0x7DA] =	sst s9;
	s0 =	smul.u32 $0x431BE2E9, s0  }
0x7d6: {  	s10 =	sld [smem:$0x719]  }
0x7d7: {  	[smem:$0x750] =	sst s0;
	s0 =	spop (v2sf);
	s1 =	sadd.s32 s2, s1  }
0x7d8: {  	s2 =	smulhi.u32 $0x431BE2E9, s0;
	[smem:$0x7C5] =	sst s1  }
0x7d9: {  	s1 =	sld [smem:$0x711]  }
0x7da: {  	[smem:$0x751] =	sst s2  }
0x7db: {  	s2 =	sld [smem:$0x712]  }
0x7dc: {  	s12 =	sld [smem:$0x71A]  }
0x7dd: {  	s14 =	sld [smem:$0x71B]  }
0x7de: {  	(v2sf) =	vpush v10, $0xA;
	s1 =	sadd.s32 s2, s1;
	s2 =	sld [smem:$0x714]  }
0x7df: {  	[smem:$0x7C9] =	sst s1  }
0x7e0: {  	s0 =	sshra.s32 s0, $0x1F;
	s1 =	sld [smem:$0x713]  }
0x7e1: {  	s15 =	sld [smem:$0x71C];
	s0 =	smul.u32 $0x431BE2E9, s0  }
0x7e2: {  	s17 =	sld [smem:$0x71D];
	(v2sf) =	vpush v10, $0xB  }
0x7e3: {  	[smem:$0x752] =	sst s0;
	s0 =	spop (v2sf);
	s1 =	sadd.s32 s2, s1  }
0x7e4: {  	s2 =	smulhi.u32 $0x431BE2E9, s0;
	[smem:$0x7CB] =	sst s1  }
0x7e5: {  	s1 =	sld [smem:$0x715]  }
0x7e6: {  	[smem:$0x753] =	sst s2  }
0x7e7: {  	s2 =	sld [smem:$0x716]  }
0x7e8: {  	s23 =	sld [smem:$0x721];
	(v2sf) =	vpush v10, $0x0  }
0x7e9: {  	s28 =	sld [smem:$0x724];
	s0 =	sshra.s32 s0, $0x1F  }
0x7ea: {  	(v2sf) =	vpush v10, $0x1;
	s0 =	smul.u32 $0x431BE2E9, s0;
	s1 =	sadd.s32 s2, s1;
	s2 =	sld [smem:$0x717]  }
0x7eb: {  	s31 =	sld [smem:$0x726]  }
0x7ec: {  	[smem:$0x754] =	sst s0  }
0x7ed: {  	(v2sf) =	vpush v10, $0x2;
	s0 =	spop (v2sf);
	[smem:$0x7BE] =	sst s1;
	s1 =	sadd.s32 s18, s2  }
0x7ee: {  	(v2sf) =	vpush v10, $0x3;
	s2 =	smulhi.u32 $0x431BE2E9, s0;
	[smem:$0x7C1] =	sst s1  }
0x7ef: {  	s1 =	sadd.s32 s30, s4;
	s30 =	sld [smem:$0x725]  }
0x7f0: {  	[smem:$0x755] =	sst s2  }
0x7f1: {  	(v2sf) =	vpush v10, $0x4;
	s0 =	sshra.s32 s0, $0x1F;
	s18 =	spop (v2sf);
	[smem:$0x7D4] =	sst s1  }
0x7f2: {  	s0 =	smul.u32 $0x431BE2E9, s0;
	s1 =	sadd.s32 s12, s10;
	s10 =	sld [smem:$0x727]  }
0x7f3: {  	s20 =	smulhi.u32 $0x431BE2E9, s18;
	s12 =	sld [smem:$0x728]  }
0x7f4: {  	[smem:$0x756] =	sst s0  }
0x7f5: {  	(v2sf) =	vpush v10, $0x5;
	[smem:$0x757] =	sst s20  }
0x7f6: {  	(v2sf) =	vpush v10, $0x6;
	[smem:$0x7CF] =	sst s1  }
0x7f7: {  	s2 =	spop (v2sf);
	s1 =	sadd.s32 s15, s14;
	s14 =	sld [smem:$0x729]  }
0x7f8: {  	v32 =	vld [tilespmem:$0x3B0];
	s16 =	smulhi.u32 $0x431BE2E9, s2;
	s20 =	sadd.s32 s7, s5;
	s15 =	sld [smem:$0x72A]  }
0x7f9: {  	v0 =	vld [tilespmem:$0x1B0];
	s0 =	sshra.s32 s18, $0x1F;
	s18 =	spop (v2sf);
	[smem:$0x7D0] =	sst s20  }
0x7fa: {  	s0 =	smul.u32 $0x431BE2E9, s0;
	[smem:$0x7D2] =	sst s1  }
0x7fb: {  	s8 =	smulhi.u32 $0x431BE2E9, s18;
	s20 =	sld [smem:$0x71F]  }
0x7fc: {  	s21 =	spop (v2sf);
	[smem:$0x759] =	sst s16  }
0x7fd: {  	s5 =	smulhi.u32 $0x431BE2E9, s21;
	s24 =	spop (v2sf)  }
0x7fe: {  	v11 =	vmul.u32 $0x6A37, v32;
	v0 =	vmul.u32 $0x8DD9, v0;
	(v2sf) =	vpush v10, $0x7;
	[smem:$0x758] =	sst s0;
	s0 =	sshra.s32 s2, $0x1F;
	s26 =	smulhi.u32 $0x431BE2E9, s24  }
0x7ff: {  	s11 =	smul.u32 $0x431BE2E9, s0;
	s0 =	sshra.s32 s18, $0x1F;
	s18 =	sld [smem:$0x71E]  }
0x800: {  	v11 =	vadd.s32 v0, v11;
	s29 =	spop (v2sf);
	[smem:$0x75A] =	sst s26  }
0x801: {  	(v2sf) =	vpush v11, $0xD;
	s7 =	smul.u32 $0x431BE2E9, s0;
	s0 =	sshra.s32 s21, $0x1F;
	s21 =	sld [smem:$0x720]  }
0x802: {  	s26 =	sld [smem:$0x723];
	s6 =	smul.u32 $0x431BE2E9, s0;
	s0 =	sshra.s32 s24, $0x1F  }
0x803: {  	s24 =	sld [smem:$0x722];
	s0 =	smul.u32 $0x431BE2E9, s0  }
0x804: {  	(v2sf) =	vpush v11, $0xC;
	s2 =	spop (v2sf);
	s1 =	sadd.s32 s18, s17;
	s17 =	sld [smem:$0x72B]  }
0x805: {  	s13 =	spop (v2sf);
	[smem:$0x75B] =	sst s0;
	s0 =	sshra.s32 s29, $0x1F  }
0x806: {  	[smem:$0x7D5] =	sst s1;
	s1 =	sadd.s32 s21, s20;
	s0 =	smul.u32 $0x431BE2E9, s0  }
0x807: {  	(v2sf) =	vpush v11, $0xE;
	s16 =	smulhi.u32 $0x431BE2E9, s13;
	[smem:$0x7D7] =	sst s1  }
0x808: {  	[smem:$0x75C] =	sst s0;
	s0 =	sshra.s32 s2, $0x1F  }
0x809: {  	s1 =	sadd.s32 s24, s23;
	[smem:$0x75E] =	sst s16;
	s0 =	smul.u32 $0x431BE2E9, s0  }
0x80a: {  	[smem:$0x7D9] =	sst s1  }
0x80b: {  	s1 =	sadd.s32 s28, s26;
	[smem:$0x75D] =	sst s0;
	s0 =	sshra.s32 s13, $0x1F  }
0x80c: {  	[smem:$0x7DB] =	sst s1;
	s1 =	sadd.s32 s31, s30;
	s0 =	smul.u32 $0x431BE2E9, s0  }
0x80d: {  	s19 =	spop (v2sf);
	[smem:$0x7DC] =	sst s1;
	s1 =	sadd.s32 s12, s10  }
0x80e: {  	s22 =	smulhi.u32 $0x431BE2E9, s19;
	[smem:$0x75F] =	sst s0;
	s0 =	sshra.s32 s19, $0x1F  }
0x80f: {  	[smem:$0x7CD] =	sst s1;
	s1 =	sadd.s32 s15, s14;
	s0 =	smul.u32 $0x431BE2E9, s0  }
0x810: {  	s25 =	spop (v2sf);
	[smem:$0x7DF] =	sst s1  }
0x811: {  	(v2sf) =	vpush v11, $0xF;
	s4 =	smulhi.u32 $0x431BE2E9, s29;
	[smem:$0x761] =	sst s0;
	s0 =	sshra.s32 s25, $0x1F  }
0x812: {  	(v2sf) =	vpush v11, $0x9;
	[smem:$0x760] =	sst s22;
	s0 =	smul.u32 $0x431BE2E9, s0  }
0x813: {  	(v2sf) =	vpush v11, $0x8;
	s29 =	smulhi.u32 $0x431BE2E9, s25;
	s9 =	spop (v2sf)  }
0x814: {  	(v2sf) =	vpush v11, $0xA;
	s13 =	smulhi.u32 $0x431BE2E9, s9;
	[smem:$0x763] =	sst s0;
	s0 =	sshra.s32 s9, $0x1F  }
0x815: {  	(v2sf) =	vpush v11, $0xB;
	[smem:$0x762] =	sst s29;
	s0 =	smul.u32 $0x431BE2E9, s0  }
0x816: {  	(v2sf) =	vpush v11, $0x0;
	s16 =	spop (v2sf);
	[smem:$0x764] =	sst s13  }
0x817: {  	(v2sf) =	vpush v11, $0x1;
	s19 =	smulhi.u32 $0x431BE2E9, s16;
	[smem:$0x765] =	sst s0  }
0x818: {  	s18 =	sld [smem:$0x72C]  }
0x819: {  	s8 =	sadd.s32 s7, s8;
	[smem:$0x766] =	sst s19  }
0x81a: {  	[smem:$0x7F3] =	sst s8  }
0x81b: {  	s20 =	sld [smem:$0x72D]  }
0x81c: {  	s21 =	sld [smem:$0x72E]  }
0x81d: {  	s23 =	sld [smem:$0x72F]  }
0x81e: {  	s24 =	sld [smem:$0x730]  }
0x81f: {  	s26 =	sld [smem:$0x731]  }
0x820: {  	s28 =	sld [smem:$0x732]  }
0x821: {  	s30 =	sld [smem:$0x733]  }
0x822: {  	s31 =	sld [smem:$0x734]  }
0x823: {  	s9 =	sld [smem:$0x735]  }
0x824: {  	s10 =	sld [smem:$0x736]  }
0x825: {  	s13 =	sld [smem:$0x737]  }
0x826: {  	s0 =	sshra.s32 s16, $0x1F;
	s14 =	sld [smem:$0x738]  }
0x827: {  	s0 =	smul.u32 $0x431BE2E9, s0;
	s16 =	sld [smem:$0x739]  }
0x828: {  	s22 =	spop (v2sf);
	s19 =	sld [smem:$0x73B]  }
0x829: {  	s25 =	smulhi.u32 $0x431BE2E9, s22;
	[smem:$0x767] =	sst s0  }
0x82a: {  	s3 =	smulhi.u32 $0x431BE2E9, s2;
	s0 =	sshra.s32 s22, $0x1F;
	s22 =	sld [smem:$0x73E]  }
0x82b: {  	s29 =	spop (v2sf);
	[smem:$0x768] =	sst s25  }
0x82c: {  	s2 =	smulhi.u32 $0x431BE2E9, s29;
	s1 =	sadd.s32 s18, s17;
	s17 =	sld [smem:$0x73A]  }
0x82d: {  	[smem:$0x7E0] =	sst s1  }
0x82e: {  	[smem:$0x76A] =	sst s2  }
0x82f: {  	s1 =	sadd.s32 s21, s20;
	s20 =	sld [smem:$0x73C]  }
0x830: {  	s12 =	spop (v2sf);
	s21 =	sld [smem:$0x73D]  }
0x831: {  	s0 =	smul.u32 $0x431BE2E9, s0;
	s2 =	sld [smem:$0x74D]  }
0x832: {  	s15 =	smulhi.u32 $0x431BE2E9, s12;
	[smem:$0x7E2] =	sst s1  }
0x833: {  	[smem:$0x769] =	sst s0  }
0x834: {  	[smem:$0x76C] =	sst s15  }
0x835: {  	s1 =	sadd.s32 s24, s23;
	s24 =	sld [smem:$0x73F]  }
0x836: {  	s0 =	sshra.s32 s29, $0x1F;
	s29 =	sld [smem:$0x740]  }
0x837: {  	[smem:$0x7E4] =	sst s1;
	s1 =	sadd.s32 s28, s26  }
0x838: {  	[smem:$0x7E8] =	sst s1  }
0x839: {  	s1 =	sadd.s32 s31, s30;
	s30 =	sld [smem:$0x741]  }
0x83a: {  	s0 =	smul.u32 $0x431BE2E9, s0;
	s31 =	sld [smem:$0x742]  }
0x83b: {  	[smem:$0x7E6] =	sst s1  }
0x83c: {  	[smem:$0x76B] =	sst s0  }
0x83d: {  	s1 =	sadd.s32 s10, s9;
	s10 =	sld [smem:$0x743]  }
0x83e: {  	s0 =	sshra.s32 s12, $0x1F;
	s12 =	sld [smem:$0x744]  }
0x83f: {  	[smem:$0x7EA] =	sst s1  }
0x840: {  	s18 =	spop (v2sf);
	s1 =	sadd.s32 s14, s13;
	s13 =	sld [smem:$0x745]  }
0x841: {  	s28 =	smulhi.u32 $0x431BE2E9, s18;
	s14 =	sld [smem:$0x746]  }
0x842: {  	s26 =	smul.u32 $0x431BE2E9, s0;
	s0 =	sshra.s32 s18, $0x1F;
	s18 =	sld [smem:$0x749]  }
0x843: {  	[smem:$0x7EC] =	sst s1  }
0x844: {  	s1 =	sadd.s32 s17, s16;
	s16 =	sld [smem:$0x747]  }
0x845: {  	s17 =	sld [smem:$0x748]  }
0x846: {  	s23 =	spop (v2sf);
	[smem:$0x7DE] =	sst s1  }
0x847: {  	s25 =	smul.u32 $0x431BE2E9, s0;
	s1 =	sadd.s32 s20, s19;
	s19 =	sld [smem:$0x74A]  }
0x848: {  	s9 =	spop (v2sf);
	s0 =	sshra.s32 s23, $0x1F;
	[smem:$0x7E1] =	sst s1  }
0x849: {  	s1 =	sadd.s32 s22, s21;
	s22 =	smulhi.u32 $0x431BE2E9, s9;
	s25 =	sadd.s32 s25, s28  }
0x84a: {  	[smem:$0x7E3] =	sst s1;
	s1 =	sadd.s32 s29, s24;
	s24 =	smulhi.u32 $0x431BE2E9, s23  }
0x84b: {  	(v2sf) =	vpush v11, $0x2;
	s23 =	smul.u32 $0x431BE2E9, s0;
	s0 =	sshra.s32 s9, $0x1F;
	s9 =	sld [smem:$0x74E]  }
0x84c: {  	(v2sf) =	vpush v11, $0x3;
	[dreg:$0x16] =	wrdreg s25  }
0x84d: {  	[smem:$0x7E5] =	sst s1  }
0x84e: {  	s15 =	spop (v2sf);
	s1 =	sadd.s32 s31, s30;
	s30 =	sld [smem:$0x74B]  }
0x84f: {  	(v2sf) =	vpush v11, $0x4;
	s21 =	smulhi.u32 $0x431BE2E9, s15;
	s31 =	sld [smem:$0x74C]  }
0x850: {  	s20 =	smul.u32 $0x431BE2E9, s0;
	s0 =	sshra.s32 s15, $0x1F;
	s15 =	sld [smem:$0x752]  }
0x851: {  	[smem:$0x7E7] =	sst s1  }
0x852: {  	s1 =	sadd.s32 s12, s10;
	s12 =	sld [smem:$0x74F]  }
0x853: {  	[smem:$0x7E9] =	sst s1  }
0x854: {  	s1 =	sadd.s32 s14, s13;
	s13 =	sld [smem:$0x750]  }
0x855: {  	s23 =	sadd.s32 s23, s24;
	s14 =	sld [smem:$0x751]  }
0x856: {  	(v2sf) =	vpush v11, $0x5;
	[dreg:$0x11] =	wrdreg s23  }
0x857: {  	s20 =	sadd.s32 s20, s22;
	[smem:$0x7EB] =	sst s1  }
0x858: {  	s1 =	sadd.s32 s17, s16;
	[smem:$0x7FD] =	sst s20  }
0x859: {  	[smem:$0x7DD] =	sst s1;
	s1 =	sadd.s32 s19, s18  }
0x85a: {  	s29 =	spop (v2sf);
	[smem:$0x7ED] =	sst s1  }
0x85b: {  	(v2sf) =	vpush v11, $0x6;
	s10 =	spop (v2sf);
	s1 =	sadd.s32 s31, s30;
	s30 =	sld [smem:$0x753]  }
0x85c: {  	s18 =	smul.u32 $0x431BE2E9, s0;
	s31 =	sld [smem:$0x754]  }
0x85d: {  	s19 =	smulhi.u32 $0x431BE2E9, s29;
	s0 =	sshra.s32 s29, $0x1F;
	[smem:$0x7EE] =	sst s1  }
0x85e: {  	(v2sf) =	vpush v11, $0x7;
	s29 =	spop (v2sf);
	s1 =	sadd.s32 s9, s2;
	s2 =	sld [smem:$0x755]  }
0x85f: {  	s16 =	smul.u32 $0x431BE2E9, s0;
	s9 =	sld [smem:$0x756]  }
0x860: {  	v0 =	vld [tilespmem:$0x1C0];
	s0 =	sshra.s32 s10, $0x1F;
	[smem:$0x7F1] =	sst s1;
	s1 =	sadd.s32 s13, s12  }
0x861: {  	v33 =	vld [tilespmem:$0x3C0];
	[smem:$0x7F2] =	sst s1;
	s1 =	sadd.s32 s15, s14;
	s14 =	smul.u32 $0x431BE2E9, s0  }
0x862: {  	s15 =	smulhi.u32 $0x431BE2E9, s29;
	s0 =	sshra.s32 s29, $0x1F;
	s29 =	sld [smem:$0x757]  }
0x863: {  	[smem:$0x7F6] =	sst s1  }
0x864: {  	s17 =	smulhi.u32 $0x431BE2E9, s10;
	s1 =	sadd.s32 s31, s30;
	s30 =	sld [smem:$0x758]  }
0x865: {  	s10 =	spop (v2sf);
	s31 =	sld [smem:$0x759]  }
0x866: {  	v0 =	vmul.u32 $0x8DD9, v0;
	v12 =	vmul.u32 $0x6A37, v33;
	s13 =	smulhi.u32 $0x431BE2E9, s10;
	[smem:$0x7F4] =	sst s1  }
0x867: {  	s1 =	sadd.s32 s9, s2;
	s9 =	sadd.s32 s6, s5;
	s6 =	sld [smem:$0x75D]  }
0x868: {  	v12 =	vadd.s32 v0, v12;
	s12 =	smul.u32 $0x431BE2E9, s0;
	s0 =	sshra.s32 s10, $0x1F;
	[smem:$0x7F8] =	sst s1  }
0x869: {  	(v2sf) =	vpush v12, $0xD;
	s10 =	smul.u32 $0x431BE2E9, s0;
	s14 =	sadd.s32 s14, s17;
	[smem:$0x7F5] =	sst s9  }
0x86a: {  	s2 =	spop (v2sf);
	[dreg:$0x17] =	wrdreg s14  }
0x86b: {  	(v2sf) =	vpush v12, $0xC;
	s0 =	sshra.s32 s2, $0x1F;
	s1 =	sadd.s32 s30, s29;
	s30 =	sld [smem:$0x75A]  }
0x86c: {  	s8 =	smul.u32 $0x431BE2E9, s0;
	[dreg:$0x1f] =	wrdreg s1  }
0x86d: {  	s29 =	spop (v2sf);
	s1 =	sadd.s32 s11, s31;
	s31 =	sld [smem:$0x75B]  }
0x86e: {  	s11 =	smulhi.u32 $0x431BE2E9, s2;
	s2 =	sld [smem:$0x75C]  }
0x86f: {  	s9 =	smulhi.u32 $0x431BE2E9, s29;
	s0 =	sshra.s32 s29, $0x1F;
	s29 =	sld [smem:$0x75E]  }
0x870: {  	(v2sf) =	vpush v12, $0xE;
	[smem:$0x7F0] =	sst s1  }
0x871: {  	s1 =	sadd.s32 s31, s30;
	s30 =	sld [smem:$0x75F]  }
0x872: {  	[smem:$0x7F7] =	sst s1  }
0x873: {  	s1 =	sadd.s32 s2, s4;
	s4 =	sld [smem:$0x761]  }
0x874: {  	s2 =	sld [smem:$0x764]  }
0x875: {  	[smem:$0x7F9] =	sst s1  }
0x876: {  	s1 =	sadd.s32 s6, s3;
	s3 =	sld [smem:$0x760]  }
0x877: {  	[smem:$0x7FA] =	sst s1  }
0x878: {  	s5 =	spop (v2sf);
	s1 =	sadd.s32 s30, s29;
	s29 =	sld [smem:$0x762]  }
0x879: {  	(v2sf) =	vpush v12, $0xF;
	s7 =	smul.u32 $0x431BE2E9, s0;
	s30 =	sld [smem:$0x763]  }
0x87a: {  	s31 =	spop (v2sf);
	[smem:$0x7FB] =	sst s1;
	s1 =	sadd.s32 s4, s3  }
0x87b: {  	(v2sf) =	vpush v12, $0x9;
	s0 =	sshra.s32 s5, $0x1F;
	s6 =	smulhi.u32 $0x431BE2E9, s5;
	[smem:$0x7EF] =	sst s1  }
0x87c: {  	(v2sf) =	vpush v12, $0x8;
	s5 =	smul.u32 $0x431BE2E9, s0;
	s1 =	sadd.s32 s30, s29;
	s29 =	sld [smem:$0x765]  }
0x87d: {  	s0 =	sshra.s32 s31, $0x1F;
	s4 =	smulhi.u32 $0x431BE2E9, s31;
	s30 =	sld [smem:$0x766]  }
0x87e: {  	s3 =	smul.u32 $0x431BE2E9, s0;
	[dreg:$0x1d] =	wrdreg s1  }
0x87f: {  	s31 =	spop (v2sf);
	s1 =	sadd.s32 s29, s2;
	s29 =	sld [smem:$0x767]  }
0x880: {  	(v2sf) =	vpush v12, $0xA;
	s0 =	sshra.s32 s31, $0x1F;
	s2 =	smulhi.u32 $0x431BE2E9, s31;
	s31 =	sld [smem:$0x768]  }
0x881: {  	[smem:$0x7FC] =	sst s1  }
0x882: {  	s12 =	sadd.s32 s12, s15;
	(v2sf) =	vpush v12, $0xB;
	s1 =	sadd.s32 s29, s30;
	s30 =	sld [smem:$0x769]  }
0x883: {  	[dreg:$0x15] =	wrdreg s12  }
0x884: {  	(v2sf) =	vpush v12, $0x0;
	s29 =	sld [smem:$0x76A]  }
0x885: {  	s8 =	sadd.s32 s8, s11;
	s31 =	sadd.s32 s30, s31;
	s30 =	sld [smem:$0x76B]  }
0x886: {  	(v2sf) =	vpush v12, $0x1;
	[dreg:$0x12] =	wrdreg s8  }
0x887: {  	[dreg:$0x1e] =	wrdreg s1;
	s1 =	smul.u32 $0x431BE2E9, s0  }
0x888: {  	(v2sf) =	vpush v12, $0x2;
	s0 =	spop (v2sf);
	s29 =	sadd.s32 s30, s29;
	s30 =	sld [smem:$0x76C]  }
0x889: {  	[dreg:$0x1b] =	wrdreg s31;
	s31 =	smulhi.u32 $0x431BE2E9, s0  }
0x88a: {  	(v2sf) =	vpush v12, $0x3;
	s0 =	sshra.s32 s0, $0x1F;
	[dreg:$0x19] =	wrdreg s29;
	s29 =	spop (v2sf)  }
0x88b: {  	s0 =	smul.u32 $0x431BE2E9, s0;
	s26 =	sadd.s32 s26, s30;
	s30 =	spop (v2sf)  }
0x88c: {  	[dreg:$0x1a] =	wrdreg s26;
	s26 =	smulhi.u32 $0x431BE2E9, s29  }
0x88d: {  	s3 =	sadd.s32 s3, s4;
	s29 =	sshra.s32 s29, $0x1F;
	s23 =	smulhi.u32 $0x431BE2E9, s30  }
0x88e: {  	[dreg:$0xe] =	wrdreg s3;
	s28 =	sshra.s32 s30, $0x1F;
	s25 =	smul.u32 $0x431BE2E9, s29  }
0x88f: {  	s22 =	sadd.s32 s16, s19;
	s20 =	smul.u32 $0x431BE2E9, s28;
	s29 =	spop (v2sf)  }
0x890: {  	(v2sf) =	vpush v12, $0x4;
	s28 =	sadd.s32 s18, s21;
	s18 =	smulhi.u32 $0x431BE2E9, s29;
	s30 =	sshra.s32 s29, $0x1F  }
0x891: {  	s1 =	sadd.s32 s1, s2;
	s21 =	spop (v2sf);
	s16 =	smul.u32 $0x431BE2E9, s30  }
0x892: {  	[dreg:$0x10] =	wrdreg s1;
	s14 =	smulhi.u32 $0x431BE2E9, s21;
	s24 =	sshra.s32 s21, $0x1F  }
0x893: {  	s19 =	sadd.s32 s7, s9;
	s29 =	spop (v2sf);
	s12 =	smul.u32 $0x431BE2E9, s24  }
0x894: {  	s21 =	sadd.s32 s10, s13;
	s10 =	smulhi.u32 $0x431BE2E9, s29;
	s30 =	sshra.s32 s29, $0x1F  }
0x895: {  	s0 =	sadd.s32 s0, s31;
	s15 =	spop (v2sf);
	s8 =	smul.u32 $0x431BE2E9, s30  }
0x896: {  	[dreg:$0x14] =	wrdreg s0;
	s7 =	smulhi.u32 $0x431BE2E9, s15;
	s17 =	sshra.s32 s15, $0x1F  }
0x897: {  	s30 =	spop (v2sf);
	s24 =	smul.u32 $0x431BE2E9, s17  }
0x898: {  	s25 =	sadd.s32 s25, s26;
	s3 =	smulhi.u32 $0x431BE2E9, s30;
	s9 =	sshra.s32 s30, $0x1F  }
0x899: {  	s26 =	sadd.s32 s20, s23;
	s13 =	spop (v2sf);
	s11 =	smul.u32 $0x431BE2E9, s9  }
0x89a: {  	s29 =	sadd.s32 s12, s14;
	s14 =	sld [smem:$0x76F];
	s17 =	smulhi.u32 $0x431BE2E9, s13  }
0x89b: {  	s2 =	sshra.s32 s13, $0x1F;
	s23 =	sadd.s32 s8, s10;
	s8 =	sld [smem:$0x76E]  }
0x89c: {  	s16 =	sadd.s32 s16, s18;
	s2 =	smul.u32 $0x431BE2E9, s2;
	s24 =	sadd.s32 s24, s7  }
0x89d: {  	s7 =	sld [smem:$0x76D];
	s18 =	sadd.s32 s11, s3;
	s10 =	sshra.s32 s14, $0x1F  }
0x89e: {  	s11 =	sld [smem:$0x770];
	s17 =	sadd.s32 s2, s17;
	s9 =	sshrl.u32 s8, $0x1F  }
0x89f: {  	s3 =	sshra.s32 s8, $0x12;
	s8 =	sld [smem:$0x772];
	s30 =	spop (v2sf)  }
0x8a0: {  	v0 =	vmov s10;
	s10 =	sld [smem:$0x773];
	s31 =	smulhi.u32 $0x431BE2E9, s30;
	s4 =	sshra.s32 s30, $0x1F  }
0x8a1: {  	s0 =	sshrl.u32 s7, $0x1F;
	s30 =	sld [smem:$0x771];
	s4 =	smul.u32 $0x431BE2E9, s4  }
0x8a2: {  	s1 =	sshra.s32 s7, $0x12;
	s12 =	sshrl.u32 s11, $0x1F;
	s13 =	sshra.s32 s11, $0x12  }
0x8a3: {  	v34 =	vmov s9;
	s7 =	sshra.s32 s11, $0x1F;
	s9 =	sshrl.u32 s8, $0x1F;
	s20 =	sadd.s32 s4, s31  }
0x8a4: {  	vm11 =	vmmov vm12;
	(v2sf) =	vpush v12, $0x5;
	v0 =	vsel vm5, s13, v0;
	s31 =	sshrl.u32 s30, $0x1F;
	s4 =	sshra.s32 s30, $0x12;
	s30 =	sld [smem:$0x774]  }
0x8a5: {  	v13 =	vsel vm0, s0, v34;
	v35 =	vmov s12;
	s12 =	sshra.s32 s10, $0x12;
	s2 =	sshra.s32 s8, $0x12;
	s8 =	sld [smem:$0x776];
	v0 =	vsel vm12, s7, v0  }
0x8a6: {  	s11 =	sshrl.u32 s10, $0x1F;
	s13 =	sshra.s32 s10, $0x1F;
	v14 =	vnsel vm5, $0x0, v35;
	vm12 =	vcmask $0xF0C;
	s7 =	sld [smem:$0x775];
	v0 =	vsel vm0, s12, v0  }
0x8a7: {  	v14 =	vsel vm0, s11, v14;
	v0 =	vsel vm12, s13, v0;
	s13 =	sld [smem:$0x778];
	v13 =	vsel vm1, s31, v13;
	s31 =	sshrl.u32 s30, $0x1F  }
0x8a8: {  	s10 =	sshrl.u32 s8, $0x1F;
	v48 =	vsel vm2, s9, v13;
	s9 =	sld [smem:$0x777];
	s11 =	sshra.s32 s30, $0x12;
	v36 =	vsel vm1, s31, v14  }
0x8a9: {  	s12 =	sshra.s32 s30, $0x1F;
	v0 =	vsel vm1, s11, v0;
	v13 =	vsel vm2, s10, v36;
	s10 =	sld [smem:$0x779]  }
0x8aa: {  	s11 =	sshra.s32 s8, $0x12;
	v0 =	vsel vm13, s12, v0;
	s12 =	sld [smem:$0x77A]  }
0x8ab: {  	s15 =	sadd.s32 s5, s6;
	s0 =	sshra.s32 s8, $0x1F;
	v0 =	vsel vm2, s11, v0;
	s11 =	sld [smem:$0x77C]  }
0x8ac: {  	s6 =	sshrl.u32 s7, $0x1F;
	s31 =	sshrl.u32 s13, $0x1F;
	s8 =	sld [smem:$0x77B]  }
0x8ad: {  	v37 =	vmov s6;
	s30 =	sshrl.u32 s9, $0x1F;
	v13 =	vsel vm6, s31, v13;
	s6 =	sshrl.u32 s12, $0x1F  }
0x8ae: {  	vm8 =	vmmov vm4;
	v14 =	vsel vm0, s30, v37;
	s5 =	sshrl.u32 s10, $0x1F;
	v13 =	vsel vm7, s6, v13;
	s31 =	sshrl.u32 s11, $0x1F  }
0x8af: {  	s30 =	sshrl.u32 s8, $0x1F;
	v14 =	vsel vm1, s5, v14;
	v13 =	vsel vm4, s31, v13;
	vm4 =	vcmask $0x1F1C  }
0x8b0: {  	v38 =	vmov s3;
	v50 =	vsel vm2, s30, v14;
	s30 =	sshrl.u32 s14, $0x1F;
	v0 =	vsel vm4, s0, v0;
	s0 =	sshra.s32 s9, $0x12;
	s9 =	sshra.s32 s7, $0x12  }
0x8b1: {  	v51 =	vsel vm15, s30, v13;
	v13 =	vsel vm0, s1, v38;
	v39 =	vmov s9  }
0x8b2: {  	s5 =	sshra.s32 s10, $0x12;
	s31 =	sshra.s32 s13, $0x12;
	v13 =	vsel vm1, s4, v13;
	v14 =	vsel vm0, s0, v39  }
0x8b3: {  	s30 =	sshra.s32 s13, $0x1F;
	s13 =	sld [smem:$0x77D];
	v0 =	vsel vm6, s31, v0;
	s31 =	sshra.s32 s8, $0x12;
	v13 =	vsel vm2, s2, v13;
	v40 =	vsel vm1, s5, v14  }
0x8b4: {  	vm9 =	vcmask $0x2724;
	s6 =	sshra.s32 s12, $0x12;
	s10 =	spop (v2sf);
	[tilespmem:$0x1FF10] =	vst v13;
	v13 =	vsel vm2, s31, v40;
	s31 =	sld [smem:$0x77F]  }
0x8b5: {  	s7 =	sshra.s32 s12, $0x1F;
	s8 =	sshra.s32 s11, $0x12;
	s9 =	sshra.s32 s11, $0x1F;
	v0 =	vsel vm9, s30, v0  }
0x8b6: {  	vm10 =	vmmov vm14;
	s11 =	sshra.s32 s14, $0x12;
	s14 =	sshra.s32 s10, $0x1F;
	v0 =	vsel vm7, s6, v0;
	s12 =	sshra.s32 s13, $0x1F  }
0x8b7: {  	s6 =	smulhi.u32 $0x431BE2E9, s10;
	s10 =	sld [smem:$0x77E];
	v0 =	vsel vm10, s7, v0;
	v41 =	vmov s12;
	s7 =	sshra.s32 s31, $0x12  }
0x8b8: {  	[tilespmem:$0x1FF20] =	vst v13;
	v13 =	vsel vm5, s7, v41;
	s7 =	sld [smem:$0x780];
	_ =	sdelay $0x1  }
0x8b9: {  	v0 =	vsel vm8, s8, v0;
	s30 =	sshrl.u32 s10, $0x1F  }
0x8ba: {  	s0 =	smul.u32 $0x431BE2E9, s14;
	s14 =	sld [smem:$0x782];
	v0 =	vsel vm3, s9, v0;
	v42 =	vmov s30;
	s8 =	sshrl.u32 s7, $0x1F  }
0x8bb: {  	v52 =	vsel vm15, s11, v0;
	v0 =	vsel vm0, s8, v42;
	s8 =	sld [smem:$0x781]  }
0x8bc: {  	s5 =	sld [smem:$0x783]  }
0x8bd: {  	s9 =	sshra.s32 s31, $0x1F;
	s11 =	sshrl.u32 s31, $0x1F  }
0x8be: {  	s30 =	sadd.s32 s0, s6;
	s6 =	sld [smem:$0x785];
	s12 =	sshrl.u32 s8, $0x1F  }
0x8bf: {  	s1 =	sshrl.u32 s5, $0x1F;
	s31 =	sshra.s32 s14, $0x12;
	v43 =	vmov s11;
	v13 =	vsel vm11, s9, v13;
	v0 =	vsel vm1, s12, v0  }
0x8c0: {  	s2 =	sshra.s32 s14, $0x1F;
	s3 =	sshrl.u32 s14, $0x1F;
	v44 =	vnsel vm5, $0x0, v43;
	s9 =	sld [smem:$0x784];
	v13 =	vsel vm0, s31, v13;
	v0 =	vsel vm2, s1, v0  }
0x8c1: {  	s11 =	sshra.s32 s6, $0x12;
	[tilespmem:$0x1FF30] =	vst v0;
	v0 =	vsel vm12, s2, v13;
	v13 =	vsel vm0, s3, v44;
	s3 =	sld [smem:$0x786]  }
0x8c2: {  	s14 =	sshra.s32 s6, $0x1F;
	s12 =	sshrl.u32 s6, $0x1F;
	s6 =	sld [smem:$0x787]  }
0x8c3: {  	s4 =	sshrl.u32 s9, $0x1F;
	v0 =	vsel vm1, s11, v0;
	s11 =	sld [smem:$0x788]  }
0x8c4: {  	v45 =	vmov s4;
	s31 =	sshrl.u32 s3, $0x1F  }
0x8c5: {  	s4 =	sshrl.u32 s6, $0x1F;
	v14 =	vsel vm0, s31, v45  }
0x8c6: {  	v13 =	vsel vm1, s12, v13;
	s12 =	sshrl.u32 s11, $0x1F;
	v14 =	vsel vm1, s4, v14;
	s4 =	sld [smem:$0x789]  }
0x8c7: {  	v13 =	vsel vm2, s12, v13;
	s12 =	sld [smem:$0x78A]  }
0x8c8: {  	v0 =	vsel vm13, s14, v0;
	s14 =	sshra.s32 s11, $0x12  }
0x8c9: {  	s31 =	sshra.s32 s11, $0x1F;
	v0 =	vsel vm2, s14, v0;
	s11 =	sshrl.u32 s4, $0x1F  }
0x8ca: {  	v0 =	vsel vm4, s31, v0;
	s31 =	sshra.s32 s10, $0x12;
	s10 =	sshra.s32 s12, $0x12;
	v14 =	vsel vm2, s11, v14;
	s11 =	sld [smem:$0x78B]  }
0x8cb: {  	s14 =	sshrl.u32 s12, $0x1F;
	v0 =	vsel vm6, s10, v0;
	s10 =	sld [smem:$0x78C]  }
0x8cc: {  	s1 =	sshra.s32 s5, $0x12;
	v46 =	vmov s31;
	s31 =	sshra.s32 s12, $0x1F;
	v13 =	vsel vm6, s14, v13;
	s14 =	sshra.s32 s7, $0x12  }
0x8cd: {  	s12 =	sshra.s32 s8, $0x12;
	[tilespmem:$0x1FF40] =	vst v14;
	v14 =	vsel vm0, s14, v46;
	s14 =	sshrl.u32 s13, $0x1F;
	s2 =	sshrl.u32 s11, $0x1F  }
0x8ce: {  	v47 =	vsel vm1, s12, v14;
	s12 =	sshra.s32 s6, $0x12;
	s6 =	sshra.s32 s4, $0x12;
	s7 =	sshrl.u32 s10, $0x1F;
	v13 =	vsel vm7, s2, v13  }
0x8cf: {  	v0 =	vsel vm9, s31, v0;
	s4 =	sld [smem:$0x791];
	s31 =	sshra.s32 s11, $0x12;
	s5 =	sshra.s32 s11, $0x1F;
	v13 =	vsel vm8, s7, v13  }
0x8d0: {  	v0 =	vsel vm7, s31, v0;
	s2 =	sshra.s32 s9, $0x12;
	s7 =	smov.u32 s13;
	s13 =	sld [smem:$0x78D];
	v13 =	vsel vm15, s14, v13  }
0x8d1: {  	s8 =	sshra.s32 s3, $0x12;
	s9 =	sshra.s32 s10, $0x12;
	s31 =	sld [smem:$0x78E];
	v49 =	vmov s2;
	v0 =	vsel vm10, s5, v0;
	[tilespmem:$0x1FF60] =	vst v13;
	v13 =	vsel vm2, s1, v47  }
0x8d2: {  	v0 =	vsel vm8, s9, v0;
	s14 =	sshra.s32 s10, $0x1F;
	[tilespmem:$0x1FF50] =	vst v13;
	v13 =	vsel vm0, s8, v49;
	s8 =	sshra.s32 s7, $0x12;
	s7 =	sld [smem:$0x78F]  }
0x8d3: {  	v0 =	vsel vm3, s14, v0;
	s11 =	sshra.s32 s13, $0x1F;
	v13 =	vsel vm1, s12, v13;
	s12 =	sld [smem:$0x790]  }
0x8d4: {  	s5 =	sshra.s32 s31, $0x12;
	s10 =	sshrl.u32 s31, $0x1F;
	v54 =	vmov s11;
	v0 =	vsel vm15, s8, v0;
	s8 =	sld [smem:$0x793]  }
0x8d5: {  	s9 =	sshra.s32 s31, $0x1F;
	s1 =	sshra.s32 s4, $0x12;
	v56 =	vmov s10;
	v14 =	vsel vm5, s5, v54;
	s11 =	sshrl.u32 s7, $0x1F  }
0x8d6: {  	[tilespmem:$0x1FF70] =	vst v0;
	s5 =	sshrl.u32 s4, $0x1F;
	s4 =	sld [smem:$0x794];
	v0 =	vsel vm11, s9, v14;
	v14 =	vnsel vm5, $0x0, v56;
	v55 =	vmov s11;
	s31 =	sshrl.u32 s12, $0x1F  }
0x8d7: {  	v29 =	vsel vm2, s6, v13;
	s10 =	sshrl.u32 s8, $0x1F;
	v13 =	vsel vm0, s5, v55;
	s5 =	sld [smem:$0x792];
	v14 =	vsel vm0, s31, v14  }
0x8d8: {  	s14 =	sshra.s32 s12, $0x12;
	v57 =	vsel vm1, s10, v14;
	s10 =	sld [smem:$0x795]  }
0x8d9: {  	s3 =	sshra.s32 s12, $0x1F;
	v0 =	vsel vm0, s14, v0;
	s31 =	sld [smem:$0x796]  }
0x8da: {  	s9 =	sshra.s32 s8, $0x12;
	v0 =	vsel vm12, s3, v0;
	s6 =	sshrl.u32 s5, $0x1F  }
0x8db: {  	s11 =	sshra.s32 s8, $0x1F;
	v0 =	vsel vm1, s9, v0;
	v13 =	vsel vm1, s6, v13;
	s14 =	sshrl.u32 s10, $0x1F;
	s6 =	sld [smem:$0x797]  }
0x8dc: {  	s12 =	sshrl.u32 s4, $0x1F;
	v0 =	vsel vm13, s11, v0;
	s9 =	sshra.s32 s31, $0x12;
	v58 =	vmov s14;
	s14 =	sld [smem:$0x798]  }
0x8dd: {  	s8 =	sshrl.u32 s31, $0x1F;
	v0 =	vsel vm2, s9, v0;
	s9 =	sld [smem:$0x79B];
	v13 =	vsel vm2, s12, v13  }
0x8de: {  	s11 =	sshra.s32 s31, $0x1F;
	[tilespmem:$0x1FF80] =	vst v13;
	v13 =	vsel vm2, s8, v57;
	s8 =	sld [smem:$0x799];
	s12 =	sshrl.u32 s6, $0x1F  }
0x8df: {  	v0 =	vsel vm4, s11, v0;
	v14 =	vsel vm0, s12, v58;
	s12 =	sld [smem:$0x79A];
	s11 =	sshra.s32 s14, $0x12  }
0x8e0: {  	v0 =	vsel vm6, s11, v0;
	s11 =	sld [smem:$0x79C]  }
0x8e1: {  	s31 =	sshrl.u32 s14, $0x1F  }
0x8e2: {  	s7 =	sshra.s32 s7, $0x12;
	v13 =	vsel vm6, s31, v13;
	s2 =	sshrl.u32 s8, $0x1F;
	s3 =	sshrl.u32 s12, $0x1F  }
0x8e3: {  	s0 =	sshra.s32 s14, $0x1F;
	s14 =	sshrl.u32 s9, $0x1F;
	v14 =	vsel vm1, s2, v14;
	v13 =	vsel vm7, s3, v13;
	s31 =	sshrl.u32 s11, $0x1F  }
0x8e4: {  	v59 =	vmov s7;
	s7 =	sshra.s32 s10, $0x12;
	v30 =	vsel vm2, s14, v14;
	s14 =	sshrl.u32 s13, $0x1F;
	v13 =	vsel vm8, s31, v13  }
0x8e5: {  	v60 =	vmov s7;
	s7 =	sld [smem:$0x79D];
	v0 =	vsel vm9, s0, v0;
	s31 =	sshra.s32 s12, $0x12;
	v13 =	vsel vm15, s14, v13;
	s14 =	sshra.s32 s6, $0x12  }
0x8e6: {  	s5 =	sshra.s32 s5, $0x12;
	s10 =	sshra.s32 s12, $0x1F;
	v0 =	vsel vm7, s31, v0;
	[tilespmem:$0x1FF90] =	vst v13;
	v13 =	vsel vm0, s1, v59;
	v14 =	vsel vm0, s14, v60;
	s14 =	sld [smem:$0x79E]  }
0x8e7: {  	s12 =	sshra.s32 s4, $0x12;
	s31 =	sshra.s32 s11, $0x12;
	v0 =	vsel vm10, s10, v0;
	s10 =	sld [smem:$0x79F];
	v13 =	vsel vm1, s5, v13  }
0x8e8: {  	vm14 =	vmmov vm3;
	v0 =	vsel vm8, s31, v0;
	s5 =	sshra.s32 s11, $0x1F;
	v28 =	vsel vm2, s12, v13;
	s12 =	sld [smem:$0x7A0]  }
0x8e9: {  	s6 =	sshra.s32 s13, $0x12;
	v0 =	vsel vm14, s5, v0  }
0x8ea: {  	s4 =	sshra.s32 s9, $0x12;
	s9 =	sshra.s32 s14, $0x1F;
	v0 =	vsel vm15, s6, v0;
	s11 =	sshrl.u32 s10, $0x1F  }
0x8eb: {  	s3 =	sshra.s32 s8, $0x12;
	s8 =	sshrl.u32 s7, $0x1F;
	[tilespmem:$0x1FFA0] =	vst v0;
	v0 =	vmov s9;
	v62 =	vmov s11;
	s31 =	sshra.s32 s12, $0x12  }
0x8ec: {  	s6 =	sshra.s32 s12, $0x1F;
	v13 =	vsel vm0, s8, v62;
	s8 =	sld [smem:$0x7A2];
	v0 =	vsel vm5, s31, v0  }
0x8ed: {  	s0 =	sshra.s32 s7, $0x12;
	v0 =	vsel vm11, s6, v0;
	s6 =	sld [smem:$0x7A1]  }
0x8ee: {  	s5 =	sld [smem:$0x7A3];
	s2 =	sshra.s32 s10, $0x12;
	s13 =	sshrl.u32 s12, $0x1F  }
0x8ef: {  	v63 =	vmov s13;
	s13 =	sld [smem:$0x7A4];
	s9 =	sshrl.u32 s8, $0x1F;
	s10 =	sshra.s32 s8, $0x12  }
0x8f0: {  	s11 =	sshra.s32 s8, $0x1F;
	s8 =	sld [smem:$0x7A5];
	s7 =	sshrl.u32 s6, $0x1F  }
0x8f1: {  	v13 =	vsel vm1, s7, v13;
	s7 =	sld [smem:$0x7A7]  }
0x8f2: {  	v61 =	vsel vm1, s3, v14;
	s12 =	sshrl.u32 s5, $0x1F;
	v14 =	vnsel vm5, $0x0, v63;
	s31 =	sshrl.u32 s13, $0x1F  }
0x8f3: {  	v14 =	vsel vm0, s9, v14;
	v0 =	vsel vm0, s10, v0;
	s9 =	sld [smem:$0x7A6];
	s10 =	sshra.s32 s13, $0x12;
	s3 =	sshrl.u32 s8, $0x1F  }
0x8f4: {  	v0 =	vsel vm12, s11, v0;
	s11 =	sshra.s32 s13, $0x1F;
	s13 =	sld [smem:$0x7A8];
	v13 =	vsel vm2, s12, v13;
	v17 =	vmov s3;
	s12 =	sshrl.u32 s7, $0x1F  }
0x8f5: {  	v16 =	vsel vm1, s31, v14;
	v14 =	vsel vm0, s12, v17;
	s12 =	sld [smem:$0x7AA]  }
0x8f6: {  	v22 =	vsel vm2, s4, v61;
	s4 =	sshrl.u32 s9, $0x1F  }
0x8f7: {  	v0 =	vsel vm1, s10, v0;
	[tilespmem:$0x1FFB0] =	vst v13;
	v13 =	vsel vm2, s4, v16;
	s31 =	sshrl.u32 s13, $0x1F  }
0x8f8: {  	s10 =	sld [smem:$0x7A9];
	v0 =	vsel vm13, s11, v0;
	v13 =	vsel vm6, s31, v13;
	s11 =	sshrl.u32 s12, $0x1F  }
0x8f9: {  	v13 =	vsel vm7, s11, v13;
	s11 =	sld [smem:$0x7AC]  }
0x8fa: {  	s1 =	sshra.s32 s9, $0x1F;
	s31 =	sshra.s32 s9, $0x12;
	s9 =	sld [smem:$0x7AB]  }
0x8fb: {  	_ = 	snop  }
0x8fc: {  	s4 =	sshrl.u32 s10, $0x1F;
	v0 =	vsel vm2, s31, v0;
	s31 =	sshrl.u32 s11, $0x1F  }
0x8fd: {  	v14 =	vsel vm1, s4, v14;
	v0 =	vsel vm4, s1, v0;
	s4 =	sshrl.u32 s9, $0x1F;
	v13 =	vsel vm8, s31, v13;
	s31 =	sshra.s32 s6, $0x12;
	s6 =	sshra.s32 s13, $0x12  }
0x8fe: {  	s3 =	sshra.s32 s7, $0x12;
	s7 =	sshra.s32 s13, $0x1F;
	v31 =	vsel vm2, s4, v14;
	s4 =	sshrl.u32 s14, $0x1F;
	v0 =	vsel vm6, s6, v0  }
0x8ff: {  	s13 =	sshra.s32 s12, $0x12;
	s6 =	sshra.s32 s12, $0x1F;
	s12 =	sld [smem:$0x7AF];
	v0 =	vsel vm9, s7, v0  }
0x900: {  	v18 =	vmov s2;
	s2 =	sshra.s32 s5, $0x12;
	s8 =	sshra.s32 s8, $0x12;
	v13 =	vsel vm15, s4, v13;
	v0 =	vsel vm7, s13, v0;
	s13 =	sld [smem:$0x7AD]  }
0x901: {  	vm3 =	vmmov vm10;
	v19 =	vmov s8;
	s8 =	sshra.s32 s11, $0x1F;
	[tilespmem:$0x1FFC0] =	vst v13;
	v13 =	vsel vm0, s0, v18;
	s7 =	sshra.s32 s11, $0x12;
	s11 =	sld [smem:$0x7AE]  }
0x902: {  	vm10 =	vmmov vm5;
	s4 =	sshra.s32 s10, $0x12;
	v13 =	vsel vm1, s31, v13;
	s31 =	sshra.s32 s9, $0x12;
	s9 =	sshra.s32 s14, $0x12;
	v0 =	vsel vm3, s6, v0  }
0x903: {  	v20 =	vsel vm0, s3, v19;
	v40 =	vsel vm2, s2, v13;
	s14 =	sshra.s32 s12, $0x12;
	v21 =	vsel vm8, s7, v0;
	s7 =	sld [smem:$0x7B0];
	s10 =	sshra.s32 s13, $0x1F  }
0x904: {  	v13 =	vsel vm1, s4, v20;
	s4 =	sshrl.u32 s11, $0x1F;
	s0 =	sshra.s32 s11, $0x12;
	s11 =	sld [smem:$0x7B2];
	v25 =	vsel vm14, s8, v21;
	v23 =	vmov s10  }
0x905: {  	s6 =	sshra.s32 s12, $0x1F;
	v33 =	vsel vm15, s9, v25;
	s9 =	sld [smem:$0x7B1];
	v26 =	vsel vm10, s14, v23  }
0x906: {  	s8 =	sshrl.u32 s7, $0x1F;
	v14 =	vsel vm11, s6, v26;
	s6 =	sld [smem:$0x7B3]  }
0x907: {  	v27 =	vsel vm2, s31, v13;
	s31 =	sshrl.u32 s12, $0x1F;
	s2 =	sshra.s32 s7, $0x12;
	v32 =	vmov s8;
	s8 =	sld [smem:$0x7B4]  }
0x908: {  	(v2sf) =	vpush v12, $0x6;
	v34 =	vmov s31;
	s12 =	sshra.s32 s11, $0x12;
	s14 =	sshrl.u32 s11, $0x1F;
	s31 =	sshra.s32 s11, $0x1F;
	v37 =	vmov s2  }
0x909: {  	s10 =	sshrl.u32 s9, $0x1F;
	v14 =	vsel vm0, s12, v14;
	s1 =	sshra.s32 s9, $0x12;
	v38 =	vsel vm0, s0, v37;
	s0 =	sld [smem:$0x7C3]  }
0x90a: {  	v15 =	vnsel vm10, $0x0, v34;
	v13 =	vsel vm0, s4, v32;
	v14 =	vsel vm12, s31, v14;
	s31 =	sld [smem:$0x7B7];
	s7 =	sshrl.u32 s6, $0x1F;
	s9 =	sshra.s32 s8, $0x12  }
0x90b: {  	v35 =	vsel vm0, s14, v15;
	v13 =	vsel vm1, s10, v13;
	s10 =	sshrl.u32 s8, $0x1F;
	s11 =	sshra.s32 s8, $0x1F;
	s8 =	sld [smem:$0x7B5]  }
0x90c: {  	v0 =	vsel vm2, s7, v13;
	v14 =	vsel vm1, s9, v14;
	v13 =	vsel vm1, s10, v35;
	s10 =	sld [smem:$0x7B6]  }
0x90d: {  	s7 =	sld [smem:$0x7B8];
	v14 =	vsel vm13, s11, v14;
	s9 =	sshra.s32 s31, $0x12  }
0x90e: {  	s12 =	sshrl.u32 s8, $0x1F;
	v14 =	vsel vm2, s9, v14;
	s9 =	sld [smem:$0x7BA]  }
0x90f: {  	s5 =	sshra.s32 s6, $0x12;
	s11 =	sshra.s32 s31, $0x1F;
	v36 =	vmov s12;
	s12 =	sld [smem:$0x7B9]  }
0x910: {  	s6 =	sshrl.u32 s31, $0x1F;
	s14 =	sshrl.u32 s10, $0x1F;
	v14 =	vsel vm4, s11, v14;
	s11 =	sld [smem:$0x7BB]  }
0x911: {  	s3 =	sshra.s32 s10, $0x12;
	s10 =	sld [smem:$0x7BC];
	v15 =	vsel vm0, s14, v36;
	s14 =	sshrl.u32 s7, $0x1F  }
0x912: {  	v13 =	vsel vm2, s6, v13;
	v15 =	vsel vm1, s14, v15;
	s4 =	sshrl.u32 s9, $0x1F;
	s31 =	sshrl.u32 s12, $0x1F;
	s14 =	sshra.s32 s12, $0x12  }
0x913: {  	s6 =	sshrl.u32 s11, $0x1F;
	v32 =	vsel vm2, s4, v15;
	s4 =	sshra.s32 s9, $0x12;
	v13 =	vsel vm6, s31, v13;
	v14 =	vsel vm6, s14, v14;
	s31 =	sshra.s32 s12, $0x1F  }
0x914: {  	s12 =	sshrl.u32 s10, $0x1F;
	s14 =	sshra.s32 s8, $0x12;
	s8 =	sshra.s32 s11, $0x12;
	v13 =	vsel vm7, s6, v13;
	v14 =	vsel vm9, s31, v14  }
0x915: {  	s6 =	sshrl.u32 s13, $0x1F;
	s31 =	sshra.s32 s11, $0x1F;
	v39 =	vmov s14;
	s14 =	sld [smem:$0x7BD];
	v13 =	vsel vm8, s12, v13;
	v14 =	vsel vm7, s8, v14  }
0x916: {  	[tilespmem:$0x1FFD0] =	vst v0;
	s12 =	sshra.s32 s7, $0x12;
	s7 =	sshra.s32 s10, $0x12;
	v0 =	vsel vm15, s6, v13;
	v13 =	vsel vm1, s1, v38;
	v14 =	vsel vm3, s31, v14;
	s31 =	sld [smem:$0x7BE]  }
0x917: {  	s9 =	spop (v2sf);
	s8 =	sshra.s32 s10, $0x1F;
	v42 =	vsel vm0, s3, v39;
	v43 =	vsel vm2, s5, v13;
	v14 =	vsel vm8, s7, v14;
	s5 =	sld [smem:$0x7C2]  }
0x918: {  	s10 =	sshra.s32 s9, $0x1F;
	v13 =	vsel vm1, s12, v42;
	v14 =	vsel vm14, s8, v14;
	s8 =	sld [smem:$0x7BF]  }
0x919: {  	s1 =	smulhi.u32 $0x431BE2E9, s9;
	s12 =	sshra.s32 s13, $0x12;
	v49 =	vsel vm2, s4, v13;
	s4 =	sld [smem:$0x7C0]  }
0x91a: {  	s11 =	sshra.s32 s14, $0x1F;
	s13 =	smul.u32 $0x431BE2E9, s10;
	v41 =	vsel vm15, s12, v14;
	s12 =	sld [smem:$0x7C1]  }
0x91b: {  	v44 =	vmov s11;
	s6 =	sshra.s32 s31, $0x12;
	s7 =	sshrl.u32 s31, $0x1F;
	s10 =	sshrl.u32 s8, $0x1F  }
0x91c: {  	s9 =	sshra.s32 s31, $0x1F;
	v45 =	vsel vm10, s6, v44;
	s11 =	sshrl.u32 s4, $0x1F;
	v46 =	vmov s10;
	s10 =	sld [smem:$0x7C4]  }
0x91d: {  	s31 =	sadd.s32 s13, s1;
	v47 =	vmov s7;
	s7 =	sshrl.u32 s5, $0x1F;
	v13 =	vsel vm11, s9, v45;
	s13 =	sshra.s32 s12, $0x12;
	v14 =	vsel vm0, s11, v46  }
0x91e: {  	s6 =	sshra.s32 s12, $0x1F;
	v13 =	vsel vm0, s13, v13;
	v14 =	vsel vm1, s7, v14;
	s7 =	sld [smem:$0x7C6]  }
0x91f: {  	v15 =	vnsel vm10, $0x0, v47;
	s2 =	sshrl.u32 s12, $0x1F;
	v13 =	vsel vm12, s6, v13;
	s12 =	sshra.s32 s10, $0x12  }
0x920: {  	v15 =	vsel vm0, s2, v15;
	s11 =	sshrl.u32 s10, $0x1F;
	s13 =	sshra.s32 s10, $0x1F;
	s10 =	sld [smem:$0x7C5];
	v13 =	vsel vm1, s12, v13  }
0x921: {  	s9 =	sshrl.u32 s0, $0x1F;
	v54 =	vsel vm1, s11, v15;
	s6 =	sshrl.u32 s7, $0x1F;
	v13 =	vsel vm13, s13, v13;
	s13 =	sld [smem:$0x7C8]  }
0x922: {  	v38 =	vsel vm2, s9, v14;
	s12 =	sshra.s32 s7, $0x12;
	v14 =	vsel vm2, s6, v54;
	s6 =	sld [smem:$0x7C7]  }
0x923: {  	v13 =	vsel vm2, s12, v13;
	s12 =	sld [smem:$0x7CA]  }
0x924: {  	s3 =	sshrl.u32 s10, $0x1F  }
0x925: {  	v55 =	vmov s3;
	s11 =	sshrl.u32 s13, $0x1F;
	s9 =	sshrl.u32 s6, $0x1F  }
0x926: {  	v14 =	vsel vm6, s11, v14;
	s11 =	sshrl.u32 s12, $0x1F;
	v15 =	vsel vm0, s9, v55;
	s9 =	sld [smem:$0x7C9]  }
0x927: {  	v14 =	vsel vm7, s11, v14;
	s11 =	sld [smem:$0x7CC];
	_ =	sdelay $0x1  }
0x928: {  	s1 =	sshra.s32 s7, $0x1F;
	s7 =	sshrl.u32 s9, $0x1F  }
0x929: {  	v13 =	vsel vm4, s1, v13;
	s3 =	sshra.s32 s13, $0x12;
	s2 =	sshrl.u32 s11, $0x1F;
	v15 =	vsel vm1, s7, v15;
	s7 =	sld [smem:$0x7CB]  }
0x92a: {  	s5 =	sshra.s32 s5, $0x12;
	v13 =	vsel vm6, s3, v13;
	s3 =	sshra.s32 s10, $0x12;
	v14 =	vsel vm8, s2, v14;
	s2 =	sshra.s32 s8, $0x12  }
0x92b: {  	s8 =	sshra.s32 s13, $0x1F;
	s13 =	sshrl.u32 s14, $0x1F;
	v56 =	vmov s2;
	s2 =	sshra.s32 s4, $0x12  }
0x92c: {  	v57 =	vmov s3;
	v44 =	vsel vm15, s13, v14;
	v13 =	vsel vm9, s8, v13;
	s4 =	sshra.s32 s12, $0x12;
	s8 =	sshra.s32 s6, $0x12;
	s1 =	sshrl.u32 s7, $0x1F  }
0x92d: {  	s10 =	sshra.s32 s12, $0x1F;
	s13 =	sshra.s32 s9, $0x12;
	s9 =	sld [smem:$0x7CE];
	v13 =	vsel vm7, s4, v13;
	v37 =	vsel vm2, s1, v15;
	v15 =	vsel vm0, s8, v57  }
0x92e: {  	s12 =	sshra.s32 s0, $0x12;
	s0 =	sshra.s32 s11, $0x12;
	v14 =	vsel vm0, s2, v56;
	v13 =	vsel vm3, s10, v13;
	v58 =	vsel vm1, s13, v15;
	s13 =	sld [smem:$0x7CD]  }
0x92f: {  	s3 =	sshra.s32 s11, $0x1F;
	v14 =	vsel vm1, s5, v14;
	s2 =	sshra.s32 s7, $0x12;
	s7 =	sld [smem:$0x7CF];
	v13 =	vsel vm8, s0, v13  }
0x930: {  	s5 =	sshra.s32 s14, $0x12;
	v34 =	vsel vm2, s12, v14;
	s12 =	sld [smem:$0x7D0];
	v13 =	vsel vm14, s3, v13  }
0x931: {  	v35 =	vsel vm15, s5, v13;
	s5 =	sld [smem:$0x7D2];
	s4 =	sshra.s32 s13, $0x1F  }
0x932: {  	s6 =	sshrl.u32 s9, $0x1F;
	s8 =	sshra.s32 s7, $0x12;
	s10 =	sshrl.u32 s7, $0x1F;
	v59 =	vmov s4  }
0x933: {  	v60 =	vmov s6;
	s11 =	sshra.s32 s7, $0x1F;
	s7 =	sld [smem:$0x7D1];
	s14 =	sshrl.u32 s12, $0x1F;
	v14 =	vsel vm10, s8, v59  }
0x934: {  	v13 =	vsel vm0, s14, v60;
	s14 =	sld [smem:$0x7D5];
	s6 =	sshra.s32 s5, $0x12;
	v14 =	vsel vm11, s11, v14  }
0x935: {  	v61 =	vmov s10;
	s10 =	sshra.s32 s5, $0x1F;
	s8 =	sshrl.u32 s5, $0x1F;
	s5 =	sld [smem:$0x7D3];
	v14 =	vsel vm0, s6, v14  }
0x936: {  	v14 =	vsel vm12, s10, v14;
	s10 =	sld [smem:$0x7D4]  }
0x937: {  	s0 =	sld [smem:$0x7D6]  }
0x938: {  	s1 =	sshra.s32 s12, $0x12;
	v15 =	vnsel vm10, $0x0, v61;
	s4 =	sshrl.u32 s7, $0x1F  }
0x939: {  	v13 =	vsel vm1, s4, v13;
	v62 =	vsel vm0, s8, v15;
	s6 =	sshrl.u32 s14, $0x1F;
	s11 =	sshrl.u32 s5, $0x1F;
	s12 =	sshrl.u32 s10, $0x1F  }
0x93a: {  	v45 =	vsel vm2, s11, v13;
	v13 =	vsel vm1, s6, v62;
	s6 =	sld [smem:$0x7D7];
	v63 =	vmov s12;
	s12 =	sshrl.u32 s0, $0x1F  }
0x93b: {  	v15 =	vsel vm0, s12, v63;
	s12 =	sld [smem:$0x7D9]  }
0x93c: {  	s8 =	sshra.s32 s14, $0x12;
	s11 =	sshra.s32 s14, $0x1F  }
0x93d: {  	v57 =	vsel vm2, s2, v58;
	v14 =	vsel vm1, s8, v14;
	s8 =	sld [smem:$0x7D8];
	s14 =	sshrl.u32 s6, $0x1F;
	s2 =	sshra.s32 s6, $0x1F  }
0x93e: {  	v14 =	vsel vm13, s11, v14;
	v13 =	vsel vm2, s14, v13;
	s14 =	sshra.s32 s6, $0x12;
	s6 =	sld [smem:$0x7DA];
	s11 =	sshrl.u32 s12, $0x1F  }
0x93f: {  	v14 =	vsel vm2, s14, v14;
	v13 =	vsel vm6, s11, v13;
	s11 =	sld [smem:$0x7DB]  }
0x940: {  	v14 =	vsel vm4, s2, v14;
	s2 =	sshra.s32 s9, $0x12;
	s9 =	sld [smem:$0x7DC]  }
0x941: {  	s4 =	sshrl.u32 s8, $0x1F  }
0x942: {  	vm5 =	vmmov vm8;
	v15 =	vsel vm1, s4, v15;
	s4 =	sshrl.u32 s6, $0x1F;
	s14 =	sshrl.u32 s11, $0x1F  }
0x943: {  	v18 =	vmov s2;
	v56 =	vsel vm2, s4, v15;
	s4 =	sshrl.u32 s9, $0x1F;
	v13 =	vsel vm7, s14, v13  }
0x944: {  	s2 =	sshra.s32 s7, $0x12;
	s7 =	sshrl.u32 s13, $0x1F;
	v19 =	vsel vm0, s1, v18;
	s14 =	sshra.s32 s12, $0x12;
	v13 =	vsel vm5, s4, v13  }
0x945: {  	v14 =	vsel vm6, s14, v14;
	s14 =	sshra.s32 s12, $0x1F;
	s12 =	sshra.s32 s5, $0x12;
	v47 =	vsel vm15, s7, v13;
	v13 =	vsel vm1, s2, v19  }
0x946: {  	s5 =	sshra.s32 s11, $0x12;
	v14 =	vsel vm9, s14, v14;
	v61 =	vsel vm2, s12, v13;
	s12 =	sld [smem:$0x7DD]  }
0x947: {  	s4 =	sshra.s32 s10, $0x12;
	s10 =	sshra.s32 s8, $0x12;
	s14 =	sshra.s32 s11, $0x1F;
	v14 =	vsel vm7, s5, v14  }
0x948: {  	s8 =	sld [smem:$0x7DE];
	v20 =	vmov s4;
	s7 =	sshra.s32 s0, $0x12;
	s4 =	sshra.s32 s9, $0x12;
	v14 =	vsel vm3, s14, v14  }
0x949: {  	s0 =	sshra.s32 s6, $0x12;
	s6 =	sshra.s32 s9, $0x1F;
	v14 =	vsel vm5, s4, v14;
	s5 =	sshra.s32 s12, $0x1F  }
0x94a: {  	v21 =	vsel vm0, s7, v20;
	s7 =	sshra.s32 s13, $0x12;
	v36 =	vsel vm14, s6, v14;
	v23 =	vmov s5;
	s5 =	sld [smem:$0x7E0]  }
0x94b: {  	s9 =	sshra.s32 s8, $0x12;
	v59 =	vsel vm15, s7, v36;
	s7 =	sld [smem:$0x7E1]  }
0x94c: {  	s13 =	sld [smem:$0x7DF];
	s11 =	sshra.s32 s8, $0x1F;
	v39 =	vsel vm10, s9, v23  }
0x94d: {  	v13 =	vsel vm1, s10, v21;
	s10 =	sshrl.u32 s8, $0x1F;
	v14 =	vsel vm11, s11, v39;
	s11 =	sld [smem:$0x7E3]  }
0x94e: {  	v42 =	vmov s10;
	s6 =	sshrl.u32 s5, $0x1F;
	s8 =	sshra.s32 s7, $0x12;
	s2 =	sshra.s32 s5, $0x12  }
0x94f: {  	v24 =	vsel vm2, s0, v13;
	v13 =	vnsel vm10, $0x0, v42;
	s9 =	sshrl.u32 s7, $0x1F;
	s5 =	sshra.s32 s7, $0x1F;
	s7 =	sld [smem:$0x7E2]  }
0x950: {  	v13 =	vsel vm0, s9, v13;
	s9 =	sld [smem:$0x7E5]  }
0x951: {  	s14 =	sshrl.u32 s13, $0x1F;
	s1 =	sshra.s32 s13, $0x12;
	v46 =	vmov s6  }
0x952: {  	vm8 =	vmmov vm12;
	v14 =	vsel vm0, s8, v14;
	s6 =	sld [smem:$0x7E4];
	v15 =	vsel vm0, s14, v46;
	s13 =	sshrl.u32 s11, $0x1F;
	s10 =	sshrl.u32 s7, $0x1F  }
0x953: {  	v14 =	vsel vm8, s5, v14;
	s14 =	sshra.s32 s11, $0x12;
	v13 =	vsel vm1, s13, v13;
	v15 =	vsel vm1, s10, v15;
	s10 =	sshrl.u32 s9, $0x1F  }
0x954: {  	vm12 =	vmmov vm13;
	s0 =	sshra.s32 s11, $0x1F;
	v14 =	vsel vm1, s14, v14;
	v13 =	vsel vm2, s10, v13;
	s10 =	sld [smem:$0x7E7]  }
0x955: {  	s8 =	sshrl.u32 s6, $0x1F;
	v14 =	vsel vm12, s0, v14;
	s0 =	sld [smem:$0x7E6]  }
0x956: {  	v42 =	vsel vm2, s8, v15;
	s8 =	sld [smem:$0x7E8]  }
0x957: {  	s14 =	sshra.s32 s9, $0x12;
	s13 =	sshrl.u32 s10, $0x1F  }
0x958: {  	s9 =	sshra.s32 s9, $0x1F;
	v14 =	vsel vm2, s14, v14;
	s11 =	sshrl.u32 s0, $0x1F;
	v13 =	vsel vm6, s13, v13;
	s13 =	sld [smem:$0x7E9]  }
0x959: {  	v14 =	vsel vm4, s9, v14;
	s9 =	sld [smem:$0x7EA];
	v54 =	vmov s11;
	s11 =	sshrl.u32 s8, $0x1F  }
0x95a: {  	v15 =	vsel vm0, s11, v54;
	s11 =	sld [smem:$0x7EB]  }
0x95b: {  	s14 =	sshrl.u32 s13, $0x1F  }
0x95c: {  	s3 =	sshra.s32 s10, $0x1F;
	v13 =	vsel vm7, s14, v13;
	s14 =	sshra.s32 s10, $0x12  }
0x95d: {  	s4 =	sshrl.u32 s9, $0x1F;
	s5 =	sshrl.u32 s11, $0x1F;
	s10 =	sld [smem:$0x7EC];
	v14 =	vsel vm6, s14, v14  }
0x95e: {  	v13 =	vsel vm5, s5, v13;
	s14 =	sshrl.u32 s12, $0x1F;
	v55 =	vsel vm9, s3, v14;
	s3 =	sshra.s32 s7, $0x12;
	s7 =	sshra.s32 s0, $0x12  }
0x95f: {  	v46 =	vsel vm15, s14, v13;
	s14 =	sshra.s32 s13, $0x12;
	s0 =	sshra.s32 s6, $0x12;
	s6 =	sshra.s32 s13, $0x1F  }
0x960: {  	v15 =	vsel vm1, s4, v15;
	s5 =	sshrl.u32 s10, $0x1F;
	v60 =	vmov s7;
	s7 =	sshra.s32 s9, $0x12;
	s9 =	sshra.s32 s11, $0x12  }
0x961: {  	v13 =	vsel vm7, s14, v55;
	s14 =	sld [smem:$0x7EF];
	v36 =	vsel vm2, s5, v15;
	s5 =	sshra.s32 s8, $0x12;
	s8 =	sshra.s32 s10, $0x12  }
0x962: {  	s10 =	sshra.s32 s11, $0x1F;
	s11 =	sshra.s32 s12, $0x12;
	s12 =	sld [smem:$0x7ED]  }
0x963: {  	v13 =	vsel vm3, s6, v13;
	s6 =	sld [smem:$0x7EE]  }
0x964: {  	v58 =	vmov s2;
	v15 =	vsel vm0, s5, v60;
	v13 =	vsel vm5, s9, v13;
	s9 =	sld [smem:$0x7F0]  }
0x965: {  	vm13 =	vmmov vm14;
	v14 =	vsel vm0, s1, v58;
	v15 =	vsel vm1, s7, v15;
	s13 =	sshrl.u32 s12, $0x1F;
	s1 =	sshra.s32 s12, $0x12;
	s12 =	sld [smem:$0x7F1]  }
0x966: {  	v14 =	vsel vm1, s3, v14;
	v13 =	vsel vm13, s10, v13;
	v60 =	vsel vm2, s8, v15;
	s7 =	sshrl.u32 s6, $0x1F;
	s8 =	sshra.s32 s14, $0x1F  }
0x967: {  	v54 =	vsel vm15, s11, v13;
	v62 =	vmov s7;
	v63 =	vmov s8;
	s11 =	sshra.s32 s9, $0x12;
	s7 =	sld [smem:$0x7F3]  }
0x968: {  	v58 =	vsel vm2, s0, v14;
	v13 =	vsel vm0, s13, v62;
	v14 =	vsel vm10, s11, v63;
	s11 =	sld [smem:$0x7F2];
	s13 =	sshrl.u32 s12, $0x1F  }
0x969: {  	s10 =	sshrl.u32 s9, $0x1F;
	v13 =	vsel vm1, s13, v13;
	s13 =	sld [smem:$0x7F5]  }
0x96a: {  	s2 =	sshra.s32 s6, $0x12;
	s0 =	sshra.s32 s9, $0x1F;
	v18 =	vmov s10;
	s8 =	sshrl.u32 s7, $0x1F  }
0x96b: {  	v14 =	vsel vm11, s0, v14;
	v15 =	vnsel vm10, $0x0, v18;
	s9 =	sshra.s32 s7, $0x12;
	s10 =	sshra.s32 s7, $0x1F;
	s7 =	sld [smem:$0x7F4]  }
0x96c: {  	s6 =	sshrl.u32 s11, $0x1F;
	v19 =	vsel vm0, s8, v15;
	v14 =	vsel vm0, s9, v14;
	s9 =	sld [smem:$0x7F6];
	s0 =	sshrl.u32 s13, $0x1F  }
0x96d: {  	v55 =	vsel vm2, s6, v13;
	v14 =	vsel vm8, s10, v14;
	s10 =	sshra.s32 s13, $0x12;
	v13 =	vsel vm1, s0, v19;
	s0 =	sld [smem:$0x7F7]  }
0x96e: {  	s4 =	sshra.s32 s12, $0x12;
	s12 =	sshrl.u32 s7, $0x1F;
	v14 =	vsel vm1, s10, v14;
	s10 =	sld [smem:$0x7F8]  }
0x96f: {  	v20 =	vmov s12;
	s12 =	sshra.s32 s13, $0x1F;
	s13 =	sld [smem:$0x7F9]  }
0x970: {  	v14 =	vsel vm12, s12, v14;
	s12 =	sld [smem:$0x7FA]  }
0x971: {  	s6 =	sshrl.u32 s0, $0x1F  }
0x972: {  	s5 =	sshrl.u32 s9, $0x1F;
	s8 =	sshrl.u32 s13, $0x1F;
	v13 =	vsel vm2, s6, v13  }
0x973: {  	v15 =	vsel vm0, s5, v20;
	s6 =	sshrl.u32 s10, $0x1F;
	s5 =	sshrl.u32 s12, $0x1F;
	v13 =	vsel vm6, s8, v13  }
0x974: {  	v15 =	vsel vm1, s6, v15;
	s6 =	sshra.s32 s0, $0x12;
	v13 =	vsel vm7, s5, v13;
	s5 =	sshra.s32 s0, $0x1F;
	s0 =	sld [smem:$0x7FB]  }
0x975: {  	s8 =	rddreg [dreg:$0x1f]  }
0x976: {  	vm14 =	vmmov vm5;
	s7 =	sshra.s32 s7, $0x12;
	s3 =	sshrl.u32 s8, $0x1F  }
0x977: {  	v21 =	vmov s2;
	s2 =	sshra.s32 s9, $0x12;
	v14 =	vsel vm2, s6, v14;
	v26 =	vsel vm2, s3, v15;
	s3 =	sshra.s32 s11, $0x12;
	s11 =	sshrl.u32 s0, $0x1F  }
0x978: {  	s9 =	sshrl.u32 s14, $0x1F;
	v14 =	vsel vm4, s5, v14;
	s5 =	sshra.s32 s10, $0x12;
	v13 =	vsel vm14, s11, v13;
	s11 =	sshra.s32 s13, $0x12  }
0x979: {  	v23 =	vsel vm0, s1, v21;
	s10 =	sshra.s32 s12, $0x12;
	v62 =	vsel vm15, s9, v13;
	v14 =	vsel vm6, s11, v14;
	s9 =	sshra.s32 s13, $0x1F;
	s13 =	sld [smem:$0x7FC]  }
0x97a: {  	s6 =	sshra.s32 s0, $0x1F;
	v13 =	vsel vm1, s4, v23;
	s11 =	sshra.s32 s12, $0x1F;
	v14 =	vsel vm9, s9, v14;
	s9 =	rddreg [dreg:$0x1d]  }
0x97b: {  	v25 =	vmov s7;
	v39 =	vsel vm2, s3, v13;
	v14 =	vsel vm7, s10, v14;
	s10 =	sshrl.u32 s9, $0x1F;
	s3 =	sshra.s32 s9, $0x12;
	s9 =	rddreg [dreg:$0x1a]  }
0x97c: {  	s12 =	sshra.s32 s0, $0x12;
	v13 =	vsel vm0, s2, v25;
	s0 =	sshrl.u32 s13, $0x1F;
	v14 =	vsel vm3, s11, v14;
	s11 =	rddreg [dreg:$0x1e]  }
0x97d: {  	v13 =	vsel vm1, s5, v13;
	s5 =	sshra.s32 s13, $0x12;
	s13 =	rddreg [dreg:$0x1b];
	v63 =	vmov s0  }
0x97e: {  	s7 =	sshra.s32 s14, $0x12;
	s4 =	sshra.s32 s8, $0x12;
	v15 =	vsel vm0, s10, v63;
	s10 =	sld [smem:$0x7FD]  }
0x97f: {  	v14 =	vsel vm14, s12, v14;
	s12 =	sshrl.u32 s11, $0x1F;
	s14 =	sshrl.u32 s13, $0x1F;
	s1 =	sshra.s32 s13, $0x12  }
0x980: {  	s13 =	sshra.s32 s19, $0x1F;
	v18 =	vsel vm13, s6, v14;
	s6 =	rddreg [dreg:$0x19];
	v19 =	vsel vm1, s12, v15;
	s12 =	sshrl.u32 s9, $0x1F  }
0x981: {  	v20 =	vsel vm2, s4, v13;
	s2 =	sshra.s32 s11, $0x12;
	v25 =	vmov s13;
	s11 =	sshrl.u32 s6, $0x1F;
	v21 =	vmov s12;
	s0 =	sshrl.u32 s10, $0x1F  }
0x982: {  	v63 =	vsel vm2, s14, v19;
	s14 =	sshrl.u32 s28, $0x1F;
	v14 =	vsel vm0, s11, v21;
	s11 =	rddreg [dreg:$0x16];
	v13 =	vmov s0;
	s0 =	sshra.s32 s10, $0x12  }
0x983: {  	s10 =	sshra.s32 s10, $0x1F;
	s12 =	sshrl.u32 s11, $0x1F;
	v13 =	vnsel vm10, $0x0, v13;
	v17 =	vsel vm10, s0, v25;
	s0 =	rddreg [dreg:$0x11]  }
0x984: {  	v16 =	vld [tilespmem:$0x1D0];
	s13 =	sshrl.u32 s22, $0x1F;
	v14 =	vsel vm1, s12, v14;
	s12 =	rddreg [dreg:$0x17];
	v13 =	vsel vm0, s14, v13;
	v17 =	vsel vm11, s10, v17;
	s14 =	sshra.s32 s28, $0x12  }
0x985: {  	v15 =	vld [tilespmem:$0x3D0];
	s28 =	sshra.s32 s28, $0x1F;
	s8 =	sshra.s32 s0, $0x12;
	v13 =	vsel vm1, s13, v13;
	v17 =	vsel vm0, s14, v17;
	s13 =	sshrl.u32 s0, $0x1F  }
0x986: {  	v23 =	vsel vm15, s7, v18;
	s14 =	sshrl.u32 s12, $0x1F;
	s0 =	sshra.s32 s22, $0x12;
	v21 =	vsel vm2, s13, v14;
	v18 =	vsel vm8, s28, v17;
	s13 =	rddreg [dreg:$0x15]  }
0x987: {  	s7 =	sshra.s32 s11, $0x12;
	s11 =	sshra.s32 s22, $0x1F;
	v13 =	vsel vm2, s14, v13;
	s28 =	sshrl.u32 s13, $0x1F;
	v14 =	vsel vm1, s0, v18  }
0x988: {  	s22 =	sshra.s32 s12, $0x12;
	s14 =	sshrl.u32 s21, $0x1F;
	v13 =	vsel vm6, s28, v13;
	v14 =	vsel vm12, s11, v14  }
0x989: {  	v13 =	vsel vm7, s14, v13;
	s14 =	sshra.s32 s12, $0x1F;
	v14 =	vsel vm2, s22, v14  }
0x98a: {  	v16 =	vmul.u32 $0x8DD9, v16;
	v15 =	vmul.u32 $0x6A37, v15;
	s0 =	sshra.s32 s13, $0x12;
	v14 =	vsel vm4, s14, v14  }
0x98b: {  	s4 =	sshra.s32 s6, $0x12;
	v19 =	vmov s5;
	s22 =	sshra.s32 s13, $0x1F;
	v14 =	vsel vm6, s0, v14  }
0x98c: {  	s6 =	sshra.s32 s9, $0x12;
	s10 =	sshra.s32 s21, $0x12;
	v25 =	vadd.s32 v16, v15;
	v15 =	vsel vm0, s3, v19;
	s12 =	rddreg [dreg:$0x12];
	v14 =	vsel vm9, s22, v14  }
0x98d: {  	v18 =	vsel vm1, s2, v15;
	v15 =	vmov s6;
	s11 =	sshra.s32 s21, $0x1F;
	s28 =	sshrl.u32 s12, $0x1F;
	v14 =	vsel vm7, s10, v14  }
0x98e: {  	v17 =	vsel vm0, s4, v15;
	s3 =	sshra.s32 s12, $0x12;
	v13 =	vsel vm14, s28, v13;
	s28 =	sshrl.u32 s19, $0x1F;
	v14 =	vsel vm3, s11, v14  }
0x98f: {  	s9 =	sshra.s32 s12, $0x1F;
	v19 =	vsel vm15, s28, v13;
	v13 =	vsel vm1, s7, v17;
	v16 =	vsel vm14, s3, v14  }
0x990: {  	(v2sf) =	vpush v12, $0x7;
	s2 =	sshra.s32 s19, $0x12;
	v15 =	vsel vm2, s8, v13;
	v14 =	vld [tilespmem:$0x1FF10];
	v13 =	vsel vm13, s9, v16  }
0x991: {  	v16 =	vsel vm15, s2, v13;
	v13 =	vcombine.low v50, v48;
	v50 =	vld [tilespmem:$0x1FF20]  }
0x992: {  	s7 =	sshrl.u32 s26, $0x1F  }
0x993: {  	[tilespmem:$0x1FFE0] =	vst v0;
	s10 =	sshrl.u32 s25, $0x1F;
	v0 =	vmov s7  }
0x994: {  	s11 =	sshrl.u32 s16, $0x1F;
	v0 =	vsel vm0, s10, v0  }
0x995: {  	s13 =	sshrl.u32 s29, $0x1F;
	v0 =	vsel vm1, s11, v0  }
0x996: {  	v50 =	vcombine.low v50, v14;
	v14 =	vsel vm2, s13, v0;
	v0 =	vld [tilespmem:$0x1FFF0];
	_ =	sdelay $0x3  }
0x997: {  	v52 =	vperm.xlane v52, v1;
	v50 =	vperm.xlane v50, v53  }
0x998: {  	vm5 =	vmmov vm8;
	vm8 =	vnez.u8 v0;
	v0 =	vld [tilespmem:$0x1FF30]  }
0x999: {  	v50 =	vsel vm8, v52, v50;
	v52 =	vld [tilespmem:$0x1FF40];
	_ =	sdelay $0x2  }
0x99a: {  	s0 =	spop (v2sf);
	s8 =	sshrl.u32 s23, $0x1F  }
0x99b: {  	s21 =	rddreg [dreg:$0xe];
	s19 =	smulhi.u32 $0x431BE2E9, s0;
	s0 =	sshra.s32 s0, $0x1F;
	v48 =	vmov s8  }
0x99c: {  	s5 =	sshrl.u32 s24, $0x1F;
	v18 =	vsel vm2, s1, v18;
	s14 =	sshrl.u32 s21, $0x1F;
	s1 =	smul.u32 $0x431BE2E9, s0;
	v48 =	vnsel vm10, $0x0, v48;
	v52 =	vcombine.low v52, v0;
	v0 =	vld [tilespmem:$0x1FF50]  }
0x99d: {  	v51 =	vperm.xlane v51, v1;
	s12 =	sshrl.u32 s15, $0x1F;
	v17 =	vmov s14;
	s9 =	sshrl.u32 s18, $0x1F;
	v48 =	vsel vm0, s5, v48  }
0x99e: {  	v17 =	vsel vm0, s12, v17;
	s12 =	sshrl.u32 s17, $0x1F;
	s1 =	sadd.s32 s1, s19;
	v13 =	vperm.xlane v13, v53;
	v48 =	vsel vm1, s9, v48  }
0x99f: {  	(v2sf) =	vpush v25, $0xD;
	s14 =	sshrl.u32 s20, $0x1F;
	s5 =	sshra.s32 s1, $0x1F;
	v48 =	vsel vm2, s12, v48  }
0x9a0: {  	s10 =	sshra.s32 s23, $0x12;
	s19 =	sshrl.u32 s30, $0x1F;
	v48 =	vsel vm6, s14, v48;
	v13 =	vsel vm8, v51, v13;
	v51 =	vmov s5  }
0x9a1: {  	s0 =	smov.u32 s20;
	s20 =	sshrl.u32 s31, $0x1F;
	s23 =	sshra.s32 s23, $0x1F;
	v48 =	vsel vm7, s19, v48;
	v51 =	vsel vm10, s10, v51;
	v0 =	vcombine.low v29, v0  }
0x9a2: {  	v29 =	vsel vm14, s20, v48;
	v48 =	vsel vm11, s23, v51;
	v51 =	vperm.xlane v52, v53;
	v52 =	vld [tilespmem:$0x1FF60];
	_ =	sdelay $0x1  }
0x9a3: {  	(v2sf) =	vpush v25, $0xC;
	_ =	sdelay $0x1  }
0x9a4: {  	(v2sf) =	vpush v25, $0xE  }
0x9a5: {  	v52 =	vperm.xlane v52, v1  }
0x9a6: {  	(v2sf) =	vpush v25, $0xF  }
0x9a7: {  	(v2sf) =	vpush v25, $0x9;
	v13 =	vadd.s32 v13, v50;
	v50 =	vsel vm8, v52, v51;
	v51 =	vld [tilespmem:$0x1FF70];
	_ =	sdelay $0x1  }
0x9a8: {  	s22 =	rddreg [dreg:$0x10];
	(v2sf) =	vpush v25, $0x8  }
0x9a9: {  	s28 =	rddreg [dreg:$0x14];
	s6 =	sshrl.u32 s22, $0x1F  }
0x9aa: {  	v40 =	vcombine.low v27, v40;
	s29 =	sshra.s32 s29, $0x12;
	s4 =	sshrl.u32 s28, $0x1F;
	s7 =	sshra.s32 s25, $0x12;
	(v2sf) =	vpush v25, $0xA;
	v17 =	vsel vm1, s6, v17  }
0x9ab: {  	s25 =	sshra.s32 s18, $0x12;
	s6 =	sshra.s32 s16, $0x12;
	v17 =	vsel vm2, s4, v17;
	s4 =	sshra.s32 s15, $0x12;
	v0 =	vperm.xlane v0, v53;
	v51 =	vperm.xlane v51, v1  }
0x9ac: {  	v28 =	vcombine.low v22, v28;
	v40 =	vperm.xlane v40, v53;
	(v2sf) =	vpush v25, $0xB;
	s15 =	sshra.s32 s21, $0x12;
	s3 =	sshra.s32 s22, $0x12;
	s21 =	sshrl.u32 s1, $0x1F  }
0x9ad: {  	v33 =	vperm.xlane v33, v1;
	v37 =	vcombine.low v37, v38;
	s2 =	smov.u32 s31;
	s31 =	sshra.s32 s28, $0x12;
	s8 =	sshra.s32 s26, $0x12;
	v0 =	vsel vm8, v51, v0  }
0x9ae: {  	v41 =	vperm.xlane v41, v1;
	v34 =	vcombine.low v57, v34;
	s26 =	sshra.s32 s18, $0x1F;
	s18 =	sshra.s32 s17, $0x12;
	s16 =	spop (v2sf);
	v0 =	vadd.s32 v50, v0;
	v50 =	vld [tilespmem:$0x1FF80]  }
0x9af: {  	v37 =	vperm.xlane v37, v53;
	v35 =	vperm.xlane v35, v1;
	s17 =	sshra.s32 s17, $0x1F;
	s28 =	smulhi.u32 $0x431BE2E9, s16;
	s11 =	sshra.s32 s16, $0x1F  }
0x9b0: {  	v34 =	vperm.xlane v34, v53;
	(v2sf) =	vpush v25, $0x0;
	s9 =	sshra.s32 s24, $0x12;
	s19 =	smul.u32 $0x431BE2E9, s11;
	s5 =	spop (v2sf);
	v13 =	vmul.u32 $0xF423F, v13  }
0x9b1: {  	(v2sf) =	vpush v25, $0x1;
	vm13 =	vcmask $0x1714;
	s24 =	sshra.s32 s24, $0x1F;
	s22 =	smulhi.u32 $0x431BE2E9, s5;
	s13 =	sshra.s32 s5, $0x1F;
	v52 =	vmov s15  }
0x9b2: {  	s12 =	sshra.s32 s30, $0x12;
	s14 =	spop (v2sf);
	v2 =	vsub.s32 v2, v13;
	s20 =	smul.u32 $0x431BE2E9, s13;
	v48 =	vsel vm0, s9, v48;
	v51 =	vsel vm0, s4, v52  }
0x9b3: {  	s16 =	sshra.s32 s0, $0x12;
	s10 =	sshra.s32 s14, $0x1F;
	s23 =	smulhi.u32 $0x431BE2E9, s14;
	v48 =	vsel vm5, s24, v48;
	v13 =	vcombine.low v30, v50;
	v30 =	vsel vm1, s3, v51;
	v51 =	vld [tilespmem:$0x1FF90]  }
0x9b4: {  	(v2sf) =	vpush v25, $0x2;
	s11 =	sshra.s32 s0, $0x1F;
	s0 =	spop (v2sf);
	v29 =	vsel vm15, s21, v29;
	s21 =	smul.u32 $0x431BE2E9, s10;
	v48 =	vsel vm1, s25, v48  }
0x9b5: {  	v39 =	vcombine.low v20, v39;
	(v2sf) =	vpush v25, $0x3;
	s5 =	spop (v2sf);
	s10 =	sshra.s32 s0, $0x1F;
	s24 =	smulhi.u32 $0x431BE2E9, s0;
	v48 =	vsel vm13, s26, v48  }
0x9b6: {  	s9 =	sshra.s32 s30, $0x1F;
	s0 =	sadd.s32 s19, s28;
	s19 =	smul.u32 $0x431BE2E9, s10;
	vm5 =	vlt.s32 v2, $0x0;
	v48 =	vsel vm2, s18, v48;
	v52 =	vmov s8  }
0x9b7: {  	s30 =	spop (v2sf);
	s10 =	sshra.s32 s1, $0x12;
	s28 =	smulhi.u32 $0x431BE2E9, s5;
	v22 =	vsel vm4, s17, v48;
	v48 =	vsel vm0, s7, v52;
	v52 =	vadd.s32 $0xF423F, v2  }
0x9b8: {  	s1 =	sadd.s32 s20, s22;
	s20 =	smulhi.u32 $0x431BE2E9, s30;
	s25 =	sshra.s32 s5, $0x1F;
	v50 =	vperm.xlane v51, v1;
	v51 =	vsel vm6, s16, v22;
	v22 =	vsel vm5, v52, v2;
	v52 =	vld [tilespmem:$0x1FFA0]  }
0x9b9: {  	v24 =	vcombine.low v24, v61;
	v39 =	vperm.xlane v39, v53;
	(v2sf) =	vpush v25, $0x4;
	s14 =	sshra.s32 s2, $0x12;
	s5 =	sshra.s32 s30, $0x1F;
	s25 =	smul.u32 $0x431BE2E9, s25  }
0x9ba: {  	v23 =	vperm.xlane v23, v1;
	(v2sf) =	vpush v25, $0x5;
	s13 =	sshra.s32 s2, $0x1F;
	s2 =	spop (v2sf);
	s22 =	smul.u32 $0x431BE2E9, s5;
	v0 =	vmul.u32 $0xF423F, v0  }
0x9bb: {  	v21 =	vcombine.low v21, v63;
	vm12 =	vmmov vm9;
	(v2sf) =	vpush v25, $0x6;
	s5 =	sadd.s32 s19, s24;
	s26 =	spop (v2sf);
	s18 =	sshrl.u32 s1, $0x1F  }
0x9bc: {  	s24 =	smulhi.u32 $0x431BE2E9, s26;
	s30 =	sshra.s32 s26, $0x1F;
	s4 =	sshra.s32 s2, $0x1F;
	v0 =	vsub.s32 v3, v0;
	v3 =	vsel vm1, s6, v48;
	v13 =	vperm.xlane v13, v53  }
0x9bd: {  	s15 =	sshrl.u32 s0, $0x1F;
	s19 =	smul.u32 $0x431BE2E9, s4;
	s7 =	sadd.s32 s25, s28;
	v2 =	vperm.xlane v28, v53;
	v48 =	vsel vm12, s11, v51;
	v51 =	vld [tilespmem:$0x3E0];
	v28 =	vperm.xlane v52, v1  }
0x9be: {  	v21 =	vperm.xlane v21, v53;
	v15 =	vcombine.low v15, v18;
	(v2sf) =	vpush v25, $0x7;
	s6 =	sshrl.u32 s7, $0x1F;
	s3 =	sadd.s32 s21, s23;
	s21 =	smulhi.u32 $0x431BE2E9, s2  }
0x9bf: {  	s23 =	smul.u32 $0x431BE2E9, s30;
	s2 =	spop (v2sf);
	s17 =	sshrl.u32 s3, $0x1F;
	v13 =	vsel vm8, v50, v13;
	v48 =	vsel vm7, s12, v48;
	v52 =	vld [tilespmem:$0x1E0];
	v2 =	vsel vm8, v28, v2  }
0x9c0: {  	s25 =	smulhi.u32 $0x431BE2E9, s2;
	s8 =	sshra.s32 s2, $0x1F;
	s4 =	spop (v2sf);
	v28 =	vsel vm2, s31, v30;
	v30 =	vsel vm2, s29, v3;
	v3 =	vsel vm3, s9, v48;
	v48 =	vld [tilespmem:$0x1FFB0]  }
0x9c1: {  	v19 =	vperm.xlane v19, v1;
	v14 =	vcombine.low v14, v17;
	s28 =	sshra.s32 s4, $0x1F;
	s2 =	sadd.s32 s19, s21;
	s11 =	smul.u32 $0x431BE2E9, s8;
	v2 =	vadd.s32 v13, v2  }
0x9c2: {  	v15 =	vperm.xlane v15, v53;
	s16 =	sshrl.u32 s5, $0x1F;
	s8 =	sadd.s32 s22, s20;
	s20 =	smul.u32 $0x431BE2E9, s28;
	v50 =	vmul.u32 $0x6A37, v51;
	v51 =	vmul.u32 $0xF423F, v2;
	v2 =	vld [tilespmem:$0x1FFC0]  }
0x9c3: {  	vm9 =	vcmask $0xF0C;
	v16 =	vperm.xlane v16, v1;
	v14 =	vperm.xlane v14, v53;
	s12 =	smulhi.u32 $0x431BE2E9, s4;
	s22 =	sshrl.u32 s8, $0x1F;
	s11 =	sadd.s32 s11, s25  }
0x9c4: {  	v40 =	vsel vm8, v33, v40;
	vm11 =	vmmov vm4;
	vm5 =	vcmask $0x3734;
	s4 =	sshrl.u32 s2, $0x1F;
	s25 =	sshrl.u32 s11, $0x1F;
	s29 =	spop (v2sf)  }
0x9c5: {  	s12 =	sadd.s32 s20, s12;
	v3 =	vsel vm14, s14, v3;
	s14 =	smulhi.u32 $0x431BE2E9, s29;
	s30 =	sshra.s32 s29, $0x1F;
	v31 =	vcombine.low v31, v48;
	v48 =	vmul.u32 $0x8DD9, v52  }
0x9c6: {  	vm4 =	vlt.s32 v0, $0x0;
	s9 =	sadd.s32 s23, s24;
	v13 =	vmov s18;
	s21 =	spop (v2sf);
	v3 =	vsel vm5, s13, v3;
	s31 =	smul.u32 $0x431BE2E9, s30  }
0x9c7: {  	s29 =	sshrl.u32 s12, $0x1F;
	v13 =	vsel vm0, s15, v13;
	s18 =	smulhi.u32 $0x431BE2E9, s21;
	s15 =	sshra.s32 s21, $0x1F;
	v52 =	vperm.xlane v2, v1;
	v2 =	vadd.s32 v48, v50  }
0x9c8: {  	s24 =	spop (v2sf);
	s13 =	sshra.s32 s0, $0x12;
	v27 =	vsel vm15, s10, v3;
	v3 =	vsel vm1, s17, v13;
	s15 =	smul.u32 $0x431BE2E9, s15;
	(v2sf) =	vpush v2, $0xD  }
0x9c9: {  	s0 =	sshra.s32 s1, $0x12;
	s19 =	smulhi.u32 $0x431BE2E9, s24;
	s17 =	sshra.s32 s24, $0x1F;
	v4 =	vsub.s32 v4, v51;
	v13 =	vperm.xlane v31, v53;
	v31 =	vsel vm2, s16, v3  }
0x9ca: {  	s1 =	sshra.s32 s8, $0x12;
	s26 =	spop (v2sf);
	s17 =	smul.u32 $0x431BE2E9, s17;
	v3 =	vmov s22;
	v50 =	vmov s25;
	(v2sf) =	vpush v2, $0xC  }
0x9cb: {  	s28 =	smulhi.u32 $0x431BE2E9, s26;
	s21 =	sshra.s32 s26, $0x1F;
	s30 =	spop (v2sf);
	v48 =	vsel vm0, s6, v3;
	v3 =	vsel vm8, v52, v13;
	v52 =	vnsel vm10, $0x0, v50  }
0x9cc: {  	s10 =	sshrl.u32 s9, $0x1F;
	s21 =	smul.u32 $0x431BE2E9, s21;
	s23 =	sshra.s32 s30, $0x1F;
	v13 =	vadd.s32 v3, v40;
	v3 =	vadd.s32 $0xF423F, v0;
	(v2sf) =	vpush v2, $0xE  }
0x9cd: {  	s24 =	spop (v2sf);
	s16 =	sadd.s32 s31, s14;
	s31 =	smulhi.u32 $0x431BE2E9, s30;
	v3 =	vsel vm4, v3, v0;
	v0 =	vmul.u32 $0xF423F, v13;
	(v2sf) =	vpush v2, $0xF  }
0x9ce: {  	v51 =	vadd.s32 $0xF423F, v4;
	s19 =	sadd.s32 s17, s19;
	s22 =	sadd.s32 s15, s18;
	s14 =	smul.u32 $0x431BE2E9, s23;
	v50 =	vld [tilespmem:$0x1FFD0];
	v40 =	vsel vm0, s29, v52;
	vm4 =	vlt.s32 v4, $0x0  }
0x9cf: {  	s25 =	smulhi.u32 $0x431BE2E9, s24;
	s15 =	sshra.s32 s24, $0x1F;
	s26 =	sshrl.u32 s16, $0x1F;
	v4 =	vsel vm4, v51, v4;
	v51 =	vcombine.low v49, v43;
	v0 =	vsub.s32 v6, v0  }
0x9d0: {  	s18 =	sadd.s32 s21, s28;
	s28 =	smul.u32 $0x431BE2E9, s15;
	s29 =	sshrl.u32 s22, $0x1F;
	v6 =	vsel vm1, s26, v40;
	vm4 =	vlt.s32 v0, $0x0;
	v43 =	vadd.s32 $0xF423F, v0  }
0x9d1: {  	s30 =	sshrl.u32 s19, $0x1F;
	s6 =	sshra.s32 s7, $0x12;
	s7 =	sshra.s32 s9, $0x12;
	(v2sf) =	vpush v2, $0x9;
	v52 =	vsel vm2, s29, v6;
	v6 =	vsel vm4, v43, v0;
	v0 =	vld [tilespmem:$0x1FFE0]  }
0x9d2: {  	v35 =	vsel vm8, v35, v34;
	v23 =	vsel vm8, v23, v39;
	v15 =	vsel vm8, v16, v15;
	s9 =	sshra.s32 s11, $0x12;
	s23 =	sshra.s32 s22, $0x12;
	s17 =	sadd.s32 s28, s25  }
0x9d3: {  	s15 =	sadd.s32 s14, s31;
	s31 =	sshrl.u32 s18, $0x1F;
	s25 =	sshra.s32 s17, $0x1F;
	(v2sf) =	vpush v2, $0x8;
	v13 =	vcombine.low v32, v50;
	v49 =	vperm.xlane v51, v53  }
0x9d4: {  	s14 =	sshra.s32 s3, $0x12;
	s3 =	sshra.s32 s5, $0x12;
	s5 =	sshra.s32 s2, $0x12;
	v50 =	vsel vm1, s4, v48;
	(v2sf) =	vpush v2, $0xA;
	v51 =	vmov s25  }
0x9d5: {  	s21 =	sshrl.u32 s15, $0x1F;
	s28 =	sshra.s32 s12, $0x12;
	s24 =	sshrl.u32 s17, $0x1F;
	v33 =	vsel vm6, s30, v52;
	v32 =	vsel vm2, s10, v50;
	(v2sf) =	vpush v2, $0xB  }
0x9d6: {  	s26 =	sshra.s32 s11, $0x1F;
	s29 =	sshra.s32 s12, $0x1F;
	s30 =	sshra.s32 s16, $0x12;
	vm4 =	vcmask $0x704;
	v13 =	vperm.xlane v13, v53;
	v0 =	vperm.xlane v0, v1  }
0x9d7: {  	v52 =	vmov s0;
	v33 =	vsel vm7, s31, v33;
	s31 =	sshra.s32 s16, $0x1F;
	v40 =	vsel vm8, v41, v49;
	s16 =	sshra.s32 s19, $0x1F;
	s12 =	spop (v2sf)  }
0x9d8: {  	v50 =	vld [tilespmem:$0x3F0];
	v33 =	vsel vm14, s21, v33;
	s21 =	sshra.s32 s19, $0x12;
	v0 =	vsel vm8, v0, v13;
	v13 =	vsel vm10, s9, v51;
	s19 =	smulhi.u32 $0x431BE2E9, s12;
	s2 =	sshra.s32 s12, $0x1F  }
0x9d9: {  	s8 =	sshra.s32 s18, $0x12;
	(v2sf) =	vpush v2, $0x0;
	v49 =	vld [tilespmem:$0x1F0];
	v33 =	vsel vm15, s24, v33;
	v13 =	vsel vm4, s26, v13;
	s24 =	spop (v2sf);
	s2 =	smul.u32 $0x431BE2E9, s2  }
0x9da: {  	s22 =	sshra.s32 s22, $0x1F;
	v48 =	vperm.xlane v44, v1;
	v38 =	vsel vm0, s13, v52;
	v13 =	vsel vm0, s28, v13;
	s25 =	smulhi.u32 $0x431BE2E9, s24;
	s26 =	sshra.s32 s24, $0x1F  }
0x9db: {  	s11 =	sshra.s32 s18, $0x1F;
	(v2sf) =	vpush v2, $0x1;
	v52 =	vsel vm1, s14, v38;
	v13 =	vsel vm9, s29, v13;
	s29 =	spop (v2sf);
	s28 =	smul.u32 $0x431BE2E9, s26  }
0x9dc: {  	s10 =	sshra.s32 s15, $0x1F;
	v34 =	vsel vm2, s3, v52;
	v52 =	vperm.xlane v24, v53;
	v13 =	vsel vm1, s30, v13;
	s30 =	smulhi.u32 $0x431BE2E9, s29;
	s20 =	spop (v2sf)  }
0x9dd: {  	v44 =	vmul.u32 $0x6A37, v50;
	(v2sf) =	vpush v2, $0x2;
	v13 =	vsel vm13, s31, v13;
	s31 =	sshra.s32 s29, $0x1F;
	s0 =	sadd.s32 s2, s19;
	s19 =	smulhi.u32 $0x431BE2E9, s20  }
0x9de: {  	v57 =	vmul.u32 $0x8DD9, v49;
	v49 =	vmov s1;
	s9 =	sshra.s32 s17, $0x12;
	v51 =	vsel vm8, v48, v37;
	s12 =	sshra.s32 s15, $0x12;
	s17 =	smul.u32 $0x431BE2E9, s31  }
0x9df: {  	v48 =	vcombine.low v56, v45;
	(v2sf) =	vpush v2, $0x3;
	v13 =	vsel vm2, s23, v13;
	s13 =	sshrl.u32 s0, $0x1F;
	s23 =	sshra.s32 s20, $0x1F;
	s2 =	sadd.s32 s28, s25  }
0x9e0: {  	v37 =	vsel vm0, s6, v49;
	v56 =	vperm.xlane v59, v1;
	v0 =	vadd.s32 v0, v40;
	s25 =	spop (v2sf);
	s0 =	sshra.s32 s0, $0x12;
	s24 =	smul.u32 $0x431BE2E9, s23  }
0x9e1: {  	v35 =	vadd.s32 v51, v35;
	v51 =	vperm.xlane v47, v1;
	(v2sf) =	vpush v2, $0x4;
	s14 =	sshrl.u32 s2, $0x1F;
	s26 =	smulhi.u32 $0x431BE2E9, s25;
	s15 =	sshra.s32 s25, $0x1F  }
0x9e2: {  	v37 =	vsel vm1, s5, v37;
	v0 =	vmul.u32 $0xF423F, v0;
	v35 =	vmul.u32 $0xF423F, v35;
	s29 =	spop (v2sf);
	s2 =	sshra.s32 s2, $0x12;
	s28 =	smul.u32 $0x431BE2E9, s15  }
0x9e3: {  	v40 =	vperm.xlane v48, v53;
	v59 =	vsel vm8, v56, v52;
	(v2sf) =	vpush v2, $0x5;
	s3 =	sadd.s32 s17, s30;
	s30 =	smulhi.u32 $0x431BE2E9, s29;
	s31 =	sshra.s32 s29, $0x1F  }
0x9e4: {  	v48 =	vcombine.low v36, v42;
	v13 =	vsel vm11, s22, v13;
	(v2sf) =	vpush v2, $0x6;
	s23 =	spop (v2sf);
	s15 =	sshrl.u32 s3, $0x1F;
	s22 =	smul.u32 $0x431BE2E9, s31  }
0x9e5: {  	v52 =	vperm.xlane v46, v1;
	v46 =	vsel vm8, v19, v21;
	v13 =	vsel vm6, s21, v13;
	s4 =	sadd.s32 s24, s19;
	s24 =	smulhi.u32 $0x431BE2E9, s23;
	s19 =	sshra.s32 s23, $0x1F  }
0x9e6: {  	v0 =	vsub.s32 v5, v0;
	(v2sf) =	vpush v2, $0x7;
	v13 =	vsel vm12, s16, v13;
	s25 =	spop (v2sf);
	s16 =	sshrl.u32 s4, $0x1F;
	s19 =	smul.u32 $0x431BE2E9, s19  }
0x9e7: {  	v5 =	vadd.s32 v57, v44;
	v57 =	vsel vm8, v51, v40;
	vm9 =	vlt.s32 v0, $0x0;
	s1 =	sadd.s32 s28, s26;
	s26 =	smulhi.u32 $0x431BE2E9, s25;
	s20 =	sshra.s32 s25, $0x1F  }
0x9e8: {  	v50 =	vadd.s32 $0xF423F, v0;
	v38 =	vadd.s32 v57, v59;
	v57 =	vperm.xlane v54, v1;
	s28 =	spop (v2sf);
	s17 =	sshrl.u32 s1, $0x1F;
	s20 =	smul.u32 $0x431BE2E9, s20  }
0x9e9: {  	v59 =	vcombine.low v26, v55;
	(v2sf) =	vpush v5, $0xD;
	v13 =	vsel vm7, s8, v13;
	s8 =	sadd.s32 s22, s30;
	s29 =	smulhi.u32 $0x431BE2E9, s28;
	s21 =	sshra.s32 s28, $0x1F  }
0x9ea: {  	v54 =	vperm.xlane v27, v1;
	v24 =	vsel vm9, v50, v0;
	(v2sf) =	vpush v5, $0xC;
	s31 =	spop (v2sf);
	s1 =	sshra.s32 s1, $0x12;
	s30 =	smul.u32 $0x431BE2E9, s21  }
0x9eb: {  	v0 =	vsub.s32 v7, v35;
	v35 =	vsel vm2, s7, v37;
	v50 =	vcombine.low v60, v58;
	s18 =	sshrl.u32 s8, $0x1F;
	s22 =	smulhi.u32 $0x431BE2E9, s31;
	s21 =	sshra.s32 s31, $0x1F  }
0x9ec: {  	vm11 =	vmmov vm3;
	vm9 =	vlt.s32 v0, $0x0;
	v61 =	vadd.s32 $0xF423F, v0;
	s5 =	sadd.s32 s19, s24;
	s23 =	smul.u32 $0x431BE2E9, s21;
	s24 =	spop (v2sf)  }
0x9ed: {  	v44 =	vmov s14;
	v7 =	vsel vm9, v61, v0;
	(v2sf) =	vpush v5, $0xE;
	s6 =	sadd.s32 s20, s26;
	s25 =	smulhi.u32 $0x431BE2E9, s24;
	s21 =	sshra.s32 s24, $0x1F  }
0x9ee: {  	v0 =	vmul.u32 $0xF423F, v38;
	v38 =	vperm.xlane v48, v53;
	v13 =	vsel vm3, s11, v13;
	s11 =	sadd.s32 s30, s29;
	s28 =	spop (v2sf);
	s26 =	smul.u32 $0x431BE2E9, s21  }
0x9ef: {  	v40 =	vperm.xlane v50, v53;
	v61 =	vperm.xlane v62, v1;
	v13 =	vsel vm14, s12, v13;
	s12 =	sshrl.u32 s11, $0x1F;
	s30 =	smulhi.u32 $0x431BE2E9, s28;
	s20 =	sshra.s32 s28, $0x1F  }
0x9f0: {  	vm9 =	vcmask $0xF0C;
	v45 =	vsel vm0, s13, v44;
	v13 =	vsel vm5, s10, v13;
	s7 =	sadd.s32 s23, s22;
	s22 =	spop (v2sf);
	s31 =	smul.u32 $0x431BE2E9, s20  }
0x9f1: {  	v39 =	vshra.s32 v7, $0x2;
	v37 =	vsel vm15, s9, v13;
	s29 =	sshrl.u32 s7, $0x1F;
	v47 =	vmov s12;
	s9 =	smulhi.u32 $0x431BE2E9, s22;
	s23 =	sshra.s32 s22, $0x1F  }
0x9f2: {  	v0 =	vsub.s32 v8, v0;
	(v2sf) =	vpush v5, $0xF;
	v8 =	vnsel vm10, $0x0, v47;
	s14 =	sadd.s32 s26, s25;
	s12 =	smul.u32 $0x431BE2E9, s23;
	s24 =	spop (v2sf)  }
0x9f3: {  	v58 =	vsel vm8, v52, v38;
	(v2sf) =	vpush v5, $0x9;
	v8 =	vsel vm0, s29, v8;
	s10 =	sadd.s32 s31, s30;
	s29 =	sshrl.u32 s14, $0x1F;
	s25 =	spop (v2sf)  }
0x9f4: {  	v49 =	vmov s18;
	v13 =	vsel vm1, s15, v45;
	(v2sf) =	vpush v5, $0x8;
	s22 =	smulhi.u32 $0x431BE2E9, s24;
	s26 =	sshra.s32 s24, $0x1F;
	s30 =	sshrl.u32 s10, $0x1F  }
0x9f5: {  	v36 =	vsel vm2, s16, v13;
	v13 =	vsel vm0, s17, v49;
	(v2sf) =	vpush v5, $0xA;
	s17 =	sadd.s32 s12, s9;
	s28 =	spop (v2sf);
	s31 =	smul.u32 $0x431BE2E9, s26  }
0x9f6: {  	v40 =	vsel vm8, v57, v40;
	vm3 =	vmmov vm5;
	(v2sf) =	vpush v5, $0xB;
	s24 =	smulhi.u32 $0x431BE2E9, s25;
	s13 =	sshra.s32 s25, $0x1F;
	s25 =	sshrl.u32 s5, $0x1F  }
0x9f7: {  	v56 =	vadd.s32 $0xF423F, v0;
	(v2sf) =	vpush v5, $0x0;
	v8 =	vsel vm1, s29, v8;
	s29 =	sshrl.u32 s17, $0x1F;
	s5 =	sshra.s32 s5, $0x12;
	s13 =	smul.u32 $0x431BE2E9, s13  }
0x9f8: {  	vm5 =	vlt.s32 v0, $0x0;
	(v2sf) =	vpush v5, $0x1;
	v51 =	vsel vm2, s30, v8;
	s23 =	spop (v2sf);
	s26 =	smulhi.u32 $0x431BE2E9, s28;
	s28 =	sshra.s32 s28, $0x1F  }
0x9f9: {  	v8 =	vsel vm5, v56, v0;
	v13 =	vsel vm1, s25, v13;
	v0 =	vsel vm6, s29, v51;
	s25 =	sshra.s32 s3, $0x12;
	s29 =	sshra.s32 s11, $0x1F;
	s19 =	spop (v2sf)  }
0x9fa: {  	v52 =	vperm.xlane v29, v1;
	v57 =	vcombine.low v35, v34;
	v35 =	vshra.s32 v3, $0x2;
	s16 =	sadd.s32 s31, s22;
	s12 =	smul.u32 $0x431BE2E9, s28;
	s31 =	sshrl.u32 s6, $0x1F  }
0x9fb: {  	v3 =	vand.u32 $0x3, v3;
	v40 =	vadd.s32 v58, v40;
	v58 =	vperm.xlane v33, v1;
	s28 =	sshra.s32 s4, $0x12;
	s4 =	sshra.s32 s7, $0x1F;
	s6 =	sshra.s32 s6, $0x12  }
0x9fc: {  	v33 =	vand.u32 $0x3, v22;
	[tilespmem:$0x730] =	vst v3;
	v3 =	vshra.s32 v24, $0x2;
	(v2sf) =	vpush v5, $0x2;
	s22 =	spop (v2sf);
	s15 =	sadd.s32 s13, s24;
	s30 =	sshrl.u32 s16, $0x1F  }
0x9fd: {  	v40 =	vmul.u32 $0xF423F, v40;
	v55 =	vsel vm8, v52, v14;
	v0 =	vsel vm7, s30, v0;
	s12 =	sadd.s32 s12, s26;
	s18 =	sshrl.u32 s15, $0x1F;
	s26 =	sshra.s32 s11, $0x12  }
0x9fe: {  	v49 =	vcombine.low v30, v28;
	(v2sf) =	vpush v5, $0x3;
	s30 =	sshra.s32 s8, $0x12;
	v0 =	vsel vm14, s18, v0;
	s20 =	sshrl.u32 s12, $0x1F;
	s24 =	sshra.s32 s12, $0x1F  }
0x9ff: {  	s8 =	sshra.s32 s14, $0x12;
	s11 =	sshra.s32 s14, $0x1F;
	s14 =	smulhi.u32 $0x431BE2E9, s23;
	v26 =	vsel vm15, s20, v0;
	v0 =	vmov s2;
	v60 =	vmov s24  }
0xa00: {  	v38 =	vsel vm2, s31, v13;
	s31 =	sshra.s32 s7, $0x12;
	s23 =	sshra.s32 s23, $0x1F;
	v0 =	vsel vm0, s0, v0;
	v41 =	vsel vm10, s26, v60;
	s26 =	smulhi.u32 $0x431BE2E9, s19  }
0xa01: {  	v18 =	vperm.xlane v57, v53;
	s21 =	spop (v2sf);
	v62 =	vmov s30;
	s30 =	sshra.s32 s22, $0x1F;
	v0 =	vsel vm1, s25, v0;
	s25 =	smul.u32 $0x431BE2E9, s23  }
0xa02: {  	v9 =	vsub.s32 v9, v40;
	v16 =	vperm.xlane v49, v53;
	s20 =	spop (v2sf);
	v20 =	vsel vm2, s28, v0;
	s28 =	sshra.s32 s19, $0x1F;
	s19 =	smul.u32 $0x431BE2E9, s30  }
0xa03: {  	v40 =	vand.u32 $0x3, v7;
	(v2sf) =	vpush v5, $0x4;
	s24 =	sshra.s32 s10, $0x12;
	s18 =	spop (v2sf);
	v0 =	vsel vm4, s29, v41;
	s29 =	smul.u32 $0x431BE2E9, s28  }
0xa04: {  	v45 =	vadd.s32 $0xF423F, v9;
	v16 =	vsel vm8, v54, v16;
	vm5 =	vmmov vm13;
	s3 =	spop (v2sf);
	s0 =	sadd.s32 s25, s14;
	s14 =	smulhi.u32 $0x431BE2E9, s21  }
0xa05: {  	v56 =	vcombine.low v32, v31;
	s10 =	sshra.s32 s10, $0x1F;
	(v2sf) =	vpush v5, $0x5;
	s2 =	spop (v2sf);
	v0 =	vsel vm0, s31, v0;
	s28 =	smulhi.u32 $0x431BE2E9, s3  }
0xa06: {  	v32 =	vshra.s32 v22, $0x2;
	s30 =	sshra.s32 s20, $0x1F;
	s13 =	spop (v2sf);
	(v2sf) =	vpush v5, $0x6;
	v0 =	vsel vm9, s4, v0;
	s4 =	smulhi.u32 $0x431BE2E9, s22  }
0xa07: {  	v42 =	vshra.s32 v8, $0x2;
	v14 =	vperm.xlane v56, v53;
	s23 =	sshra.s32 s18, $0x1F;
	s22 =	smulhi.u32 $0x431BE2E9, s20;
	s9 =	spop (v2sf);
	(v2sf) =	vpush v5, $0x7  }
0xa08: {  	v43 =	vand.u32 $0x3, v8;
	v13 =	vperm.xlane v59, v53;
	s31 =	sshra.s32 s17, $0x12;
	s17 =	sshra.s32 s17, $0x1F;
	s20 =	smul.u32 $0x431BE2E9, s30;
	v0 =	vsel vm1, s8, v0  }
0xa09: {  	v14 =	vsel vm8, v58, v14;
	v44 =	vsel vm0, s1, v62;
	s3 =	sshra.s32 s3, $0x1F;
	s1 =	sadd.s32 s29, s26;
	s26 =	smul.u32 $0x431BE2E9, s23;
	v0 =	vsel vm13, s11, v0  }
0xa0a: {  	v13 =	vsel vm8, v61, v13;
	s25 =	sshrl.u32 s0, $0x1F;
	s29 =	smul.u32 $0x431BE2E9, s3;
	vm13 =	vcmask $0x1F1C;
	s3 =	sadd.s32 s19, s4;
	v0 =	vsel vm2, s24, v0  }
0xa0b: {  	v13 =	vadd.s32 v13, v23;
	v23 =	vcombine.low v38, v36;
	s4 =	sadd.s32 s20, s22;
	s20 =	smulhi.u32 $0x431BE2E9, s13;
	s7 =	spop (v2sf);
	v0 =	vsel vm13, s10, v0  }
0xa0c: {  	v36 =	vshra.s32 v4, $0x2;
	v47 =	vsel vm1, s5, v44;
	s11 =	sshra.s32 s21, $0x1F;
	s5 =	sadd.s32 s29, s28;
	v0 =	vsel vm6, s31, v0;
	s29 =	smulhi.u32 $0x431BE2E9, s7  }
0xa0d: {  	v4 =	vand.u32 $0x3, v4;
	v38 =	vand.u32 $0x3, v24;
	s21 =	sshra.s32 s16, $0x12;
	s16 =	sshra.s32 s16, $0x1F;
	v0 =	vsel vm12, s17, v0;
	s17 =	smul.u32 $0x431BE2E9, s11  }
0xa0e: {  	v13 =	vmul.u32 $0xF423F, v13;
	v60 =	vperm.xlane v37, v1;
	s8 =	spop (v2sf);
	s7 =	sshra.s32 s7, $0x1F;
	v0 =	vsel vm7, s21, v0;
	s21 =	smulhi.u32 $0x431BE2E9, s18  }
0xa0f: {  	v28 =	vperm.xlane v26, v1;
	v37 =	vshra.s32 v6, $0x2;
	s31 =	sshra.s32 s15, $0x12;
	s15 =	sshra.s32 s15, $0x1F;
	s7 =	smul.u32 $0x431BE2E9, s7;
	v0 =	vsel vm11, s16, v0  }
0xa10: {  	v6 =	vand.u32 $0x3, v6;
	v48 =	vsel vm2, s6, v47;
	s16 =	sshrl.u32 s1, $0x1F;
	v0 =	vsel vm14, s31, v0;
	s6 =	sadd.s32 s26, s21;
	s21 =	smulhi.u32 $0x431BE2E9, s8  }
0xa11: {  	v27 =	vperm.xlane v23, v53;
	s22 =	sshra.s32 s13, $0x1F;
	s24 =	sshra.s32 s12, $0x12;
	v50 =	vmov s16;
	v0 =	vsel vm3, s15, v0;
	s15 =	smulhi.u32 $0x431BE2E9, s2  }
0xa12: {  	v10 =	vsub.s32 v10, v13;
	v13 =	vadd.s32 v46, v15;
	s23 =	sshrl.u32 s4, $0x1F;
	s10 =	spop (v2sf);
	v17 =	vsel vm0, s25, v50;
	s25 =	smulhi.u32 $0x431BE2E9, s9  }
0xa13: {  	v61 =	vsel vm8, v60, v18;
	v51 =	vadd.s32 $0xF423F, v10;
	s9 =	sshra.s32 s9, $0x1F;
	s26 =	sshrl.u32 s6, $0x1F;
	v0 =	vsel vm15, s24, v0;
	s24 =	smul.u32 $0x431BE2E9, s22  }
0xa14: {  	v13 =	vmul.u32 $0xF423F, v13;
	v14 =	vadd.s32 v14, v61;
	s8 =	sshra.s32 s8, $0x1F;
	s12 =	spop (v2sf);
	s9 =	smul.u32 $0x431BE2E9, s9;
	v62 =	vmov s26  }
0xa15: {  	v15 =	vcombine.low v48, v20;
	vm9 =	vlt.s32 v9, $0x0;
	s30 =	sshra.s32 s2, $0x1F;
	v63 =	vsel vm0, s23, v62;
	s23 =	smul.u32 $0x431BE2E9, s8;
	s11 =	spop (v2sf)  }
0xa16: {  	v31 =	vsel vm8, v28, v27;
	v14 =	vmul.u32 $0xF423F, v14;
	v9 =	vsel vm9, v45, v9;
	s16 =	sadd.s32 s24, s20;
	s13 =	sadd.s32 s9, s25;
	s24 =	spop (v2sf)  }
0xa17: {  	vm9 =	vlt.s32 v10, $0x0;
	v11 =	vsub.s32 v11, v13;
	v13 =	vadd.s32 v55, v16;
	s28 =	sshrl.u32 s16, $0x1F;
	s25 =	smulhi.u32 $0x431BE2E9, s24;
	s8 =	sshra.s32 s24, $0x1F  }
0xa18: {  	s0 =	sshra.s32 s0, $0x12;
	v15 =	vperm.xlane v15, v53;
	v10 =	vsel vm9, v51, v10;
	s1 =	sshra.s32 s1, $0x12;
	v21 =	vmov s28;
	s28 =	smul.u32 $0x431BE2E9, s8  }
0xa19: {  	vm9 =	vlt.s32 v11, $0x0;
	v59 =	vadd.s32 $0xF423F, v11;
	v13 =	vmul.u32 $0xF423F, v13;
	s31 =	sshrl.u32 s3, $0x1F;
	s2 =	sadd.s32 s17, s14;
	s17 =	smul.u32 $0x431BE2E9, s30  }
0xa1a: {  	[tilespmem:$0x560] =	vst v3;
	v30 =	vsub.s32 v25, v14;
	v3 =	vshra.s32 v9, $0x2;
	v51 =	vand.u32 $0x3, v9;
	s6 =	sshra.s32 s6, $0x12;
	s26 =	sadd.s32 s7, s29;
	s7 =	sadd.s32 s28, s25  }
0xa1b: {  	v11 =	vsel vm9, v59, v11;
	v17 =	vsel vm1, s31, v17;
	s30 =	sshrl.u32 s2, $0x1F;
	s31 =	sshrl.u32 s5, $0x1F;
	v0 =	vperm.xlane v0, v1;
	s19 =	sshra.s32 s7, $0x1F  }
0xa1c: {  	v55 =	vshra.s32 v10, $0x2;
	v56 =	vand.u32 $0x3, v10;
	s18 =	smulhi.u32 $0x431BE2E9, s10;
	s10 =	sshra.s32 s10, $0x1F;
	s20 =	sshra.s32 s16, $0x12;
	v34 =	vmov s19  }
0xa1d: {  	s29 =	sshrl.u32 s26, $0x1F;
	s22 =	sshrl.u32 s13, $0x1F;
	v0 =	vsel vm8, v0, v15;
	s16 =	sshra.s32 s16, $0x1F;
	v18 =	vnsel vm10, $0x0, v21;
	v15 =	vsel vm10, s20, v34  }
0xa1e: {  	[tilespmem:$0x570] =	vst v39;
	v59 =	vadd.s32 $0xF423F, v30;
	s10 =	smul.u32 $0x431BE2E9, s10;
	s9 =	sadd.s32 s23, s21;
	v18 =	vsel vm0, s22, v18;
	s22 =	sshra.s32 s13, $0x12;
	v15 =	vsel vm4, s16, v15  }
0xa1f: {  	[tilespmem:$0x530] =	vst v35;
	v12 =	vsub.s32 v12, v13;
	s21 =	smulhi.u32 $0x431BE2E9, s12;
	s12 =	sshra.s32 s12, $0x1F;
	s13 =	sshra.s32 s13, $0x1F;
	vm10 =	vcmask $0xF0C;
	v15 =	vsel vm0, s22, v15  }
0xa20: {  	[tilespmem:$0x720] =	vst v33;
	v57 =	vshra.s32 v11, $0x2;
	vm9 =	vlt.s32 v12, $0x0;
	s10 =	sadd.s32 s10, s18;
	s18 =	sshra.s32 s2, $0x12;
	s24 =	sshra.s32 s26, $0x12;
	v15 =	vsel vm10, s13, v15  }
0xa21: {  	[tilespmem:$0x770] =	vst v40;
	v29 =	vadd.s32 $0xF423F, v12;
	v16 =	vsel vm1, s31, v63;
	s31 =	sshrl.u32 s9, $0x1F;
	s12 =	smul.u32 $0x431BE2E9, s12;
	s26 =	sshra.s32 s26, $0x1F;
	v15 =	vsel vm1, s24, v15  }
0xa22: {  	[tilespmem:$0x520] =	vst v32;
	v46 =	vmov s1;
	s23 =	smulhi.u32 $0x431BE2E9, s11;
	s11 =	sshra.s32 s11, $0x1F;
	v18 =	vsel vm1, s29, v18;
	s29 =	sshra.s32 s9, $0x12;
	v15 =	vsel vm5, s26, v15  }
0xa23: {  	[tilespmem:$0x580] =	vst v42;
	v48 =	vsel vm0, s0, v46;
	v47 =	vmov s6;
	s11 =	smul.u32 $0x431BE2E9, s11;
	s9 =	sshra.s32 s9, $0x1F;
	s8 =	sadd.s32 s17, s15;
	v44 =	vsel vm2, s29, v15  }
0xa24: {  	[tilespmem:$0x780] =	vst v43;
	v17 =	vsel vm2, s30, v17;
	v18 =	vsel vm2, s31, v18;
	s31 =	sshra.s32 s10, $0x12;
	s15 =	sshrl.u32 s10, $0x1F;
	s30 =	sshrl.u32 s8, $0x1F;
	v8 =	vsel vm13, s9, v44  }
0xa25: {  	[tilespmem:$0x540] =	vst v36;
	s12 =	sadd.s32 s12, s21;
	s10 =	sshra.s32 s10, $0x1F;
	v41 =	vsel vm6, s15, v18;
	s15 =	sshra.s32 s3, $0x12;
	v16 =	vsel vm2, s30, v16;
	v8 =	vsel vm6, s31, v8  }
0xa26: {  	[tilespmem:$0x740] =	vst v4;
	s14 =	sshra.s32 s12, $0x12;
	s25 =	sshrl.u32 s12, $0x1F;
	v4 =	vsel vm1, s15, v48;
	v16 =	vcombine.low v16, v17;
	s13 =	sshra.s32 s4, $0x12;
	v8 =	vsel vm12, s10, v8  }
0xa27: {  	[tilespmem:$0x760] =	vst v38;
	s11 =	sadd.s32 s11, s23;
	s17 =	sshra.s32 s12, $0x1F;
	v7 =	vsel vm7, s25, v41;
	s16 =	sshra.s32 s5, $0x12;
	v49 =	vsel vm0, s13, v47;
	v8 =	vsel vm7, s14, v8  }
0xa28: {  	[tilespmem:$0x550] =	vst v37;
	s28 =	sshrl.u32 s11, $0x1F;
	v4 =	vsel vm2, s18, v4;
	s19 =	sshra.s32 s8, $0x12;
	s20 =	sshra.s32 s11, $0x12;
	v15 =	vsel vm1, s16, v49;
	v8 =	vsel vm11, s17, v8  }
0xa29: {  	[tilespmem:$0x750] =	vst v6;
	s21 =	sshra.s32 s11, $0x1F;
	s30 =	sshrl.u32 s7, $0x1F;
	v7 =	vsel vm14, s28, v7;
	v50 =	vsel vm2, s19, v15;
	v8 =	vsel vm14, s20, v8  }
0xa2a: {  	[tilespmem:$0x590] =	vst v3;
	v7 =	vsel vm15, s30, v7;
	s22 =	sshra.s32 s7, $0x12;
	v3 =	vcombine.low v50, v4;
	v52 =	vsel vm3, s21, v8  }
0xa2b: {  	[tilespmem:$0x790] =	vst v51;
	v45 =	vperm.xlane v16, v53;
	v7 =	vperm.xlane v7, v1;
	v6 =	vsel vm15, s22, v52  }
0xa2c: {  	[tilespmem:$0x5A0] =	vst v55;
	v12 =	vsel vm9, v29, v12;
	v3 =	vperm.xlane v3, v53;
	v6 =	vperm.xlane v6, v1  }
0xa2d: {  	[tilespmem:$0x7A0] =	vst v56;
	v58 =	vand.u32 $0x3, v11;
	v60 =	vshra.s32 v12, $0x2;
	v0 =	vadd.s32 v31, v0  }
0xa2e: {  	[tilespmem:$0x5B0] =	vst v57;
	v0 =	vmul.u32 $0xF423F, v0;
	v54 =	vsel vm8, v7, v45;
	v3 =	vsel vm8, v6, v3  }
0xa2f: {  	[tilespmem:$0x7B0] =	vst v58;
	v61 =	vand.u32 $0x3, v12;
	vm13 =	vlt.s32 v30, $0x0;
	v3 =	vadd.s32 v54, v3  }
0xa30: {  	[tilespmem:$0x5C0] =	vst v60;
	v0 =	vsub.s32 v2, v0;
	v6 =	vsel vm13, v59, v30;
	v2 =	vmul.u32 $0xF423F, v3  }
0xa31: {  	[tilespmem:$0x7C0] =	vst v61;
	v62 =	vadd.s32 $0xF423F, v0;
	vm14 =	vlt.s32 v0, $0x0;
	v3 =	vshra.s32 v6, $0x2  }
0xa32: {  	v0 =	vsel vm14, v62, v0;
	[tilespmem:$0x5D0] =	vst v3;
	v3 =	vand.u32 $0x3, v6;
	v2 =	vsub.s32 v5, v2  }
0xa33: {  	[tilespmem:$0x7D0] =	vst v3;
	v3 =	vshra.s32 v0, $0x2;
	vm15 =	vlt.s32 v2, $0x0;
	v63 =	vadd.s32 $0xF423F, v2  }
0xa34: {  	v0 =	vand.u32 $0x3, v0;
	[tilespmem:$0x5E0] =	vst v3;
	v2 =	vsel vm15, v63, v2  }
0xa35: {  	[tilespmem:$0x7E0] =	vst v0;
	v0 =	vshra.s32 v2, $0x2  }
0xa36: {  	s23 =	rddreg [dreg:$0x6];
	[tilespmem:$0x5F0] =	vst v0;
	v0 =	vand.u32 $0x3, v2  }
0xa37: {  	s25 =	simm.s32 $0x0;
	s24 =	rddreg [dreg:$0x7];
	s26 =	simm.s32 $0x1;
	[tilespmem:$0x7F0] =	vst v0  }
0xa38: {  	[hbm4b:s23+s25] =	stream.linear.scatter [tilespmem:s24], [sflag:$0x1], $0x10000, $0x38;
	[tilespmem:$0x10800] =	vst v63  }
0xa39: {  	_ =	swait.ge [sflag:s26], $0x10000  }
0xa3a: {  	s30 =	rddreg [dreg:$0xa]  }
0xa3b: {  	s28 =	rddreg [dreg:$0x8];
	[sflag:s26] =	ssyncset.done $0x0;
	p0 =	sne.s32 s30, $0x1  }
.Ltmp0:
0xa3c: {  	s29 =	rddreg [dreg:$0x9];
	[sflag:s26] =	ssyncadd.s32 $0xFFFF0000;
	(pc) =	sbr.rel @p0 .LBB2_1-.Ltmp0, $4  }
0xa3d: {  	[hbm4b:s28+s25] =	stream.linear.scatter [tilespmem:s29], [sflag:$0x1], $0x200, $0x38;
	[tilespmem:$0x10800] =	vst v63  }
0xa3e: {  	_ =	swait.ge [sflag:s26], $0x200  }
0xa3f: {  	s31 =	simm.s32 $0x1;
	[sflag:s26] =	ssyncset.done $0x0  }
0xa40: {  	s0 =	sadd.s32 $0xFFFFFFFF, s30;
	[sflag:s31] =	ssyncadd.s32 $0xFFFFFE00  }
0xa41: {  	_ =	sfence.sel $0x180000  }
0xa42: {  	[bflag:$0x0] =	sbarrier.arrive $0xFFFF  }
0xa43: {  	_ =	strace $0x90000047  }
0xa44: {  	s0 =	stileid.u32;
	[bflag:$0x2] =	sbarrier.arrive $0xFFFF  }
0xa45: {  	p0 =	sne.s32 s0, $0x0;
	s0 =	rddreg [dreg:$0x2]  }
0xa46: {  	s0 =	sadd.s32 @!p0 $0x100000, s0  }
0xa47: {  	[sflag:s0] =	ssyncadd.tile.s32 @!p0 $0x1;
	_ =	shalt  }
.Lfunc_end2:
_tile_overlayer_lowered:
.L_overlay_start_2:
0xa48: {  	(tag) =	ssettag $0x2  }
0xa49: {  	s0 =	rddreg [dreg:$0x0];
	s2 =	stileid.u32  }
0xa4a: {  	s1 =	rddreg [dreg:$0x1];
	p0 =	sne.s32 s2, $0x0  }
0xa4b: {  	s3 =	rddreg [dreg:$0x2];
	[bflag:$0x3] =	sbarrier.arrive $0xFFFF;
	s2 =	simm.s32 @!p0 $0x1C01  }
0xa4c: {  	[timem:s3], [sflag:s2] =	dma.local @!p0 [hbm:s0], s1  }
0xa4d: {  	s0 =	simm.s32 @!p0 $0x1  }
0xa4e: {  	_ =	swait.ge @!p0 [sflag:s0], s1  }
0xa4f: {  	s1 =	ssub.s32 @!p0 $0x0, s1;
	[sflag:s0] =	ssyncset.done @!p0 $0x0  }
0xa50: {  	[sflag:s0] =	ssyncadd.s32 @!p0 s1  }
0xa51: {  	[bflag:$0x3] =	sbarrier.arrive $0xFFFF  }
0xa52: {  	_ =	shalt  }

</sc_bundles>
